<compile_context>
chip_gen: v7x
topology: tpu7x:2x2x1
jax: 0.10.2.dev20260603
libtpu: 0.0.44.dev20260713+nightly
codegen_flags: <defaults>
</compile_context>

<pallas_src>
import jax
import jax.numpy as jnp
from jax import lax
from jax.experimental import pallas as pl
from jax.experimental.pallas import tpu as pltpu
from jax.experimental.pallas import tpu_sc as plsc

R0C = 5.0
NNODES = 10000
NPAD = 10112
NEDGES = 160000
DA = 128

BATCH = 80
SLICES = (56, 72)
EPAD = 16 * BATCH * sum(SLICES)
ROWS_PER_TILE = NPAD // 16

BE = 2048


def _leaky(x):
    return jnp.maximum(x, 0.1 * x)


def _edge_body(rt, w0t, b0, w1t, b1, w2t, b2, w3t,
               p0, p1, p2, p3):
    x = rt[0:1, :]
    y = rt[1:2, :]
    z = rt[2:3, :]
    n2 = x * x + y * y + z * z
    xr = jnp.sqrt(n2 + 1e-12) * (1.0 / R0C)
    centers = lax.broadcasted_iota(jnp.int32, (8, 1), 0).astype(jnp.float32) * (1.0 / 7.0)
    d = xr - centers
    enc = jnp.transpose(jnp.exp(-32.0 * d * d), (1, 0))
    h = jnp.dot(enc, w0t[...], preferred_element_type=jnp.float32) + b0[...]
    h = _leaky(jnp.dot(h, w1t[...], preferred_element_type=jnp.float32) + b1[...])
    h = _leaky(jnp.dot(h, w2t[...], preferred_element_type=jnp.float32) + b2[...])
    rad = jnp.dot(h, w3t[...], preferred_element_type=jnp.float32)
    s = 7.0 / R0C
    inv = lax.rsqrt(1.0 + n2 * (s * s))
    srow = jnp.concatenate(
        [x * (s * inv), y * (s * inv), z * (s * inv),
         jnp.zeros((5, x.shape[1]), jnp.float32)], axis=0)
    scol = jnp.transpose(srow, (1, 0))
    p0[...] = rad
    p1[...] = rad * scol[:, 0:1]
    p2[...] = rad * scol[:, 1:2]
    p3[...] = rad * scol[:, 2:3]


def _edge_mlp(rt, w0t, b0, w1t, b1, w2t, b2, w3t):
    grid = rt.shape[1] // BE
    rspec = pl.BlockSpec((3, BE), lambda i: (0, i))
    full = lambda a: pl.BlockSpec(a.shape, lambda i: (0,) * a.ndim)
    out = pl.BlockSpec((BE, DA), lambda i: (i, 0))
    return pl.pallas_call(
        _edge_body,
        grid=(grid,),
        in_specs=[rspec,
                  full(w0t), full(b0), full(w1t), full(b1),
                  full(w2t), full(b2), full(w3t)],
        out_specs=[out, out, out, out],
        out_shape=[jax.ShapeDtypeStruct((rt.shape[1], DA), jnp.float32)] * 4,
    )(rt, w0t, b0, w1t, b1, w2t, b2, w3t)


NRING = 4


def _make_sc_body(nbatch):
  def _sc_body(p0, p1, p2, p3, i0, i1, i2, i3, src3d,
               o0, o1, o2, o3, buf0, buf1, buf2, buf3, idx, acc,
               gs0, gs1, gs2, gs3, ss0, ss1, ss2, ss3):
    bufs = (buf0, buf1, buf2, buf3)
    gsems = (gs0, gs1, gs2, gs3)
    ssems = (ss0, ss1, ss2, ss3)
    c = lax.axis_index("c")
    s = lax.axis_index("s")
    pltpu.sync_copy(src3d.at[s], idx)
    nds = pl.ds(s * ROWS_PER_TILE, ROWS_PER_TILE)
    ngrp = nbatch // NRING

    def do_chunk(p_hbm, init_hbm, out_hbm):
        def batch_ds(b):
            return pl.ds((s * nbatch + b) * BATCH, BATCH)

        def g_start(b, j):
            pltpu.async_copy(p_hbm.at[batch_ds(b)], bufs[j], gsems[j])

        def g_wait(j):
            pltpu.make_async_copy(p_hbm.at[batch_ds(0)], bufs[j], gsems[j]).wait()

        def s_start(b, j):
            pltpu.async_copy(bufs[j], acc.at[idx.at[b]], ssems[j], add=True)

        def s_wait(j):
            pltpu.make_async_copy(bufs[j], acc.at[idx.at[0]], ssems[j]).wait()

        for j in range(NRING):
            g_start(j, j)
        pltpu.sync_copy(init_hbm.at[nds], acc.at[nds])
        plsc.subcore_barrier()

        def body(g, carry):
            base = NRING * g
            for j in range(NRING):
                g_wait(j)
                s_start(base + j, j)

            @pl.when(g < ngrp - 1)
            def _():
                for j in range(NRING):
                    s_wait(j)
                    g_start(base + NRING + j, j)

            return carry

        lax.fori_loop(0, ngrp, body, 0)
        for j in range(NRING):
            s_wait(j)
        plsc.subcore_barrier()
        pltpu.sync_copy(acc.at[nds], out_hbm.at[nds])
        plsc.subcore_barrier()

    @pl.when(c == 0)
    def _():
        do_chunk(p0, i0, o0)
        do_chunk(p1, i1, o1)

    @pl.when(c == 1)
    def _():
        do_chunk(p2, i2, o2)
        do_chunk(p3, i3, o3)

  return _sc_body


def _sc_scatter(nbatch, p0, p1, p2, p3, i0, i1, i2, i3, src3d):
    mesh = plsc.VectorSubcoreMesh(core_axis_name="c", subcore_axis_name="s")
    fn = pl.kernel(
        _make_sc_body(nbatch),
        out_type=[jax.ShapeDtypeStruct((NPAD, DA), jnp.float32)] * 4,
        mesh=mesh,
        scratch_types=(
            [pltpu.VMEM((BATCH, DA), jnp.float32)] * NRING
            + [pltpu.VMEM((nbatch, BATCH), jnp.int32),
               pltpu.VMEM_SHARED((NPAD, DA), jnp.float32)]
            + [pltpu.SemaphoreType.DMA] * (2 * NRING)
        ),
    )
    return fn(p0, p1, p2, p3, i0, i1, i2, i3, src3d)


def _readout_body(a0, a1, a2, a3, wvt, aa, y0, y1, y2):
    aa[...] = a0[...]
    y0[...] = jnp.dot(a1[...], wvt[...], preferred_element_type=jnp.float32)
    y1[...] = jnp.dot(a2[...], wvt[...], preferred_element_type=jnp.float32)
    y2[...] = jnp.dot(a3[...], wvt[...], preferred_element_type=jnp.float32)


def _readout(a0, a1, a2, a3, wvt):
    bn = 632
    node = pl.BlockSpec((bn, DA), lambda i: (i, 0))
    wfull = pl.BlockSpec((DA, DA), lambda i: (0, 0))
    return pl.pallas_call(
        _readout_body,
        grid=(NPAD // bn,),
        in_specs=[node, node, node, node, wfull],
        out_specs=[node, node, node, node],
        out_shape=[jax.ShapeDtypeStruct((NNODES, DA), jnp.float32)] * 4,
    )(a0, a1, a2, a3, wvt)


def kernel(graph, r_ij, W0, b0, W1, b1, W2, b2, W3, Wv):
    rt = jnp.pad(r_ij.T, ((0, 0), (0, EPAD - NEDGES)))
    srcp = jnp.pad(graph[0], (0, EPAD - NEDGES), constant_values=NNODES)
    wargs = (W0.T, b0.reshape(1, DA), W1.T, b1.reshape(1, DA),
             W2.T, b2.reshape(1, DA), W3.T)
    zeros = jnp.zeros((NPAD, DA), jnp.float32)
    accs = (zeros, zeros, zeros, zeros)
    e0 = 0
    for nb in SLICES:
        ne = 16 * BATCH * nb
        p = _edge_mlp(rt[:, e0:e0 + ne], *wargs)
        s3d = srcp[e0:e0 + ne].reshape(16, nb, BATCH)
        accs = _sc_scatter(nb, *p, *accs, s3d)
        e0 += ne
    aa, y0, y1, y2 = _readout(*accs, Wv.T)
    out_v = jnp.stack([y0, y1, y2], axis=-1)
    return aa, out_v

# --- scband reference (transcript-rebuilt; emitter-appended) ---
"""Pipeline reference for scband-displacement-tensors-57707180589706 (READ-ONLY COPY).

The authoritative reference and input builder live on the scoring server;
editing this copy changes nothing except your own understanding.
"""

import jax, jax.numpy as jnp
import numpy as np

R0 = 5.0
DIM_A = 128
DIM_V = 128
N_NODES = 10000
N_EDGES = 160000


def leaky_relu(x, leak=0.1):
    return jnp.where(x >= 0, x, leak * x)


def radial_encode_8(r_vec, r0):
    # encode edge length into 8 smooth radial basis features
    r = jnp.sqrt(jnp.sum(r_vec * r_vec, axis=-1) + 1e-12)
    x = r / r0
    centers = jnp.linspace(0.0, 1.0, 8)
    return jnp.exp(-32.0 * (x[..., None] - centers) ** 2)


def tens_sigmoid_rank1(v):
    # vector-valued sigmoid: saturates the vector norm smoothly to 1
    n2 = jnp.sum(v * v, axis=-1, keepdims=True)
    return v / jnp.sqrt(1.0 + n2)


def setup_inputs(seed: int = 0) -> dict:
    key = jax.random.key(seed)
    ks = jax.random.split(key, 12)
    graph = jax.random.randint(ks[0], (2, N_EDGES), 0, N_NODES, dtype=jnp.int32)
    r_ij = jax.random.normal(ks[1], (N_EDGES, 3), dtype=jnp.float32) * 2.0
    # mlp_radial = Linear(8, dim_a) -> [Linear(a,a), LReLU, Linear(a,a), LReLU, Linear(a,a,no bias)]
    W0 = jax.random.normal(ks[2], (DIM_A, 8), dtype=jnp.float32) * (1.0 / np.sqrt(8))
    b0 = jnp.zeros((DIM_A,), dtype=jnp.float32)
    W1 = jax.random.normal(ks[3], (DIM_A, DIM_A), dtype=jnp.float32) * (1.0 / np.sqrt(DIM_A))
    b1 = jnp.zeros((DIM_A,), dtype=jnp.float32)
    W2 = jax.random.normal(ks[4], (DIM_A, DIM_A), dtype=jnp.float32) * (1.0 / np.sqrt(DIM_A))
    b2 = jnp.zeros((DIM_A,), dtype=jnp.float32)
    W3 = jax.random.normal(ks[5], (DIM_A, DIM_A), dtype=jnp.float32) * (1.0 / np.sqrt(DIM_A))
    # readout_v = TensLinear(rank=1, dim_a, dim_v): channel-mixing linear applied per vector component, no bias
    Wv = jax.random.normal(ks[6], (DIM_V, DIM_A), dtype=jnp.float32) * (1.0 / np.sqrt(DIM_A))
    return {"graph": graph, "r_ij": r_ij, "W0": W0, "b0": b0, "W1": W1, "b1": b1,
            "W2": W2, "b2": b2, "W3": W3, "Wv": Wv}


def reference(graph, r_ij, W0, b0, W1, b1, W2, b2, W3, Wv):
    enc = radial_encode_8(r_ij, R0)                 # [E, 8]
    h = enc @ W0.T + b0                              # Linear(8, dim_a)
    h = leaky_relu(h @ W1.T + b1)                    # make_mlp block
    h = leaky_relu(h @ W2.T + b2)
    rad_enc_ij = h @ W3.T                            # final Linear, no bias
    r_s = tens_sigmoid_rank1(r_ij * (7.0 / R0))      # [E, 3]
    phi_a_ij = rad_enc_ij                            # [E, dim_a]
    phi_v_ij = rad_enc_ij[..., None] * r_s[..., None, :]  # [E, dim_a, 3]
    src = graph[0]
    A_a_i = jax.ops.segment_sum(phi_a_ij, src, num_segments=N_NODES)  # [N, dim_a]
    A_v_i = jax.ops.segment_sum(phi_v_ij, src, num_segments=N_NODES)  # [N, dim_a, 3]
    out_v = jnp.einsum('nac,va->nvc', A_v_i, Wv)     # TensLinear rank-1 readout [N, dim_v, 3]
    return (A_a_i, out_v)

if __name__ == "__main__":
    import jax
    _d = setup_inputs()
    print(jax.jit(kernel)(*tuple(_d.values())))

</pallas_src>

<mosaic_0001>
#map = affine_map<(d0, d1) -> (0, 0)>
#map1 = affine_map<(d0, d1) -> (0, 0, 0)>
module attributes {stable_mosaic.version = 14 : i64} {
  func.func @_sc_body(%arg0: i32, %arg1: i32, %arg2: memref<92160x128xf32, #tpu.memory_space<hbm>>, %arg3: memref<92160x128xf32, #tpu.memory_space<hbm>>, %arg4: memref<92160x128xf32, #tpu.memory_space<hbm>>, %arg5: memref<92160x128xf32, #tpu.memory_space<hbm>>, %arg6: memref<10112x128xf32, #tpu.memory_space<hbm>>, %arg7: memref<10112x128xf32, #tpu.memory_space<hbm>>, %arg8: memref<10112x128xf32, #tpu.memory_space<hbm>>, %arg9: memref<10112x128xf32, #tpu.memory_space<hbm>>, %arg10: memref<16x72x80xi32, #tpu.memory_space<hbm>>, %arg11: memref<10112x128xf32, #tpu.memory_space<hbm>>, %arg12: memref<10112x128xf32, #tpu.memory_space<hbm>>, %arg13: memref<10112x128xf32, #tpu.memory_space<hbm>>, %arg14: memref<10112x128xf32, #tpu.memory_space<hbm>>, %arg15: memref<80x128xf32, #tpu.memory_space<vmem>>, %arg16: memref<80x128xf32, #tpu.memory_space<vmem>>, %arg17: memref<80x128xf32, #tpu.memory_space<vmem>>, %arg18: memref<80x128xf32, #tpu.memory_space<vmem>>, %arg19: memref<72x80xi32, #tpu.memory_space<vmem>>, %arg20: memref<10112x128xf32, #tpu.memory_space<vmem_shared>>, %arg21: memref<!tpu.dma_semaphore, #tpu.memory_space<semaphore_mem>>, %arg22: memref<!tpu.dma_semaphore, #tpu.memory_space<semaphore_mem>>, %arg23: memref<!tpu.dma_semaphore, #tpu.memory_space<semaphore_mem>>, %arg24: memref<!tpu.dma_semaphore, #tpu.memory_space<semaphore_mem>>, %arg25: memref<!tpu.dma_semaphore, #tpu.memory_space<semaphore_mem>>, %arg26: memref<!tpu.dma_semaphore, #tpu.memory_space<semaphore_mem>>, %arg27: memref<!tpu.dma_semaphore, #tpu.memory_space<semaphore_mem>>, %arg28: memref<!tpu.dma_semaphore, #tpu.memory_space<semaphore_mem>>) attributes {dimension_semantics = [#tpu.dimension_semantics<core_parallel>, #tpu.dimension_semantics<subcore_parallel>], iteration_bounds = array<i64: 2, 16>, scalar_prefetch = 0 : i64, scratch_operands = 14 : i64, tpu.core_type = #tpu.core_type<sc_vector_subcore>, window_params = [{transform_indices = #map}, {transform_indices = #map}, {transform_indices = #map}, {transform_indices = #map}, {transform_indices = #map}, {transform_indices = #map}, {transform_indices = #map}, {transform_indices = #map}, {transform_indices = #map1}, {transform_indices = #map}, {transform_indices = #map}, {transform_indices = #map}, {transform_indices = #map}]} {
    "tpu.region"() ({
      %run_scoped3A = tpu.sem_alloc : memref<!tpu.dma_semaphore, #tpu.memory_space<semaphore_mem>>
      %dma_start3A = arith.constant 0 : i32
      %dma_start3A_8 = arith.constant 0 : i32
      %dma_start3A_9 = tpu.memref_slice %arg10[%arg1, %dma_start3A, %dma_start3A_8] : memref<16x72x80xi32, #tpu.memory_space<hbm>> -> memref<1x72x80xi32, #tpu.memory_space<hbm>>
      %dma_start3A_10 = tpu.memref_squeeze %dma_start3A_9 : memref<1x72x80xi32, #tpu.memory_space<hbm>> -> memref<72x80xi32, #tpu.memory_space<hbm>>
      %dma_start3A_11 = arith.constant 0 : i32
      %dma_start3A_12 = arith.constant 0 : i32
      %dma_start3A_13 = tpu.memref_slice %arg10[%arg1, %dma_start3A_11, %dma_start3A_12] : memref<16x72x80xi32, #tpu.memory_space<hbm>> -> memref<1x72x80xi32, #tpu.memory_space<hbm>>
      %dma_start3A_14 = tpu.memref_squeeze %dma_start3A_13 : memref<1x72x80xi32, #tpu.memory_space<hbm>> -> memref<72x80xi32, #tpu.memory_space<hbm>>
      tpu.enqueue_dma source(%dma_start3A_14 : memref<72x80xi32, #tpu.memory_space<hbm>>) target(%arg19 : memref<72x80xi32, #tpu.memory_space<vmem>>) target_semaphore(%run_scoped3A : memref<!tpu.dma_semaphore, #tpu.memory_space<semaphore_mem>>)
      %dma_wait3A = arith.constant 0 : i32
      %dma_wait3A_15 = arith.constant 0 : i32
      %dma_wait3A_16 = tpu.memref_slice %arg10[%arg1, %dma_wait3A, %dma_wait3A_15] : memref<16x72x80xi32, #tpu.memory_space<hbm>> -> memref<1x72x80xi32, #tpu.memory_space<hbm>>
      %dma_wait3A_17 = tpu.memref_squeeze %dma_wait3A_16 : memref<1x72x80xi32, #tpu.memory_space<hbm>> -> memref<72x80xi32, #tpu.memory_space<hbm>>
      %dma_wait3A_18 = arith.constant 0 : i32
      %dma_wait3A_19 = arith.constant 0 : i32
      %dma_wait3A_20 = tpu.memref_slice %arg10[%arg1, %dma_wait3A_18, %dma_wait3A_19] : memref<16x72x80xi32, #tpu.memory_space<hbm>> -> memref<1x72x80xi32, #tpu.memory_space<hbm>>
      %dma_wait3A_21 = tpu.memref_squeeze %dma_wait3A_20 : memref<1x72x80xi32, #tpu.memory_space<hbm>> -> memref<72x80xi32, #tpu.memory_space<hbm>>
      tpu.wait_dma2 semaphore(%run_scoped3A : memref<!tpu.dma_semaphore, #tpu.memory_space<semaphore_mem>>) src(%dma_wait3A_21 : memref<72x80xi32, #tpu.memory_space<hbm>>) dst(%arg19 : memref<72x80xi32, #tpu.memory_space<vmem>>)
      tpu.yield
    }) : () -> ()
    %mul3A = arith.constant 632 : i32
    %mul3A_0 = arith.muli %arg1, %mul3A : i32
    %eq3A = arith.constant 0 : i32
    %eq3A_1 = arith.cmpi eq, %arg0, %eq3A : i32
    %convert_element_type3A = arith.extui %eq3A_1 : i1 to i32
    %cond3A = arith.constant 0 : i32
    %cond3A_2 = arith.cmpi ne, %convert_element_type3A, %cond3A : i32
    scf.if %cond3A_2 {
      %mul3A_8 = arith.constant 72 : i32
      %mul3A_9 = arith.muli %arg1, %mul3A_8 : i32
      %add3A = arith.constant 0 : i32
      %add3A_10 = arith.addi %mul3A_9, %add3A : i32
      %mul3A_11 = arith.constant 80 : i32
      %mul3A_12 = arith.muli %add3A_10, %mul3A_11 : i32
      %dma_start3A = arith.constant 0 : i32
      %dma_start3A_13 = tpu.memref_slice %arg2[%mul3A_12, %dma_start3A] : memref<92160x128xf32, #tpu.memory_space<hbm>> -> memref<80x128xf32, #tpu.memory_space<hbm>>
      %dma_start3A_14 = arith.constant 0 : i32
      %dma_start3A_15 = tpu.memref_slice %arg2[%mul3A_12, %dma_start3A_14] : memref<92160x128xf32, #tpu.memory_space<hbm>> -> memref<80x128xf32, #tpu.memory_space<hbm>>
      tpu.enqueue_dma source(%dma_start3A_15 : memref<80x128xf32, #tpu.memory_space<hbm>>) target(%arg15 : memref<80x128xf32, #tpu.memory_space<vmem>>) target_semaphore(%arg21 : memref<!tpu.dma_semaphore, #tpu.memory_space<semaphore_mem>>)
      %mul3A_16 = arith.constant 72 : i32
      %mul3A_17 = arith.muli %arg1, %mul3A_16 : i32
      %add3A_18 = arith.constant 1 : i32
      %add3A_19 = arith.addi %mul3A_17, %add3A_18 : i32
      %mul3A_20 = arith.constant 80 : i32
      %mul3A_21 = arith.muli %add3A_19, %mul3A_20 : i32
      %dma_start3A_22 = arith.constant 0 : i32
      %dma_start3A_23 = tpu.memref_slice %arg2[%mul3A_21, %dma_start3A_22] : memref<92160x128xf32, #tpu.memory_space<hbm>> -> memref<80x128xf32, #tpu.memory_space<hbm>>
      %dma_start3A_24 = arith.constant 0 : i32
      %dma_start3A_25 = tpu.memref_slice %arg2[%mul3A_21, %dma_start3A_24] : memref<92160x128xf32, #tpu.memory_space<hbm>> -> memref<80x128xf32, #tpu.memory_space<hbm>>
      tpu.enqueue_dma source(%dma_start3A_25 : memref<80x128xf32, #tpu.memory_space<hbm>>) target(%arg16 : memref<80x128xf32, #tpu.memory_space<vmem>>) target_semaphore(%arg22 : memref<!tpu.dma_semaphore, #tpu.memory_space<semaphore_mem>>)
      %mul3A_26 = arith.constant 72 : i32
      %mul3A_27 = arith.muli %arg1, %mul3A_26 : i32
      %add3A_28 = arith.constant 2 : i32
      %add3A_29 = arith.addi %mul3A_27, %add3A_28 : i32
      %mul3A_30 = arith.constant 80 : i32
      %mul3A_31 = arith.muli %add3A_29, %mul3A_30 : i32
      %dma_start3A_32 = arith.constant 0 : i32
      %dma_start3A_33 = tpu.memref_slice %arg2[%mul3A_31, %dma_start3A_32] : memref<92160x128xf32, #tpu.memory_space<hbm>> -> memref<80x128xf32, #tpu.memory_space<hbm>>
      %dma_start3A_34 = arith.constant 0 : i32
      %dma_start3A_35 = tpu.memref_slice %arg2[%mul3A_31, %dma_start3A_34] : memref<92160x128xf32, #tpu.memory_space<hbm>> -> memref<80x128xf32, #tpu.memory_space<hbm>>
      tpu.enqueue_dma source(%dma_start3A_35 : memref<80x128xf32, #tpu.memory_space<hbm>>) target(%arg17 : memref<80x128xf32, #tpu.memory_space<vmem>>) target_semaphore(%arg23 : memref<!tpu.dma_semaphore, #tpu.memory_space<semaphore_mem>>)
      %mul3A_36 = arith.constant 72 : i32
      %mul3A_37 = arith.muli %arg1, %mul3A_36 : i32
      %add3A_38 = arith.constant 3 : i32
      %add3A_39 = arith.addi %mul3A_37, %add3A_38 : i32
      %mul3A_40 = arith.constant 80 : i32
      %mul3A_41 = arith.muli %add3A_39, %mul3A_40 : i32
      %dma_start3A_42 = arith.constant 0 : i32
      %dma_start3A_43 = tpu.memref_slice %arg2[%mul3A_41, %dma_start3A_42] : memref<92160x128xf32, #tpu.memory_space<hbm>> -> memref<80x128xf32, #tpu.memory_space<hbm>>
      %dma_start3A_44 = arith.constant 0 : i32
      %dma_start3A_45 = tpu.memref_slice %arg2[%mul3A_41, %dma_start3A_44] : memref<92160x128xf32, #tpu.memory_space<hbm>> -> memref<80x128xf32, #tpu.memory_space<hbm>>
      tpu.enqueue_dma source(%dma_start3A_45 : memref<80x128xf32, #tpu.memory_space<hbm>>) target(%arg18 : memref<80x128xf32, #tpu.memory_space<vmem>>) target_semaphore(%arg24 : memref<!tpu.dma_semaphore, #tpu.memory_space<semaphore_mem>>)
      "tpu.region"() ({
        %run_scoped3A = tpu.sem_alloc : memref<!tpu.dma_semaphore, #tpu.memory_space<semaphore_mem>>
        %dma_start3A_157 = arith.constant 0 : i32
        %dma_start3A_158 = tpu.memref_slice %arg20[%mul3A_0, %dma_start3A_157] : memref<10112x128xf32, #tpu.memory_space<vmem_shared>> -> memref<632x128xf32, #tpu.memory_space<vmem_shared>>
        %dma_start3A_159 = arith.constant 0 : i32
        %dma_start3A_160 = tpu.memref_slice %arg6[%mul3A_0, %dma_start3A_159] : memref<10112x128xf32, #tpu.memory_space<hbm>> -> memref<632x128xf32, #tpu.memory_space<hbm>>
        tpu.enqueue_dma source(%dma_start3A_160 : memref<632x128xf32, #tpu.memory_space<hbm>>) target(%dma_start3A_158 : memref<632x128xf32, #tpu.memory_space<vmem_shared>>) target_semaphore(%run_scoped3A : memref<!tpu.dma_semaphore, #tpu.memory_space<semaphore_mem>>)
        %dma_wait3A_161 = arith.constant 0 : i32
        %dma_wait3A_162 = tpu.memref_slice %arg20[%mul3A_0, %dma_wait3A_161] : memref<10112x128xf32, #tpu.memory_space<vmem_shared>> -> memref<632x128xf32, #tpu.memory_space<vmem_shared>>
        %dma_wait3A_163 = arith.constant 0 : i32
        %dma_wait3A_164 = tpu.memref_slice %arg6[%mul3A_0, %dma_wait3A_163] : memref<10112x128xf32, #tpu.memory_space<hbm>> -> memref<632x128xf32, #tpu.memory_space<hbm>>
        tpu.wait_dma2 semaphore(%run_scoped3A : memref<!tpu.dma_semaphore, #tpu.memory_space<semaphore_mem>>) src(%dma_wait3A_164 : memref<632x128xf32, #tpu.memory_space<hbm>>) dst(%dma_wait3A_162 : memref<632x128xf32, #tpu.memory_space<vmem_shared>>)
        tpu.yield
      }) : () -> ()
      %barrier3A = arith.constant 0 : index
      tpu.barrier barrier_id(%barrier3A)
      %scan3A = arith.constant 0 : i32
      %scan3A_46 = arith.constant 0 : i32
      %scan3A_47 = arith.constant 18 : i32
      %scan3A_48 = arith.addi %scan3A_46, %scan3A_47 : i32
      %scan3A_49 = arith.constant 1 : i32
      scf.for %scan3A_157 = %scan3A_46 to %scan3A_48 step %scan3A_49  : i32 {
        %mul3A_158 = arith.constant 4 : i32
        %mul3A_159 = arith.muli %mul3A_158, %scan3A_157 : i32
        %mul3A_160 = arith.constant 72 : i32
        %mul3A_161 = arith.muli %arg1, %mul3A_160 : i32
        %add3A_162 = arith.constant 0 : i32
        %add3A_163 = arith.addi %mul3A_161, %add3A_162 : i32
        %mul3A_164 = arith.constant 80 : i32
        %mul3A_165 = arith.muli %add3A_163, %mul3A_164 : i32
        %dma_wait3A_166 = arith.constant 0 : i32
        %dma_wait3A_167 = tpu.memref_slice %arg2[%mul3A_165, %dma_wait3A_166] : memref<92160x128xf32, #tpu.memory_space<hbm>> -> memref<80x128xf32, #tpu.memory_space<hbm>>
        %dma_wait3A_168 = arith.constant 0 : i32
        %dma_wait3A_169 = tpu.memref_slice %arg2[%mul3A_165, %dma_wait3A_168] : memref<92160x128xf32, #tpu.memory_space<hbm>> -> memref<80x128xf32, #tpu.memory_space<hbm>>
        tpu.wait_dma2 semaphore(%arg21 : memref<!tpu.dma_semaphore, #tpu.memory_space<semaphore_mem>>) src(%dma_wait3A_169 : memref<80x128xf32, #tpu.memory_space<hbm>>) dst(%arg15 : memref<80x128xf32, #tpu.memory_space<vmem>>)
        %add3A_170 = arith.constant 0 : i32
        %add3A_171 = arith.addi %mul3A_159, %add3A_170 : i32
        %dma_start3A_172 = arith.constant 0 : i32
        %dma_start3A_173 = tpu.memref_slice %arg19[%add3A_171, %dma_start3A_172] : memref<72x80xi32, #tpu.memory_space<vmem>> -> memref<1x80xi32, #tpu.memory_space<vmem>>
        %dma_start3A_174 = tpu.memref_squeeze %dma_start3A_173 : memref<1x80xi32, #tpu.memory_space<vmem>> -> memref<80xi32, #tpu.memory_space<vmem>>
        %dma_start3A_175 = arith.constant 0 : i32
        %dma_start3A_176 = arith.constant 0 : i32
        %dma_start3A_177 = tpu.memref_slice %arg20[%dma_start3A_175, %dma_start3A_176] : memref<10112x128xf32, #tpu.memory_space<vmem_shared>> -> memref<10112x128xf32, #tpu.memory_space<vmem_shared>>
        tpu.enqueue_indirect_dma source(%arg15 : memref<80x128xf32, #tpu.memory_space<vmem>>) target(%dma_start3A_177 : memref<10112x128xf32, #tpu.memory_space<vmem_shared>>) offsets(%dma_start3A_174 : memref<80xi32, #tpu.memory_space<vmem>>) semaphore(%arg25 : memref<!tpu.dma_semaphore, #tpu.memory_space<semaphore_mem>>) {add = true}
        %mul3A_178 = arith.constant 72 : i32
        %mul3A_179 = arith.muli %arg1, %mul3A_178 : i32
        %add3A_180 = arith.constant 0 : i32
        %add3A_181 = arith.addi %mul3A_179, %add3A_180 : i32
        %mul3A_182 = arith.constant 80 : i32
        %mul3A_183 = arith.muli %add3A_181, %mul3A_182 : i32
        %dma_wait3A_184 = arith.constant 0 : i32
        %dma_wait3A_185 = tpu.memref_slice %arg2[%mul3A_183, %dma_wait3A_184] : memref<92160x128xf32, #tpu.memory_space<hbm>> -> memref<80x128xf32, #tpu.memory_space<hbm>>
        %dma_wait3A_186 = arith.constant 0 : i32
        %dma_wait3A_187 = tpu.memref_slice %arg2[%mul3A_183, %dma_wait3A_186] : memref<92160x128xf32, #tpu.memory_space<hbm>> -> memref<80x128xf32, #tpu.memory_space<hbm>>
        tpu.wait_dma2 semaphore(%arg22 : memref<!tpu.dma_semaphore, #tpu.memory_space<semaphore_mem>>) src(%dma_wait3A_187 : memref<80x128xf32, #tpu.memory_space<hbm>>) dst(%arg16 : memref<80x128xf32, #tpu.memory_space<vmem>>)
        %add3A_188 = arith.constant 1 : i32
        %add3A_189 = arith.addi %mul3A_159, %add3A_188 : i32
        %dma_start3A_190 = arith.constant 0 : i32
        %dma_start3A_191 = tpu.memref_slice %arg19[%add3A_189, %dma_start3A_190] : memref<72x80xi32, #tpu.memory_space<vmem>> -> memref<1x80xi32, #tpu.memory_space<vmem>>
        %dma_start3A_192 = tpu.memref_squeeze %dma_start3A_191 : memref<1x80xi32, #tpu.memory_space<vmem>> -> memref<80xi32, #tpu.memory_space<vmem>>
        %dma_start3A_193 = arith.constant 0 : i32
        %dma_start3A_194 = arith.constant 0 : i32
        %dma_start3A_195 = tpu.memref_slice %arg20[%dma_start3A_193, %dma_start3A_194] : memref<10112x128xf32, #tpu.memory_space<vmem_shared>> -> memref<10112x128xf32, #tpu.memory_space<vmem_shared>>
        tpu.enqueue_indirect_dma source(%arg16 : memref<80x128xf32, #tpu.memory_space<vmem>>) target(%dma_start3A_195 : memref<10112x128xf32, #tpu.memory_space<vmem_shared>>) offsets(%dma_start3A_192 : memref<80xi32, #tpu.memory_space<vmem>>) semaphore(%arg26 : memref<!tpu.dma_semaphore, #tpu.memory_space<semaphore_mem>>) {add = true}
        %mul3A_196 = arith.constant 72 : i32
        %mul3A_197 = arith.muli %arg1, %mul3A_196 : i32
        %add3A_198 = arith.constant 0 : i32
        %add3A_199 = arith.addi %mul3A_197, %add3A_198 : i32
        %mul3A_200 = arith.constant 80 : i32
        %mul3A_201 = arith.muli %add3A_199, %mul3A_200 : i32
        %dma_wait3A_202 = arith.constant 0 : i32
        %dma_wait3A_203 = tpu.memref_slice %arg2[%mul3A_201, %dma_wait3A_202] : memref<92160x128xf32, #tpu.memory_space<hbm>> -> memref<80x128xf32, #tpu.memory_space<hbm>>
        %dma_wait3A_204 = arith.constant 0 : i32
        %dma_wait3A_205 = tpu.memref_slice %arg2[%mul3A_201, %dma_wait3A_204] : memref<92160x128xf32, #tpu.memory_space<hbm>> -> memref<80x128xf32, #tpu.memory_space<hbm>>
        tpu.wait_dma2 semaphore(%arg23 : memref<!tpu.dma_semaphore, #tpu.memory_space<semaphore_mem>>) src(%dma_wait3A_205 : memref<80x128xf32, #tpu.memory_space<hbm>>) dst(%arg17 : memref<80x128xf32, #tpu.memory_space<vmem>>)
        %add3A_206 = arith.constant 2 : i32
        %add3A_207 = arith.addi %mul3A_159, %add3A_206 : i32
        %dma_start3A_208 = arith.constant 0 : i32
        %dma_start3A_209 = tpu.memref_slice %arg19[%add3A_207, %dma_start3A_208] : memref<72x80xi32, #tpu.memory_space<vmem>> -> memref<1x80xi32, #tpu.memory_space<vmem>>
        %dma_start3A_210 = tpu.memref_squeeze %dma_start3A_209 : memref<1x80xi32, #tpu.memory_space<vmem>> -> memref<80xi32, #tpu.memory_space<vmem>>
        %dma_start3A_211 = arith.constant 0 : i32
        %dma_start3A_212 = arith.constant 0 : i32
        %dma_start3A_213 = tpu.memref_slice %arg20[%dma_start3A_211, %dma_start3A_212] : memref<10112x128xf32, #tpu.memory_space<vmem_shared>> -> memref<10112x128xf32, #tpu.memory_space<vmem_shared>>
        tpu.enqueue_indirect_dma source(%arg17 : memref<80x128xf32, #tpu.memory_space<vmem>>) target(%dma_start3A_213 : memref<10112x128xf32, #tpu.memory_space<vmem_shared>>) offsets(%dma_start3A_210 : memref<80xi32, #tpu.memory_space<vmem>>) semaphore(%arg27 : memref<!tpu.dma_semaphore, #tpu.memory_space<semaphore_mem>>) {add = true}
        %mul3A_214 = arith.constant 72 : i32
        %mul3A_215 = arith.muli %arg1, %mul3A_214 : i32
        %add3A_216 = arith.constant 0 : i32
        %add3A_217 = arith.addi %mul3A_215, %add3A_216 : i32
        %mul3A_218 = arith.constant 80 : i32
        %mul3A_219 = arith.muli %add3A_217, %mul3A_218 : i32
        %dma_wait3A_220 = arith.constant 0 : i32
        %dma_wait3A_221 = tpu.memref_slice %arg2[%mul3A_219, %dma_wait3A_220] : memref<92160x128xf32, #tpu.memory_space<hbm>> -> memref<80x128xf32, #tpu.memory_space<hbm>>
        %dma_wait3A_222 = arith.constant 0 : i32
        %dma_wait3A_223 = tpu.memref_slice %arg2[%mul3A_219, %dma_wait3A_222] : memref<92160x128xf32, #tpu.memory_space<hbm>> -> memref<80x128xf32, #tpu.memory_space<hbm>>
        tpu.wait_dma2 semaphore(%arg24 : memref<!tpu.dma_semaphore, #tpu.memory_space<semaphore_mem>>) src(%dma_wait3A_223 : memref<80x128xf32, #tpu.memory_space<hbm>>) dst(%arg18 : memref<80x128xf32, #tpu.memory_space<vmem>>)
        %add3A_224 = arith.constant 3 : i32
        %add3A_225 = arith.addi %mul3A_159, %add3A_224 : i32
        %dma_start3A_226 = arith.constant 0 : i32
        %dma_start3A_227 = tpu.memref_slice %arg19[%add3A_225, %dma_start3A_226] : memref<72x80xi32, #tpu.memory_space<vmem>> -> memref<1x80xi32, #tpu.memory_space<vmem>>
        %dma_start3A_228 = tpu.memref_squeeze %dma_start3A_227 : memref<1x80xi32, #tpu.memory_space<vmem>> -> memref<80xi32, #tpu.memory_space<vmem>>
        %dma_start3A_229 = arith.constant 0 : i32
        %dma_start3A_230 = arith.constant 0 : i32
        %dma_start3A_231 = tpu.memref_slice %arg20[%dma_start3A_229, %dma_start3A_230] : memref<10112x128xf32, #tpu.memory_space<vmem_shared>> -> memref<10112x128xf32, #tpu.memory_space<vmem_shared>>
        tpu.enqueue_indirect_dma source(%arg18 : memref<80x128xf32, #tpu.memory_space<vmem>>) target(%dma_start3A_231 : memref<10112x128xf32, #tpu.memory_space<vmem_shared>>) offsets(%dma_start3A_228 : memref<80xi32, #tpu.memory_space<vmem>>) semaphore(%arg28 : memref<!tpu.dma_semaphore, #tpu.memory_space<semaphore_mem>>) {add = true}
        %lt3A = arith.constant 17 : i32
        %lt3A_232 = arith.cmpi slt, %scan3A_157, %lt3A : i32
        %convert_element_type3A_233 = arith.extui %lt3A_232 : i1 to i32
        %cond3A_234 = arith.constant 0 : i32
        %cond3A_235 = arith.cmpi ne, %convert_element_type3A_233, %cond3A_234 : i32
        scf.if %cond3A_235 {
          %dma_wait3A_236 = arith.constant 0 : i32
          %dma_wait3A_237 = arith.constant 0 : i32
          %dma_wait3A_238 = tpu.memref_slice %arg19[%dma_wait3A_236, %dma_wait3A_237] : memref<72x80xi32, #tpu.memory_space<vmem>> -> memref<1x80xi32, #tpu.memory_space<vmem>>
          %dma_wait3A_239 = tpu.memref_squeeze %dma_wait3A_238 : memref<1x80xi32, #tpu.memory_space<vmem>> -> memref<80xi32, #tpu.memory_space<vmem>>
          %dma_wait3A_240 = arith.constant 0 : i32
          %dma_wait3A_241 = arith.constant 0 : i32
          %dma_wait3A_242 = tpu.memref_slice %arg20[%dma_wait3A_240, %dma_wait3A_241] : memref<10112x128xf32, #tpu.memory_space<vmem_shared>> -> memref<10112x128xf32, #tpu.memory_space<vmem_shared>>
          tpu.wait_indirect_dma semaphore(%arg25 : memref<!tpu.dma_semaphore, #tpu.memory_space<semaphore_mem>>) src(%arg15 : memref<80x128xf32, #tpu.memory_space<vmem>>) dst(%dma_wait3A_242 : memref<10112x128xf32, #tpu.memory_space<vmem_shared>>)
          %add3A_243 = arith.constant 4 : i32
          %add3A_244 = arith.addi %mul3A_159, %add3A_243 : i32
          %add3A_245 = arith.constant 0 : i32
          %add3A_246 = arith.addi %add3A_244, %add3A_245 : i32
          %mul3A_247 = arith.constant 72 : i32
          %mul3A_248 = arith.muli %arg1, %mul3A_247 : i32
          %add3A_249 = arith.addi %mul3A_248, %add3A_246 : i32
          %mul3A_250 = arith.constant 80 : i32
          %mul3A_251 = arith.muli %add3A_249, %mul3A_250 : i32
          %dma_start3A_252 = arith.constant 0 : i32
          %dma_start3A_253 = tpu.memref_slice %arg2[%mul3A_251, %dma_start3A_252] : memref<92160x128xf32, #tpu.memory_space<hbm>> -> memref<80x128xf32, #tpu.memory_space<hbm>>
          %dma_start3A_254 = arith.constant 0 : i32
          %dma_start3A_255 = tpu.memref_slice %arg2[%mul3A_251, %dma_start3A_254] : memref<92160x128xf32, #tpu.memory_space<hbm>> -> memref<80x128xf32, #tpu.memory_space<hbm>>
          tpu.enqueue_dma source(%dma_start3A_255 : memref<80x128xf32, #tpu.memory_space<hbm>>) target(%arg15 : memref<80x128xf32, #tpu.memory_space<vmem>>) target_semaphore(%arg21 : memref<!tpu.dma_semaphore, #tpu.memory_space<semaphore_mem>>)
          %dma_wait3A_256 = arith.constant 0 : i32
          %dma_wait3A_257 = arith.constant 0 : i32
          %dma_wait3A_258 = tpu.memref_slice %arg19[%dma_wait3A_256, %dma_wait3A_257] : memref<72x80xi32, #tpu.memory_space<vmem>> -> memref<1x80xi32, #tpu.memory_space<vmem>>
          %dma_wait3A_259 = tpu.memref_squeeze %dma_wait3A_258 : memref<1x80xi32, #tpu.memory_space<vmem>> -> memref<80xi32, #tpu.memory_space<vmem>>
          %dma_wait3A_260 = arith.constant 0 : i32
          %dma_wait3A_261 = arith.constant 0 : i32
          %dma_wait3A_262 = tpu.memref_slice %arg20[%dma_wait3A_260, %dma_wait3A_261] : memref<10112x128xf32, #tpu.memory_space<vmem_shared>> -> memref<10112x128xf32, #tpu.memory_space<vmem_shared>>
          tpu.wait_indirect_dma semaphore(%arg26 : memref<!tpu.dma_semaphore, #tpu.memory_space<semaphore_mem>>) src(%arg16 : memref<80x128xf32, #tpu.memory_space<vmem>>) dst(%dma_wait3A_262 : memref<10112x128xf32, #tpu.memory_space<vmem_shared>>)
          %add3A_263 = arith.constant 4 : i32
          %add3A_264 = arith.addi %mul3A_159, %add3A_263 : i32
          %add3A_265 = arith.constant 1 : i32
          %add3A_266 = arith.addi %add3A_264, %add3A_265 : i32
          %mul3A_267 = arith.constant 72 : i32
          %mul3A_268 = arith.muli %arg1, %mul3A_267 : i32
          %add3A_269 = arith.addi %mul3A_268, %add3A_266 : i32
          %mul3A_270 = arith.constant 80 : i32
          %mul3A_271 = arith.muli %add3A_269, %mul3A_270 : i32
          %dma_start3A_272 = arith.constant 0 : i32
          %dma_start3A_273 = tpu.memref_slice %arg2[%mul3A_271, %dma_start3A_272] : memref<92160x128xf32, #tpu.memory_space<hbm>> -> memref<80x128xf32, #tpu.memory_space<hbm>>
          %dma_start3A_274 = arith.constant 0 : i32
          %dma_start3A_275 = tpu.memref_slice %arg2[%mul3A_271, %dma_start3A_274] : memref<92160x128xf32, #tpu.memory_space<hbm>> -> memref<80x128xf32, #tpu.memory_space<hbm>>
          tpu.enqueue_dma source(%dma_start3A_275 : memref<80x128xf32, #tpu.memory_space<hbm>>) target(%arg16 : memref<80x128xf32, #tpu.memory_space<vmem>>) target_semaphore(%arg22 : memref<!tpu.dma_semaphore, #tpu.memory_space<semaphore_mem>>)
          %dma_wait3A_276 = arith.constant 0 : i32
          %dma_wait3A_277 = arith.constant 0 : i32
          %dma_wait3A_278 = tpu.memref_slice %arg19[%dma_wait3A_276, %dma_wait3A_277] : memref<72x80xi32, #tpu.memory_space<vmem>> -> memref<1x80xi32, #tpu.memory_space<vmem>>
          %dma_wait3A_279 = tpu.memref_squeeze %dma_wait3A_278 : memref<1x80xi32, #tpu.memory_space<vmem>> -> memref<80xi32, #tpu.memory_space<vmem>>
          %dma_wait3A_280 = arith.constant 0 : i32
          %dma_wait3A_281 = arith.constant 0 : i32
          %dma_wait3A_282 = tpu.memref_slice %arg20[%dma_wait3A_280, %dma_wait3A_281] : memref<10112x128xf32, #tpu.memory_space<vmem_shared>> -> memref<10112x128xf32, #tpu.memory_space<vmem_shared>>
          tpu.wait_indirect_dma semaphore(%arg27 : memref<!tpu.dma_semaphore, #tpu.memory_space<semaphore_mem>>) src(%arg17 : memref<80x128xf32, #tpu.memory_space<vmem>>) dst(%dma_wait3A_282 : memref<10112x128xf32, #tpu.memory_space<vmem_shared>>)
          %add3A_283 = arith.constant 4 : i32
          %add3A_284 = arith.addi %mul3A_159, %add3A_283 : i32
          %add3A_285 = arith.constant 2 : i32
          %add3A_286 = arith.addi %add3A_284, %add3A_285 : i32
          %mul3A_287 = arith.constant 72 : i32
          %mul3A_288 = arith.muli %arg1, %mul3A_287 : i32
          %add3A_289 = arith.addi %mul3A_288, %add3A_286 : i32
          %mul3A_290 = arith.constant 80 : i32
          %mul3A_291 = arith.muli %add3A_289, %mul3A_290 : i32
          %dma_start3A_292 = arith.constant 0 : i32
          %dma_start3A_293 = tpu.memref_slice %arg2[%mul3A_291, %dma_start3A_292] : memref<92160x128xf32, #tpu.memory_space<hbm>> -> memref<80x128xf32, #tpu.memory_space<hbm>>
          %dma_start3A_294 = arith.constant 0 : i32
          %dma_start3A_295 = tpu.memref_slice %arg2[%mul3A_291, %dma_start3A_294] : memref<92160x128xf32, #tpu.memory_space<hbm>> -> memref<80x128xf32, #tpu.memory_space<hbm>>
          tpu.enqueue_dma source(%dma_start3A_295 : memref<80x128xf32, #tpu.memory_space<hbm>>) target(%arg17 : memref<80x128xf32, #tpu.memory_space<vmem>>) target_semaphore(%arg23 : memref<!tpu.dma_semaphore, #tpu.memory_space<semaphore_mem>>)
          %dma_wait3A_296 = arith.constant 0 : i32
          %dma_wait3A_297 = arith.constant 0 : i32
          %dma_wait3A_298 = tpu.memref_slice %arg19[%dma_wait3A_296, %dma_wait3A_297] : memref<72x80xi32, #tpu.memory_space<vmem>> -> memref<1x80xi32, #tpu.memory_space<vmem>>
          %dma_wait3A_299 = tpu.memref_squeeze %dma_wait3A_298 : memref<1x80xi32, #tpu.memory_space<vmem>> -> memref<80xi32, #tpu.memory_space<vmem>>
          %dma_wait3A_300 = arith.constant 0 : i32
          %dma_wait3A_301 = arith.constant 0 : i32
          %dma_wait3A_302 = tpu.memref_slice %arg20[%dma_wait3A_300, %dma_wait3A_301] : memref<10112x128xf32, #tpu.memory_space<vmem_shared>> -> memref<10112x128xf32, #tpu.memory_space<vmem_shared>>
          tpu.wait_indirect_dma semaphore(%arg28 : memref<!tpu.dma_semaphore, #tpu.memory_space<semaphore_mem>>) src(%arg18 : memref<80x128xf32, #tpu.memory_space<vmem>>) dst(%dma_wait3A_302 : memref<10112x128xf32, #tpu.memory_space<vmem_shared>>)
          %add3A_303 = arith.constant 4 : i32
          %add3A_304 = arith.addi %mul3A_159, %add3A_303 : i32
          %add3A_305 = arith.constant 3 : i32
          %add3A_306 = arith.addi %add3A_304, %add3A_305 : i32
          %mul3A_307 = arith.constant 72 : i32
          %mul3A_308 = arith.muli %arg1, %mul3A_307 : i32
          %add3A_309 = arith.addi %mul3A_308, %add3A_306 : i32
          %mul3A_310 = arith.constant 80 : i32
          %mul3A_311 = arith.muli %add3A_309, %mul3A_310 : i32
          %dma_start3A_312 = arith.constant 0 : i32
          %dma_start3A_313 = tpu.memref_slice %arg2[%mul3A_311, %dma_start3A_312] : memref<92160x128xf32, #tpu.memory_space<hbm>> -> memref<80x128xf32, #tpu.memory_space<hbm>>
          %dma_start3A_314 = arith.constant 0 : i32
          %dma_start3A_315 = tpu.memref_slice %arg2[%mul3A_311, %dma_start3A_314] : memref<92160x128xf32, #tpu.memory_space<hbm>> -> memref<80x128xf32, #tpu.memory_space<hbm>>
          tpu.enqueue_dma source(%dma_start3A_315 : memref<80x128xf32, #tpu.memory_space<hbm>>) target(%arg18 : memref<80x128xf32, #tpu.memory_space<vmem>>) target_semaphore(%arg24 : memref<!tpu.dma_semaphore, #tpu.memory_space<semaphore_mem>>)
        } else {
        }
      }
      %scan3A_50 = arith.constant 18 : i32
      %dma_wait3A = arith.constant 0 : i32
      %dma_wait3A_51 = arith.constant 0 : i32
      %dma_wait3A_52 = tpu.memref_slice %arg19[%dma_wait3A, %dma_wait3A_51] : memref<72x80xi32, #tpu.memory_space<vmem>> -> memref<1x80xi32, #tpu.memory_space<vmem>>
      %dma_wait3A_53 = tpu.memref_squeeze %dma_wait3A_52 : memref<1x80xi32, #tpu.memory_space<vmem>> -> memref<80xi32, #tpu.memory_space<vmem>>
      %dma_wait3A_54 = arith.constant 0 : i32
      %dma_wait3A_55 = arith.constant 0 : i32
      %dma_wait3A_56 = tpu.memref_slice %arg20[%dma_wait3A_54, %dma_wait3A_55] : memref<10112x128xf32, #tpu.memory_space<vmem_shared>> -> memref<10112x128xf32, #tpu.memory_space<vmem_shared>>
      tpu.wait_indirect_dma semaphore(%arg25 : memref<!tpu.dma_semaphore, #tpu.memory_space<semaphore_mem>>) src(%arg15 : memref<80x128xf32, #tpu.memory_space<vmem>>) dst(%dma_wait3A_56 : memref<10112x128xf32, #tpu.memory_space<vmem_shared>>)
      %dma_wait3A_57 = arith.constant 0 : i32
      %dma_wait3A_58 = arith.constant 0 : i32
      %dma_wait3A_59 = tpu.memref_slice %arg19[%dma_wait3A_57, %dma_wait3A_58] : memref<72x80xi32, #tpu.memory_space<vmem>> -> memref<1x80xi32, #tpu.memory_space<vmem>>
      %dma_wait3A_60 = tpu.memref_squeeze %dma_wait3A_59 : memref<1x80xi32, #tpu.memory_space<vmem>> -> memref<80xi32, #tpu.memory_space<vmem>>
      %dma_wait3A_61 = arith.constant 0 : i32
      %dma_wait3A_62 = arith.constant 0 : i32
      %dma_wait3A_63 = tpu.memref_slice %arg20[%dma_wait3A_61, %dma_wait3A_62] : memref<10112x128xf32, #tpu.memory_space<vmem_shared>> -> memref<10112x128xf32, #tpu.memory_space<vmem_shared>>
      tpu.wait_indirect_dma semaphore(%arg26 : memref<!tpu.dma_semaphore, #tpu.memory_space<semaphore_mem>>) src(%arg16 : memref<80x128xf32, #tpu.memory_space<vmem>>) dst(%dma_wait3A_63 : memref<10112x128xf32, #tpu.memory_space<vmem_shared>>)
      %dma_wait3A_64 = arith.constant 0 : i32
      %dma_wait3A_65 = arith.constant 0 : i32
      %dma_wait3A_66 = tpu.memref_slice %arg19[%dma_wait3A_64, %dma_wait3A_65] : memref<72x80xi32, #tpu.memory_space<vmem>> -> memref<1x80xi32, #tpu.memory_space<vmem>>
      %dma_wait3A_67 = tpu.memref_squeeze %dma_wait3A_66 : memref<1x80xi32, #tpu.memory_space<vmem>> -> memref<80xi32, #tpu.memory_space<vmem>>
      %dma_wait3A_68 = arith.constant 0 : i32
      %dma_wait3A_69 = arith.constant 0 : i32
      %dma_wait3A_70 = tpu.memref_slice %arg20[%dma_wait3A_68, %dma_wait3A_69] : memref<10112x128xf32, #tpu.memory_space<vmem_shared>> -> memref<10112x128xf32, #tpu.memory_space<vmem_shared>>
      tpu.wait_indirect_dma semaphore(%arg27 : memref<!tpu.dma_semaphore, #tpu.memory_space<semaphore_mem>>) src(%arg17 : memref<80x128xf32, #tpu.memory_space<vmem>>) dst(%dma_wait3A_70 : memref<10112x128xf32, #tpu.memory_space<vmem_shared>>)
      %dma_wait3A_71 = arith.constant 0 : i32
      %dma_wait3A_72 = arith.constant 0 : i32
      %dma_wait3A_73 = tpu.memref_slice %arg19[%dma_wait3A_71, %dma_wait3A_72] : memref<72x80xi32, #tpu.memory_space<vmem>> -> memref<1x80xi32, #tpu.memory_space<vmem>>
      %dma_wait3A_74 = tpu.memref_squeeze %dma_wait3A_73 : memref<1x80xi32, #tpu.memory_space<vmem>> -> memref<80xi32, #tpu.memory_space<vmem>>
      %dma_wait3A_75 = arith.constant 0 : i32
      %dma_wait3A_76 = arith.constant 0 : i32
      %dma_wait3A_77 = tpu.memref_slice %arg20[%dma_wait3A_75, %dma_wait3A_76] : memref<10112x128xf32, #tpu.memory_space<vmem_shared>> -> memref<10112x128xf32, #tpu.memory_space<vmem_shared>>
      tpu.wait_indirect_dma semaphore(%arg28 : memref<!tpu.dma_semaphore, #tpu.memory_space<semaphore_mem>>) src(%arg18 : memref<80x128xf32, #tpu.memory_space<vmem>>) dst(%dma_wait3A_77 : memref<10112x128xf32, #tpu.memory_space<vmem_shared>>)
      %barrier3A_78 = arith.constant 0 : index
      tpu.barrier barrier_id(%barrier3A_78)
      "tpu.region"() ({
        %run_scoped3A = tpu.sem_alloc : memref<!tpu.dma_semaphore, #tpu.memory_space<semaphore_mem>>
        %dma_start3A_157 = arith.constant 0 : i32
        %dma_start3A_158 = tpu.memref_slice %arg11[%mul3A_0, %dma_start3A_157] : memref<10112x128xf32, #tpu.memory_space<hbm>> -> memref<632x128xf32, #tpu.memory_space<hbm>>
        %dma_start3A_159 = arith.constant 0 : i32
        %dma_start3A_160 = tpu.memref_slice %arg20[%mul3A_0, %dma_start3A_159] : memref<10112x128xf32, #tpu.memory_space<vmem_shared>> -> memref<632x128xf32, #tpu.memory_space<vmem_shared>>
        tpu.enqueue_dma source(%dma_start3A_160 : memref<632x128xf32, #tpu.memory_space<vmem_shared>>) target(%dma_start3A_158 : memref<632x128xf32, #tpu.memory_space<hbm>>) target_semaphore(%run_scoped3A : memref<!tpu.dma_semaphore, #tpu.memory_space<semaphore_mem>>)
        %dma_wait3A_161 = arith.constant 0 : i32
        %dma_wait3A_162 = tpu.memref_slice %arg11[%mul3A_0, %dma_wait3A_161] : memref<10112x128xf32, #tpu.memory_space<hbm>> -> memref<632x128xf32, #tpu.memory_space<hbm>>
        %dma_wait3A_163 = arith.constant 0 : i32
        %dma_wait3A_164 = tpu.memref_slice %arg20[%mul3A_0, %dma_wait3A_163] : memref<10112x128xf32, #tpu.memory_space<vmem_shared>> -> memref<632x128xf32, #tpu.memory_space<vmem_shared>>
        tpu.wait_dma2 semaphore(%run_scoped3A : memref<!tpu.dma_semaphore, #tpu.memory_space<semaphore_mem>>) src(%dma_wait3A_164 : memref<632x128xf32, #tpu.memory_space<vmem_shared>>) dst(%dma_wait3A_162 : memref<632x128xf32, #tpu.memory_space<hbm>>)
        tpu.yield
      }) : () -> ()
      %barrier3A_79 = arith.constant 0 : index
      tpu.barrier barrier_id(%barrier3A_79)
      %mul3A_80 = arith.constant 72 : i32
      %mul3A_81 = arith.muli %arg1, %mul3A_80 : i32
      %add3A_82 = arith.constant 0 : i32
      %add3A_83 = arith.addi %mul3A_81, %add3A_82 : i32
      %mul3A_84 = arith.constant 80 : i32
      %mul3A_85 = arith.muli %add3A_83, %mul3A_84 : i32
      %dma_start3A_86 = arith.constant 0 : i32
      %dma_start3A_87 = tpu.memref_slice %arg3[%mul3A_85, %dma_start3A_86] : memref<92160x128xf32, #tpu.memory_space<hbm>> -> memref<80x128xf32, #tpu.memory_space<hbm>>
      %dma_start3A_88 = arith.constant 0 : i32
      %dma_start3A_89 = tpu.memref_slice %arg3[%mul3A_85, %dma_start3A_88] : memref<92160x128xf32, #tpu.memory_space<hbm>> -> memref<80x128xf32, #tpu.memory_space<hbm>>
      tpu.enqueue_dma source(%dma_start3A_89 : memref<80x128xf32, #tpu.memory_space<hbm>>) target(%arg15 : memref<80x128xf32, #tpu.memory_space<vmem>>) target_semaphore(%arg21 : memref<!tpu.dma_semaphore, #tpu.memory_space<semaphore_mem>>)
      %mul3A_90 = arith.constant 72 : i32
      %mul3A_91 = arith.muli %arg1, %mul3A_90 : i32
      %add3A_92 = arith.constant 1 : i32
      %add3A_93 = arith.addi %mul3A_91, %add3A_92 : i32
      %mul3A_94 = arith.constant 80 : i32
      %mul3A_95 = arith.muli %add3A_93, %mul3A_94 : i32
      %dma_start3A_96 = arith.constant 0 : i32
      %dma_start3A_97 = tpu.memref_slice %arg3[%mul3A_95, %dma_start3A_96] : memref<92160x128xf32, #tpu.memory_space<hbm>> -> memref<80x128xf32, #tpu.memory_space<hbm>>
      %dma_start3A_98 = arith.constant 0 : i32
      %dma_start3A_99 = tpu.memref_slice %arg3[%mul3A_95, %dma_start3A_98] : memref<92160x128xf32, #tpu.memory_space<hbm>> -> memref<80x128xf32, #tpu.memory_space<hbm>>
      tpu.enqueue_dma source(%dma_start3A_99 : memref<80x128xf32, #tpu.memory_space<hbm>>) target(%arg16 : memref<80x128xf32, #tpu.memory_space<vmem>>) target_semaphore(%arg22 : memref<!tpu.dma_semaphore, #tpu.memory_space<semaphore_mem>>)
      %mul3A_100 = arith.constant 72 : i32
      %mul3A_101 = arith.muli %arg1, %mul3A_100 : i32
      %add3A_102 = arith.constant 2 : i32
      %add3A_103 = arith.addi %mul3A_101, %add3A_102 : i32
      %mul3A_104 = arith.constant 80 : i32
      %mul3A_105 = arith.muli %add3A_103, %mul3A_104 : i32
      %dma_start3A_106 = arith.constant 0 : i32
      %dma_start3A_107 = tpu.memref_slice %arg3[%mul3A_105, %dma_start3A_106] : memref<92160x128xf32, #tpu.memory_space<hbm>> -> memref<80x128xf32, #tpu.memory_space<hbm>>
      %dma_start3A_108 = arith.constant 0 : i32
      %dma_start3A_109 = tpu.memref_slice %arg3[%mul3A_105, %dma_start3A_108] : memref<92160x128xf32, #tpu.memory_space<hbm>> -> memref<80x128xf32, #tpu.memory_space<hbm>>
      tpu.enqueue_dma source(%dma_start3A_109 : memref<80x128xf32, #tpu.memory_space<hbm>>) target(%arg17 : memref<80x128xf32, #tpu.memory_space<vmem>>) target_semaphore(%arg23 : memref<!tpu.dma_semaphore, #tpu.memory_space<semaphore_mem>>)
      %mul3A_110 = arith.constant 72 : i32
      %mul3A_111 = arith.muli %arg1, %mul3A_110 : i32
      %add3A_112 = arith.constant 3 : i32
      %add3A_113 = arith.addi %mul3A_111, %add3A_112 : i32
      %mul3A_114 = arith.constant 80 : i32
      %mul3A_115 = arith.muli %add3A_113, %mul3A_114 : i32
      %dma_start3A_116 = arith.constant 0 : i32
      %dma_start3A_117 = tpu.memref_slice %arg3[%mul3A_115, %dma_start3A_116] : memref<92160x128xf32, #tpu.memory_space<hbm>> -> memref<80x128xf32, #tpu.memory_space<hbm>>
      %dma_start3A_118 = arith.constant 0 : i32
      %dma_start3A_119 = tpu.memref_slice %arg3[%mul3A_115, %dma_start3A_118] : memref<92160x128xf32, #tpu.memory_space<hbm>> -> memref<80x128xf32, #tpu.memory_space<hbm>>
      tpu.enqueue_dma source(%dma_start3A_119 : memref<80x128xf32, #tpu.memory_space<hbm>>) target(%arg18 : memref<80x128xf32, #tpu.memory_space<vmem>>) target_semaphore(%arg24 : memref<!tpu.dma_semaphore, #tpu.memory_space<semaphore_mem>>)
      "tpu.region"() ({
        %run_scoped3A = tpu.sem_alloc : memref<!tpu.dma_semaphore, #tpu.memory_space<semaphore_mem>>
        %dma_start3A_157 = arith.constant 0 : i32
        %dma_start3A_158 = tpu.memref_slice %arg20[%mul3A_0, %dma_start3A_157] : memref<10112x128xf32, #tpu.memory_space<vmem_shared>> -> memref<632x128xf32, #tpu.memory_space<vmem_shared>>
        %dma_start3A_159 = arith.constant 0 : i32
        %dma_start3A_160 = tpu.memref_slice %arg7[%mul3A_0, %dma_start3A_159] : memref<10112x128xf32, #tpu.memory_space<hbm>> -> memref<632x128xf32, #tpu.memory_space<hbm>>
        tpu.enqueue_dma source(%dma_start3A_160 : memref<632x128xf32, #tpu.memory_space<hbm>>) target(%dma_start3A_158 : memref<632x128xf32, #tpu.memory_space<vmem_shared>>) target_semaphore(%run_scoped3A : memref<!tpu.dma_semaphore, #tpu.memory_space<semaphore_mem>>)
        %dma_wait3A_161 = arith.constant 0 : i32
        %dma_wait3A_162 = tpu.memref_slice %arg20[%mul3A_0, %dma_wait3A_161] : memref<10112x128xf32, #tpu.memory_space<vmem_shared>> -> memref<632x128xf32, #tpu.memory_space<vmem_shared>>
        %dma_wait3A_163 = arith.constant 0 : i32
        %dma_wait3A_164 = tpu.memref_slice %arg7[%mul3A_0, %dma_wait3A_163] : memref<10112x128xf32, #tpu.memory_space<hbm>> -> memref<632x128xf32, #tpu.memory_space<hbm>>
        tpu.wait_dma2 semaphore(%run_scoped3A : memref<!tpu.dma_semaphore, #tpu.memory_space<semaphore_mem>>) src(%dma_wait3A_164 : memref<632x128xf32, #tpu.memory_space<hbm>>) dst(%dma_wait3A_162 : memref<632x128xf32, #tpu.memory_space<vmem_shared>>)
        tpu.yield
      }) : () -> ()
      %barrier3A_120 = arith.constant 0 : index
      tpu.barrier barrier_id(%barrier3A_120)
      %scan3A_121 = arith.constant 0 : i32
      %scan3A_122 = arith.constant 0 : i32
      %scan3A_123 = arith.constant 18 : i32
      %scan3A_124 = arith.addi %scan3A_122, %scan3A_123 : i32
      %scan3A_125 = arith.constant 1 : i32
      scf.for %scan3A_157 = %scan3A_122 to %scan3A_124 step %scan3A_125  : i32 {
        %mul3A_158 = arith.constant 4 : i32
        %mul3A_159 = arith.muli %mul3A_158, %scan3A_157 : i32
        %mul3A_160 = arith.constant 72 : i32
        %mul3A_161 = arith.muli %arg1, %mul3A_160 : i32
        %add3A_162 = arith.constant 0 : i32
        %add3A_163 = arith.addi %mul3A_161, %add3A_162 : i32
        %mul3A_164 = arith.constant 80 : i32
        %mul3A_165 = arith.muli %add3A_163, %mul3A_164 : i32
        %dma_wait3A_166 = arith.constant 0 : i32
        %dma_wait3A_167 = tpu.memref_slice %arg3[%mul3A_165, %dma_wait3A_166] : memref<92160x128xf32, #tpu.memory_space<hbm>> -> memref<80x128xf32, #tpu.memory_space<hbm>>
        %dma_wait3A_168 = arith.constant 0 : i32
        %dma_wait3A_169 = tpu.memref_slice %arg3[%mul3A_165, %dma_wait3A_168] : memref<92160x128xf32, #tpu.memory_space<hbm>> -> memref<80x128xf32, #tpu.memory_space<hbm>>
        tpu.wait_dma2 semaphore(%arg21 : memref<!tpu.dma_semaphore, #tpu.memory_space<semaphore_mem>>) src(%dma_wait3A_169 : memref<80x128xf32, #tpu.memory_space<hbm>>) dst(%arg15 : memref<80x128xf32, #tpu.memory_space<vmem>>)
        %add3A_170 = arith.constant 0 : i32
        %add3A_171 = arith.addi %mul3A_159, %add3A_170 : i32
        %dma_start3A_172 = arith.constant 0 : i32
        %dma_start3A_173 = tpu.memref_slice %arg19[%add3A_171, %dma_start3A_172] : memref<72x80xi32, #tpu.memory_space<vmem>> -> memref<1x80xi32, #tpu.memory_space<vmem>>
        %dma_start3A_174 = tpu.memref_squeeze %dma_start3A_173 : memref<1x80xi32, #tpu.memory_space<vmem>> -> memref<80xi32, #tpu.memory_space<vmem>>
        %dma_start3A_175 = arith.constant 0 : i32
        %dma_start3A_176 = arith.constant 0 : i32
        %dma_start3A_177 = tpu.memref_slice %arg20[%dma_start3A_175, %dma_start3A_176] : memref<10112x128xf32, #tpu.memory_space<vmem_shared>> -> memref<10112x128xf32, #tpu.memory_space<vmem_shared>>
        tpu.enqueue_indirect_dma source(%arg15 : memref<80x128xf32, #tpu.memory_space<vmem>>) target(%dma_start3A_177 : memref<10112x128xf32, #tpu.memory_space<vmem_shared>>) offsets(%dma_start3A_174 : memref<80xi32, #tpu.memory_space<vmem>>) semaphore(%arg25 : memref<!tpu.dma_semaphore, #tpu.memory_space<semaphore_mem>>) {add = true}
        %mul3A_178 = arith.constant 72 : i32
        %mul3A_179 = arith.muli %arg1, %mul3A_178 : i32
        %add3A_180 = arith.constant 0 : i32
        %add3A_181 = arith.addi %mul3A_179, %add3A_180 : i32
        %mul3A_182 = arith.constant 80 : i32
        %mul3A_183 = arith.muli %add3A_181, %mul3A_182 : i32
        %dma_wait3A_184 = arith.constant 0 : i32
        %dma_wait3A_185 = tpu.memref_slice %arg3[%mul3A_183, %dma_wait3A_184] : memref<92160x128xf32, #tpu.memory_space<hbm>> -> memref<80x128xf32, #tpu.memory_space<hbm>>
        %dma_wait3A_186 = arith.constant 0 : i32
        %dma_wait3A_187 = tpu.memref_slice %arg3[%mul3A_183, %dma_wait3A_186] : memref<92160x128xf32, #tpu.memory_space<hbm>> -> memref<80x128xf32, #tpu.memory_space<hbm>>
        tpu.wait_dma2 semaphore(%arg22 : memref<!tpu.dma_semaphore, #tpu.memory_space<semaphore_mem>>) src(%dma_wait3A_187 : memref<80x128xf32, #tpu.memory_space<hbm>>) dst(%arg16 : memref<80x128xf32, #tpu.memory_space<vmem>>)
        %add3A_188 = arith.constant 1 : i32
        %add3A_189 = arith.addi %mul3A_159, %add3A_188 : i32
        %dma_start3A_190 = arith.constant 0 : i32
        %dma_start3A_191 = tpu.memref_slice %arg19[%add3A_189, %dma_start3A_190] : memref<72x80xi32, #tpu.memory_space<vmem>> -> memref<1x80xi32, #tpu.memory_space<vmem>>
        %dma_start3A_192 = tpu.memref_squeeze %dma_start3A_191 : memref<1x80xi32, #tpu.memory_space<vmem>> -> memref<80xi32, #tpu.memory_space<vmem>>
        %dma_start3A_193 = arith.constant 0 : i32
        %dma_start3A_194 = arith.constant 0 : i32
        %dma_start3A_195 = tpu.memref_slice %arg20[%dma_start3A_193, %dma_start3A_194] : memref<10112x128xf32, #tpu.memory_space<vmem_shared>> -> memref<10112x128xf32, #tpu.memory_space<vmem_shared>>
        tpu.enqueue_indirect_dma source(%arg16 : memref<80x128xf32, #tpu.memory_space<vmem>>) target(%dma_start3A_195 : memref<10112x128xf32, #tpu.memory_space<vmem_shared>>) offsets(%dma_start3A_192 : memref<80xi32, #tpu.memory_space<vmem>>) semaphore(%arg26 : memref<!tpu.dma_semaphore, #tpu.memory_space<semaphore_mem>>) {add = true}
        %mul3A_196 = arith.constant 72 : i32
        %mul3A_197 = arith.muli %arg1, %mul3A_196 : i32
        %add3A_198 = arith.constant 0 : i32
        %add3A_199 = arith.addi %mul3A_197, %add3A_198 : i32
        %mul3A_200 = arith.constant 80 : i32
        %mul3A_201 = arith.muli %add3A_199, %mul3A_200 : i32
        %dma_wait3A_202 = arith.constant 0 : i32
        %dma_wait3A_203 = tpu.memref_slice %arg3[%mul3A_201, %dma_wait3A_202] : memref<92160x128xf32, #tpu.memory_space<hbm>> -> memref<80x128xf32, #tpu.memory_space<hbm>>
        %dma_wait3A_204 = arith.constant 0 : i32
        %dma_wait3A_205 = tpu.memref_slice %arg3[%mul3A_201, %dma_wait3A_204] : memref<92160x128xf32, #tpu.memory_space<hbm>> -> memref<80x128xf32, #tpu.memory_space<hbm>>
        tpu.wait_dma2 semaphore(%arg23 : memref<!tpu.dma_semaphore, #tpu.memory_space<semaphore_mem>>) src(%dma_wait3A_205 : memref<80x128xf32, #tpu.memory_space<hbm>>) dst(%arg17 : memref<80x128xf32, #tpu.memory_space<vmem>>)
        %add3A_206 = arith.constant 2 : i32
        %add3A_207 = arith.addi %mul3A_159, %add3A_206 : i32
        %dma_start3A_208 = arith.constant 0 : i32
        %dma_start3A_209 = tpu.memref_slice %arg19[%add3A_207, %dma_start3A_208] : memref<72x80xi32, #tpu.memory_space<vmem>> -> memref<1x80xi32, #tpu.memory_space<vmem>>
        %dma_start3A_210 = tpu.memref_squeeze %dma_start3A_209 : memref<1x80xi32, #tpu.memory_space<vmem>> -> memref<80xi32, #tpu.memory_space<vmem>>
        %dma_start3A_211 = arith.constant 0 : i32
        %dma_start3A_212 = arith.constant 0 : i32
        %dma_start3A_213 = tpu.memref_slice %arg20[%dma_start3A_211, %dma_start3A_212] : memref<10112x128xf32, #tpu.memory_space<vmem_shared>> -> memref<10112x128xf32, #tpu.memory_space<vmem_shared>>
        tpu.enqueue_indirect_dma source(%arg17 : memref<80x128xf32, #tpu.memory_space<vmem>>) target(%dma_start3A_213 : memref<10112x128xf32, #tpu.memory_space<vmem_shared>>) offsets(%dma_start3A_210 : memref<80xi32, #tpu.memory_space<vmem>>) semaphore(%arg27 : memref<!tpu.dma_semaphore, #tpu.memory_space<semaphore_mem>>) {add = true}
        %mul3A_214 = arith.constant 72 : i32
        %mul3A_215 = arith.muli %arg1, %mul3A_214 : i32
        %add3A_216 = arith.constant 0 : i32
        %add3A_217 = arith.addi %mul3A_215, %add3A_216 : i32
        %mul3A_218 = arith.constant 80 : i32
        %mul3A_219 = arith.muli %add3A_217, %mul3A_218 : i32
        %dma_wait3A_220 = arith.constant 0 : i32
        %dma_wait3A_221 = tpu.memref_slice %arg3[%mul3A_219, %dma_wait3A_220] : memref<92160x128xf32, #tpu.memory_space<hbm>> -> memref<80x128xf32, #tpu.memory_space<hbm>>
        %dma_wait3A_222 = arith.constant 0 : i32
        %dma_wait3A_223 = tpu.memref_slice %arg3[%mul3A_219, %dma_wait3A_222] : memref<92160x128xf32, #tpu.memory_space<hbm>> -> memref<80x128xf32, #tpu.memory_space<hbm>>
        tpu.wait_dma2 semaphore(%arg24 : memref<!tpu.dma_semaphore, #tpu.memory_space<semaphore_mem>>) src(%dma_wait3A_223 : memref<80x128xf32, #tpu.memory_space<hbm>>) dst(%arg18 : memref<80x128xf32, #tpu.memory_space<vmem>>)
        %add3A_224 = arith.constant 3 : i32
        %add3A_225 = arith.addi %mul3A_159, %add3A_224 : i32
        %dma_start3A_226 = arith.constant 0 : i32
        %dma_start3A_227 = tpu.memref_slice %arg19[%add3A_225, %dma_start3A_226] : memref<72x80xi32, #tpu.memory_space<vmem>> -> memref<1x80xi32, #tpu.memory_space<vmem>>
        %dma_start3A_228 = tpu.memref_squeeze %dma_start3A_227 : memref<1x80xi32, #tpu.memory_space<vmem>> -> memref<80xi32, #tpu.memory_space<vmem>>
        %dma_start3A_229 = arith.constant 0 : i32
        %dma_start3A_230 = arith.constant 0 : i32
        %dma_start3A_231 = tpu.memref_slice %arg20[%dma_start3A_229, %dma_start3A_230] : memref<10112x128xf32, #tpu.memory_space<vmem_shared>> -> memref<10112x128xf32, #tpu.memory_space<vmem_shared>>
        tpu.enqueue_indirect_dma source(%arg18 : memref<80x128xf32, #tpu.memory_space<vmem>>) target(%dma_start3A_231 : memref<10112x128xf32, #tpu.memory_space<vmem_shared>>) offsets(%dma_start3A_228 : memref<80xi32, #tpu.memory_space<vmem>>) semaphore(%arg28 : memref<!tpu.dma_semaphore, #tpu.memory_space<semaphore_mem>>) {add = true}
        %lt3A = arith.constant 17 : i32
        %lt3A_232 = arith.cmpi slt, %scan3A_157, %lt3A : i32
        %convert_element_type3A_233 = arith.extui %lt3A_232 : i1 to i32
        %cond3A_234 = arith.constant 0 : i32
        %cond3A_235 = arith.cmpi ne, %convert_element_type3A_233, %cond3A_234 : i32
        scf.if %cond3A_235 {
          %dma_wait3A_236 = arith.constant 0 : i32
          %dma_wait3A_237 = arith.constant 0 : i32
          %dma_wait3A_238 = tpu.memref_slice %arg19[%dma_wait3A_236, %dma_wait3A_237] : memref<72x80xi32, #tpu.memory_space<vmem>> -> memref<1x80xi32, #tpu.memory_space<vmem>>
          %dma_wait3A_239 = tpu.memref_squeeze %dma_wait3A_238 : memref<1x80xi32, #tpu.memory_space<vmem>> -> memref<80xi32, #tpu.memory_space<vmem>>
          %dma_wait3A_240 = arith.constant 0 : i32
          %dma_wait3A_241 = arith.constant 0 : i32
          %dma_wait3A_242 = tpu.memref_slice %arg20[%dma_wait3A_240, %dma_wait3A_241] : memref<10112x128xf32, #tpu.memory_space<vmem_shared>> -> memref<10112x128xf32, #tpu.memory_space<vmem_shared>>
          tpu.wait_indirect_dma semaphore(%arg25 : memref<!tpu.dma_semaphore, #tpu.memory_space<semaphore_mem>>) src(%arg15 : memref<80x128xf32, #tpu.memory_space<vmem>>) dst(%dma_wait3A_242 : memref<10112x128xf32, #tpu.memory_space<vmem_shared>>)
          %add3A_243 = arith.constant 4 : i32
          %add3A_244 = arith.addi %mul3A_159, %add3A_243 : i32
          %add3A_245 = arith.constant 0 : i32
          %add3A_246 = arith.addi %add3A_244, %add3A_245 : i32
          %mul3A_247 = arith.constant 72 : i32
          %mul3A_248 = arith.muli %arg1, %mul3A_247 : i32
          %add3A_249 = arith.addi %mul3A_248, %add3A_246 : i32
          %mul3A_250 = arith.constant 80 : i32
          %mul3A_251 = arith.muli %add3A_249, %mul3A_250 : i32
          %dma_start3A_252 = arith.constant 0 : i32
          %dma_start3A_253 = tpu.memref_slice %arg3[%mul3A_251, %dma_start3A_252] : memref<92160x128xf32, #tpu.memory_space<hbm>> -> memref<80x128xf32, #tpu.memory_space<hbm>>
          %dma_start3A_254 = arith.constant 0 : i32
          %dma_start3A_255 = tpu.memref_slice %arg3[%mul3A_251, %dma_start3A_254] : memref<92160x128xf32, #tpu.memory_space<hbm>> -> memref<80x128xf32, #tpu.memory_space<hbm>>
          tpu.enqueue_dma source(%dma_start3A_255 : memref<80x128xf32, #tpu.memory_space<hbm>>) target(%arg15 : memref<80x128xf32, #tpu.memory_space<vmem>>) target_semaphore(%arg21 : memref<!tpu.dma_semaphore, #tpu.memory_space<semaphore_mem>>)
          %dma_wait3A_256 = arith.constant 0 : i32
          %dma_wait3A_257 = arith.constant 0 : i32
          %dma_wait3A_258 = tpu.memref_slice %arg19[%dma_wait3A_256, %dma_wait3A_257] : memref<72x80xi32, #tpu.memory_space<vmem>> -> memref<1x80xi32, #tpu.memory_space<vmem>>
          %dma_wait3A_259 = tpu.memref_squeeze %dma_wait3A_258 : memref<1x80xi32, #tpu.memory_space<vmem>> -> memref<80xi32, #tpu.memory_space<vmem>>
          %dma_wait3A_260 = arith.constant 0 : i32
          %dma_wait3A_261 = arith.constant 0 : i32
          %dma_wait3A_262 = tpu.memref_slice %arg20[%dma_wait3A_260, %dma_wait3A_261] : memref<10112x128xf32, #tpu.memory_space<vmem_shared>> -> memref<10112x128xf32, #tpu.memory_space<vmem_shared>>
          tpu.wait_indirect_dma semaphore(%arg26 : memref<!tpu.dma_semaphore, #tpu.memory_space<semaphore_mem>>) src(%arg16 : memref<80x128xf32, #tpu.memory_space<vmem>>) dst(%dma_wait3A_262 : memref<10112x128xf32, #tpu.memory_space<vmem_shared>>)
          %add3A_263 = arith.constant 4 : i32
          %add3A_264 = arith.addi %mul3A_159, %add3A_263 : i32
          %add3A_265 = arith.constant 1 : i32
          %add3A_266 = arith.addi %add3A_264, %add3A_265 : i32
          %mul3A_267 = arith.constant 72 : i32
          %mul3A_268 = arith.muli %arg1, %mul3A_267 : i32
          %add3A_269 = arith.addi %mul3A_268, %add3A_266 : i32
          %mul3A_270 = arith.constant 80 : i32
          %mul3A_271 = arith.muli %add3A_269, %mul3A_270 : i32
          %dma_start3A_272 = arith.constant 0 : i32
          %dma_start3A_273 = tpu.memref_slice %arg3[%mul3A_271, %dma_start3A_272] : memref<92160x128xf32, #tpu.memory_space<hbm>> -> memref<80x128xf32, #tpu.memory_space<hbm>>
          %dma_start3A_274 = arith.constant 0 : i32
          %dma_start3A_275 = tpu.memref_slice %arg3[%mul3A_271, %dma_start3A_274] : memref<92160x128xf32, #tpu.memory_space<hbm>> -> memref<80x128xf32, #tpu.memory_space<hbm>>
          tpu.enqueue_dma source(%dma_start3A_275 : memref<80x128xf32, #tpu.memory_space<hbm>>) target(%arg16 : memref<80x128xf32, #tpu.memory_space<vmem>>) target_semaphore(%arg22 : memref<!tpu.dma_semaphore, #tpu.memory_space<semaphore_mem>>)
          %dma_wait3A_276 = arith.constant 0 : i32
          %dma_wait3A_277 = arith.constant 0 : i32
          %dma_wait3A_278 = tpu.memref_slice %arg19[%dma_wait3A_276, %dma_wait3A_277] : memref<72x80xi32, #tpu.memory_space<vmem>> -> memref<1x80xi32, #tpu.memory_space<vmem>>
          %dma_wait3A_279 = tpu.memref_squeeze %dma_wait3A_278 : memref<1x80xi32, #tpu.memory_space<vmem>> -> memref<80xi32, #tpu.memory_space<vmem>>
          %dma_wait3A_280 = arith.constant 0 : i32
          %dma_wait3A_281 = arith.constant 0 : i32
          %dma_wait3A_282 = tpu.memref_slice %arg20[%dma_wait3A_280, %dma_wait3A_281] : memref<10112x128xf32, #tpu.memory_space<vmem_shared>> -> memref<10112x128xf32, #tpu.memory_space<vmem_shared>>
          tpu.wait_indirect_dma semaphore(%arg27 : memref<!tpu.dma_semaphore, #tpu.memory_space<semaphore_mem>>) src(%arg17 : memref<80x128xf32, #tpu.memory_space<vmem>>) dst(%dma_wait3A_282 : memref<10112x128xf32, #tpu.memory_space<vmem_shared>>)
          %add3A_283 = arith.constant 4 : i32
          %add3A_284 = arith.addi %mul3A_159, %add3A_283 : i32
          %add3A_285 = arith.constant 2 : i32
          %add3A_286 = arith.addi %add3A_284, %add3A_285 : i32
          %mul3A_287 = arith.constant 72 : i32
          %mul3A_288 = arith.muli %arg1, %mul3A_287 : i32
          %add3A_289 = arith.addi %mul3A_288, %add3A_286 : i32
          %mul3A_290 = arith.constant 80 : i32
          %mul3A_291 = arith.muli %add3A_289, %mul3A_290 : i32
          %dma_start3A_292 = arith.constant 0 : i32
          %dma_start3A_293 = tpu.memref_slice %arg3[%mul3A_291, %dma_start3A_292] : memref<92160x128xf32, #tpu.memory_space<hbm>> -> memref<80x128xf32, #tpu.memory_space<hbm>>
          %dma_start3A_294 = arith.constant 0 : i32
          %dma_start3A_295 = tpu.memref_slice %arg3[%mul3A_291, %dma_start3A_294] : memref<92160x128xf32, #tpu.memory_space<hbm>> -> memref<80x128xf32, #tpu.memory_space<hbm>>
          tpu.enqueue_dma source(%dma_start3A_295 : memref<80x128xf32, #tpu.memory_space<hbm>>) target(%arg17 : memref<80x128xf32, #tpu.memory_space<vmem>>) target_semaphore(%arg23 : memref<!tpu.dma_semaphore, #tpu.memory_space<semaphore_mem>>)
          %dma_wait3A_296 = arith.constant 0 : i32
          %dma_wait3A_297 = arith.constant 0 : i32
          %dma_wait3A_298 = tpu.memref_slice %arg19[%dma_wait3A_296, %dma_wait3A_297] : memref<72x80xi32, #tpu.memory_space<vmem>> -> memref<1x80xi32, #tpu.memory_space<vmem>>
          %dma_wait3A_299 = tpu.memref_squeeze %dma_wait3A_298 : memref<1x80xi32, #tpu.memory_space<vmem>> -> memref<80xi32, #tpu.memory_space<vmem>>
          %dma_wait3A_300 = arith.constant 0 : i32
          %dma_wait3A_301 = arith.constant 0 : i32
          %dma_wait3A_302 = tpu.memref_slice %arg20[%dma_wait3A_300, %dma_wait3A_301] : memref<10112x128xf32, #tpu.memory_space<vmem_shared>> -> memref<10112x128xf32, #tpu.memory_space<vmem_shared>>
          tpu.wait_indirect_dma semaphore(%arg28 : memref<!tpu.dma_semaphore, #tpu.memory_space<semaphore_mem>>) src(%arg18 : memref<80x128xf32, #tpu.memory_space<vmem>>) dst(%dma_wait3A_302 : memref<10112x128xf32, #tpu.memory_space<vmem_shared>>)
          %add3A_303 = arith.constant 4 : i32
          %add3A_304 = arith.addi %mul3A_159, %add3A_303 : i32
          %add3A_305 = arith.constant 3 : i32
          %add3A_306 = arith.addi %add3A_304, %add3A_305 : i32
          %mul3A_307 = arith.constant 72 : i32
          %mul3A_308 = arith.muli %arg1, %mul3A_307 : i32
          %add3A_309 = arith.addi %mul3A_308, %add3A_306 : i32
          %mul3A_310 = arith.constant 80 : i32
          %mul3A_311 = arith.muli %add3A_309, %mul3A_310 : i32
          %dma_start3A_312 = arith.constant 0 : i32
          %dma_start3A_313 = tpu.memref_slice %arg3[%mul3A_311, %dma_start3A_312] : memref<92160x128xf32, #tpu.memory_space<hbm>> -> memref<80x128xf32, #tpu.memory_space<hbm>>
          %dma_start3A_314 = arith.constant 0 : i32
          %dma_start3A_315 = tpu.memref_slice %arg3[%mul3A_311, %dma_start3A_314] : memref<92160x128xf32, #tpu.memory_space<hbm>> -> memref<80x128xf32, #tpu.memory_space<hbm>>
          tpu.enqueue_dma source(%dma_start3A_315 : memref<80x128xf32, #tpu.memory_space<hbm>>) target(%arg18 : memref<80x128xf32, #tpu.memory_space<vmem>>) target_semaphore(%arg24 : memref<!tpu.dma_semaphore, #tpu.memory_space<semaphore_mem>>)
        } else {
        }
      }
      %scan3A_126 = arith.constant 18 : i32
      %dma_wait3A_127 = arith.constant 0 : i32
      %dma_wait3A_128 = arith.constant 0 : i32
      %dma_wait3A_129 = tpu.memref_slice %arg19[%dma_wait3A_127, %dma_wait3A_128] : memref<72x80xi32, #tpu.memory_space<vmem>> -> memref<1x80xi32, #tpu.memory_space<vmem>>
      %dma_wait3A_130 = tpu.memref_squeeze %dma_wait3A_129 : memref<1x80xi32, #tpu.memory_space<vmem>> -> memref<80xi32, #tpu.memory_space<vmem>>
      %dma_wait3A_131 = arith.constant 0 : i32
      %dma_wait3A_132 = arith.constant 0 : i32
      %dma_wait3A_133 = tpu.memref_slice %arg20[%dma_wait3A_131, %dma_wait3A_132] : memref<10112x128xf32, #tpu.memory_space<vmem_shared>> -> memref<10112x128xf32, #tpu.memory_space<vmem_shared>>
      tpu.wait_indirect_dma semaphore(%arg25 : memref<!tpu.dma_semaphore, #tpu.memory_space<semaphore_mem>>) src(%arg15 : memref<80x128xf32, #tpu.memory_space<vmem>>) dst(%dma_wait3A_133 : memref<10112x128xf32, #tpu.memory_space<vmem_shared>>)
      %dma_wait3A_134 = arith.constant 0 : i32
      %dma_wait3A_135 = arith.constant 0 : i32
      %dma_wait3A_136 = tpu.memref_slice %arg19[%dma_wait3A_134, %dma_wait3A_135] : memref<72x80xi32, #tpu.memory_space<vmem>> -> memref<1x80xi32, #tpu.memory_space<vmem>>
      %dma_wait3A_137 = tpu.memref_squeeze %dma_wait3A_136 : memref<1x80xi32, #tpu.memory_space<vmem>> -> memref<80xi32, #tpu.memory_space<vmem>>
      %dma_wait3A_138 = arith.constant 0 : i32
      %dma_wait3A_139 = arith.constant 0 : i32
      %dma_wait3A_140 = tpu.memref_slice %arg20[%dma_wait3A_138, %dma_wait3A_139] : memref<10112x128xf32, #tpu.memory_space<vmem_shared>> -> memref<10112x128xf32, #tpu.memory_space<vmem_shared>>
      tpu.wait_indirect_dma semaphore(%arg26 : memref<!tpu.dma_semaphore, #tpu.memory_space<semaphore_mem>>) src(%arg16 : memref<80x128xf32, #tpu.memory_space<vmem>>) dst(%dma_wait3A_140 : memref<10112x128xf32, #tpu.memory_space<vmem_shared>>)
      %dma_wait3A_141 = arith.constant 0 : i32
      %dma_wait3A_142 = arith.constant 0 : i32
      %dma_wait3A_143 = tpu.memref_slice %arg19[%dma_wait3A_141, %dma_wait3A_142] : memref<72x80xi32, #tpu.memory_space<vmem>> -> memref<1x80xi32, #tpu.memory_space<vmem>>
      %dma_wait3A_144 = tpu.memref_squeeze %dma_wait3A_143 : memref<1x80xi32, #tpu.memory_space<vmem>> -> memref<80xi32, #tpu.memory_space<vmem>>
      %dma_wait3A_145 = arith.constant 0 : i32
      %dma_wait3A_146 = arith.constant 0 : i32
      %dma_wait3A_147 = tpu.memref_slice %arg20[%dma_wait3A_145, %dma_wait3A_146] : memref<10112x128xf32, #tpu.memory_space<vmem_shared>> -> memref<10112x128xf32, #tpu.memory_space<vmem_shared>>
      tpu.wait_indirect_dma semaphore(%arg27 : memref<!tpu.dma_semaphore, #tpu.memory_space<semaphore_mem>>) src(%arg17 : memref<80x128xf32, #tpu.memory_space<vmem>>) dst(%dma_wait3A_147 : memref<10112x128xf32, #tpu.memory_space<vmem_shared>>)
      %dma_wait3A_148 = arith.constant 0 : i32
      %dma_wait3A_149 = arith.constant 0 : i32
      %dma_wait3A_150 = tpu.memref_slice %arg19[%dma_wait3A_148, %dma_wait3A_149] : memref<72x80xi32, #tpu.memory_space<vmem>> -> memref<1x80xi32, #tpu.memory_space<vmem>>
      %dma_wait3A_151 = tpu.memref_squeeze %dma_wait3A_150 : memref<1x80xi32, #tpu.memory_space<vmem>> -> memref<80xi32, #tpu.memory_space<vmem>>
      %dma_wait3A_152 = arith.constant 0 : i32
      %dma_wait3A_153 = arith.constant 0 : i32
      %dma_wait3A_154 = tpu.memref_slice %arg20[%dma_wait3A_152, %dma_wait3A_153] : memref<10112x128xf32, #tpu.memory_space<vmem_shared>> -> memref<10112x128xf32, #tpu.memory_space<vmem_shared>>
      tpu.wait_indirect_dma semaphore(%arg28 : memref<!tpu.dma_semaphore, #tpu.memory_space<semaphore_mem>>) src(%arg18 : memref<80x128xf32, #tpu.memory_space<vmem>>) dst(%dma_wait3A_154 : memref<10112x128xf32, #tpu.memory_space<vmem_shared>>)
      %barrier3A_155 = arith.constant 0 : index
      tpu.barrier barrier_id(%barrier3A_155)
      "tpu.region"() ({
        %run_scoped3A = tpu.sem_alloc : memref<!tpu.dma_semaphore, #tpu.memory_space<semaphore_mem>>
        %dma_start3A_157 = arith.constant 0 : i32
        %dma_start3A_158 = tpu.memref_slice %arg12[%mul3A_0, %dma_start3A_157] : memref<10112x128xf32, #tpu.memory_space<hbm>> -> memref<632x128xf32, #tpu.memory_space<hbm>>
        %dma_start3A_159 = arith.constant 0 : i32
        %dma_start3A_160 = tpu.memref_slice %arg20[%mul3A_0, %dma_start3A_159] : memref<10112x128xf32, #tpu.memory_space<vmem_shared>> -> memref<632x128xf32, #tpu.memory_space<vmem_shared>>
        tpu.enqueue_dma source(%dma_start3A_160 : memref<632x128xf32, #tpu.memory_space<vmem_shared>>) target(%dma_start3A_158 : memref<632x128xf32, #tpu.memory_space<hbm>>) target_semaphore(%run_scoped3A : memref<!tpu.dma_semaphore, #tpu.memory_space<semaphore_mem>>)
        %dma_wait3A_161 = arith.constant 0 : i32
        %dma_wait3A_162 = tpu.memref_slice %arg12[%mul3A_0, %dma_wait3A_161] : memref<10112x128xf32, #tpu.memory_space<hbm>> -> memref<632x128xf32, #tpu.memory_space<hbm>>
        %dma_wait3A_163 = arith.constant 0 : i32
        %dma_wait3A_164 = tpu.memref_slice %arg20[%mul3A_0, %dma_wait3A_163] : memref<10112x128xf32, #tpu.memory_space<vmem_shared>> -> memref<632x128xf32, #tpu.memory_space<vmem_shared>>
        tpu.wait_dma2 semaphore(%run_scoped3A : memref<!tpu.dma_semaphore, #tpu.memory_space<semaphore_mem>>) src(%dma_wait3A_164 : memref<632x128xf32, #tpu.memory_space<vmem_shared>>) dst(%dma_wait3A_162 : memref<632x128xf32, #tpu.memory_space<hbm>>)
        tpu.yield
      }) : () -> ()
      %barrier3A_156 = arith.constant 0 : index
      tpu.barrier barrier_id(%barrier3A_156)
    } else {
    }
    %eq3A_3 = arith.constant 1 : i32
    %eq3A_4 = arith.cmpi eq, %arg0, %eq3A_3 : i32
    %convert_element_type3A_5 = arith.extui %eq3A_4 : i1 to i32
    %cond3A_6 = arith.constant 0 : i32
    %cond3A_7 = arith.cmpi ne, %convert_element_type3A_5, %cond3A_6 : i32
    scf.if %cond3A_7 {
      %mul3A_8 = arith.constant 72 : i32
      %mul3A_9 = arith.muli %arg1, %mul3A_8 : i32
      %add3A = arith.constant 0 : i32
      %add3A_10 = arith.addi %mul3A_9, %add3A : i32
      %mul3A_11 = arith.constant 80 : i32
      %mul3A_12 = arith.muli %add3A_10, %mul3A_11 : i32
      %dma_start3A = arith.constant 0 : i32
      %dma_start3A_13 = tpu.memref_slice %arg4[%mul3A_12, %dma_start3A] : memref<92160x128xf32, #tpu.memory_space<hbm>> -> memref<80x128xf32, #tpu.memory_space<hbm>>
      %dma_start3A_14 = arith.constant 0 : i32
      %dma_start3A_15 = tpu.memref_slice %arg4[%mul3A_12, %dma_start3A_14] : memref<92160x128xf32, #tpu.memory_space<hbm>> -> memref<80x128xf32, #tpu.memory_space<hbm>>
      tpu.enqueue_dma source(%dma_start3A_15 : memref<80x128xf32, #tpu.memory_space<hbm>>) target(%arg15 : memref<80x128xf32, #tpu.memory_space<vmem>>) target_semaphore(%arg21 : memref<!tpu.dma_semaphore, #tpu.memory_space<semaphore_mem>>)
      %mul3A_16 = arith.constant 72 : i32
      %mul3A_17 = arith.muli %arg1, %mul3A_16 : i32
      %add3A_18 = arith.constant 1 : i32
      %add3A_19 = arith.addi %mul3A_17, %add3A_18 : i32
      %mul3A_20 = arith.constant 80 : i32
      %mul3A_21 = arith.muli %add3A_19, %mul3A_20 : i32
      %dma_start3A_22 = arith.constant 0 : i32
      %dma_start3A_23 = tpu.memref_slice %arg4[%mul3A_21, %dma_start3A_22] : memref<92160x128xf32, #tpu.memory_space<hbm>> -> memref<80x128xf32, #tpu.memory_space<hbm>>
      %dma_start3A_24 = arith.constant 0 : i32
      %dma_start3A_25 = tpu.memref_slice %arg4[%mul3A_21, %dma_start3A_24] : memref<92160x128xf32, #tpu.memory_space<hbm>> -> memref<80x128xf32, #tpu.memory_space<hbm>>
      tpu.enqueue_dma source(%dma_start3A_25 : memref<80x128xf32, #tpu.memory_space<hbm>>) target(%arg16 : memref<80x128xf32, #tpu.memory_space<vmem>>) target_semaphore(%arg22 : memref<!tpu.dma_semaphore, #tpu.memory_space<semaphore_mem>>)
      %mul3A_26 = arith.constant 72 : i32
      %mul3A_27 = arith.muli %arg1, %mul3A_26 : i32
      %add3A_28 = arith.constant 2 : i32
      %add3A_29 = arith.addi %mul3A_27, %add3A_28 : i32
      %mul3A_30 = arith.constant 80 : i32
      %mul3A_31 = arith.muli %add3A_29, %mul3A_30 : i32
      %dma_start3A_32 = arith.constant 0 : i32
      %dma_start3A_33 = tpu.memref_slice %arg4[%mul3A_31, %dma_start3A_32] : memref<92160x128xf32, #tpu.memory_space<hbm>> -> memref<80x128xf32, #tpu.memory_space<hbm>>
      %dma_start3A_34 = arith.constant 0 : i32
      %dma_start3A_35 = tpu.memref_slice %arg4[%mul3A_31, %dma_start3A_34] : memref<92160x128xf32, #tpu.memory_space<hbm>> -> memref<80x128xf32, #tpu.memory_space<hbm>>
      tpu.enqueue_dma source(%dma_start3A_35 : memref<80x128xf32, #tpu.memory_space<hbm>>) target(%arg17 : memref<80x128xf32, #tpu.memory_space<vmem>>) target_semaphore(%arg23 : memref<!tpu.dma_semaphore, #tpu.memory_space<semaphore_mem>>)
      %mul3A_36 = arith.constant 72 : i32
      %mul3A_37 = arith.muli %arg1, %mul3A_36 : i32
      %add3A_38 = arith.constant 3 : i32
      %add3A_39 = arith.addi %mul3A_37, %add3A_38 : i32
      %mul3A_40 = arith.constant 80 : i32
      %mul3A_41 = arith.muli %add3A_39, %mul3A_40 : i32
      %dma_start3A_42 = arith.constant 0 : i32
      %dma_start3A_43 = tpu.memref_slice %arg4[%mul3A_41, %dma_start3A_42] : memref<92160x128xf32, #tpu.memory_space<hbm>> -> memref<80x128xf32, #tpu.memory_space<hbm>>
      %dma_start3A_44 = arith.constant 0 : i32
      %dma_start3A_45 = tpu.memref_slice %arg4[%mul3A_41, %dma_start3A_44] : memref<92160x128xf32, #tpu.memory_space<hbm>> -> memref<80x128xf32, #tpu.memory_space<hbm>>
      tpu.enqueue_dma source(%dma_start3A_45 : memref<80x128xf32, #tpu.memory_space<hbm>>) target(%arg18 : memref<80x128xf32, #tpu.memory_space<vmem>>) target_semaphore(%arg24 : memref<!tpu.dma_semaphore, #tpu.memory_space<semaphore_mem>>)
      "tpu.region"() ({
        %run_scoped3A = tpu.sem_alloc : memref<!tpu.dma_semaphore, #tpu.memory_space<semaphore_mem>>
        %dma_start3A_157 = arith.constant 0 : i32
        %dma_start3A_158 = tpu.memref_slice %arg20[%mul3A_0, %dma_start3A_157] : memref<10112x128xf32, #tpu.memory_space<vmem_shared>> -> memref<632x128xf32, #tpu.memory_space<vmem_shared>>
        %dma_start3A_159 = arith.constant 0 : i32
        %dma_start3A_160 = tpu.memref_slice %arg8[%mul3A_0, %dma_start3A_159] : memref<10112x128xf32, #tpu.memory_space<hbm>> -> memref<632x128xf32, #tpu.memory_space<hbm>>
        tpu.enqueue_dma source(%dma_start3A_160 : memref<632x128xf32, #tpu.memory_space<hbm>>) target(%dma_start3A_158 : memref<632x128xf32, #tpu.memory_space<vmem_shared>>) target_semaphore(%run_scoped3A : memref<!tpu.dma_semaphore, #tpu.memory_space<semaphore_mem>>)
        %dma_wait3A_161 = arith.constant 0 : i32
        %dma_wait3A_162 = tpu.memref_slice %arg20[%mul3A_0, %dma_wait3A_161] : memref<10112x128xf32, #tpu.memory_space<vmem_shared>> -> memref<632x128xf32, #tpu.memory_space<vmem_shared>>
        %dma_wait3A_163 = arith.constant 0 : i32
        %dma_wait3A_164 = tpu.memref_slice %arg8[%mul3A_0, %dma_wait3A_163] : memref<10112x128xf32, #tpu.memory_space<hbm>> -> memref<632x128xf32, #tpu.memory_space<hbm>>
        tpu.wait_dma2 semaphore(%run_scoped3A : memref<!tpu.dma_semaphore, #tpu.memory_space<semaphore_mem>>) src(%dma_wait3A_164 : memref<632x128xf32, #tpu.memory_space<hbm>>) dst(%dma_wait3A_162 : memref<632x128xf32, #tpu.memory_space<vmem_shared>>)
        tpu.yield
      }) : () -> ()
      %barrier3A = arith.constant 0 : index
      tpu.barrier barrier_id(%barrier3A)
      %scan3A = arith.constant 0 : i32
      %scan3A_46 = arith.constant 0 : i32
      %scan3A_47 = arith.constant 18 : i32
      %scan3A_48 = arith.addi %scan3A_46, %scan3A_47 : i32
      %scan3A_49 = arith.constant 1 : i32
      scf.for %scan3A_157 = %scan3A_46 to %scan3A_48 step %scan3A_49  : i32 {
        %mul3A_158 = arith.constant 4 : i32
        %mul3A_159 = arith.muli %mul3A_158, %scan3A_157 : i32
        %mul3A_160 = arith.constant 72 : i32
        %mul3A_161 = arith.muli %arg1, %mul3A_160 : i32
        %add3A_162 = arith.constant 0 : i32
        %add3A_163 = arith.addi %mul3A_161, %add3A_162 : i32
        %mul3A_164 = arith.constant 80 : i32
        %mul3A_165 = arith.muli %add3A_163, %mul3A_164 : i32
        %dma_wait3A_166 = arith.constant 0 : i32
        %dma_wait3A_167 = tpu.memref_slice %arg4[%mul3A_165, %dma_wait3A_166] : memref<92160x128xf32, #tpu.memory_space<hbm>> -> memref<80x128xf32, #tpu.memory_space<hbm>>
        %dma_wait3A_168 = arith.constant 0 : i32
        %dma_wait3A_169 = tpu.memref_slice %arg4[%mul3A_165, %dma_wait3A_168] : memref<92160x128xf32, #tpu.memory_space<hbm>> -> memref<80x128xf32, #tpu.memory_space<hbm>>
        tpu.wait_dma2 semaphore(%arg21 : memref<!tpu.dma_semaphore, #tpu.memory_space<semaphore_mem>>) src(%dma_wait3A_169 : memref<80x128xf32, #tpu.memory_space<hbm>>) dst(%arg15 : memref<80x128xf32, #tpu.memory_space<vmem>>)
        %add3A_170 = arith.constant 0 : i32
        %add3A_171 = arith.addi %mul3A_159, %add3A_170 : i32
        %dma_start3A_172 = arith.constant 0 : i32
        %dma_start3A_173 = tpu.memref_slice %arg19[%add3A_171, %dma_start3A_172] : memref<72x80xi32, #tpu.memory_space<vmem>> -> memref<1x80xi32, #tpu.memory_space<vmem>>
        %dma_start3A_174 = tpu.memref_squeeze %dma_start3A_173 : memref<1x80xi32, #tpu.memory_space<vmem>> -> memref<80xi32, #tpu.memory_space<vmem>>
        %dma_start3A_175 = arith.constant 0 : i32
        %dma_start3A_176 = arith.constant 0 : i32
        %dma_start3A_177 = tpu.memref_slice %arg20[%dma_start3A_175, %dma_start3A_176] : memref<10112x128xf32, #tpu.memory_space<vmem_shared>> -> memref<10112x128xf32, #tpu.memory_space<vmem_shared>>
        tpu.enqueue_indirect_dma source(%arg15 : memref<80x128xf32, #tpu.memory_space<vmem>>) target(%dma_start3A_177 : memref<10112x128xf32, #tpu.memory_space<vmem_shared>>) offsets(%dma_start3A_174 : memref<80xi32, #tpu.memory_space<vmem>>) semaphore(%arg25 : memref<!tpu.dma_semaphore, #tpu.memory_space<semaphore_mem>>) {add = true}
        %mul3A_178 = arith.constant 72 : i32
        %mul3A_179 = arith.muli %arg1, %mul3A_178 : i32
        %add3A_180 = arith.constant 0 : i32
        %add3A_181 = arith.addi %mul3A_179, %add3A_180 : i32
        %mul3A_182 = arith.constant 80 : i32
        %mul3A_183 = arith.muli %add3A_181, %mul3A_182 : i32
        %dma_wait3A_184 = arith.constant 0 : i32
        %dma_wait3A_185 = tpu.memref_slice %arg4[%mul3A_183, %dma_wait3A_184] : memref<92160x128xf32, #tpu.memory_space<hbm>> -> memref<80x128xf32, #tpu.memory_space<hbm>>
        %dma_wait3A_186 = arith.constant 0 : i32
        %dma_wait3A_187 = tpu.memref_slice %arg4[%mul3A_183, %dma_wait3A_186] : memref<92160x128xf32, #tpu.memory_space<hbm>> -> memref<80x128xf32, #tpu.memory_space<hbm>>
        tpu.wait_dma2 semaphore(%arg22 : memref<!tpu.dma_semaphore, #tpu.memory_space<semaphore_mem>>) src(%dma_wait3A_187 : memref<80x128xf32, #tpu.memory_space<hbm>>) dst(%arg16 : memref<80x128xf32, #tpu.memory_space<vmem>>)
        %add3A_188 = arith.constant 1 : i32
        %add3A_189 = arith.addi %mul3A_159, %add3A_188 : i32
        %dma_start3A_190 = arith.constant 0 : i32
        %dma_start3A_191 = tpu.memref_slice %arg19[%add3A_189, %dma_start3A_190] : memref<72x80xi32, #tpu.memory_space<vmem>> -> memref<1x80xi32, #tpu.memory_space<vmem>>
        %dma_start3A_192 = tpu.memref_squeeze %dma_start3A_191 : memref<1x80xi32, #tpu.memory_space<vmem>> -> memref<80xi32, #tpu.memory_space<vmem>>
        %dma_start3A_193 = arith.constant 0 : i32
        %dma_start3A_194 = arith.constant 0 : i32
        %dma_start3A_195 = tpu.memref_slice %arg20[%dma_start3A_193, %dma_start3A_194] : memref<10112x128xf32, #tpu.memory_space<vmem_shared>> -> memref<10112x128xf32, #tpu.memory_space<vmem_shared>>
        tpu.enqueue_indirect_dma source(%arg16 : memref<80x128xf32, #tpu.memory_space<vmem>>) target(%dma_start3A_195 : memref<10112x128xf32, #tpu.memory_space<vmem_shared>>) offsets(%dma_start3A_192 : memref<80xi32, #tpu.memory_space<vmem>>) semaphore(%arg26 : memref<!tpu.dma_semaphore, #tpu.memory_space<semaphore_mem>>) {add = true}
        %mul3A_196 = arith.constant 72 : i32
        %mul3A_197 = arith.muli %arg1, %mul3A_196 : i32
        %add3A_198 = arith.constant 0 : i32
        %add3A_199 = arith.addi %mul3A_197, %add3A_198 : i32
        %mul3A_200 = arith.constant 80 : i32
        %mul3A_201 = arith.muli %add3A_199, %mul3A_200 : i32
        %dma_wait3A_202 = arith.constant 0 : i32
        %dma_wait3A_203 = tpu.memref_slice %arg4[%mul3A_201, %dma_wait3A_202] : memref<92160x128xf32, #tpu.memory_space<hbm>> -> memref<80x128xf32, #tpu.memory_space<hbm>>
        %dma_wait3A_204 = arith.constant 0 : i32
        %dma_wait3A_205 = tpu.memref_slice %arg4[%mul3A_201, %dma_wait3A_204] : memref<92160x128xf32, #tpu.memory_space<hbm>> -> memref<80x128xf32, #tpu.memory_space<hbm>>
        tpu.wait_dma2 semaphore(%arg23 : memref<!tpu.dma_semaphore, #tpu.memory_space<semaphore_mem>>) src(%dma_wait3A_205 : memref<80x128xf32, #tpu.memory_space<hbm>>) dst(%arg17 : memref<80x128xf32, #tpu.memory_space<vmem>>)
        %add3A_206 = arith.constant 2 : i32
        %add3A_207 = arith.addi %mul3A_159, %add3A_206 : i32
        %dma_start3A_208 = arith.constant 0 : i32
        %dma_start3A_209 = tpu.memref_slice %arg19[%add3A_207, %dma_start3A_208] : memref<72x80xi32, #tpu.memory_space<vmem>> -> memref<1x80xi32, #tpu.memory_space<vmem>>
        %dma_start3A_210 = tpu.memref_squeeze %dma_start3A_209 : memref<1x80xi32, #tpu.memory_space<vmem>> -> memref<80xi32, #tpu.memory_space<vmem>>
        %dma_start3A_211 = arith.constant 0 : i32
        %dma_start3A_212 = arith.constant 0 : i32
        %dma_start3A_213 = tpu.memref_slice %arg20[%dma_start3A_211, %dma_start3A_212] : memref<10112x128xf32, #tpu.memory_space<vmem_shared>> -> memref<10112x128xf32, #tpu.memory_space<vmem_shared>>
        tpu.enqueue_indirect_dma source(%arg17 : memref<80x128xf32, #tpu.memory_space<vmem>>) target(%dma_start3A_213 : memref<10112x128xf32, #tpu.memory_space<vmem_shared>>) offsets(%dma_start3A_210 : memref<80xi32, #tpu.memory_space<vmem>>) semaphore(%arg27 : memref<!tpu.dma_semaphore, #tpu.memory_space<semaphore_mem>>) {add = true}
        %mul3A_214 = arith.constant 72 : i32
        %mul3A_215 = arith.muli %arg1, %mul3A_214 : i32
        %add3A_216 = arith.constant 0 : i32
        %add3A_217 = arith.addi %mul3A_215, %add3A_216 : i32
        %mul3A_218 = arith.constant 80 : i32
        %mul3A_219 = arith.muli %add3A_217, %mul3A_218 : i32
        %dma_wait3A_220 = arith.constant 0 : i32
        %dma_wait3A_221 = tpu.memref_slice %arg4[%mul3A_219, %dma_wait3A_220] : memref<92160x128xf32, #tpu.memory_space<hbm>> -> memref<80x128xf32, #tpu.memory_space<hbm>>
        %dma_wait3A_222 = arith.constant 0 : i32
        %dma_wait3A_223 = tpu.memref_slice %arg4[%mul3A_219, %dma_wait3A_222] : memref<92160x128xf32, #tpu.memory_space<hbm>> -> memref<80x128xf32, #tpu.memory_space<hbm>>
        tpu.wait_dma2 semaphore(%arg24 : memref<!tpu.dma_semaphore, #tpu.memory_space<semaphore_mem>>) src(%dma_wait3A_223 : memref<80x128xf32, #tpu.memory_space<hbm>>) dst(%arg18 : memref<80x128xf32, #tpu.memory_space<vmem>>)
        %add3A_224 = arith.constant 3 : i32
        %add3A_225 = arith.addi %mul3A_159, %add3A_224 : i32
        %dma_start3A_226 = arith.constant 0 : i32
        %dma_start3A_227 = tpu.memref_slice %arg19[%add3A_225, %dma_start3A_226] : memref<72x80xi32, #tpu.memory_space<vmem>> -> memref<1x80xi32, #tpu.memory_space<vmem>>
        %dma_start3A_228 = tpu.memref_squeeze %dma_start3A_227 : memref<1x80xi32, #tpu.memory_space<vmem>> -> memref<80xi32, #tpu.memory_space<vmem>>
        %dma_start3A_229 = arith.constant 0 : i32
        %dma_start3A_230 = arith.constant 0 : i32
        %dma_start3A_231 = tpu.memref_slice %arg20[%dma_start3A_229, %dma_start3A_230] : memref<10112x128xf32, #tpu.memory_space<vmem_shared>> -> memref<10112x128xf32, #tpu.memory_space<vmem_shared>>
        tpu.enqueue_indirect_dma source(%arg18 : memref<80x128xf32, #tpu.memory_space<vmem>>) target(%dma_start3A_231 : memref<10112x128xf32, #tpu.memory_space<vmem_shared>>) offsets(%dma_start3A_228 : memref<80xi32, #tpu.memory_space<vmem>>) semaphore(%arg28 : memref<!tpu.dma_semaphore, #tpu.memory_space<semaphore_mem>>) {add = true}
        %lt3A = arith.constant 17 : i32
        %lt3A_232 = arith.cmpi slt, %scan3A_157, %lt3A : i32
        %convert_element_type3A_233 = arith.extui %lt3A_232 : i1 to i32
        %cond3A_234 = arith.constant 0 : i32
        %cond3A_235 = arith.cmpi ne, %convert_element_type3A_233, %cond3A_234 : i32
        scf.if %cond3A_235 {
          %dma_wait3A_236 = arith.constant 0 : i32
          %dma_wait3A_237 = arith.constant 0 : i32
          %dma_wait3A_238 = tpu.memref_slice %arg19[%dma_wait3A_236, %dma_wait3A_237] : memref<72x80xi32, #tpu.memory_space<vmem>> -> memref<1x80xi32, #tpu.memory_space<vmem>>
          %dma_wait3A_239 = tpu.memref_squeeze %dma_wait3A_238 : memref<1x80xi32, #tpu.memory_space<vmem>> -> memref<80xi32, #tpu.memory_space<vmem>>
          %dma_wait3A_240 = arith.constant 0 : i32
          %dma_wait3A_241 = arith.constant 0 : i32
          %dma_wait3A_242 = tpu.memref_slice %arg20[%dma_wait3A_240, %dma_wait3A_241] : memref<10112x128xf32, #tpu.memory_space<vmem_shared>> -> memref<10112x128xf32, #tpu.memory_space<vmem_shared>>
          tpu.wait_indirect_dma semaphore(%arg25 : memref<!tpu.dma_semaphore, #tpu.memory_space<semaphore_mem>>) src(%arg15 : memref<80x128xf32, #tpu.memory_space<vmem>>) dst(%dma_wait3A_242 : memref<10112x128xf32, #tpu.memory_space<vmem_shared>>)
          %add3A_243 = arith.constant 4 : i32
          %add3A_244 = arith.addi %mul3A_159, %add3A_243 : i32
          %add3A_245 = arith.constant 0 : i32
          %add3A_246 = arith.addi %add3A_244, %add3A_245 : i32
          %mul3A_247 = arith.constant 72 : i32
          %mul3A_248 = arith.muli %arg1, %mul3A_247 : i32
          %add3A_249 = arith.addi %mul3A_248, %add3A_246 : i32
          %mul3A_250 = arith.constant 80 : i32
          %mul3A_251 = arith.muli %add3A_249, %mul3A_250 : i32
          %dma_start3A_252 = arith.constant 0 : i32
          %dma_start3A_253 = tpu.memref_slice %arg4[%mul3A_251, %dma_start3A_252] : memref<92160x128xf32, #tpu.memory_space<hbm>> -> memref<80x128xf32, #tpu.memory_space<hbm>>
          %dma_start3A_254 = arith.constant 0 : i32
          %dma_start3A_255 = tpu.memref_slice %arg4[%mul3A_251, %dma_start3A_254] : memref<92160x128xf32, #tpu.memory_space<hbm>> -> memref<80x128xf32, #tpu.memory_space<hbm>>
          tpu.enqueue_dma source(%dma_start3A_255 : memref<80x128xf32, #tpu.memory_space<hbm>>) target(%arg15 : memref<80x128xf32, #tpu.memory_space<vmem>>) target_semaphore(%arg21 : memref<!tpu.dma_semaphore, #tpu.memory_space<semaphore_mem>>)
          %dma_wait3A_256 = arith.constant 0 : i32
          %dma_wait3A_257 = arith.constant 0 : i32
          %dma_wait3A_258 = tpu.memref_slice %arg19[%dma_wait3A_256, %dma_wait3A_257] : memref<72x80xi32, #tpu.memory_space<vmem>> -> memref<1x80xi32, #tpu.memory_space<vmem>>
          %dma_wait3A_259 = tpu.memref_squeeze %dma_wait3A_258 : memref<1x80xi32, #tpu.memory_space<vmem>> -> memref<80xi32, #tpu.memory_space<vmem>>
          %dma_wait3A_260 = arith.constant 0 : i32
          %dma_wait3A_261 = arith.constant 0 : i32
          %dma_wait3A_262 = tpu.memref_slice %arg20[%dma_wait3A_260, %dma_wait3A_261] : memref<10112x128xf32, #tpu.memory_space<vmem_shared>> -> memref<10112x128xf32, #tpu.memory_space<vmem_shared>>
          tpu.wait_indirect_dma semaphore(%arg26 : memref<!tpu.dma_semaphore, #tpu.memory_space<semaphore_mem>>) src(%arg16 : memref<80x128xf32, #tpu.memory_space<vmem>>) dst(%dma_wait3A_262 : memref<10112x128xf32, #tpu.memory_space<vmem_shared>>)
          %add3A_263 = arith.constant 4 : i32
          %add3A_264 = arith.addi %mul3A_159, %add3A_263 : i32
          %add3A_265 = arith.constant 1 : i32
          %add3A_266 = arith.addi %add3A_264, %add3A_265 : i32
          %mul3A_267 = arith.constant 72 : i32
          %mul3A_268 = arith.muli %arg1, %mul3A_267 : i32
          %add3A_269 = arith.addi %mul3A_268, %add3A_266 : i32
          %mul3A_270 = arith.constant 80 : i32
          %mul3A_271 = arith.muli %add3A_269, %mul3A_270 : i32
          %dma_start3A_272 = arith.constant 0 : i32
          %dma_start3A_273 = tpu.memref_slice %arg4[%mul3A_271, %dma_start3A_272] : memref<92160x128xf32, #tpu.memory_space<hbm>> -> memref<80x128xf32, #tpu.memory_space<hbm>>
          %dma_start3A_274 = arith.constant 0 : i32
          %dma_start3A_275 = tpu.memref_slice %arg4[%mul3A_271, %dma_start3A_274] : memref<92160x128xf32, #tpu.memory_space<hbm>> -> memref<80x128xf32, #tpu.memory_space<hbm>>
          tpu.enqueue_dma source(%dma_start3A_275 : memref<80x128xf32, #tpu.memory_space<hbm>>) target(%arg16 : memref<80x128xf32, #tpu.memory_space<vmem>>) target_semaphore(%arg22 : memref<!tpu.dma_semaphore, #tpu.memory_space<semaphore_mem>>)
          %dma_wait3A_276 = arith.constant 0 : i32
          %dma_wait3A_277 = arith.constant 0 : i32
          %dma_wait3A_278 = tpu.memref_slice %arg19[%dma_wait3A_276, %dma_wait3A_277] : memref<72x80xi32, #tpu.memory_space<vmem>> -> memref<1x80xi32, #tpu.memory_space<vmem>>
          %dma_wait3A_279 = tpu.memref_squeeze %dma_wait3A_278 : memref<1x80xi32, #tpu.memory_space<vmem>> -> memref<80xi32, #tpu.memory_space<vmem>>
          %dma_wait3A_280 = arith.constant 0 : i32
          %dma_wait3A_281 = arith.constant 0 : i32
          %dma_wait3A_282 = tpu.memref_slice %arg20[%dma_wait3A_280, %dma_wait3A_281] : memref<10112x128xf32, #tpu.memory_space<vmem_shared>> -> memref<10112x128xf32, #tpu.memory_space<vmem_shared>>
          tpu.wait_indirect_dma semaphore(%arg27 : memref<!tpu.dma_semaphore, #tpu.memory_space<semaphore_mem>>) src(%arg17 : memref<80x128xf32, #tpu.memory_space<vmem>>) dst(%dma_wait3A_282 : memref<10112x128xf32, #tpu.memory_space<vmem_shared>>)
          %add3A_283 = arith.constant 4 : i32
          %add3A_284 = arith.addi %mul3A_159, %add3A_283 : i32
          %add3A_285 = arith.constant 2 : i32
          %add3A_286 = arith.addi %add3A_284, %add3A_285 : i32
          %mul3A_287 = arith.constant 72 : i32
          %mul3A_288 = arith.muli %arg1, %mul3A_287 : i32
          %add3A_289 = arith.addi %mul3A_288, %add3A_286 : i32
          %mul3A_290 = arith.constant 80 : i32
          %mul3A_291 = arith.muli %add3A_289, %mul3A_290 : i32
          %dma_start3A_292 = arith.constant 0 : i32
          %dma_start3A_293 = tpu.memref_slice %arg4[%mul3A_291, %dma_start3A_292] : memref<92160x128xf32, #tpu.memory_space<hbm>> -> memref<80x128xf32, #tpu.memory_space<hbm>>
          %dma_start3A_294 = arith.constant 0 : i32
          %dma_start3A_295 = tpu.memref_slice %arg4[%mul3A_291, %dma_start3A_294] : memref<92160x128xf32, #tpu.memory_space<hbm>> -> memref<80x128xf32, #tpu.memory_space<hbm>>
          tpu.enqueue_dma source(%dma_start3A_295 : memref<80x128xf32, #tpu.memory_space<hbm>>) target(%arg17 : memref<80x128xf32, #tpu.memory_space<vmem>>) target_semaphore(%arg23 : memref<!tpu.dma_semaphore, #tpu.memory_space<semaphore_mem>>)
          %dma_wait3A_296 = arith.constant 0 : i32
          %dma_wait3A_297 = arith.constant 0 : i32
          %dma_wait3A_298 = tpu.memref_slice %arg19[%dma_wait3A_296, %dma_wait3A_297] : memref<72x80xi32, #tpu.memory_space<vmem>> -> memref<1x80xi32, #tpu.memory_space<vmem>>
          %dma_wait3A_299 = tpu.memref_squeeze %dma_wait3A_298 : memref<1x80xi32, #tpu.memory_space<vmem>> -> memref<80xi32, #tpu.memory_space<vmem>>
          %dma_wait3A_300 = arith.constant 0 : i32
          %dma_wait3A_301 = arith.constant 0 : i32
          %dma_wait3A_302 = tpu.memref_slice %arg20[%dma_wait3A_300, %dma_wait3A_301] : memref<10112x128xf32, #tpu.memory_space<vmem_shared>> -> memref<10112x128xf32, #tpu.memory_space<vmem_shared>>
          tpu.wait_indirect_dma semaphore(%arg28 : memref<!tpu.dma_semaphore, #tpu.memory_space<semaphore_mem>>) src(%arg18 : memref<80x128xf32, #tpu.memory_space<vmem>>) dst(%dma_wait3A_302 : memref<10112x128xf32, #tpu.memory_space<vmem_shared>>)
          %add3A_303 = arith.constant 4 : i32
          %add3A_304 = arith.addi %mul3A_159, %add3A_303 : i32
          %add3A_305 = arith.constant 3 : i32
          %add3A_306 = arith.addi %add3A_304, %add3A_305 : i32
          %mul3A_307 = arith.constant 72 : i32
          %mul3A_308 = arith.muli %arg1, %mul3A_307 : i32
          %add3A_309 = arith.addi %mul3A_308, %add3A_306 : i32
          %mul3A_310 = arith.constant 80 : i32
          %mul3A_311 = arith.muli %add3A_309, %mul3A_310 : i32
          %dma_start3A_312 = arith.constant 0 : i32
          %dma_start3A_313 = tpu.memref_slice %arg4[%mul3A_311, %dma_start3A_312] : memref<92160x128xf32, #tpu.memory_space<hbm>> -> memref<80x128xf32, #tpu.memory_space<hbm>>
          %dma_start3A_314 = arith.constant 0 : i32
          %dma_start3A_315 = tpu.memref_slice %arg4[%mul3A_311, %dma_start3A_314] : memref<92160x128xf32, #tpu.memory_space<hbm>> -> memref<80x128xf32, #tpu.memory_space<hbm>>
          tpu.enqueue_dma source(%dma_start3A_315 : memref<80x128xf32, #tpu.memory_space<hbm>>) target(%arg18 : memref<80x128xf32, #tpu.memory_space<vmem>>) target_semaphore(%arg24 : memref<!tpu.dma_semaphore, #tpu.memory_space<semaphore_mem>>)
        } else {
        }
      }
      %scan3A_50 = arith.constant 18 : i32
      %dma_wait3A = arith.constant 0 : i32
      %dma_wait3A_51 = arith.constant 0 : i32
      %dma_wait3A_52 = tpu.memref_slice %arg19[%dma_wait3A, %dma_wait3A_51] : memref<72x80xi32, #tpu.memory_space<vmem>> -> memref<1x80xi32, #tpu.memory_space<vmem>>
      %dma_wait3A_53 = tpu.memref_squeeze %dma_wait3A_52 : memref<1x80xi32, #tpu.memory_space<vmem>> -> memref<80xi32, #tpu.memory_space<vmem>>
      %dma_wait3A_54 = arith.constant 0 : i32
      %dma_wait3A_55 = arith.constant 0 : i32
      %dma_wait3A_56 = tpu.memref_slice %arg20[%dma_wait3A_54, %dma_wait3A_55] : memref<10112x128xf32, #tpu.memory_space<vmem_shared>> -> memref<10112x128xf32, #tpu.memory_space<vmem_shared>>
      tpu.wait_indirect_dma semaphore(%arg25 : memref<!tpu.dma_semaphore, #tpu.memory_space<semaphore_mem>>) src(%arg15 : memref<80x128xf32, #tpu.memory_space<vmem>>) dst(%dma_wait3A_56 : memref<10112x128xf32, #tpu.memory_space<vmem_shared>>)
      %dma_wait3A_57 = arith.constant 0 : i32
      %dma_wait3A_58 = arith.constant 0 : i32
      %dma_wait3A_59 = tpu.memref_slice %arg19[%dma_wait3A_57, %dma_wait3A_58] : memref<72x80xi32, #tpu.memory_space<vmem>> -> memref<1x80xi32, #tpu.memory_space<vmem>>
      %dma_wait3A_60 = tpu.memref_squeeze %dma_wait3A_59 : memref<1x80xi32, #tpu.memory_space<vmem>> -> memref<80xi32, #tpu.memory_space<vmem>>
      %dma_wait3A_61 = arith.constant 0 : i32
      %dma_wait3A_62 = arith.constant 0 : i32
      %dma_wait3A_63 = tpu.memref_slice %arg20[%dma_wait3A_61, %dma_wait3A_62] : memref<10112x128xf32, #tpu.memory_space<vmem_shared>> -> memref<10112x128xf32, #tpu.memory_space<vmem_shared>>
      tpu.wait_indirect_dma semaphore(%arg26 : memref<!tpu.dma_semaphore, #tpu.memory_space<semaphore_mem>>) src(%arg16 : memref<80x128xf32, #tpu.memory_space<vmem>>) dst(%dma_wait3A_63 : memref<10112x128xf32, #tpu.memory_space<vmem_shared>>)
      %dma_wait3A_64 = arith.constant 0 : i32
      %dma_wait3A_65 = arith.constant 0 : i32
      %dma_wait3A_66 = tpu.memref_slice %arg19[%dma_wait3A_64, %dma_wait3A_65] : memref<72x80xi32, #tpu.memory_space<vmem>> -> memref<1x80xi32, #tpu.memory_space<vmem>>
      %dma_wait3A_67 = tpu.memref_squeeze %dma_wait3A_66 : memref<1x80xi32, #tpu.memory_space<vmem>> -> memref<80xi32, #tpu.memory_space<vmem>>
      %dma_wait3A_68 = arith.constant 0 : i32
      %dma_wait3A_69 = arith.constant 0 : i32
      %dma_wait3A_70 = tpu.memref_slice %arg20[%dma_wait3A_68, %dma_wait3A_69] : memref<10112x128xf32, #tpu.memory_space<vmem_shared>> -> memref<10112x128xf32, #tpu.memory_space<vmem_shared>>
      tpu.wait_indirect_dma semaphore(%arg27 : memref<!tpu.dma_semaphore, #tpu.memory_space<semaphore_mem>>) src(%arg17 : memref<80x128xf32, #tpu.memory_space<vmem>>) dst(%dma_wait3A_70 : memref<10112x128xf32, #tpu.memory_space<vmem_shared>>)
      %dma_wait3A_71 = arith.constant 0 : i32
      %dma_wait3A_72 = arith.constant 0 : i32
      %dma_wait3A_73 = tpu.memref_slice %arg19[%dma_wait3A_71, %dma_wait3A_72] : memref<72x80xi32, #tpu.memory_space<vmem>> -> memref<1x80xi32, #tpu.memory_space<vmem>>
      %dma_wait3A_74 = tpu.memref_squeeze %dma_wait3A_73 : memref<1x80xi32, #tpu.memory_space<vmem>> -> memref<80xi32, #tpu.memory_space<vmem>>
      %dma_wait3A_75 = arith.constant 0 : i32
      %dma_wait3A_76 = arith.constant 0 : i32
      %dma_wait3A_77 = tpu.memref_slice %arg20[%dma_wait3A_75, %dma_wait3A_76] : memref<10112x128xf32, #tpu.memory_space<vmem_shared>> -> memref<10112x128xf32, #tpu.memory_space<vmem_shared>>
      tpu.wait_indirect_dma semaphore(%arg28 : memref<!tpu.dma_semaphore, #tpu.memory_space<semaphore_mem>>) src(%arg18 : memref<80x128xf32, #tpu.memory_space<vmem>>) dst(%dma_wait3A_77 : memref<10112x128xf32, #tpu.memory_space<vmem_shared>>)
      %barrier3A_78 = arith.constant 0 : index
      tpu.barrier barrier_id(%barrier3A_78)
      "tpu.region"() ({
        %run_scoped3A = tpu.sem_alloc : memref<!tpu.dma_semaphore, #tpu.memory_space<semaphore_mem>>
        %dma_start3A_157 = arith.constant 0 : i32
        %dma_start3A_158 = tpu.memref_slice %arg13[%mul3A_0, %dma_start3A_157] : memref<10112x128xf32, #tpu.memory_space<hbm>> -> memref<632x128xf32, #tpu.memory_space<hbm>>
        %dma_start3A_159 = arith.constant 0 : i32
        %dma_start3A_160 = tpu.memref_slice %arg20[%mul3A_0, %dma_start3A_159] : memref<10112x128xf32, #tpu.memory_space<vmem_shared>> -> memref<632x128xf32, #tpu.memory_space<vmem_shared>>
        tpu.enqueue_dma source(%dma_start3A_160 : memref<632x128xf32, #tpu.memory_space<vmem_shared>>) target(%dma_start3A_158 : memref<632x128xf32, #tpu.memory_space<hbm>>) target_semaphore(%run_scoped3A : memref<!tpu.dma_semaphore, #tpu.memory_space<semaphore_mem>>)
        %dma_wait3A_161 = arith.constant 0 : i32
        %dma_wait3A_162 = tpu.memref_slice %arg13[%mul3A_0, %dma_wait3A_161] : memref<10112x128xf32, #tpu.memory_space<hbm>> -> memref<632x128xf32, #tpu.memory_space<hbm>>
        %dma_wait3A_163 = arith.constant 0 : i32
        %dma_wait3A_164 = tpu.memref_slice %arg20[%mul3A_0, %dma_wait3A_163] : memref<10112x128xf32, #tpu.memory_space<vmem_shared>> -> memref<632x128xf32, #tpu.memory_space<vmem_shared>>
        tpu.wait_dma2 semaphore(%run_scoped3A : memref<!tpu.dma_semaphore, #tpu.memory_space<semaphore_mem>>) src(%dma_wait3A_164 : memref<632x128xf32, #tpu.memory_space<vmem_shared>>) dst(%dma_wait3A_162 : memref<632x128xf32, #tpu.memory_space<hbm>>)
        tpu.yield
      }) : () -> ()
      %barrier3A_79 = arith.constant 0 : index
      tpu.barrier barrier_id(%barrier3A_79)
      %mul3A_80 = arith.constant 72 : i32
      %mul3A_81 = arith.muli %arg1, %mul3A_80 : i32
      %add3A_82 = arith.constant 0 : i32
      %add3A_83 = arith.addi %mul3A_81, %add3A_82 : i32
      %mul3A_84 = arith.constant 80 : i32
      %mul3A_85 = arith.muli %add3A_83, %mul3A_84 : i32
      %dma_start3A_86 = arith.constant 0 : i32
      %dma_start3A_87 = tpu.memref_slice %arg5[%mul3A_85, %dma_start3A_86] : memref<92160x128xf32, #tpu.memory_space<hbm>> -> memref<80x128xf32, #tpu.memory_space<hbm>>
      %dma_start3A_88 = arith.constant 0 : i32
      %dma_start3A_89 = tpu.memref_slice %arg5[%mul3A_85, %dma_start3A_88] : memref<92160x128xf32, #tpu.memory_space<hbm>> -> memref<80x128xf32, #tpu.memory_space<hbm>>
      tpu.enqueue_dma source(%dma_start3A_89 : memref<80x128xf32, #tpu.memory_space<hbm>>) target(%arg15 : memref<80x128xf32, #tpu.memory_space<vmem>>) target_semaphore(%arg21 : memref<!tpu.dma_semaphore, #tpu.memory_space<semaphore_mem>>)
      %mul3A_90 = arith.constant 72 : i32
      %mul3A_91 = arith.muli %arg1, %mul3A_90 : i32
      %add3A_92 = arith.constant 1 : i32
      %add3A_93 = arith.addi %mul3A_91, %add3A_92 : i32
      %mul3A_94 = arith.constant 80 : i32
      %mul3A_95 = arith.muli %add3A_93, %mul3A_94 : i32
      %dma_start3A_96 = arith.constant 0 : i32
      %dma_start3A_97 = tpu.memref_slice %arg5[%mul3A_95, %dma_start3A_96] : memref<92160x128xf32, #tpu.memory_space<hbm>> -> memref<80x128xf32, #tpu.memory_space<hbm>>
      %dma_start3A_98 = arith.constant 0 : i32
      %dma_start3A_99 = tpu.memref_slice %arg5[%mul3A_95, %dma_start3A_98] : memref<92160x128xf32, #tpu.memory_space<hbm>> -> memref<80x128xf32, #tpu.memory_space<hbm>>
      tpu.enqueue_dma source(%dma_start3A_99 : memref<80x128xf32, #tpu.memory_space<hbm>>) target(%arg16 : memref<80x128xf32, #tpu.memory_space<vmem>>) target_semaphore(%arg22 : memref<!tpu.dma_semaphore, #tpu.memory_space<semaphore_mem>>)
      %mul3A_100 = arith.constant 72 : i32
      %mul3A_101 = arith.muli %arg1, %mul3A_100 : i32
      %add3A_102 = arith.constant 2 : i32
      %add3A_103 = arith.addi %mul3A_101, %add3A_102 : i32
      %mul3A_104 = arith.constant 80 : i32
      %mul3A_105 = arith.muli %add3A_103, %mul3A_104 : i32
      %dma_start3A_106 = arith.constant 0 : i32
      %dma_start3A_107 = tpu.memref_slice %arg5[%mul3A_105, %dma_start3A_106] : memref<92160x128xf32, #tpu.memory_space<hbm>> -> memref<80x128xf32, #tpu.memory_space<hbm>>
      %dma_start3A_108 = arith.constant 0 : i32
      %dma_start3A_109 = tpu.memref_slice %arg5[%mul3A_105, %dma_start3A_108] : memref<92160x128xf32, #tpu.memory_space<hbm>> -> memref<80x128xf32, #tpu.memory_space<hbm>>
      tpu.enqueue_dma source(%dma_start3A_109 : memref<80x128xf32, #tpu.memory_space<hbm>>) target(%arg17 : memref<80x128xf32, #tpu.memory_space<vmem>>) target_semaphore(%arg23 : memref<!tpu.dma_semaphore, #tpu.memory_space<semaphore_mem>>)
      %mul3A_110 = arith.constant 72 : i32
      %mul3A_111 = arith.muli %arg1, %mul3A_110 : i32
      %add3A_112 = arith.constant 3 : i32
      %add3A_113 = arith.addi %mul3A_111, %add3A_112 : i32
      %mul3A_114 = arith.constant 80 : i32
      %mul3A_115 = arith.muli %add3A_113, %mul3A_114 : i32
      %dma_start3A_116 = arith.constant 0 : i32
      %dma_start3A_117 = tpu.memref_slice %arg5[%mul3A_115, %dma_start3A_116] : memref<92160x128xf32, #tpu.memory_space<hbm>> -> memref<80x128xf32, #tpu.memory_space<hbm>>
      %dma_start3A_118 = arith.constant 0 : i32
      %dma_start3A_119 = tpu.memref_slice %arg5[%mul3A_115, %dma_start3A_118] : memref<92160x128xf32, #tpu.memory_space<hbm>> -> memref<80x128xf32, #tpu.memory_space<hbm>>
      tpu.enqueue_dma source(%dma_start3A_119 : memref<80x128xf32, #tpu.memory_space<hbm>>) target(%arg18 : memref<80x128xf32, #tpu.memory_space<vmem>>) target_semaphore(%arg24 : memref<!tpu.dma_semaphore, #tpu.memory_space<semaphore_mem>>)
      "tpu.region"() ({
        %run_scoped3A = tpu.sem_alloc : memref<!tpu.dma_semaphore, #tpu.memory_space<semaphore_mem>>
        %dma_start3A_157 = arith.constant 0 : i32
        %dma_start3A_158 = tpu.memref_slice %arg20[%mul3A_0, %dma_start3A_157] : memref<10112x128xf32, #tpu.memory_space<vmem_shared>> -> memref<632x128xf32, #tpu.memory_space<vmem_shared>>
        %dma_start3A_159 = arith.constant 0 : i32
        %dma_start3A_160 = tpu.memref_slice %arg9[%mul3A_0, %dma_start3A_159] : memref<10112x128xf32, #tpu.memory_space<hbm>> -> memref<632x128xf32, #tpu.memory_space<hbm>>
        tpu.enqueue_dma source(%dma_start3A_160 : memref<632x128xf32, #tpu.memory_space<hbm>>) target(%dma_start3A_158 : memref<632x128xf32, #tpu.memory_space<vmem_shared>>) target_semaphore(%run_scoped3A : memref<!tpu.dma_semaphore, #tpu.memory_space<semaphore_mem>>)
        %dma_wait3A_161 = arith.constant 0 : i32
        %dma_wait3A_162 = tpu.memref_slice %arg20[%mul3A_0, %dma_wait3A_161] : memref<10112x128xf32, #tpu.memory_space<vmem_shared>> -> memref<632x128xf32, #tpu.memory_space<vmem_shared>>
        %dma_wait3A_163 = arith.constant 0 : i32
        %dma_wait3A_164 = tpu.memref_slice %arg9[%mul3A_0, %dma_wait3A_163] : memref<10112x128xf32, #tpu.memory_space<hbm>> -> memref<632x128xf32, #tpu.memory_space<hbm>>
        tpu.wait_dma2 semaphore(%run_scoped3A : memref<!tpu.dma_semaphore, #tpu.memory_space<semaphore_mem>>) src(%dma_wait3A_164 : memref<632x128xf32, #tpu.memory_space<hbm>>) dst(%dma_wait3A_162 : memref<632x128xf32, #tpu.memory_space<vmem_shared>>)
        tpu.yield
      }) : () -> ()
      %barrier3A_120 = arith.constant 0 : index
      tpu.barrier barrier_id(%barrier3A_120)
      %scan3A_121 = arith.constant 0 : i32
      %scan3A_122 = arith.constant 0 : i32
      %scan3A_123 = arith.constant 18 : i32
      %scan3A_124 = arith.addi %scan3A_122, %scan3A_123 : i32
      %scan3A_125 = arith.constant 1 : i32
      scf.for %scan3A_157 = %scan3A_122 to %scan3A_124 step %scan3A_125  : i32 {
        %mul3A_158 = arith.constant 4 : i32
        %mul3A_159 = arith.muli %mul3A_158, %scan3A_157 : i32
        %mul3A_160 = arith.constant 72 : i32
        %mul3A_161 = arith.muli %arg1, %mul3A_160 : i32
        %add3A_162 = arith.constant 0 : i32
        %add3A_163 = arith.addi %mul3A_161, %add3A_162 : i32
        %mul3A_164 = arith.constant 80 : i32
        %mul3A_165 = arith.muli %add3A_163, %mul3A_164 : i32
        %dma_wait3A_166 = arith.constant 0 : i32
        %dma_wait3A_167 = tpu.memref_slice %arg5[%mul3A_165, %dma_wait3A_166] : memref<92160x128xf32, #tpu.memory_space<hbm>> -> memref<80x128xf32, #tpu.memory_space<hbm>>
        %dma_wait3A_168 = arith.constant 0 : i32
        %dma_wait3A_169 = tpu.memref_slice %arg5[%mul3A_165, %dma_wait3A_168] : memref<92160x128xf32, #tpu.memory_space<hbm>> -> memref<80x128xf32, #tpu.memory_space<hbm>>
        tpu.wait_dma2 semaphore(%arg21 : memref<!tpu.dma_semaphore, #tpu.memory_space<semaphore_mem>>) src(%dma_wait3A_169 : memref<80x128xf32, #tpu.memory_space<hbm>>) dst(%arg15 : memref<80x128xf32, #tpu.memory_space<vmem>>)
        %add3A_170 = arith.constant 0 : i32
        %add3A_171 = arith.addi %mul3A_159, %add3A_170 : i32
        %dma_start3A_172 = arith.constant 0 : i32
        %dma_start3A_173 = tpu.memref_slice %arg19[%add3A_171, %dma_start3A_172] : memref<72x80xi32, #tpu.memory_space<vmem>> -> memref<1x80xi32, #tpu.memory_space<vmem>>
        %dma_start3A_174 = tpu.memref_squeeze %dma_start3A_173 : memref<1x80xi32, #tpu.memory_space<vmem>> -> memref<80xi32, #tpu.memory_space<vmem>>
        %dma_start3A_175 = arith.constant 0 : i32
        %dma_start3A_176 = arith.constant 0 : i32
        %dma_start3A_177 = tpu.memref_slice %arg20[%dma_start3A_175, %dma_start3A_176] : memref<10112x128xf32, #tpu.memory_space<vmem_shared>> -> memref<10112x128xf32, #tpu.memory_space<vmem_shared>>
        tpu.enqueue_indirect_dma source(%arg15 : memref<80x128xf32, #tpu.memory_space<vmem>>) target(%dma_start3A_177 : memref<10112x128xf32, #tpu.memory_space<vmem_shared>>) offsets(%dma_start3A_174 : memref<80xi32, #tpu.memory_space<vmem>>) semaphore(%arg25 : memref<!tpu.dma_semaphore, #tpu.memory_space<semaphore_mem>>) {add = true}
        %mul3A_178 = arith.constant 72 : i32
        %mul3A_179 = arith.muli %arg1, %mul3A_178 : i32
        %add3A_180 = arith.constant 0 : i32
        %add3A_181 = arith.addi %mul3A_179, %add3A_180 : i32
        %mul3A_182 = arith.constant 80 : i32
        %mul3A_183 = arith.muli %add3A_181, %mul3A_182 : i32
        %dma_wait3A_184 = arith.constant 0 : i32
        %dma_wait3A_185 = tpu.memref_slice %arg5[%mul3A_183, %dma_wait3A_184] : memref<92160x128xf32, #tpu.memory_space<hbm>> -> memref<80x128xf32, #tpu.memory_space<hbm>>
        %dma_wait3A_186 = arith.constant 0 : i32
        %dma_wait3A_187 = tpu.memref_slice %arg5[%mul3A_183, %dma_wait3A_186] : memref<92160x128xf32, #tpu.memory_space<hbm>> -> memref<80x128xf32, #tpu.memory_space<hbm>>
        tpu.wait_dma2 semaphore(%arg22 : memref<!tpu.dma_semaphore, #tpu.memory_space<semaphore_mem>>) src(%dma_wait3A_187 : memref<80x128xf32, #tpu.memory_space<hbm>>) dst(%arg16 : memref<80x128xf32, #tpu.memory_space<vmem>>)
        %add3A_188 = arith.constant 1 : i32
        %add3A_189 = arith.addi %mul3A_159, %add3A_188 : i32
        %dma_start3A_190 = arith.constant 0 : i32
        %dma_start3A_191 = tpu.memref_slice %arg19[%add3A_189, %dma_start3A_190] : memref<72x80xi32, #tpu.memory_space<vmem>> -> memref<1x80xi32, #tpu.memory_space<vmem>>
        %dma_start3A_192 = tpu.memref_squeeze %dma_start3A_191 : memref<1x80xi32, #tpu.memory_space<vmem>> -> memref<80xi32, #tpu.memory_space<vmem>>
        %dma_start3A_193 = arith.constant 0 : i32
        %dma_start3A_194 = arith.constant 0 : i32
        %dma_start3A_195 = tpu.memref_slice %arg20[%dma_start3A_193, %dma_start3A_194] : memref<10112x128xf32, #tpu.memory_space<vmem_shared>> -> memref<10112x128xf32, #tpu.memory_space<vmem_shared>>
        tpu.enqueue_indirect_dma source(%arg16 : memref<80x128xf32, #tpu.memory_space<vmem>>) target(%dma_start3A_195 : memref<10112x128xf32, #tpu.memory_space<vmem_shared>>) offsets(%dma_start3A_192 : memref<80xi32, #tpu.memory_space<vmem>>) semaphore(%arg26 : memref<!tpu.dma_semaphore, #tpu.memory_space<semaphore_mem>>) {add = true}
        %mul3A_196 = arith.constant 72 : i32
        %mul3A_197 = arith.muli %arg1, %mul3A_196 : i32
        %add3A_198 = arith.constant 0 : i32
        %add3A_199 = arith.addi %mul3A_197, %add3A_198 : i32
        %mul3A_200 = arith.constant 80 : i32
        %mul3A_201 = arith.muli %add3A_199, %mul3A_200 : i32
        %dma_wait3A_202 = arith.constant 0 : i32
        %dma_wait3A_203 = tpu.memref_slice %arg5[%mul3A_201, %dma_wait3A_202] : memref<92160x128xf32, #tpu.memory_space<hbm>> -> memref<80x128xf32, #tpu.memory_space<hbm>>
        %dma_wait3A_204 = arith.constant 0 : i32
        %dma_wait3A_205 = tpu.memref_slice %arg5[%mul3A_201, %dma_wait3A_204] : memref<92160x128xf32, #tpu.memory_space<hbm>> -> memref<80x128xf32, #tpu.memory_space<hbm>>
        tpu.wait_dma2 semaphore(%arg23 : memref<!tpu.dma_semaphore, #tpu.memory_space<semaphore_mem>>) src(%dma_wait3A_205 : memref<80x128xf32, #tpu.memory_space<hbm>>) dst(%arg17 : memref<80x128xf32, #tpu.memory_space<vmem>>)
        %add3A_206 = arith.constant 2 : i32
        %add3A_207 = arith.addi %mul3A_159, %add3A_206 : i32
        %dma_start3A_208 = arith.constant 0 : i32
        %dma_start3A_209 = tpu.memref_slice %arg19[%add3A_207, %dma_start3A_208] : memref<72x80xi32, #tpu.memory_space<vmem>> -> memref<1x80xi32, #tpu.memory_space<vmem>>
        %dma_start3A_210 = tpu.memref_squeeze %dma_start3A_209 : memref<1x80xi32, #tpu.memory_space<vmem>> -> memref<80xi32, #tpu.memory_space<vmem>>
        %dma_start3A_211 = arith.constant 0 : i32
        %dma_start3A_212 = arith.constant 0 : i32
        %dma_start3A_213 = tpu.memref_slice %arg20[%dma_start3A_211, %dma_start3A_212] : memref<10112x128xf32, #tpu.memory_space<vmem_shared>> -> memref<10112x128xf32, #tpu.memory_space<vmem_shared>>
        tpu.enqueue_indirect_dma source(%arg17 : memref<80x128xf32, #tpu.memory_space<vmem>>) target(%dma_start3A_213 : memref<10112x128xf32, #tpu.memory_space<vmem_shared>>) offsets(%dma_start3A_210 : memref<80xi32, #tpu.memory_space<vmem>>) semaphore(%arg27 : memref<!tpu.dma_semaphore, #tpu.memory_space<semaphore_mem>>) {add = true}
        %mul3A_214 = arith.constant 72 : i32
        %mul3A_215 = arith.muli %arg1, %mul3A_214 : i32
        %add3A_216 = arith.constant 0 : i32
        %add3A_217 = arith.addi %mul3A_215, %add3A_216 : i32
        %mul3A_218 = arith.constant 80 : i32
        %mul3A_219 = arith.muli %add3A_217, %mul3A_218 : i32
        %dma_wait3A_220 = arith.constant 0 : i32
        %dma_wait3A_221 = tpu.memref_slice %arg5[%mul3A_219, %dma_wait3A_220] : memref<92160x128xf32, #tpu.memory_space<hbm>> -> memref<80x128xf32, #tpu.memory_space<hbm>>
        %dma_wait3A_222 = arith.constant 0 : i32
        %dma_wait3A_223 = tpu.memref_slice %arg5[%mul3A_219, %dma_wait3A_222] : memref<92160x128xf32, #tpu.memory_space<hbm>> -> memref<80x128xf32, #tpu.memory_space<hbm>>
        tpu.wait_dma2 semaphore(%arg24 : memref<!tpu.dma_semaphore, #tpu.memory_space<semaphore_mem>>) src(%dma_wait3A_223 : memref<80x128xf32, #tpu.memory_space<hbm>>) dst(%arg18 : memref<80x128xf32, #tpu.memory_space<vmem>>)
        %add3A_224 = arith.constant 3 : i32
        %add3A_225 = arith.addi %mul3A_159, %add3A_224 : i32
        %dma_start3A_226 = arith.constant 0 : i32
        %dma_start3A_227 = tpu.memref_slice %arg19[%add3A_225, %dma_start3A_226] : memref<72x80xi32, #tpu.memory_space<vmem>> -> memref<1x80xi32, #tpu.memory_space<vmem>>
        %dma_start3A_228 = tpu.memref_squeeze %dma_start3A_227 : memref<1x80xi32, #tpu.memory_space<vmem>> -> memref<80xi32, #tpu.memory_space<vmem>>
        %dma_start3A_229 = arith.constant 0 : i32
        %dma_start3A_230 = arith.constant 0 : i32
        %dma_start3A_231 = tpu.memref_slice %arg20[%dma_start3A_229, %dma_start3A_230] : memref<10112x128xf32, #tpu.memory_space<vmem_shared>> -> memref<10112x128xf32, #tpu.memory_space<vmem_shared>>
        tpu.enqueue_indirect_dma source(%arg18 : memref<80x128xf32, #tpu.memory_space<vmem>>) target(%dma_start3A_231 : memref<10112x128xf32, #tpu.memory_space<vmem_shared>>) offsets(%dma_start3A_228 : memref<80xi32, #tpu.memory_space<vmem>>) semaphore(%arg28 : memref<!tpu.dma_semaphore, #tpu.memory_space<semaphore_mem>>) {add = true}
        %lt3A = arith.constant 17 : i32
        %lt3A_232 = arith.cmpi slt, %scan3A_157, %lt3A : i32
        %convert_element_type3A_233 = arith.extui %lt3A_232 : i1 to i32
        %cond3A_234 = arith.constant 0 : i32
        %cond3A_235 = arith.cmpi ne, %convert_element_type3A_233, %cond3A_234 : i32
        scf.if %cond3A_235 {
          %dma_wait3A_236 = arith.constant 0 : i32
          %dma_wait3A_237 = arith.constant 0 : i32
          %dma_wait3A_238 = tpu.memref_slice %arg19[%dma_wait3A_236, %dma_wait3A_237] : memref<72x80xi32, #tpu.memory_space<vmem>> -> memref<1x80xi32, #tpu.memory_space<vmem>>
          %dma_wait3A_239 = tpu.memref_squeeze %dma_wait3A_238 : memref<1x80xi32, #tpu.memory_space<vmem>> -> memref<80xi32, #tpu.memory_space<vmem>>
          %dma_wait3A_240 = arith.constant 0 : i32
          %dma_wait3A_241 = arith.constant 0 : i32
          %dma_wait3A_242 = tpu.memref_slice %arg20[%dma_wait3A_240, %dma_wait3A_241] : memref<10112x128xf32, #tpu.memory_space<vmem_shared>> -> memref<10112x128xf32, #tpu.memory_space<vmem_shared>>
          tpu.wait_indirect_dma semaphore(%arg25 : memref<!tpu.dma_semaphore, #tpu.memory_space<semaphore_mem>>) src(%arg15 : memref<80x128xf32, #tpu.memory_space<vmem>>) dst(%dma_wait3A_242 : memref<10112x128xf32, #tpu.memory_space<vmem_shared>>)
          %add3A_243 = arith.constant 4 : i32
          %add3A_244 = arith.addi %mul3A_159, %add3A_243 : i32
          %add3A_245 = arith.constant 0 : i32
          %add3A_246 = arith.addi %add3A_244, %add3A_245 : i32
          %mul3A_247 = arith.constant 72 : i32
          %mul3A_248 = arith.muli %arg1, %mul3A_247 : i32
          %add3A_249 = arith.addi %mul3A_248, %add3A_246 : i32
          %mul3A_250 = arith.constant 80 : i32
          %mul3A_251 = arith.muli %add3A_249, %mul3A_250 : i32
          %dma_start3A_252 = arith.constant 0 : i32
          %dma_start3A_253 = tpu.memref_slice %arg5[%mul3A_251, %dma_start3A_252] : memref<92160x128xf32, #tpu.memory_space<hbm>> -> memref<80x128xf32, #tpu.memory_space<hbm>>
          %dma_start3A_254 = arith.constant 0 : i32
          %dma_start3A_255 = tpu.memref_slice %arg5[%mul3A_251, %dma_start3A_254] : memref<92160x128xf32, #tpu.memory_space<hbm>> -> memref<80x128xf32, #tpu.memory_space<hbm>>
          tpu.enqueue_dma source(%dma_start3A_255 : memref<80x128xf32, #tpu.memory_space<hbm>>) target(%arg15 : memref<80x128xf32, #tpu.memory_space<vmem>>) target_semaphore(%arg21 : memref<!tpu.dma_semaphore, #tpu.memory_space<semaphore_mem>>)
          %dma_wait3A_256 = arith.constant 0 : i32
          %dma_wait3A_257 = arith.constant 0 : i32
          %dma_wait3A_258 = tpu.memref_slice %arg19[%dma_wait3A_256, %dma_wait3A_257] : memref<72x80xi32, #tpu.memory_space<vmem>> -> memref<1x80xi32, #tpu.memory_space<vmem>>
          %dma_wait3A_259 = tpu.memref_squeeze %dma_wait3A_258 : memref<1x80xi32, #tpu.memory_space<vmem>> -> memref<80xi32, #tpu.memory_space<vmem>>
          %dma_wait3A_260 = arith.constant 0 : i32
          %dma_wait3A_261 = arith.constant 0 : i32
          %dma_wait3A_262 = tpu.memref_slice %arg20[%dma_wait3A_260, %dma_wait3A_261] : memref<10112x128xf32, #tpu.memory_space<vmem_shared>> -> memref<10112x128xf32, #tpu.memory_space<vmem_shared>>
          tpu.wait_indirect_dma semaphore(%arg26 : memref<!tpu.dma_semaphore, #tpu.memory_space<semaphore_mem>>) src(%arg16 : memref<80x128xf32, #tpu.memory_space<vmem>>) dst(%dma_wait3A_262 : memref<10112x128xf32, #tpu.memory_space<vmem_shared>>)
          %add3A_263 = arith.constant 4 : i32
          %add3A_264 = arith.addi %mul3A_159, %add3A_263 : i32
          %add3A_265 = arith.constant 1 : i32
          %add3A_266 = arith.addi %add3A_264, %add3A_265 : i32
          %mul3A_267 = arith.constant 72 : i32
          %mul3A_268 = arith.muli %arg1, %mul3A_267 : i32
          %add3A_269 = arith.addi %mul3A_268, %add3A_266 : i32
          %mul3A_270 = arith.constant 80 : i32
          %mul3A_271 = arith.muli %add3A_269, %mul3A_270 : i32
          %dma_start3A_272 = arith.constant 0 : i32
          %dma_start3A_273 = tpu.memref_slice %arg5[%mul3A_271, %dma_start3A_272] : memref<92160x128xf32, #tpu.memory_space<hbm>> -> memref<80x128xf32, #tpu.memory_space<hbm>>
          %dma_start3A_274 = arith.constant 0 : i32
          %dma_start3A_275 = tpu.memref_slice %arg5[%mul3A_271, %dma_start3A_274] : memref<92160x128xf32, #tpu.memory_space<hbm>> -> memref<80x128xf32, #tpu.memory_space<hbm>>
          tpu.enqueue_dma source(%dma_start3A_275 : memref<80x128xf32, #tpu.memory_space<hbm>>) target(%arg16 : memref<80x128xf32, #tpu.memory_space<vmem>>) target_semaphore(%arg22 : memref<!tpu.dma_semaphore, #tpu.memory_space<semaphore_mem>>)
          %dma_wait3A_276 = arith.constant 0 : i32
          %dma_wait3A_277 = arith.constant 0 : i32
          %dma_wait3A_278 = tpu.memref_slice %arg19[%dma_wait3A_276, %dma_wait3A_277] : memref<72x80xi32, #tpu.memory_space<vmem>> -> memref<1x80xi32, #tpu.memory_space<vmem>>
          %dma_wait3A_279 = tpu.memref_squeeze %dma_wait3A_278 : memref<1x80xi32, #tpu.memory_space<vmem>> -> memref<80xi32, #tpu.memory_space<vmem>>
          %dma_wait3A_280 = arith.constant 0 : i32
          %dma_wait3A_281 = arith.constant 0 : i32
          %dma_wait3A_282 = tpu.memref_slice %arg20[%dma_wait3A_280, %dma_wait3A_281] : memref<10112x128xf32, #tpu.memory_space<vmem_shared>> -> memref<10112x128xf32, #tpu.memory_space<vmem_shared>>
          tpu.wait_indirect_dma semaphore(%arg27 : memref<!tpu.dma_semaphore, #tpu.memory_space<semaphore_mem>>) src(%arg17 : memref<80x128xf32, #tpu.memory_space<vmem>>) dst(%dma_wait3A_282 : memref<10112x128xf32, #tpu.memory_space<vmem_shared>>)
          %add3A_283 = arith.constant 4 : i32
          %add3A_284 = arith.addi %mul3A_159, %add3A_283 : i32
          %add3A_285 = arith.constant 2 : i32
          %add3A_286 = arith.addi %add3A_284, %add3A_285 : i32
          %mul3A_287 = arith.constant 72 : i32
          %mul3A_288 = arith.muli %arg1, %mul3A_287 : i32
          %add3A_289 = arith.addi %mul3A_288, %add3A_286 : i32
          %mul3A_290 = arith.constant 80 : i32
          %mul3A_291 = arith.muli %add3A_289, %mul3A_290 : i32
          %dma_start3A_292 = arith.constant 0 : i32
          %dma_start3A_293 = tpu.memref_slice %arg5[%mul3A_291, %dma_start3A_292] : memref<92160x128xf32, #tpu.memory_space<hbm>> -> memref<80x128xf32, #tpu.memory_space<hbm>>
          %dma_start3A_294 = arith.constant 0 : i32
          %dma_start3A_295 = tpu.memref_slice %arg5[%mul3A_291, %dma_start3A_294] : memref<92160x128xf32, #tpu.memory_space<hbm>> -> memref<80x128xf32, #tpu.memory_space<hbm>>
          tpu.enqueue_dma source(%dma_start3A_295 : memref<80x128xf32, #tpu.memory_space<hbm>>) target(%arg17 : memref<80x128xf32, #tpu.memory_space<vmem>>) target_semaphore(%arg23 : memref<!tpu.dma_semaphore, #tpu.memory_space<semaphore_mem>>)
          %dma_wait3A_296 = arith.constant 0 : i32
          %dma_wait3A_297 = arith.constant 0 : i32
          %dma_wait3A_298 = tpu.memref_slice %arg19[%dma_wait3A_296, %dma_wait3A_297] : memref<72x80xi32, #tpu.memory_space<vmem>> -> memref<1x80xi32, #tpu.memory_space<vmem>>
          %dma_wait3A_299 = tpu.memref_squeeze %dma_wait3A_298 : memref<1x80xi32, #tpu.memory_space<vmem>> -> memref<80xi32, #tpu.memory_space<vmem>>
          %dma_wait3A_300 = arith.constant 0 : i32
          %dma_wait3A_301 = arith.constant 0 : i32
          %dma_wait3A_302 = tpu.memref_slice %arg20[%dma_wait3A_300, %dma_wait3A_301] : memref<10112x128xf32, #tpu.memory_space<vmem_shared>> -> memref<10112x128xf32, #tpu.memory_space<vmem_shared>>
          tpu.wait_indirect_dma semaphore(%arg28 : memref<!tpu.dma_semaphore, #tpu.memory_space<semaphore_mem>>) src(%arg18 : memref<80x128xf32, #tpu.memory_space<vmem>>) dst(%dma_wait3A_302 : memref<10112x128xf32, #tpu.memory_space<vmem_shared>>)
          %add3A_303 = arith.constant 4 : i32
          %add3A_304 = arith.addi %mul3A_159, %add3A_303 : i32
          %add3A_305 = arith.constant 3 : i32
          %add3A_306 = arith.addi %add3A_304, %add3A_305 : i32
          %mul3A_307 = arith.constant 72 : i32
          %mul3A_308 = arith.muli %arg1, %mul3A_307 : i32
          %add3A_309 = arith.addi %mul3A_308, %add3A_306 : i32
          %mul3A_310 = arith.constant 80 : i32
          %mul3A_311 = arith.muli %add3A_309, %mul3A_310 : i32
          %dma_start3A_312 = arith.constant 0 : i32
          %dma_start3A_313 = tpu.memref_slice %arg5[%mul3A_311, %dma_start3A_312] : memref<92160x128xf32, #tpu.memory_space<hbm>> -> memref<80x128xf32, #tpu.memory_space<hbm>>
          %dma_start3A_314 = arith.constant 0 : i32
          %dma_start3A_315 = tpu.memref_slice %arg5[%mul3A_311, %dma_start3A_314] : memref<92160x128xf32, #tpu.memory_space<hbm>> -> memref<80x128xf32, #tpu.memory_space<hbm>>
          tpu.enqueue_dma source(%dma_start3A_315 : memref<80x128xf32, #tpu.memory_space<hbm>>) target(%arg18 : memref<80x128xf32, #tpu.memory_space<vmem>>) target_semaphore(%arg24 : memref<!tpu.dma_semaphore, #tpu.memory_space<semaphore_mem>>)
        } else {
        }
      }
      %scan3A_126 = arith.constant 18 : i32
      %dma_wait3A_127 = arith.constant 0 : i32
      %dma_wait3A_128 = arith.constant 0 : i32
      %dma_wait3A_129 = tpu.memref_slice %arg19[%dma_wait3A_127, %dma_wait3A_128] : memref<72x80xi32, #tpu.memory_space<vmem>> -> memref<1x80xi32, #tpu.memory_space<vmem>>
      %dma_wait3A_130 = tpu.memref_squeeze %dma_wait3A_129 : memref<1x80xi32, #tpu.memory_space<vmem>> -> memref<80xi32, #tpu.memory_space<vmem>>
      %dma_wait3A_131 = arith.constant 0 : i32
      %dma_wait3A_132 = arith.constant 0 : i32
      %dma_wait3A_133 = tpu.memref_slice %arg20[%dma_wait3A_131, %dma_wait3A_132] : memref<10112x128xf32, #tpu.memory_space<vmem_shared>> -> memref<10112x128xf32, #tpu.memory_space<vmem_shared>>
      tpu.wait_indirect_dma semaphore(%arg25 : memref<!tpu.dma_semaphore, #tpu.memory_space<semaphore_mem>>) src(%arg15 : memref<80x128xf32, #tpu.memory_space<vmem>>) dst(%dma_wait3A_133 : memref<10112x128xf32, #tpu.memory_space<vmem_shared>>)
      %dma_wait3A_134 = arith.constant 0 : i32
      %dma_wait3A_135 = arith.constant 0 : i32
      %dma_wait3A_136 = tpu.memref_slice %arg19[%dma_wait3A_134, %dma_wait3A_135] : memref<72x80xi32, #tpu.memory_space<vmem>> -> memref<1x80xi32, #tpu.memory_space<vmem>>
      %dma_wait3A_137 = tpu.memref_squeeze %dma_wait3A_136 : memref<1x80xi32, #tpu.memory_space<vmem>> -> memref<80xi32, #tpu.memory_space<vmem>>
      %dma_wait3A_138 = arith.constant 0 : i32
      %dma_wait3A_139 = arith.constant 0 : i32
      %dma_wait3A_140 = tpu.memref_slice %arg20[%dma_wait3A_138, %dma_wait3A_139] : memref<10112x128xf32, #tpu.memory_space<vmem_shared>> -> memref<10112x128xf32, #tpu.memory_space<vmem_shared>>
      tpu.wait_indirect_dma semaphore(%arg26 : memref<!tpu.dma_semaphore, #tpu.memory_space<semaphore_mem>>) src(%arg16 : memref<80x128xf32, #tpu.memory_space<vmem>>) dst(%dma_wait3A_140 : memref<10112x128xf32, #tpu.memory_space<vmem_shared>>)
      %dma_wait3A_141 = arith.constant 0 : i32
      %dma_wait3A_142 = arith.constant 0 : i32
      %dma_wait3A_143 = tpu.memref_slice %arg19[%dma_wait3A_141, %dma_wait3A_142] : memref<72x80xi32, #tpu.memory_space<vmem>> -> memref<1x80xi32, #tpu.memory_space<vmem>>
      %dma_wait3A_144 = tpu.memref_squeeze %dma_wait3A_143 : memref<1x80xi32, #tpu.memory_space<vmem>> -> memref<80xi32, #tpu.memory_space<vmem>>
      %dma_wait3A_145 = arith.constant 0 : i32
      %dma_wait3A_146 = arith.constant 0 : i32
      %dma_wait3A_147 = tpu.memref_slice %arg20[%dma_wait3A_145, %dma_wait3A_146] : memref<10112x128xf32, #tpu.memory_space<vmem_shared>> -> memref<10112x128xf32, #tpu.memory_space<vmem_shared>>
      tpu.wait_indirect_dma semaphore(%arg27 : memref<!tpu.dma_semaphore, #tpu.memory_space<semaphore_mem>>) src(%arg17 : memref<80x128xf32, #tpu.memory_space<vmem>>) dst(%dma_wait3A_147 : memref<10112x128xf32, #tpu.memory_space<vmem_shared>>)
      %dma_wait3A_148 = arith.constant 0 : i32
      %dma_wait3A_149 = arith.constant 0 : i32
      %dma_wait3A_150 = tpu.memref_slice %arg19[%dma_wait3A_148, %dma_wait3A_149] : memref<72x80xi32, #tpu.memory_space<vmem>> -> memref<1x80xi32, #tpu.memory_space<vmem>>
      %dma_wait3A_151 = tpu.memref_squeeze %dma_wait3A_150 : memref<1x80xi32, #tpu.memory_space<vmem>> -> memref<80xi32, #tpu.memory_space<vmem>>
      %dma_wait3A_152 = arith.constant 0 : i32
      %dma_wait3A_153 = arith.constant 0 : i32
      %dma_wait3A_154 = tpu.memref_slice %arg20[%dma_wait3A_152, %dma_wait3A_153] : memref<10112x128xf32, #tpu.memory_space<vmem_shared>> -> memref<10112x128xf32, #tpu.memory_space<vmem_shared>>
      tpu.wait_indirect_dma semaphore(%arg28 : memref<!tpu.dma_semaphore, #tpu.memory_space<semaphore_mem>>) src(%arg18 : memref<80x128xf32, #tpu.memory_space<vmem>>) dst(%dma_wait3A_154 : memref<10112x128xf32, #tpu.memory_space<vmem_shared>>)
      %barrier3A_155 = arith.constant 0 : index
      tpu.barrier barrier_id(%barrier3A_155)
      "tpu.region"() ({
        %run_scoped3A = tpu.sem_alloc : memref<!tpu.dma_semaphore, #tpu.memory_space<semaphore_mem>>
        %dma_start3A_157 = arith.constant 0 : i32
        %dma_start3A_158 = tpu.memref_slice %arg14[%mul3A_0, %dma_start3A_157] : memref<10112x128xf32, #tpu.memory_space<hbm>> -> memref<632x128xf32, #tpu.memory_space<hbm>>
        %dma_start3A_159 = arith.constant 0 : i32
        %dma_start3A_160 = tpu.memref_slice %arg20[%mul3A_0, %dma_start3A_159] : memref<10112x128xf32, #tpu.memory_space<vmem_shared>> -> memref<632x128xf32, #tpu.memory_space<vmem_shared>>
        tpu.enqueue_dma source(%dma_start3A_160 : memref<632x128xf32, #tpu.memory_space<vmem_shared>>) target(%dma_start3A_158 : memref<632x128xf32, #tpu.memory_space<hbm>>) target_semaphore(%run_scoped3A : memref<!tpu.dma_semaphore, #tpu.memory_space<semaphore_mem>>)
        %dma_wait3A_161 = arith.constant 0 : i32
        %dma_wait3A_162 = tpu.memref_slice %arg14[%mul3A_0, %dma_wait3A_161] : memref<10112x128xf32, #tpu.memory_space<hbm>> -> memref<632x128xf32, #tpu.memory_space<hbm>>
        %dma_wait3A_163 = arith.constant 0 : i32
        %dma_wait3A_164 = tpu.memref_slice %arg20[%mul3A_0, %dma_wait3A_163] : memref<10112x128xf32, #tpu.memory_space<vmem_shared>> -> memref<632x128xf32, #tpu.memory_space<vmem_shared>>
        tpu.wait_dma2 semaphore(%run_scoped3A : memref<!tpu.dma_semaphore, #tpu.memory_space<semaphore_mem>>) src(%dma_wait3A_164 : memref<632x128xf32, #tpu.memory_space<vmem_shared>>) dst(%dma_wait3A_162 : memref<632x128xf32, #tpu.memory_space<hbm>>)
        tpu.yield
      }) : () -> ()
      %barrier3A_156 = arith.constant 0 : index
      tpu.barrier barrier_id(%barrier3A_156)
    } else {
    }
    return
  }
}

#map = affine_map<(d0, d1) -> (0, 0)>
#map1 = affine_map<(d0, d1) -> (0, 0, 0)>
module attributes {stable_mosaic.version = 14 : i64} {
  func.func @_sc_body(%arg0: i32, %arg1: i32, %arg2: memref<71680x128xf32, #tpu.memory_space<hbm>>, %arg3: memref<71680x128xf32, #tpu.memory_space<hbm>>, %arg4: memref<71680x128xf32, #tpu.memory_space<hbm>>, %arg5: memref<71680x128xf32, #tpu.memory_space<hbm>>, %arg6: memref<10112x128xf32, #tpu.memory_space<hbm>>, %arg7: memref<10112x128xf32, #tpu.memory_space<hbm>>, %arg8: memref<10112x128xf32, #tpu.memory_space<hbm>>, %arg9: memref<10112x128xf32, #tpu.memory_space<hbm>>, %arg10: memref<16x56x80xi32, #tpu.memory_space<hbm>>, %arg11: memref<10112x128xf32, #tpu.memory_space<hbm>>, %arg12: memref<10112x128xf32, #tpu.memory_space<hbm>>, %arg13: memref<10112x128xf32, #tpu.memory_space<hbm>>, %arg14: memref<10112x128xf32, #tpu.memory_space<hbm>>, %arg15: memref<80x128xf32, #tpu.memory_space<vmem>>, %arg16: memref<80x128xf32, #tpu.memory_space<vmem>>, %arg17: memref<80x128xf32, #tpu.memory_space<vmem>>, %arg18: memref<80x128xf32, #tpu.memory_space<vmem>>, %arg19: memref<56x80xi32, #tpu.memory_space<vmem>>, %arg20: memref<10112x128xf32, #tpu.memory_space<vmem_shared>>, %arg21: memref<!tpu.dma_semaphore, #tpu.memory_space<semaphore_mem>>, %arg22: memref<!tpu.dma_semaphore, #tpu.memory_space<semaphore_mem>>, %arg23: memref<!tpu.dma_semaphore, #tpu.memory_space<semaphore_mem>>, %arg24: memref<!tpu.dma_semaphore, #tpu.memory_space<semaphore_mem>>, %arg25: memref<!tpu.dma_semaphore, #tpu.memory_space<semaphore_mem>>, %arg26: memref<!tpu.dma_semaphore, #tpu.memory_space<semaphore_mem>>, %arg27: memref<!tpu.dma_semaphore, #tpu.memory_space<semaphore_mem>>, %arg28: memref<!tpu.dma_semaphore, #tpu.memory_space<semaphore_mem>>) attributes {dimension_semantics = [#tpu.dimension_semantics<core_parallel>, #tpu.dimension_semantics<subcore_parallel>], iteration_bounds = array<i64: 2, 16>, scalar_prefetch = 0 : i64, scratch_operands = 14 : i64, tpu.core_type = #tpu.core_type<sc_vector_subcore>, window_params = [{transform_indices = #map}, {transform_indices = #map}, {transform_indices = #map}, {transform_indices = #map}, {transform_indices = #map}, {transform_indices = #map}, {transform_indices = #map}, {transform_indices = #map}, {transform_indices = #map1}, {transform_indices = #map}, {transform_indices = #map}, {transform_indices = #map}, {transform_indices = #map}]} {
    "tpu.region"() ({
      %run_scoped3A = tpu.sem_alloc : memref<!tpu.dma_semaphore, #tpu.memory_space<semaphore_mem>>
      %dma_start3A = arith.constant 0 : i32
      %dma_start3A_8 = arith.constant 0 : i32
      %dma_start3A_9 = tpu.memref_slice %arg10[%arg1, %dma_start3A, %dma_start3A_8] : memref<16x56x80xi32, #tpu.memory_space<hbm>> -> memref<1x56x80xi32, #tpu.memory_space<hbm>>
      %dma_start3A_10 = tpu.memref_squeeze %dma_start3A_9 : memref<1x56x80xi32, #tpu.memory_space<hbm>> -> memref<56x80xi32, #tpu.memory_space<hbm>>
      %dma_start3A_11 = arith.constant 0 : i32
      %dma_start3A_12 = arith.constant 0 : i32
      %dma_start3A_13 = tpu.memref_slice %arg10[%arg1, %dma_start3A_11, %dma_start3A_12] : memref<16x56x80xi32, #tpu.memory_space<hbm>> -> memref<1x56x80xi32, #tpu.memory_space<hbm>>
      %dma_start3A_14 = tpu.memref_squeeze %dma_start3A_13 : memref<1x56x80xi32, #tpu.memory_space<hbm>> -> memref<56x80xi32, #tpu.memory_space<hbm>>
      tpu.enqueue_dma source(%dma_start3A_14 : memref<56x80xi32, #tpu.memory_space<hbm>>) target(%arg19 : memref<56x80xi32, #tpu.memory_space<vmem>>) target_semaphore(%run_scoped3A : memref<!tpu.dma_semaphore, #tpu.memory_space<semaphore_mem>>)
      %dma_wait3A = arith.constant 0 : i32
      %dma_wait3A_15 = arith.constant 0 : i32
      %dma_wait3A_16 = tpu.memref_slice %arg10[%arg1, %dma_wait3A, %dma_wait3A_15] : memref<16x56x80xi32, #tpu.memory_space<hbm>> -> memref<1x56x80xi32, #tpu.memory_space<hbm>>
      %dma_wait3A_17 = tpu.memref_squeeze %dma_wait3A_16 : memref<1x56x80xi32, #tpu.memory_space<hbm>> -> memref<56x80xi32, #tpu.memory_space<hbm>>
      %dma_wait3A_18 = arith.constant 0 : i32
      %dma_wait3A_19 = arith.constant 0 : i32
      %dma_wait3A_20 = tpu.memref_slice %arg10[%arg1, %dma_wait3A_18, %dma_wait3A_19] : memref<16x56x80xi32, #tpu.memory_space<hbm>> -> memref<1x56x80xi32, #tpu.memory_space<hbm>>
      %dma_wait3A_21 = tpu.memref_squeeze %dma_wait3A_20 : memref<1x56x80xi32, #tpu.memory_space<hbm>> -> memref<56x80xi32, #tpu.memory_space<hbm>>
      tpu.wait_dma2 semaphore(%run_scoped3A : memref<!tpu.dma_semaphore, #tpu.memory_space<semaphore_mem>>) src(%dma_wait3A_21 : memref<56x80xi32, #tpu.memory_space<hbm>>) dst(%arg19 : memref<56x80xi32, #tpu.memory_space<vmem>>)
      tpu.yield
    }) : () -> ()
    %mul3A = arith.constant 632 : i32
    %mul3A_0 = arith.muli %arg1, %mul3A : i32
    %eq3A = arith.constant 0 : i32
    %eq3A_1 = arith.cmpi eq, %arg0, %eq3A : i32
    %convert_element_type3A = arith.extui %eq3A_1 : i1 to i32
    %cond3A = arith.constant 0 : i32
    %cond3A_2 = arith.cmpi ne, %convert_element_type3A, %cond3A : i32
    scf.if %cond3A_2 {
      %mul3A_8 = arith.constant 56 : i32
      %mul3A_9 = arith.muli %arg1, %mul3A_8 : i32
      %add3A = arith.constant 0 : i32
      %add3A_10 = arith.addi %mul3A_9, %add3A : i32
      %mul3A_11 = arith.constant 80 : i32
      %mul3A_12 = arith.muli %add3A_10, %mul3A_11 : i32
      %dma_start3A = arith.constant 0 : i32
      %dma_start3A_13 = tpu.memref_slice %arg2[%mul3A_12, %dma_start3A] : memref<71680x128xf32, #tpu.memory_space<hbm>> -> memref<80x128xf32, #tpu.memory_space<hbm>>
      %dma_start3A_14 = arith.constant 0 : i32
      %dma_start3A_15 = tpu.memref_slice %arg2[%mul3A_12, %dma_start3A_14] : memref<71680x128xf32, #tpu.memory_space<hbm>> -> memref<80x128xf32, #tpu.memory_space<hbm>>
      tpu.enqueue_dma source(%dma_start3A_15 : memref<80x128xf32, #tpu.memory_space<hbm>>) target(%arg15 : memref<80x128xf32, #tpu.memory_space<vmem>>) target_semaphore(%arg21 : memref<!tpu.dma_semaphore, #tpu.memory_space<semaphore_mem>>)
      %mul3A_16 = arith.constant 56 : i32
      %mul3A_17 = arith.muli %arg1, %mul3A_16 : i32
      %add3A_18 = arith.constant 1 : i32
      %add3A_19 = arith.addi %mul3A_17, %add3A_18 : i32
      %mul3A_20 = arith.constant 80 : i32
      %mul3A_21 = arith.muli %add3A_19, %mul3A_20 : i32
      %dma_start3A_22 = arith.constant 0 : i32
      %dma_start3A_23 = tpu.memref_slice %arg2[%mul3A_21, %dma_start3A_22] : memref<71680x128xf32, #tpu.memory_space<hbm>> -> memref<80x128xf32, #tpu.memory_space<hbm>>
      %dma_start3A_24 = arith.constant 0 : i32
      %dma_start3A_25 = tpu.memref_slice %arg2[%mul3A_21, %dma_start3A_24] : memref<71680x128xf32, #tpu.memory_space<hbm>> -> memref<80x128xf32, #tpu.memory_space<hbm>>
      tpu.enqueue_dma source(%dma_start3A_25 : memref<80x128xf32, #tpu.memory_space<hbm>>) target(%arg16 : memref<80x128xf32, #tpu.memory_space<vmem>>) target_semaphore(%arg22 : memref<!tpu.dma_semaphore, #tpu.memory_space<semaphore_mem>>)
      %mul3A_26 = arith.constant 56 : i32
      %mul3A_27 = arith.muli %arg1, %mul3A_26 : i32
      %add3A_28 = arith.constant 2 : i32
      %add3A_29 = arith.addi %mul3A_27, %add3A_28 : i32
      %mul3A_30 = arith.constant 80 : i32
      %mul3A_31 = arith.muli %add3A_29, %mul3A_30 : i32
      %dma_start3A_32 = arith.constant 0 : i32
      %dma_start3A_33 = tpu.memref_slice %arg2[%mul3A_31, %dma_start3A_32] : memref<71680x128xf32, #tpu.memory_space<hbm>> -> memref<80x128xf32, #tpu.memory_space<hbm>>
      %dma_start3A_34 = arith.constant 0 : i32
      %dma_start3A_35 = tpu.memref_slice %arg2[%mul3A_31, %dma_start3A_34] : memref<71680x128xf32, #tpu.memory_space<hbm>> -> memref<80x128xf32, #tpu.memory_space<hbm>>
      tpu.enqueue_dma source(%dma_start3A_35 : memref<80x128xf32, #tpu.memory_space<hbm>>) target(%arg17 : memref<80x128xf32, #tpu.memory_space<vmem>>) target_semaphore(%arg23 : memref<!tpu.dma_semaphore, #tpu.memory_space<semaphore_mem>>)
      %mul3A_36 = arith.constant 56 : i32
      %mul3A_37 = arith.muli %arg1, %mul3A_36 : i32
      %add3A_38 = arith.constant 3 : i32
      %add3A_39 = arith.addi %mul3A_37, %add3A_38 : i32
      %mul3A_40 = arith.constant 80 : i32
      %mul3A_41 = arith.muli %add3A_39, %mul3A_40 : i32
      %dma_start3A_42 = arith.constant 0 : i32
      %dma_start3A_43 = tpu.memref_slice %arg2[%mul3A_41, %dma_start3A_42] : memref<71680x128xf32, #tpu.memory_space<hbm>> -> memref<80x128xf32, #tpu.memory_space<hbm>>
      %dma_start3A_44 = arith.constant 0 : i32
      %dma_start3A_45 = tpu.memref_slice %arg2[%mul3A_41, %dma_start3A_44] : memref<71680x128xf32, #tpu.memory_space<hbm>> -> memref<80x128xf32, #tpu.memory_space<hbm>>
      tpu.enqueue_dma source(%dma_start3A_45 : memref<80x128xf32, #tpu.memory_space<hbm>>) target(%arg18 : memref<80x128xf32, #tpu.memory_space<vmem>>) target_semaphore(%arg24 : memref<!tpu.dma_semaphore, #tpu.memory_space<semaphore_mem>>)
      "tpu.region"() ({
        %run_scoped3A = tpu.sem_alloc : memref<!tpu.dma_semaphore, #tpu.memory_space<semaphore_mem>>
        %dma_start3A_157 = arith.constant 0 : i32
        %dma_start3A_158 = tpu.memref_slice %arg20[%mul3A_0, %dma_start3A_157] : memref<10112x128xf32, #tpu.memory_space<vmem_shared>> -> memref<632x128xf32, #tpu.memory_space<vmem_shared>>
        %dma_start3A_159 = arith.constant 0 : i32
        %dma_start3A_160 = tpu.memref_slice %arg6[%mul3A_0, %dma_start3A_159] : memref<10112x128xf32, #tpu.memory_space<hbm>> -> memref<632x128xf32, #tpu.memory_space<hbm>>
        tpu.enqueue_dma source(%dma_start3A_160 : memref<632x128xf32, #tpu.memory_space<hbm>>) target(%dma_start3A_158 : memref<632x128xf32, #tpu.memory_space<vmem_shared>>) target_semaphore(%run_scoped3A : memref<!tpu.dma_semaphore, #tpu.memory_space<semaphore_mem>>)
        %dma_wait3A_161 = arith.constant 0 : i32
        %dma_wait3A_162 = tpu.memref_slice %arg20[%mul3A_0, %dma_wait3A_161] : memref<10112x128xf32, #tpu.memory_space<vmem_shared>> -> memref<632x128xf32, #tpu.memory_space<vmem_shared>>
        %dma_wait3A_163 = arith.constant 0 : i32
        %dma_wait3A_164 = tpu.memref_slice %arg6[%mul3A_0, %dma_wait3A_163] : memref<10112x128xf32, #tpu.memory_space<hbm>> -> memref<632x128xf32, #tpu.memory_space<hbm>>
        tpu.wait_dma2 semaphore(%run_scoped3A : memref<!tpu.dma_semaphore, #tpu.memory_space<semaphore_mem>>) src(%dma_wait3A_164 : memref<632x128xf32, #tpu.memory_space<hbm>>) dst(%dma_wait3A_162 : memref<632x128xf32, #tpu.memory_space<vmem_shared>>)
        tpu.yield
      }) : () -> ()
      %barrier3A = arith.constant 0 : index
      tpu.barrier barrier_id(%barrier3A)
      %scan3A = arith.constant 0 : i32
      %scan3A_46 = arith.constant 0 : i32
      %scan3A_47 = arith.constant 14 : i32
      %scan3A_48 = arith.addi %scan3A_46, %scan3A_47 : i32
      %scan3A_49 = arith.constant 1 : i32
      scf.for %scan3A_157 = %scan3A_46 to %scan3A_48 step %scan3A_49  : i32 {
        %mul3A_158 = arith.constant 4 : i32
        %mul3A_159 = arith.muli %mul3A_158, %scan3A_157 : i32
        %mul3A_160 = arith.constant 56 : i32
        %mul3A_161 = arith.muli %arg1, %mul3A_160 : i32
        %add3A_162 = arith.constant 0 : i32
        %add3A_163 = arith.addi %mul3A_161, %add3A_162 : i32
        %mul3A_164 = arith.constant 80 : i32
        %mul3A_165 = arith.muli %add3A_163, %mul3A_164 : i32
        %dma_wait3A_166 = arith.constant 0 : i32
        %dma_wait3A_167 = tpu.memref_slice %arg2[%mul3A_165, %dma_wait3A_166] : memref<71680x128xf32, #tpu.memory_space<hbm>> -> memref<80x128xf32, #tpu.memory_space<hbm>>
        %dma_wait3A_168 = arith.constant 0 : i32
        %dma_wait3A_169 = tpu.memref_slice %arg2[%mul3A_165, %dma_wait3A_168] : memref<71680x128xf32, #tpu.memory_space<hbm>> -> memref<80x128xf32, #tpu.memory_space<hbm>>
        tpu.wait_dma2 semaphore(%arg21 : memref<!tpu.dma_semaphore, #tpu.memory_space<semaphore_mem>>) src(%dma_wait3A_169 : memref<80x128xf32, #tpu.memory_space<hbm>>) dst(%arg15 : memref<80x128xf32, #tpu.memory_space<vmem>>)
        %add3A_170 = arith.constant 0 : i32
        %add3A_171 = arith.addi %mul3A_159, %add3A_170 : i32
        %dma_start3A_172 = arith.constant 0 : i32
        %dma_start3A_173 = tpu.memref_slice %arg19[%add3A_171, %dma_start3A_172] : memref<56x80xi32, #tpu.memory_space<vmem>> -> memref<1x80xi32, #tpu.memory_space<vmem>>
        %dma_start3A_174 = tpu.memref_squeeze %dma_start3A_173 : memref<1x80xi32, #tpu.memory_space<vmem>> -> memref<80xi32, #tpu.memory_space<vmem>>
        %dma_start3A_175 = arith.constant 0 : i32
        %dma_start3A_176 = arith.constant 0 : i32
        %dma_start3A_177 = tpu.memref_slice %arg20[%dma_start3A_175, %dma_start3A_176] : memref<10112x128xf32, #tpu.memory_space<vmem_shared>> -> memref<10112x128xf32, #tpu.memory_space<vmem_shared>>
        tpu.enqueue_indirect_dma source(%arg15 : memref<80x128xf32, #tpu.memory_space<vmem>>) target(%dma_start3A_177 : memref<10112x128xf32, #tpu.memory_space<vmem_shared>>) offsets(%dma_start3A_174 : memref<80xi32, #tpu.memory_space<vmem>>) semaphore(%arg25 : memref<!tpu.dma_semaphore, #tpu.memory_space<semaphore_mem>>) {add = true}
        %mul3A_178 = arith.constant 56 : i32
        %mul3A_179 = arith.muli %arg1, %mul3A_178 : i32
        %add3A_180 = arith.constant 0 : i32
        %add3A_181 = arith.addi %mul3A_179, %add3A_180 : i32
        %mul3A_182 = arith.constant 80 : i32
        %mul3A_183 = arith.muli %add3A_181, %mul3A_182 : i32
        %dma_wait3A_184 = arith.constant 0 : i32
        %dma_wait3A_185 = tpu.memref_slice %arg2[%mul3A_183, %dma_wait3A_184] : memref<71680x128xf32, #tpu.memory_space<hbm>> -> memref<80x128xf32, #tpu.memory_space<hbm>>
        %dma_wait3A_186 = arith.constant 0 : i32
        %dma_wait3A_187 = tpu.memref_slice %arg2[%mul3A_183, %dma_wait3A_186] : memref<71680x128xf32, #tpu.memory_space<hbm>> -> memref<80x128xf32, #tpu.memory_space<hbm>>
        tpu.wait_dma2 semaphore(%arg22 : memref<!tpu.dma_semaphore, #tpu.memory_space<semaphore_mem>>) src(%dma_wait3A_187 : memref<80x128xf32, #tpu.memory_space<hbm>>) dst(%arg16 : memref<80x128xf32, #tpu.memory_space<vmem>>)
        %add3A_188 = arith.constant 1 : i32
        %add3A_189 = arith.addi %mul3A_159, %add3A_188 : i32
        %dma_start3A_190 = arith.constant 0 : i32
        %dma_start3A_191 = tpu.memref_slice %arg19[%add3A_189, %dma_start3A_190] : memref<56x80xi32, #tpu.memory_space<vmem>> -> memref<1x80xi32, #tpu.memory_space<vmem>>
        %dma_start3A_192 = tpu.memref_squeeze %dma_start3A_191 : memref<1x80xi32, #tpu.memory_space<vmem>> -> memref<80xi32, #tpu.memory_space<vmem>>
        %dma_start3A_193 = arith.constant 0 : i32
        %dma_start3A_194 = arith.constant 0 : i32
        %dma_start3A_195 = tpu.memref_slice %arg20[%dma_start3A_193, %dma_start3A_194] : memref<10112x128xf32, #tpu.memory_space<vmem_shared>> -> memref<10112x128xf32, #tpu.memory_space<vmem_shared>>
        tpu.enqueue_indirect_dma source(%arg16 : memref<80x128xf32, #tpu.memory_space<vmem>>) target(%dma_start3A_195 : memref<10112x128xf32, #tpu.memory_space<vmem_shared>>) offsets(%dma_start3A_192 : memref<80xi32, #tpu.memory_space<vmem>>) semaphore(%arg26 : memref<!tpu.dma_semaphore, #tpu.memory_space<semaphore_mem>>) {add = true}
        %mul3A_196 = arith.constant 56 : i32
        %mul3A_197 = arith.muli %arg1, %mul3A_196 : i32
        %add3A_198 = arith.constant 0 : i32
        %add3A_199 = arith.addi %mul3A_197, %add3A_198 : i32
        %mul3A_200 = arith.constant 80 : i32
        %mul3A_201 = arith.muli %add3A_199, %mul3A_200 : i32
        %dma_wait3A_202 = arith.constant 0 : i32
        %dma_wait3A_203 = tpu.memref_slice %arg2[%mul3A_201, %dma_wait3A_202] : memref<71680x128xf32, #tpu.memory_space<hbm>> -> memref<80x128xf32, #tpu.memory_space<hbm>>
        %dma_wait3A_204 = arith.constant 0 : i32
        %dma_wait3A_205 = tpu.memref_slice %arg2[%mul3A_201, %dma_wait3A_204] : memref<71680x128xf32, #tpu.memory_space<hbm>> -> memref<80x128xf32, #tpu.memory_space<hbm>>
        tpu.wait_dma2 semaphore(%arg23 : memref<!tpu.dma_semaphore, #tpu.memory_space<semaphore_mem>>) src(%dma_wait3A_205 : memref<80x128xf32, #tpu.memory_space<hbm>>) dst(%arg17 : memref<80x128xf32, #tpu.memory_space<vmem>>)
        %add3A_206 = arith.constant 2 : i32
        %add3A_207 = arith.addi %mul3A_159, %add3A_206 : i32
        %dma_start3A_208 = arith.constant 0 : i32
        %dma_start3A_209 = tpu.memref_slice %arg19[%add3A_207, %dma_start3A_208] : memref<56x80xi32, #tpu.memory_space<vmem>> -> memref<1x80xi32, #tpu.memory_space<vmem>>
        %dma_start3A_210 = tpu.memref_squeeze %dma_start3A_209 : memref<1x80xi32, #tpu.memory_space<vmem>> -> memref<80xi32, #tpu.memory_space<vmem>>
        %dma_start3A_211 = arith.constant 0 : i32
        %dma_start3A_212 = arith.constant 0 : i32
        %dma_start3A_213 = tpu.memref_slice %arg20[%dma_start3A_211, %dma_start3A_212] : memref<10112x128xf32, #tpu.memory_space<vmem_shared>> -> memref<10112x128xf32, #tpu.memory_space<vmem_shared>>
        tpu.enqueue_indirect_dma source(%arg17 : memref<80x128xf32, #tpu.memory_space<vmem>>) target(%dma_start3A_213 : memref<10112x128xf32, #tpu.memory_space<vmem_shared>>) offsets(%dma_start3A_210 : memref<80xi32, #tpu.memory_space<vmem>>) semaphore(%arg27 : memref<!tpu.dma_semaphore, #tpu.memory_space<semaphore_mem>>) {add = true}
        %mul3A_214 = arith.constant 56 : i32
        %mul3A_215 = arith.muli %arg1, %mul3A_214 : i32
        %add3A_216 = arith.constant 0 : i32
        %add3A_217 = arith.addi %mul3A_215, %add3A_216 : i32
        %mul3A_218 = arith.constant 80 : i32
        %mul3A_219 = arith.muli %add3A_217, %mul3A_218 : i32
        %dma_wait3A_220 = arith.constant 0 : i32
        %dma_wait3A_221 = tpu.memref_slice %arg2[%mul3A_219, %dma_wait3A_220] : memref<71680x128xf32, #tpu.memory_space<hbm>> -> memref<80x128xf32, #tpu.memory_space<hbm>>
        %dma_wait3A_222 = arith.constant 0 : i32
        %dma_wait3A_223 = tpu.memref_slice %arg2[%mul3A_219, %dma_wait3A_222] : memref<71680x128xf32, #tpu.memory_space<hbm>> -> memref<80x128xf32, #tpu.memory_space<hbm>>
        tpu.wait_dma2 semaphore(%arg24 : memref<!tpu.dma_semaphore, #tpu.memory_space<semaphore_mem>>) src(%dma_wait3A_223 : memref<80x128xf32, #tpu.memory_space<hbm>>) dst(%arg18 : memref<80x128xf32, #tpu.memory_space<vmem>>)
        %add3A_224 = arith.constant 3 : i32
        %add3A_225 = arith.addi %mul3A_159, %add3A_224 : i32
        %dma_start3A_226 = arith.constant 0 : i32
        %dma_start3A_227 = tpu.memref_slice %arg19[%add3A_225, %dma_start3A_226] : memref<56x80xi32, #tpu.memory_space<vmem>> -> memref<1x80xi32, #tpu.memory_space<vmem>>
        %dma_start3A_228 = tpu.memref_squeeze %dma_start3A_227 : memref<1x80xi32, #tpu.memory_space<vmem>> -> memref<80xi32, #tpu.memory_space<vmem>>
        %dma_start3A_229 = arith.constant 0 : i32
        %dma_start3A_230 = arith.constant 0 : i32
        %dma_start3A_231 = tpu.memref_slice %arg20[%dma_start3A_229, %dma_start3A_230] : memref<10112x128xf32, #tpu.memory_space<vmem_shared>> -> memref<10112x128xf32, #tpu.memory_space<vmem_shared>>
        tpu.enqueue_indirect_dma source(%arg18 : memref<80x128xf32, #tpu.memory_space<vmem>>) target(%dma_start3A_231 : memref<10112x128xf32, #tpu.memory_space<vmem_shared>>) offsets(%dma_start3A_228 : memref<80xi32, #tpu.memory_space<vmem>>) semaphore(%arg28 : memref<!tpu.dma_semaphore, #tpu.memory_space<semaphore_mem>>) {add = true}
        %lt3A = arith.constant 13 : i32
        %lt3A_232 = arith.cmpi slt, %scan3A_157, %lt3A : i32
        %convert_element_type3A_233 = arith.extui %lt3A_232 : i1 to i32
        %cond3A_234 = arith.constant 0 : i32
        %cond3A_235 = arith.cmpi ne, %convert_element_type3A_233, %cond3A_234 : i32
        scf.if %cond3A_235 {
          %dma_wait3A_236 = arith.constant 0 : i32
          %dma_wait3A_237 = arith.constant 0 : i32
          %dma_wait3A_238 = tpu.memref_slice %arg19[%dma_wait3A_236, %dma_wait3A_237] : memref<56x80xi32, #tpu.memory_space<vmem>> -> memref<1x80xi32, #tpu.memory_space<vmem>>
          %dma_wait3A_239 = tpu.memref_squeeze %dma_wait3A_238 : memref<1x80xi32, #tpu.memory_space<vmem>> -> memref<80xi32, #tpu.memory_space<vmem>>
          %dma_wait3A_240 = arith.constant 0 : i32
          %dma_wait3A_241 = arith.constant 0 : i32
          %dma_wait3A_242 = tpu.memref_slice %arg20[%dma_wait3A_240, %dma_wait3A_241] : memref<10112x128xf32, #tpu.memory_space<vmem_shared>> -> memref<10112x128xf32, #tpu.memory_space<vmem_shared>>
          tpu.wait_indirect_dma semaphore(%arg25 : memref<!tpu.dma_semaphore, #tpu.memory_space<semaphore_mem>>) src(%arg15 : memref<80x128xf32, #tpu.memory_space<vmem>>) dst(%dma_wait3A_242 : memref<10112x128xf32, #tpu.memory_space<vmem_shared>>)
          %add3A_243 = arith.constant 4 : i32
          %add3A_244 = arith.addi %mul3A_159, %add3A_243 : i32
          %add3A_245 = arith.constant 0 : i32
          %add3A_246 = arith.addi %add3A_244, %add3A_245 : i32
          %mul3A_247 = arith.constant 56 : i32
          %mul3A_248 = arith.muli %arg1, %mul3A_247 : i32
          %add3A_249 = arith.addi %mul3A_248, %add3A_246 : i32
          %mul3A_250 = arith.constant 80 : i32
          %mul3A_251 = arith.muli %add3A_249, %mul3A_250 : i32
          %dma_start3A_252 = arith.constant 0 : i32
          %dma_start3A_253 = tpu.memref_slice %arg2[%mul3A_251, %dma_start3A_252] : memref<71680x128xf32, #tpu.memory_space<hbm>> -> memref<80x128xf32, #tpu.memory_space<hbm>>
          %dma_start3A_254 = arith.constant 0 : i32
          %dma_start3A_255 = tpu.memref_slice %arg2[%mul3A_251, %dma_start3A_254] : memref<71680x128xf32, #tpu.memory_space<hbm>> -> memref<80x128xf32, #tpu.memory_space<hbm>>
          tpu.enqueue_dma source(%dma_start3A_255 : memref<80x128xf32, #tpu.memory_space<hbm>>) target(%arg15 : memref<80x128xf32, #tpu.memory_space<vmem>>) target_semaphore(%arg21 : memref<!tpu.dma_semaphore, #tpu.memory_space<semaphore_mem>>)
          %dma_wait3A_256 = arith.constant 0 : i32
          %dma_wait3A_257 = arith.constant 0 : i32
          %dma_wait3A_258 = tpu.memref_slice %arg19[%dma_wait3A_256, %dma_wait3A_257] : memref<56x80xi32, #tpu.memory_space<vmem>> -> memref<1x80xi32, #tpu.memory_space<vmem>>
          %dma_wait3A_259 = tpu.memref_squeeze %dma_wait3A_258 : memref<1x80xi32, #tpu.memory_space<vmem>> -> memref<80xi32, #tpu.memory_space<vmem>>
          %dma_wait3A_260 = arith.constant 0 : i32
          %dma_wait3A_261 = arith.constant 0 : i32
          %dma_wait3A_262 = tpu.memref_slice %arg20[%dma_wait3A_260, %dma_wait3A_261] : memref<10112x128xf32, #tpu.memory_space<vmem_shared>> -> memref<10112x128xf32, #tpu.memory_space<vmem_shared>>
          tpu.wait_indirect_dma semaphore(%arg26 : memref<!tpu.dma_semaphore, #tpu.memory_space<semaphore_mem>>) src(%arg16 : memref<80x128xf32, #tpu.memory_space<vmem>>) dst(%dma_wait3A_262 : memref<10112x128xf32, #tpu.memory_space<vmem_shared>>)
          %add3A_263 = arith.constant 4 : i32
          %add3A_264 = arith.addi %mul3A_159, %add3A_263 : i32
          %add3A_265 = arith.constant 1 : i32
          %add3A_266 = arith.addi %add3A_264, %add3A_265 : i32
          %mul3A_267 = arith.constant 56 : i32
          %mul3A_268 = arith.muli %arg1, %mul3A_267 : i32
          %add3A_269 = arith.addi %mul3A_268, %add3A_266 : i32
          %mul3A_270 = arith.constant 80 : i32
          %mul3A_271 = arith.muli %add3A_269, %mul3A_270 : i32
          %dma_start3A_272 = arith.constant 0 : i32
          %dma_start3A_273 = tpu.memref_slice %arg2[%mul3A_271, %dma_start3A_272] : memref<71680x128xf32, #tpu.memory_space<hbm>> -> memref<80x128xf32, #tpu.memory_space<hbm>>
          %dma_start3A_274 = arith.constant 0 : i32
          %dma_start3A_275 = tpu.memref_slice %arg2[%mul3A_271, %dma_start3A_274] : memref<71680x128xf32, #tpu.memory_space<hbm>> -> memref<80x128xf32, #tpu.memory_space<hbm>>
          tpu.enqueue_dma source(%dma_start3A_275 : memref<80x128xf32, #tpu.memory_space<hbm>>) target(%arg16 : memref<80x128xf32, #tpu.memory_space<vmem>>) target_semaphore(%arg22 : memref<!tpu.dma_semaphore, #tpu.memory_space<semaphore_mem>>)
          %dma_wait3A_276 = arith.constant 0 : i32
          %dma_wait3A_277 = arith.constant 0 : i32
          %dma_wait3A_278 = tpu.memref_slice %arg19[%dma_wait3A_276, %dma_wait3A_277] : memref<56x80xi32, #tpu.memory_space<vmem>> -> memref<1x80xi32, #tpu.memory_space<vmem>>
          %dma_wait3A_279 = tpu.memref_squeeze %dma_wait3A_278 : memref<1x80xi32, #tpu.memory_space<vmem>> -> memref<80xi32, #tpu.memory_space<vmem>>
          %dma_wait3A_280 = arith.constant 0 : i32
          %dma_wait3A_281 = arith.constant 0 : i32
          %dma_wait3A_282 = tpu.memref_slice %arg20[%dma_wait3A_280, %dma_wait3A_281] : memref<10112x128xf32, #tpu.memory_space<vmem_shared>> -> memref<10112x128xf32, #tpu.memory_space<vmem_shared>>
          tpu.wait_indirect_dma semaphore(%arg27 : memref<!tpu.dma_semaphore, #tpu.memory_space<semaphore_mem>>) src(%arg17 : memref<80x128xf32, #tpu.memory_space<vmem>>) dst(%dma_wait3A_282 : memref<10112x128xf32, #tpu.memory_space<vmem_shared>>)
          %add3A_283 = arith.constant 4 : i32
          %add3A_284 = arith.addi %mul3A_159, %add3A_283 : i32
          %add3A_285 = arith.constant 2 : i32
          %add3A_286 = arith.addi %add3A_284, %add3A_285 : i32
          %mul3A_287 = arith.constant 56 : i32
          %mul3A_288 = arith.muli %arg1, %mul3A_287 : i32
          %add3A_289 = arith.addi %mul3A_288, %add3A_286 : i32
          %mul3A_290 = arith.constant 80 : i32
          %mul3A_291 = arith.muli %add3A_289, %mul3A_290 : i32
          %dma_start3A_292 = arith.constant 0 : i32
          %dma_start3A_293 = tpu.memref_slice %arg2[%mul3A_291, %dma_start3A_292] : memref<71680x128xf32, #tpu.memory_space<hbm>> -> memref<80x128xf32, #tpu.memory_space<hbm>>
          %dma_start3A_294 = arith.constant 0 : i32
          %dma_start3A_295 = tpu.memref_slice %arg2[%mul3A_291, %dma_start3A_294] : memref<71680x128xf32, #tpu.memory_space<hbm>> -> memref<80x128xf32, #tpu.memory_space<hbm>>
          tpu.enqueue_dma source(%dma_start3A_295 : memref<80x128xf32, #tpu.memory_space<hbm>>) target(%arg17 : memref<80x128xf32, #tpu.memory_space<vmem>>) target_semaphore(%arg23 : memref<!tpu.dma_semaphore, #tpu.memory_space<semaphore_mem>>)
          %dma_wait3A_296 = arith.constant 0 : i32
          %dma_wait3A_297 = arith.constant 0 : i32
          %dma_wait3A_298 = tpu.memref_slice %arg19[%dma_wait3A_296, %dma_wait3A_297] : memref<56x80xi32, #tpu.memory_space<vmem>> -> memref<1x80xi32, #tpu.memory_space<vmem>>
          %dma_wait3A_299 = tpu.memref_squeeze %dma_wait3A_298 : memref<1x80xi32, #tpu.memory_space<vmem>> -> memref<80xi32, #tpu.memory_space<vmem>>
          %dma_wait3A_300 = arith.constant 0 : i32
          %dma_wait3A_301 = arith.constant 0 : i32
          %dma_wait3A_302 = tpu.memref_slice %arg20[%dma_wait3A_300, %dma_wait3A_301] : memref<10112x128xf32, #tpu.memory_space<vmem_shared>> -> memref<10112x128xf32, #tpu.memory_space<vmem_shared>>
          tpu.wait_indirect_dma semaphore(%arg28 : memref<!tpu.dma_semaphore, #tpu.memory_space<semaphore_mem>>) src(%arg18 : memref<80x128xf32, #tpu.memory_space<vmem>>) dst(%dma_wait3A_302 : memref<10112x128xf32, #tpu.memory_space<vmem_shared>>)
          %add3A_303 = arith.constant 4 : i32
          %add3A_304 = arith.addi %mul3A_159, %add3A_303 : i32
          %add3A_305 = arith.constant 3 : i32
          %add3A_306 = arith.addi %add3A_304, %add3A_305 : i32
          %mul3A_307 = arith.constant 56 : i32
          %mul3A_308 = arith.muli %arg1, %mul3A_307 : i32
          %add3A_309 = arith.addi %mul3A_308, %add3A_306 : i32
          %mul3A_310 = arith.constant 80 : i32
          %mul3A_311 = arith.muli %add3A_309, %mul3A_310 : i32
          %dma_start3A_312 = arith.constant 0 : i32
          %dma_start3A_313 = tpu.memref_slice %arg2[%mul3A_311, %dma_start3A_312] : memref<71680x128xf32, #tpu.memory_space<hbm>> -> memref<80x128xf32, #tpu.memory_space<hbm>>
          %dma_start3A_314 = arith.constant 0 : i32
          %dma_start3A_315 = tpu.memref_slice %arg2[%mul3A_311, %dma_start3A_314] : memref<71680x128xf32, #tpu.memory_space<hbm>> -> memref<80x128xf32, #tpu.memory_space<hbm>>
          tpu.enqueue_dma source(%dma_start3A_315 : memref<80x128xf32, #tpu.memory_space<hbm>>) target(%arg18 : memref<80x128xf32, #tpu.memory_space<vmem>>) target_semaphore(%arg24 : memref<!tpu.dma_semaphore, #tpu.memory_space<semaphore_mem>>)
        } else {
        }
      }
      %scan3A_50 = arith.constant 14 : i32
      %dma_wait3A = arith.constant 0 : i32
      %dma_wait3A_51 = arith.constant 0 : i32
      %dma_wait3A_52 = tpu.memref_slice %arg19[%dma_wait3A, %dma_wait3A_51] : memref<56x80xi32, #tpu.memory_space<vmem>> -> memref<1x80xi32, #tpu.memory_space<vmem>>
      %dma_wait3A_53 = tpu.memref_squeeze %dma_wait3A_52 : memref<1x80xi32, #tpu.memory_space<vmem>> -> memref<80xi32, #tpu.memory_space<vmem>>
      %dma_wait3A_54 = arith.constant 0 : i32
      %dma_wait3A_55 = arith.constant 0 : i32
      %dma_wait3A_56 = tpu.memref_slice %arg20[%dma_wait3A_54, %dma_wait3A_55] : memref<10112x128xf32, #tpu.memory_space<vmem_shared>> -> memref<10112x128xf32, #tpu.memory_space<vmem_shared>>
      tpu.wait_indirect_dma semaphore(%arg25 : memref<!tpu.dma_semaphore, #tpu.memory_space<semaphore_mem>>) src(%arg15 : memref<80x128xf32, #tpu.memory_space<vmem>>) dst(%dma_wait3A_56 : memref<10112x128xf32, #tpu.memory_space<vmem_shared>>)
      %dma_wait3A_57 = arith.constant 0 : i32
      %dma_wait3A_58 = arith.constant 0 : i32
      %dma_wait3A_59 = tpu.memref_slice %arg19[%dma_wait3A_57, %dma_wait3A_58] : memref<56x80xi32, #tpu.memory_space<vmem>> -> memref<1x80xi32, #tpu.memory_space<vmem>>
      %dma_wait3A_60 = tpu.memref_squeeze %dma_wait3A_59 : memref<1x80xi32, #tpu.memory_space<vmem>> -> memref<80xi32, #tpu.memory_space<vmem>>
      %dma_wait3A_61 = arith.constant 0 : i32
      %dma_wait3A_62 = arith.constant 0 : i32
      %dma_wait3A_63 = tpu.memref_slice %arg20[%dma_wait3A_61, %dma_wait3A_62] : memref<10112x128xf32, #tpu.memory_space<vmem_shared>> -> memref<10112x128xf32, #tpu.memory_space<vmem_shared>>
      tpu.wait_indirect_dma semaphore(%arg26 : memref<!tpu.dma_semaphore, #tpu.memory_space<semaphore_mem>>) src(%arg16 : memref<80x128xf32, #tpu.memory_space<vmem>>) dst(%dma_wait3A_63 : memref<10112x128xf32, #tpu.memory_space<vmem_shared>>)
      %dma_wait3A_64 = arith.constant 0 : i32
      %dma_wait3A_65 = arith.constant 0 : i32
      %dma_wait3A_66 = tpu.memref_slice %arg19[%dma_wait3A_64, %dma_wait3A_65] : memref<56x80xi32, #tpu.memory_space<vmem>> -> memref<1x80xi32, #tpu.memory_space<vmem>>
      %dma_wait3A_67 = tpu.memref_squeeze %dma_wait3A_66 : memref<1x80xi32, #tpu.memory_space<vmem>> -> memref<80xi32, #tpu.memory_space<vmem>>
      %dma_wait3A_68 = arith.constant 0 : i32
      %dma_wait3A_69 = arith.constant 0 : i32
      %dma_wait3A_70 = tpu.memref_slice %arg20[%dma_wait3A_68, %dma_wait3A_69] : memref<10112x128xf32, #tpu.memory_space<vmem_shared>> -> memref<10112x128xf32, #tpu.memory_space<vmem_shared>>
      tpu.wait_indirect_dma semaphore(%arg27 : memref<!tpu.dma_semaphore, #tpu.memory_space<semaphore_mem>>) src(%arg17 : memref<80x128xf32, #tpu.memory_space<vmem>>) dst(%dma_wait3A_70 : memref<10112x128xf32, #tpu.memory_space<vmem_shared>>)
      %dma_wait3A_71 = arith.constant 0 : i32
      %dma_wait3A_72 = arith.constant 0 : i32
      %dma_wait3A_73 = tpu.memref_slice %arg19[%dma_wait3A_71, %dma_wait3A_72] : memref<56x80xi32, #tpu.memory_space<vmem>> -> memref<1x80xi32, #tpu.memory_space<vmem>>
      %dma_wait3A_74 = tpu.memref_squeeze %dma_wait3A_73 : memref<1x80xi32, #tpu.memory_space<vmem>> -> memref<80xi32, #tpu.memory_space<vmem>>
      %dma_wait3A_75 = arith.constant 0 : i32
      %dma_wait3A_76 = arith.constant 0 : i32
      %dma_wait3A_77 = tpu.memref_slice %arg20[%dma_wait3A_75, %dma_wait3A_76] : memref<10112x128xf32, #tpu.memory_space<vmem_shared>> -> memref<10112x128xf32, #tpu.memory_space<vmem_shared>>
      tpu.wait_indirect_dma semaphore(%arg28 : memref<!tpu.dma_semaphore, #tpu.memory_space<semaphore_mem>>) src(%arg18 : memref<80x128xf32, #tpu.memory_space<vmem>>) dst(%dma_wait3A_77 : memref<10112x128xf32, #tpu.memory_space<vmem_shared>>)
      %barrier3A_78 = arith.constant 0 : index
      tpu.barrier barrier_id(%barrier3A_78)
      "tpu.region"() ({
        %run_scoped3A = tpu.sem_alloc : memref<!tpu.dma_semaphore, #tpu.memory_space<semaphore_mem>>
        %dma_start3A_157 = arith.constant 0 : i32
        %dma_start3A_158 = tpu.memref_slice %arg11[%mul3A_0, %dma_start3A_157] : memref<10112x128xf32, #tpu.memory_space<hbm>> -> memref<632x128xf32, #tpu.memory_space<hbm>>
        %dma_start3A_159 = arith.constant 0 : i32
        %dma_start3A_160 = tpu.memref_slice %arg20[%mul3A_0, %dma_start3A_159] : memref<10112x128xf32, #tpu.memory_space<vmem_shared>> -> memref<632x128xf32, #tpu.memory_space<vmem_shared>>
        tpu.enqueue_dma source(%dma_start3A_160 : memref<632x128xf32, #tpu.memory_space<vmem_shared>>) target(%dma_start3A_158 : memref<632x128xf32, #tpu.memory_space<hbm>>) target_semaphore(%run_scoped3A : memref<!tpu.dma_semaphore, #tpu.memory_space<semaphore_mem>>)
        %dma_wait3A_161 = arith.constant 0 : i32
        %dma_wait3A_162 = tpu.memref_slice %arg11[%mul3A_0, %dma_wait3A_161] : memref<10112x128xf32, #tpu.memory_space<hbm>> -> memref<632x128xf32, #tpu.memory_space<hbm>>
        %dma_wait3A_163 = arith.constant 0 : i32
        %dma_wait3A_164 = tpu.memref_slice %arg20[%mul3A_0, %dma_wait3A_163] : memref<10112x128xf32, #tpu.memory_space<vmem_shared>> -> memref<632x128xf32, #tpu.memory_space<vmem_shared>>
        tpu.wait_dma2 semaphore(%run_scoped3A : memref<!tpu.dma_semaphore, #tpu.memory_space<semaphore_mem>>) src(%dma_wait3A_164 : memref<632x128xf32, #tpu.memory_space<vmem_shared>>) dst(%dma_wait3A_162 : memref<632x128xf32, #tpu.memory_space<hbm>>)
        tpu.yield
      }) : () -> ()
      %barrier3A_79 = arith.constant 0 : index
      tpu.barrier barrier_id(%barrier3A_79)
      %mul3A_80 = arith.constant 56 : i32
      %mul3A_81 = arith.muli %arg1, %mul3A_80 : i32
      %add3A_82 = arith.constant 0 : i32
      %add3A_83 = arith.addi %mul3A_81, %add3A_82 : i32
      %mul3A_84 = arith.constant 80 : i32
      %mul3A_85 = arith.muli %add3A_83, %mul3A_84 : i32
      %dma_start3A_86 = arith.constant 0 : i32
      %dma_start3A_87 = tpu.memref_slice %arg3[%mul3A_85, %dma_start3A_86] : memref<71680x128xf32, #tpu.memory_space<hbm>> -> memref<80x128xf32, #tpu.memory_space<hbm>>
      %dma_start3A_88 = arith.constant 0 : i32
      %dma_start3A_89 = tpu.memref_slice %arg3[%mul3A_85, %dma_start3A_88] : memref<71680x128xf32, #tpu.memory_space<hbm>> -> memref<80x128xf32, #tpu.memory_space<hbm>>
      tpu.enqueue_dma source(%dma_start3A_89 : memref<80x128xf32, #tpu.memory_space<hbm>>) target(%arg15 : memref<80x128xf32, #tpu.memory_space<vmem>>) target_semaphore(%arg21 : memref<!tpu.dma_semaphore, #tpu.memory_space<semaphore_mem>>)
      %mul3A_90 = arith.constant 56 : i32
      %mul3A_91 = arith.muli %arg1, %mul3A_90 : i32
      %add3A_92 = arith.constant 1 : i32
      %add3A_93 = arith.addi %mul3A_91, %add3A_92 : i32
      %mul3A_94 = arith.constant 80 : i32
      %mul3A_95 = arith.muli %add3A_93, %mul3A_94 : i32
      %dma_start3A_96 = arith.constant 0 : i32
      %dma_start3A_97 = tpu.memref_slice %arg3[%mul3A_95, %dma_start3A_96] : memref<71680x128xf32, #tpu.memory_space<hbm>> -> memref<80x128xf32, #tpu.memory_space<hbm>>
      %dma_start3A_98 = arith.constant 0 : i32
      %dma_start3A_99 = tpu.memref_slice %arg3[%mul3A_95, %dma_start3A_98] : memref<71680x128xf32, #tpu.memory_space<hbm>> -> memref<80x128xf32, #tpu.memory_space<hbm>>
      tpu.enqueue_dma source(%dma_start3A_99 : memref<80x128xf32, #tpu.memory_space<hbm>>) target(%arg16 : memref<80x128xf32, #tpu.memory_space<vmem>>) target_semaphore(%arg22 : memref<!tpu.dma_semaphore, #tpu.memory_space<semaphore_mem>>)
      %mul3A_100 = arith.constant 56 : i32
      %mul3A_101 = arith.muli %arg1, %mul3A_100 : i32
      %add3A_102 = arith.constant 2 : i32
      %add3A_103 = arith.addi %mul3A_101, %add3A_102 : i32
      %mul3A_104 = arith.constant 80 : i32
      %mul3A_105 = arith.muli %add3A_103, %mul3A_104 : i32
      %dma_start3A_106 = arith.constant 0 : i32
      %dma_start3A_107 = tpu.memref_slice %arg3[%mul3A_105, %dma_start3A_106] : memref<71680x128xf32, #tpu.memory_space<hbm>> -> memref<80x128xf32, #tpu.memory_space<hbm>>
      %dma_start3A_108 = arith.constant 0 : i32
      %dma_start3A_109 = tpu.memref_slice %arg3[%mul3A_105, %dma_start3A_108] : memref<71680x128xf32, #tpu.memory_space<hbm>> -> memref<80x128xf32, #tpu.memory_space<hbm>>
      tpu.enqueue_dma source(%dma_start3A_109 : memref<80x128xf32, #tpu.memory_space<hbm>>) target(%arg17 : memref<80x128xf32, #tpu.memory_space<vmem>>) target_semaphore(%arg23 : memref<!tpu.dma_semaphore, #tpu.memory_space<semaphore_mem>>)
      %mul3A_110 = arith.constant 56 : i32
      %mul3A_111 = arith.muli %arg1, %mul3A_110 : i32
      %add3A_112 = arith.constant 3 : i32
      %add3A_113 = arith.addi %mul3A_111, %add3A_112 : i32
      %mul3A_114 = arith.constant 80 : i32
      %mul3A_115 = arith.muli %add3A_113, %mul3A_114 : i32
      %dma_start3A_116 = arith.constant 0 : i32
      %dma_start3A_117 = tpu.memref_slice %arg3[%mul3A_115, %dma_start3A_116] : memref<71680x128xf32, #tpu.memory_space<hbm>> -> memref<80x128xf32, #tpu.memory_space<hbm>>
      %dma_start3A_118 = arith.constant 0 : i32
      %dma_start3A_119 = tpu.memref_slice %arg3[%mul3A_115, %dma_start3A_118] : memref<71680x128xf32, #tpu.memory_space<hbm>> -> memref<80x128xf32, #tpu.memory_space<hbm>>
      tpu.enqueue_dma source(%dma_start3A_119 : memref<80x128xf32, #tpu.memory_space<hbm>>) target(%arg18 : memref<80x128xf32, #tpu.memory_space<vmem>>) target_semaphore(%arg24 : memref<!tpu.dma_semaphore, #tpu.memory_space<semaphore_mem>>)
      "tpu.region"() ({
        %run_scoped3A = tpu.sem_alloc : memref<!tpu.dma_semaphore, #tpu.memory_space<semaphore_mem>>
        %dma_start3A_157 = arith.constant 0 : i32
        %dma_start3A_158 = tpu.memref_slice %arg20[%mul3A_0, %dma_start3A_157] : memref<10112x128xf32, #tpu.memory_space<vmem_shared>> -> memref<632x128xf32, #tpu.memory_space<vmem_shared>>
        %dma_start3A_159 = arith.constant 0 : i32
        %dma_start3A_160 = tpu.memref_slice %arg7[%mul3A_0, %dma_start3A_159] : memref<10112x128xf32, #tpu.memory_space<hbm>> -> memref<632x128xf32, #tpu.memory_space<hbm>>
        tpu.enqueue_dma source(%dma_start3A_160 : memref<632x128xf32, #tpu.memory_space<hbm>>) target(%dma_start3A_158 : memref<632x128xf32, #tpu.memory_space<vmem_shared>>) target_semaphore(%run_scoped3A : memref<!tpu.dma_semaphore, #tpu.memory_space<semaphore_mem>>)
        %dma_wait3A_161 = arith.constant 0 : i32
        %dma_wait3A_162 = tpu.memref_slice %arg20[%mul3A_0, %dma_wait3A_161] : memref<10112x128xf32, #tpu.memory_space<vmem_shared>> -> memref<632x128xf32, #tpu.memory_space<vmem_shared>>
        %dma_wait3A_163 = arith.constant 0 : i32
        %dma_wait3A_164 = tpu.memref_slice %arg7[%mul3A_0, %dma_wait3A_163] : memref<10112x128xf32, #tpu.memory_space<hbm>> -> memref<632x128xf32, #tpu.memory_space<hbm>>
        tpu.wait_dma2 semaphore(%run_scoped3A : memref<!tpu.dma_semaphore, #tpu.memory_space<semaphore_mem>>) src(%dma_wait3A_164 : memref<632x128xf32, #tpu.memory_space<hbm>>) dst(%dma_wait3A_162 : memref<632x128xf32, #tpu.memory_space<vmem_shared>>)
        tpu.yield
      }) : () -> ()
      %barrier3A_120 = arith.constant 0 : index
      tpu.barrier barrier_id(%barrier3A_120)
      %scan3A_121 = arith.constant 0 : i32
      %scan3A_122 = arith.constant 0 : i32
      %scan3A_123 = arith.constant 14 : i32
      %scan3A_124 = arith.addi %scan3A_122, %scan3A_123 : i32
      %scan3A_125 = arith.constant 1 : i32
      scf.for %scan3A_157 = %scan3A_122 to %scan3A_124 step %scan3A_125  : i32 {
        %mul3A_158 = arith.constant 4 : i32
        %mul3A_159 = arith.muli %mul3A_158, %scan3A_157 : i32
        %mul3A_160 = arith.constant 56 : i32
        %mul3A_161 = arith.muli %arg1, %mul3A_160 : i32
        %add3A_162 = arith.constant 0 : i32
        %add3A_163 = arith.addi %mul3A_161, %add3A_162 : i32
        %mul3A_164 = arith.constant 80 : i32
        %mul3A_165 = arith.muli %add3A_163, %mul3A_164 : i32
        %dma_wait3A_166 = arith.constant 0 : i32
        %dma_wait3A_167 = tpu.memref_slice %arg3[%mul3A_165, %dma_wait3A_166] : memref<71680x128xf32, #tpu.memory_space<hbm>> -> memref<80x128xf32, #tpu.memory_space<hbm>>
        %dma_wait3A_168 = arith.constant 0 : i32
        %dma_wait3A_169 = tpu.memref_slice %arg3[%mul3A_165, %dma_wait3A_168] : memref<71680x128xf32, #tpu.memory_space<hbm>> -> memref<80x128xf32, #tpu.memory_space<hbm>>
        tpu.wait_dma2 semaphore(%arg21 : memref<!tpu.dma_semaphore, #tpu.memory_space<semaphore_mem>>) src(%dma_wait3A_169 : memref<80x128xf32, #tpu.memory_space<hbm>>) dst(%arg15 : memref<80x128xf32, #tpu.memory_space<vmem>>)
        %add3A_170 = arith.constant 0 : i32
        %add3A_171 = arith.addi %mul3A_159, %add3A_170 : i32
        %dma_start3A_172 = arith.constant 0 : i32
        %dma_start3A_173 = tpu.memref_slice %arg19[%add3A_171, %dma_start3A_172] : memref<56x80xi32, #tpu.memory_space<vmem>> -> memref<1x80xi32, #tpu.memory_space<vmem>>
        %dma_start3A_174 = tpu.memref_squeeze %dma_start3A_173 : memref<1x80xi32, #tpu.memory_space<vmem>> -> memref<80xi32, #tpu.memory_space<vmem>>
        %dma_start3A_175 = arith.constant 0 : i32
        %dma_start3A_176 = arith.constant 0 : i32
        %dma_start3A_177 = tpu.memref_slice %arg20[%dma_start3A_175, %dma_start3A_176] : memref<10112x128xf32, #tpu.memory_space<vmem_shared>> -> memref<10112x128xf32, #tpu.memory_space<vmem_shared>>
        tpu.enqueue_indirect_dma source(%arg15 : memref<80x128xf32, #tpu.memory_space<vmem>>) target(%dma_start3A_177 : memref<10112x128xf32, #tpu.memory_space<vmem_shared>>) offsets(%dma_start3A_174 : memref<80xi32, #tpu.memory_space<vmem>>) semaphore(%arg25 : memref<!tpu.dma_semaphore, #tpu.memory_space<semaphore_mem>>) {add = true}
        %mul3A_178 = arith.constant 56 : i32
        %mul3A_179 = arith.muli %arg1, %mul3A_178 : i32
        %add3A_180 = arith.constant 0 : i32
        %add3A_181 = arith.addi %mul3A_179, %add3A_180 : i32
        %mul3A_182 = arith.constant 80 : i32
        %mul3A_183 = arith.muli %add3A_181, %mul3A_182 : i32
        %dma_wait3A_184 = arith.constant 0 : i32
        %dma_wait3A_185 = tpu.memref_slice %arg3[%mul3A_183, %dma_wait3A_184] : memref<71680x128xf32, #tpu.memory_space<hbm>> -> memref<80x128xf32, #tpu.memory_space<hbm>>
        %dma_wait3A_186 = arith.constant 0 : i32
        %dma_wait3A_187 = tpu.memref_slice %arg3[%mul3A_183, %dma_wait3A_186] : memref<71680x128xf32, #tpu.memory_space<hbm>> -> memref<80x128xf32, #tpu.memory_space<hbm>>
        tpu.wait_dma2 semaphore(%arg22 : memref<!tpu.dma_semaphore, #tpu.memory_space<semaphore_mem>>) src(%dma_wait3A_187 : memref<80x128xf32, #tpu.memory_space<hbm>>) dst(%arg16 : memref<80x128xf32, #tpu.memory_space<vmem>>)
        %add3A_188 = arith.constant 1 : i32
        %add3A_189 = arith.addi %mul3A_159, %add3A_188 : i32
        %dma_start3A_190 = arith.constant 0 : i32
        %dma_start3A_191 = tpu.memref_slice %arg19[%add3A_189, %dma_start3A_190] : memref<56x80xi32, #tpu.memory_space<vmem>> -> memref<1x80xi32, #tpu.memory_space<vmem>>
        %dma_start3A_192 = tpu.memref_squeeze %dma_start3A_191 : memref<1x80xi32, #tpu.memory_space<vmem>> -> memref<80xi32, #tpu.memory_space<vmem>>
        %dma_start3A_193 = arith.constant 0 : i32
        %dma_start3A_194 = arith.constant 0 : i32
        %dma_start3A_195 = tpu.memref_slice %arg20[%dma_start3A_193, %dma_start3A_194] : memref<10112x128xf32, #tpu.memory_space<vmem_shared>> -> memref<10112x128xf32, #tpu.memory_space<vmem_shared>>
        tpu.enqueue_indirect_dma source(%arg16 : memref<80x128xf32, #tpu.memory_space<vmem>>) target(%dma_start3A_195 : memref<10112x128xf32, #tpu.memory_space<vmem_shared>>) offsets(%dma_start3A_192 : memref<80xi32, #tpu.memory_space<vmem>>) semaphore(%arg26 : memref<!tpu.dma_semaphore, #tpu.memory_space<semaphore_mem>>) {add = true}
        %mul3A_196 = arith.constant 56 : i32
        %mul3A_197 = arith.muli %arg1, %mul3A_196 : i32
        %add3A_198 = arith.constant 0 : i32
        %add3A_199 = arith.addi %mul3A_197, %add3A_198 : i32
        %mul3A_200 = arith.constant 80 : i32
        %mul3A_201 = arith.muli %add3A_199, %mul3A_200 : i32
        %dma_wait3A_202 = arith.constant 0 : i32
        %dma_wait3A_203 = tpu.memref_slice %arg3[%mul3A_201, %dma_wait3A_202] : memref<71680x128xf32, #tpu.memory_space<hbm>> -> memref<80x128xf32, #tpu.memory_space<hbm>>
        %dma_wait3A_204 = arith.constant 0 : i32
        %dma_wait3A_205 = tpu.memref_slice %arg3[%mul3A_201, %dma_wait3A_204] : memref<71680x128xf32, #tpu.memory_space<hbm>> -> memref<80x128xf32, #tpu.memory_space<hbm>>
        tpu.wait_dma2 semaphore(%arg23 : memref<!tpu.dma_semaphore, #tpu.memory_space<semaphore_mem>>) src(%dma_wait3A_205 : memref<80x128xf32, #tpu.memory_space<hbm>>) dst(%arg17 : memref<80x128xf32, #tpu.memory_space<vmem>>)
        %add3A_206 = arith.constant 2 : i32
        %add3A_207 = arith.addi %mul3A_159, %add3A_206 : i32
        %dma_start3A_208 = arith.constant 0 : i32
        %dma_start3A_209 = tpu.memref_slice %arg19[%add3A_207, %dma_start3A_208] : memref<56x80xi32, #tpu.memory_space<vmem>> -> memref<1x80xi32, #tpu.memory_space<vmem>>
        %dma_start3A_210 = tpu.memref_squeeze %dma_start3A_209 : memref<1x80xi32, #tpu.memory_space<vmem>> -> memref<80xi32, #tpu.memory_space<vmem>>
        %dma_start3A_211 = arith.constant 0 : i32
        %dma_start3A_212 = arith.constant 0 : i32
        %dma_start3A_213 = tpu.memref_slice %arg20[%dma_start3A_211, %dma_start3A_212] : memref<10112x128xf32, #tpu.memory_space<vmem_shared>> -> memref<10112x128xf32, #tpu.memory_space<vmem_shared>>
        tpu.enqueue_indirect_dma source(%arg17 : memref<80x128xf32, #tpu.memory_space<vmem>>) target(%dma_start3A_213 : memref<10112x128xf32, #tpu.memory_space<vmem_shared>>) offsets(%dma_start3A_210 : memref<80xi32, #tpu.memory_space<vmem>>) semaphore(%arg27 : memref<!tpu.dma_semaphore, #tpu.memory_space<semaphore_mem>>) {add = true}
        %mul3A_214 = arith.constant 56 : i32
        %mul3A_215 = arith.muli %arg1, %mul3A_214 : i32
        %add3A_216 = arith.constant 0 : i32
        %add3A_217 = arith.addi %mul3A_215, %add3A_216 : i32
        %mul3A_218 = arith.constant 80 : i32
        %mul3A_219 = arith.muli %add3A_217, %mul3A_218 : i32
        %dma_wait3A_220 = arith.constant 0 : i32
        %dma_wait3A_221 = tpu.memref_slice %arg3[%mul3A_219, %dma_wait3A_220] : memref<71680x128xf32, #tpu.memory_space<hbm>> -> memref<80x128xf32, #tpu.memory_space<hbm>>
        %dma_wait3A_222 = arith.constant 0 : i32
        %dma_wait3A_223 = tpu.memref_slice %arg3[%mul3A_219, %dma_wait3A_222] : memref<71680x128xf32, #tpu.memory_space<hbm>> -> memref<80x128xf32, #tpu.memory_space<hbm>>
        tpu.wait_dma2 semaphore(%arg24 : memref<!tpu.dma_semaphore, #tpu.memory_space<semaphore_mem>>) src(%dma_wait3A_223 : memref<80x128xf32, #tpu.memory_space<hbm>>) dst(%arg18 : memref<80x128xf32, #tpu.memory_space<vmem>>)
        %add3A_224 = arith.constant 3 : i32
        %add3A_225 = arith.addi %mul3A_159, %add3A_224 : i32
        %dma_start3A_226 = arith.constant 0 : i32
        %dma_start3A_227 = tpu.memref_slice %arg19[%add3A_225, %dma_start3A_226] : memref<56x80xi32, #tpu.memory_space<vmem>> -> memref<1x80xi32, #tpu.memory_space<vmem>>
        %dma_start3A_228 = tpu.memref_squeeze %dma_start3A_227 : memref<1x80xi32, #tpu.memory_space<vmem>> -> memref<80xi32, #tpu.memory_space<vmem>>
        %dma_start3A_229 = arith.constant 0 : i32
        %dma_start3A_230 = arith.constant 0 : i32
        %dma_start3A_231 = tpu.memref_slice %arg20[%dma_start3A_229, %dma_start3A_230] : memref<10112x128xf32, #tpu.memory_space<vmem_shared>> -> memref<10112x128xf32, #tpu.memory_space<vmem_shared>>
        tpu.enqueue_indirect_dma source(%arg18 : memref<80x128xf32, #tpu.memory_space<vmem>>) target(%dma_start3A_231 : memref<10112x128xf32, #tpu.memory_space<vmem_shared>>) offsets(%dma_start3A_228 : memref<80xi32, #tpu.memory_space<vmem>>) semaphore(%arg28 : memref<!tpu.dma_semaphore, #tpu.memory_space<semaphore_mem>>) {add = true}
        %lt3A = arith.constant 13 : i32
        %lt3A_232 = arith.cmpi slt, %scan3A_157, %lt3A : i32
        %convert_element_type3A_233 = arith.extui %lt3A_232 : i1 to i32
        %cond3A_234 = arith.constant 0 : i32
        %cond3A_235 = arith.cmpi ne, %convert_element_type3A_233, %cond3A_234 : i32
        scf.if %cond3A_235 {
          %dma_wait3A_236 = arith.constant 0 : i32
          %dma_wait3A_237 = arith.constant 0 : i32
          %dma_wait3A_238 = tpu.memref_slice %arg19[%dma_wait3A_236, %dma_wait3A_237] : memref<56x80xi32, #tpu.memory_space<vmem>> -> memref<1x80xi32, #tpu.memory_space<vmem>>
          %dma_wait3A_239 = tpu.memref_squeeze %dma_wait3A_238 : memref<1x80xi32, #tpu.memory_space<vmem>> -> memref<80xi32, #tpu.memory_space<vmem>>
          %dma_wait3A_240 = arith.constant 0 : i32
          %dma_wait3A_241 = arith.constant 0 : i32
          %dma_wait3A_242 = tpu.memref_slice %arg20[%dma_wait3A_240, %dma_wait3A_241] : memref<10112x128xf32, #tpu.memory_space<vmem_shared>> -> memref<10112x128xf32, #tpu.memory_space<vmem_shared>>
          tpu.wait_indirect_dma semaphore(%arg25 : memref<!tpu.dma_semaphore, #tpu.memory_space<semaphore_mem>>) src(%arg15 : memref<80x128xf32, #tpu.memory_space<vmem>>) dst(%dma_wait3A_242 : memref<10112x128xf32, #tpu.memory_space<vmem_shared>>)
          %add3A_243 = arith.constant 4 : i32
          %add3A_244 = arith.addi %mul3A_159, %add3A_243 : i32
          %add3A_245 = arith.constant 0 : i32
          %add3A_246 = arith.addi %add3A_244, %add3A_245 : i32
          %mul3A_247 = arith.constant 56 : i32
          %mul3A_248 = arith.muli %arg1, %mul3A_247 : i32
          %add3A_249 = arith.addi %mul3A_248, %add3A_246 : i32
          %mul3A_250 = arith.constant 80 : i32
          %mul3A_251 = arith.muli %add3A_249, %mul3A_250 : i32
          %dma_start3A_252 = arith.constant 0 : i32
          %dma_start3A_253 = tpu.memref_slice %arg3[%mul3A_251, %dma_start3A_252] : memref<71680x128xf32, #tpu.memory_space<hbm>> -> memref<80x128xf32, #tpu.memory_space<hbm>>
          %dma_start3A_254 = arith.constant 0 : i32
          %dma_start3A_255 = tpu.memref_slice %arg3[%mul3A_251, %dma_start3A_254] : memref<71680x128xf32, #tpu.memory_space<hbm>> -> memref<80x128xf32, #tpu.memory_space<hbm>>
          tpu.enqueue_dma source(%dma_start3A_255 : memref<80x128xf32, #tpu.memory_space<hbm>>) target(%arg15 : memref<80x128xf32, #tpu.memory_space<vmem>>) target_semaphore(%arg21 : memref<!tpu.dma_semaphore, #tpu.memory_space<semaphore_mem>>)
          %dma_wait3A_256 = arith.constant 0 : i32
          %dma_wait3A_257 = arith.constant 0 : i32
          %dma_wait3A_258 = tpu.memref_slice %arg19[%dma_wait3A_256, %dma_wait3A_257] : memref<56x80xi32, #tpu.memory_space<vmem>> -> memref<1x80xi32, #tpu.memory_space<vmem>>
          %dma_wait3A_259 = tpu.memref_squeeze %dma_wait3A_258 : memref<1x80xi32, #tpu.memory_space<vmem>> -> memref<80xi32, #tpu.memory_space<vmem>>
          %dma_wait3A_260 = arith.constant 0 : i32
          %dma_wait3A_261 = arith.constant 0 : i32
          %dma_wait3A_262 = tpu.memref_slice %arg20[%dma_wait3A_260, %dma_wait3A_261] : memref<10112x128xf32, #tpu.memory_space<vmem_shared>> -> memref<10112x128xf32, #tpu.memory_space<vmem_shared>>
          tpu.wait_indirect_dma semaphore(%arg26 : memref<!tpu.dma_semaphore, #tpu.memory_space<semaphore_mem>>) src(%arg16 : memref<80x128xf32, #tpu.memory_space<vmem>>) dst(%dma_wait3A_262 : memref<10112x128xf32, #tpu.memory_space<vmem_shared>>)
          %add3A_263 = arith.constant 4 : i32
          %add3A_264 = arith.addi %mul3A_159, %add3A_263 : i32
          %add3A_265 = arith.constant 1 : i32
          %add3A_266 = arith.addi %add3A_264, %add3A_265 : i32
          %mul3A_267 = arith.constant 56 : i32
          %mul3A_268 = arith.muli %arg1, %mul3A_267 : i32
          %add3A_269 = arith.addi %mul3A_268, %add3A_266 : i32
          %mul3A_270 = arith.constant 80 : i32
          %mul3A_271 = arith.muli %add3A_269, %mul3A_270 : i32
          %dma_start3A_272 = arith.constant 0 : i32
          %dma_start3A_273 = tpu.memref_slice %arg3[%mul3A_271, %dma_start3A_272] : memref<71680x128xf32, #tpu.memory_space<hbm>> -> memref<80x128xf32, #tpu.memory_space<hbm>>
          %dma_start3A_274 = arith.constant 0 : i32
          %dma_start3A_275 = tpu.memref_slice %arg3[%mul3A_271, %dma_start3A_274] : memref<71680x128xf32, #tpu.memory_space<hbm>> -> memref<80x128xf32, #tpu.memory_space<hbm>>
          tpu.enqueue_dma source(%dma_start3A_275 : memref<80x128xf32, #tpu.memory_space<hbm>>) target(%arg16 : memref<80x128xf32, #tpu.memory_space<vmem>>) target_semaphore(%arg22 : memref<!tpu.dma_semaphore, #tpu.memory_space<semaphore_mem>>)
          %dma_wait3A_276 = arith.constant 0 : i32
          %dma_wait3A_277 = arith.constant 0 : i32
          %dma_wait3A_278 = tpu.memref_slice %arg19[%dma_wait3A_276, %dma_wait3A_277] : memref<56x80xi32, #tpu.memory_space<vmem>> -> memref<1x80xi32, #tpu.memory_space<vmem>>
          %dma_wait3A_279 = tpu.memref_squeeze %dma_wait3A_278 : memref<1x80xi32, #tpu.memory_space<vmem>> -> memref<80xi32, #tpu.memory_space<vmem>>
          %dma_wait3A_280 = arith.constant 0 : i32
          %dma_wait3A_281 = arith.constant 0 : i32
          %dma_wait3A_282 = tpu.memref_slice %arg20[%dma_wait3A_280, %dma_wait3A_281] : memref<10112x128xf32, #tpu.memory_space<vmem_shared>> -> memref<10112x128xf32, #tpu.memory_space<vmem_shared>>
          tpu.wait_indirect_dma semaphore(%arg27 : memref<!tpu.dma_semaphore, #tpu.memory_space<semaphore_mem>>) src(%arg17 : memref<80x128xf32, #tpu.memory_space<vmem>>) dst(%dma_wait3A_282 : memref<10112x128xf32, #tpu.memory_space<vmem_shared>>)
          %add3A_283 = arith.constant 4 : i32
          %add3A_284 = arith.addi %mul3A_159, %add3A_283 : i32
          %add3A_285 = arith.constant 2 : i32
          %add3A_286 = arith.addi %add3A_284, %add3A_285 : i32
          %mul3A_287 = arith.constant 56 : i32
          %mul3A_288 = arith.muli %arg1, %mul3A_287 : i32
          %add3A_289 = arith.addi %mul3A_288, %add3A_286 : i32
          %mul3A_290 = arith.constant 80 : i32
          %mul3A_291 = arith.muli %add3A_289, %mul3A_290 : i32
          %dma_start3A_292 = arith.constant 0 : i32
          %dma_start3A_293 = tpu.memref_slice %arg3[%mul3A_291, %dma_start3A_292] : memref<71680x128xf32, #tpu.memory_space<hbm>> -> memref<80x128xf32, #tpu.memory_space<hbm>>
          %dma_start3A_294 = arith.constant 0 : i32
          %dma_start3A_295 = tpu.memref_slice %arg3[%mul3A_291, %dma_start3A_294] : memref<71680x128xf32, #tpu.memory_space<hbm>> -> memref<80x128xf32, #tpu.memory_space<hbm>>
          tpu.enqueue_dma source(%dma_start3A_295 : memref<80x128xf32, #tpu.memory_space<hbm>>) target(%arg17 : memref<80x128xf32, #tpu.memory_space<vmem>>) target_semaphore(%arg23 : memref<!tpu.dma_semaphore, #tpu.memory_space<semaphore_mem>>)
          %dma_wait3A_296 = arith.constant 0 : i32
          %dma_wait3A_297 = arith.constant 0 : i32
          %dma_wait3A_298 = tpu.memref_slice %arg19[%dma_wait3A_296, %dma_wait3A_297] : memref<56x80xi32, #tpu.memory_space<vmem>> -> memref<1x80xi32, #tpu.memory_space<vmem>>
          %dma_wait3A_299 = tpu.memref_squeeze %dma_wait3A_298 : memref<1x80xi32, #tpu.memory_space<vmem>> -> memref<80xi32, #tpu.memory_space<vmem>>
          %dma_wait3A_300 = arith.constant 0 : i32
          %dma_wait3A_301 = arith.constant 0 : i32
          %dma_wait3A_302 = tpu.memref_slice %arg20[%dma_wait3A_300, %dma_wait3A_301] : memref<10112x128xf32, #tpu.memory_space<vmem_shared>> -> memref<10112x128xf32, #tpu.memory_space<vmem_shared>>
          tpu.wait_indirect_dma semaphore(%arg28 : memref<!tpu.dma_semaphore, #tpu.memory_space<semaphore_mem>>) src(%arg18 : memref<80x128xf32, #tpu.memory_space<vmem>>) dst(%dma_wait3A_302 : memref<10112x128xf32, #tpu.memory_space<vmem_shared>>)
          %add3A_303 = arith.constant 4 : i32
          %add3A_304 = arith.addi %mul3A_159, %add3A_303 : i32
          %add3A_305 = arith.constant 3 : i32
          %add3A_306 = arith.addi %add3A_304, %add3A_305 : i32
          %mul3A_307 = arith.constant 56 : i32
          %mul3A_308 = arith.muli %arg1, %mul3A_307 : i32
          %add3A_309 = arith.addi %mul3A_308, %add3A_306 : i32
          %mul3A_310 = arith.constant 80 : i32
          %mul3A_311 = arith.muli %add3A_309, %mul3A_310 : i32
          %dma_start3A_312 = arith.constant 0 : i32
          %dma_start3A_313 = tpu.memref_slice %arg3[%mul3A_311, %dma_start3A_312] : memref<71680x128xf32, #tpu.memory_space<hbm>> -> memref<80x128xf32, #tpu.memory_space<hbm>>
          %dma_start3A_314 = arith.constant 0 : i32
          %dma_start3A_315 = tpu.memref_slice %arg3[%mul3A_311, %dma_start3A_314] : memref<71680x128xf32, #tpu.memory_space<hbm>> -> memref<80x128xf32, #tpu.memory_space<hbm>>
          tpu.enqueue_dma source(%dma_start3A_315 : memref<80x128xf32, #tpu.memory_space<hbm>>) target(%arg18 : memref<80x128xf32, #tpu.memory_space<vmem>>) target_semaphore(%arg24 : memref<!tpu.dma_semaphore, #tpu.memory_space<semaphore_mem>>)
        } else {
        }
      }
      %scan3A_126 = arith.constant 14 : i32
      %dma_wait3A_127 = arith.constant 0 : i32
      %dma_wait3A_128 = arith.constant 0 : i32
      %dma_wait3A_129 = tpu.memref_slice %arg19[%dma_wait3A_127, %dma_wait3A_128] : memref<56x80xi32, #tpu.memory_space<vmem>> -> memref<1x80xi32, #tpu.memory_space<vmem>>
      %dma_wait3A_130 = tpu.memref_squeeze %dma_wait3A_129 : memref<1x80xi32, #tpu.memory_space<vmem>> -> memref<80xi32, #tpu.memory_space<vmem>>
      %dma_wait3A_131 = arith.constant 0 : i32
      %dma_wait3A_132 = arith.constant 0 : i32
      %dma_wait3A_133 = tpu.memref_slice %arg20[%dma_wait3A_131, %dma_wait3A_132] : memref<10112x128xf32, #tpu.memory_space<vmem_shared>> -> memref<10112x128xf32, #tpu.memory_space<vmem_shared>>
      tpu.wait_indirect_dma semaphore(%arg25 : memref<!tpu.dma_semaphore, #tpu.memory_space<semaphore_mem>>) src(%arg15 : memref<80x128xf32, #tpu.memory_space<vmem>>) dst(%dma_wait3A_133 : memref<10112x128xf32, #tpu.memory_space<vmem_shared>>)
      %dma_wait3A_134 = arith.constant 0 : i32
      %dma_wait3A_135 = arith.constant 0 : i32
      %dma_wait3A_136 = tpu.memref_slice %arg19[%dma_wait3A_134, %dma_wait3A_135] : memref<56x80xi32, #tpu.memory_space<vmem>> -> memref<1x80xi32, #tpu.memory_space<vmem>>
      %dma_wait3A_137 = tpu.memref_squeeze %dma_wait3A_136 : memref<1x80xi32, #tpu.memory_space<vmem>> -> memref<80xi32, #tpu.memory_space<vmem>>
      %dma_wait3A_138 = arith.constant 0 : i32
      %dma_wait3A_139 = arith.constant 0 : i32
      %dma_wait3A_140 = tpu.memref_slice %arg20[%dma_wait3A_138, %dma_wait3A_139] : memref<10112x128xf32, #tpu.memory_space<vmem_shared>> -> memref<10112x128xf32, #tpu.memory_space<vmem_shared>>
      tpu.wait_indirect_dma semaphore(%arg26 : memref<!tpu.dma_semaphore, #tpu.memory_space<semaphore_mem>>) src(%arg16 : memref<80x128xf32, #tpu.memory_space<vmem>>) dst(%dma_wait3A_140 : memref<10112x128xf32, #tpu.memory_space<vmem_shared>>)
      %dma_wait3A_141 = arith.constant 0 : i32
      %dma_wait3A_142 = arith.constant 0 : i32
      %dma_wait3A_143 = tpu.memref_slice %arg19[%dma_wait3A_141, %dma_wait3A_142] : memref<56x80xi32, #tpu.memory_space<vmem>> -> memref<1x80xi32, #tpu.memory_space<vmem>>
      %dma_wait3A_144 = tpu.memref_squeeze %dma_wait3A_143 : memref<1x80xi32, #tpu.memory_space<vmem>> -> memref<80xi32, #tpu.memory_space<vmem>>
      %dma_wait3A_145 = arith.constant 0 : i32
      %dma_wait3A_146 = arith.constant 0 : i32
      %dma_wait3A_147 = tpu.memref_slice %arg20[%dma_wait3A_145, %dma_wait3A_146] : memref<10112x128xf32, #tpu.memory_space<vmem_shared>> -> memref<10112x128xf32, #tpu.memory_space<vmem_shared>>
      tpu.wait_indirect_dma semaphore(%arg27 : memref<!tpu.dma_semaphore, #tpu.memory_space<semaphore_mem>>) src(%arg17 : memref<80x128xf32, #tpu.memory_space<vmem>>) dst(%dma_wait3A_147 : memref<10112x128xf32, #tpu.memory_space<vmem_shared>>)
      %dma_wait3A_148 = arith.constant 0 : i32
      %dma_wait3A_149 = arith.constant 0 : i32
      %dma_wait3A_150 = tpu.memref_slice %arg19[%dma_wait3A_148, %dma_wait3A_149] : memref<56x80xi32, #tpu.memory_space<vmem>> -> memref<1x80xi32, #tpu.memory_space<vmem>>
      %dma_wait3A_151 = tpu.memref_squeeze %dma_wait3A_150 : memref<1x80xi32, #tpu.memory_space<vmem>> -> memref<80xi32, #tpu.memory_space<vmem>>
      %dma_wait3A_152 = arith.constant 0 : i32
      %dma_wait3A_153 = arith.constant 0 : i32
      %dma_wait3A_154 = tpu.memref_slice %arg20[%dma_wait3A_152, %dma_wait3A_153] : memref<10112x128xf32, #tpu.memory_space<vmem_shared>> -> memref<10112x128xf32, #tpu.memory_space<vmem_shared>>
      tpu.wait_indirect_dma semaphore(%arg28 : memref<!tpu.dma_semaphore, #tpu.memory_space<semaphore_mem>>) src(%arg18 : memref<80x128xf32, #tpu.memory_space<vmem>>) dst(%dma_wait3A_154 : memref<10112x128xf32, #tpu.memory_space<vmem_shared>>)
      %barrier3A_155 = arith.constant 0 : index
      tpu.barrier barrier_id(%barrier3A_155)
      "tpu.region"() ({
        %run_scoped3A = tpu.sem_alloc : memref<!tpu.dma_semaphore, #tpu.memory_space<semaphore_mem>>
        %dma_start3A_157 = arith.constant 0 : i32
        %dma_start3A_158 = tpu.memref_slice %arg12[%mul3A_0, %dma_start3A_157] : memref<10112x128xf32, #tpu.memory_space<hbm>> -> memref<632x128xf32, #tpu.memory_space<hbm>>
        %dma_start3A_159 = arith.constant 0 : i32
        %dma_start3A_160 = tpu.memref_slice %arg20[%mul3A_0, %dma_start3A_159] : memref<10112x128xf32, #tpu.memory_space<vmem_shared>> -> memref<632x128xf32, #tpu.memory_space<vmem_shared>>
        tpu.enqueue_dma source(%dma_start3A_160 : memref<632x128xf32, #tpu.memory_space<vmem_shared>>) target(%dma_start3A_158 : memref<632x128xf32, #tpu.memory_space<hbm>>) target_semaphore(%run_scoped3A : memref<!tpu.dma_semaphore, #tpu.memory_space<semaphore_mem>>)
        %dma_wait3A_161 = arith.constant 0 : i32
        %dma_wait3A_162 = tpu.memref_slice %arg12[%mul3A_0, %dma_wait3A_161] : memref<10112x128xf32, #tpu.memory_space<hbm>> -> memref<632x128xf32, #tpu.memory_space<hbm>>
        %dma_wait3A_163 = arith.constant 0 : i32
        %dma_wait3A_164 = tpu.memref_slice %arg20[%mul3A_0, %dma_wait3A_163] : memref<10112x128xf32, #tpu.memory_space<vmem_shared>> -> memref<632x128xf32, #tpu.memory_space<vmem_shared>>
        tpu.wait_dma2 semaphore(%run_scoped3A : memref<!tpu.dma_semaphore, #tpu.memory_space<semaphore_mem>>) src(%dma_wait3A_164 : memref<632x128xf32, #tpu.memory_space<vmem_shared>>) dst(%dma_wait3A_162 : memref<632x128xf32, #tpu.memory_space<hbm>>)
        tpu.yield
      }) : () -> ()
      %barrier3A_156 = arith.constant 0 : index
      tpu.barrier barrier_id(%barrier3A_156)
    } else {
    }
    %eq3A_3 = arith.constant 1 : i32
    %eq3A_4 = arith.cmpi eq, %arg0, %eq3A_3 : i32
    %convert_element_type3A_5 = arith.extui %eq3A_4 : i1 to i32
    %cond3A_6 = arith.constant 0 : i32
    %cond3A_7 = arith.cmpi ne, %convert_element_type3A_5, %cond3A_6 : i32
    scf.if %cond3A_7 {
      %mul3A_8 = arith.constant 56 : i32
      %mul3A_9 = arith.muli %arg1, %mul3A_8 : i32
      %add3A = arith.constant 0 : i32
      %add3A_10 = arith.addi %mul3A_9, %add3A : i32
      %mul3A_11 = arith.constant 80 : i32
      %mul3A_12 = arith.muli %add3A_10, %mul3A_11 : i32
      %dma_start3A = arith.constant 0 : i32
      %dma_start3A_13 = tpu.memref_slice %arg4[%mul3A_12, %dma_start3A] : memref<71680x128xf32, #tpu.memory_space<hbm>> -> memref<80x128xf32, #tpu.memory_space<hbm>>
      %dma_start3A_14 = arith.constant 0 : i32
      %dma_start3A_15 = tpu.memref_slice %arg4[%mul3A_12, %dma_start3A_14] : memref<71680x128xf32, #tpu.memory_space<hbm>> -> memref<80x128xf32, #tpu.memory_space<hbm>>
      tpu.enqueue_dma source(%dma_start3A_15 : memref<80x128xf32, #tpu.memory_space<hbm>>) target(%arg15 : memref<80x128xf32, #tpu.memory_space<vmem>>) target_semaphore(%arg21 : memref<!tpu.dma_semaphore, #tpu.memory_space<semaphore_mem>>)
      %mul3A_16 = arith.constant 56 : i32
      %mul3A_17 = arith.muli %arg1, %mul3A_16 : i32
      %add3A_18 = arith.constant 1 : i32
      %add3A_19 = arith.addi %mul3A_17, %add3A_18 : i32
      %mul3A_20 = arith.constant 80 : i32
      %mul3A_21 = arith.muli %add3A_19, %mul3A_20 : i32
      %dma_start3A_22 = arith.constant 0 : i32
      %dma_start3A_23 = tpu.memref_slice %arg4[%mul3A_21, %dma_start3A_22] : memref<71680x128xf32, #tpu.memory_space<hbm>> -> memref<80x128xf32, #tpu.memory_space<hbm>>
      %dma_start3A_24 = arith.constant 0 : i32
      %dma_start3A_25 = tpu.memref_slice %arg4[%mul3A_21, %dma_start3A_24] : memref<71680x128xf32, #tpu.memory_space<hbm>> -> memref<80x128xf32, #tpu.memory_space<hbm>>
      tpu.enqueue_dma source(%dma_start3A_25 : memref<80x128xf32, #tpu.memory_space<hbm>>) target(%arg16 : memref<80x128xf32, #tpu.memory_space<vmem>>) target_semaphore(%arg22 : memref<!tpu.dma_semaphore, #tpu.memory_space<semaphore_mem>>)
      %mul3A_26 = arith.constant 56 : i32
      %mul3A_27 = arith.muli %arg1, %mul3A_26 : i32
      %add3A_28 = arith.constant 2 : i32
      %add3A_29 = arith.addi %mul3A_27, %add3A_28 : i32
      %mul3A_30 = arith.constant 80 : i32
      %mul3A_31 = arith.muli %add3A_29, %mul3A_30 : i32
      %dma_start3A_32 = arith.constant 0 : i32
      %dma_start3A_33 = tpu.memref_slice %arg4[%mul3A_31, %dma_start3A_32] : memref<71680x128xf32, #tpu.memory_space<hbm>> -> memref<80x128xf32, #tpu.memory_space<hbm>>
      %dma_start3A_34 = arith.constant 0 : i32
      %dma_start3A_35 = tpu.memref_slice %arg4[%mul3A_31, %dma_start3A_34] : memref<71680x128xf32, #tpu.memory_space<hbm>> -> memref<80x128xf32, #tpu.memory_space<hbm>>
      tpu.enqueue_dma source(%dma_start3A_35 : memref<80x128xf32, #tpu.memory_space<hbm>>) target(%arg17 : memref<80x128xf32, #tpu.memory_space<vmem>>) target_semaphore(%arg23 : memref<!tpu.dma_semaphore, #tpu.memory_space<semaphore_mem>>)
      %mul3A_36 = arith.constant 56 : i32
      %mul3A_37 = arith.muli %arg1, %mul3A_36 : i32
      %add3A_38 = arith.constant 3 : i32
      %add3A_39 = arith.addi %mul3A_37, %add3A_38 : i32
      %mul3A_40 = arith.constant 80 : i32
      %mul3A_41 = arith.muli %add3A_39, %mul3A_40 : i32
      %dma_start3A_42 = arith.constant 0 : i32
      %dma_start3A_43 = tpu.memref_slice %arg4[%mul3A_41, %dma_start3A_42] : memref<71680x128xf32, #tpu.memory_space<hbm>> -> memref<80x128xf32, #tpu.memory_space<hbm>>
      %dma_start3A_44 = arith.constant 0 : i32
      %dma_start3A_45 = tpu.memref_slice %arg4[%mul3A_41, %dma_start3A_44] : memref<71680x128xf32, #tpu.memory_space<hbm>> -> memref<80x128xf32, #tpu.memory_space<hbm>>
      tpu.enqueue_dma source(%dma_start3A_45 : memref<80x128xf32, #tpu.memory_space<hbm>>) target(%arg18 : memref<80x128xf32, #tpu.memory_space<vmem>>) target_semaphore(%arg24 : memref<!tpu.dma_semaphore, #tpu.memory_space<semaphore_mem>>)
      "tpu.region"() ({
        %run_scoped3A = tpu.sem_alloc : memref<!tpu.dma_semaphore, #tpu.memory_space<semaphore_mem>>
        %dma_start3A_157 = arith.constant 0 : i32
        %dma_start3A_158 = tpu.memref_slice %arg20[%mul3A_0, %dma_start3A_157] : memref<10112x128xf32, #tpu.memory_space<vmem_shared>> -> memref<632x128xf32, #tpu.memory_space<vmem_shared>>
        %dma_start3A_159 = arith.constant 0 : i32
        %dma_start3A_160 = tpu.memref_slice %arg8[%mul3A_0, %dma_start3A_159] : memref<10112x128xf32, #tpu.memory_space<hbm>> -> memref<632x128xf32, #tpu.memory_space<hbm>>
        tpu.enqueue_dma source(%dma_start3A_160 : memref<632x128xf32, #tpu.memory_space<hbm>>) target(%dma_start3A_158 : memref<632x128xf32, #tpu.memory_space<vmem_shared>>) target_semaphore(%run_scoped3A : memref<!tpu.dma_semaphore, #tpu.memory_space<semaphore_mem>>)
        %dma_wait3A_161 = arith.constant 0 : i32
        %dma_wait3A_162 = tpu.memref_slice %arg20[%mul3A_0, %dma_wait3A_161] : memref<10112x128xf32, #tpu.memory_space<vmem_shared>> -> memref<632x128xf32, #tpu.memory_space<vmem_shared>>
        %dma_wait3A_163 = arith.constant 0 : i32
        %dma_wait3A_164 = tpu.memref_slice %arg8[%mul3A_0, %dma_wait3A_163] : memref<10112x128xf32, #tpu.memory_space<hbm>> -> memref<632x128xf32, #tpu.memory_space<hbm>>
        tpu.wait_dma2 semaphore(%run_scoped3A : memref<!tpu.dma_semaphore, #tpu.memory_space<semaphore_mem>>) src(%dma_wait3A_164 : memref<632x128xf32, #tpu.memory_space<hbm>>) dst(%dma_wait3A_162 : memref<632x128xf32, #tpu.memory_space<vmem_shared>>)
        tpu.yield
      }) : () -> ()
      %barrier3A = arith.constant 0 : index
      tpu.barrier barrier_id(%barrier3A)
      %scan3A = arith.constant 0 : i32
      %scan3A_46 = arith.constant 0 : i32
      %scan3A_47 = arith.constant 14 : i32
      %scan3A_48 = arith.addi %scan3A_46, %scan3A_47 : i32
      %scan3A_49 = arith.constant 1 : i32
      scf.for %scan3A_157 = %scan3A_46 to %scan3A_48 step %scan3A_49  : i32 {
        %mul3A_158 = arith.constant 4 : i32
        %mul3A_159 = arith.muli %mul3A_158, %scan3A_157 : i32
        %mul3A_160 = arith.constant 56 : i32
        %mul3A_161 = arith.muli %arg1, %mul3A_160 : i32
        %add3A_162 = arith.constant 0 : i32
        %add3A_163 = arith.addi %mul3A_161, %add3A_162 : i32
        %mul3A_164 = arith.constant 80 : i32
        %mul3A_165 = arith.muli %add3A_163, %mul3A_164 : i32
        %dma_wait3A_166 = arith.constant 0 : i32
        %dma_wait3A_167 = tpu.memref_slice %arg4[%mul3A_165, %dma_wait3A_166] : memref<71680x128xf32, #tpu.memory_space<hbm>> -> memref<80x128xf32, #tpu.memory_space<hbm>>
        %dma_wait3A_168 = arith.constant 0 : i32
        %dma_wait3A_169 = tpu.memref_slice %arg4[%mul3A_165, %dma_wait3A_168] : memref<71680x128xf32, #tpu.memory_space<hbm>> -> memref<80x128xf32, #tpu.memory_space<hbm>>
        tpu.wait_dma2 semaphore(%arg21 : memref<!tpu.dma_semaphore, #tpu.memory_space<semaphore_mem>>) src(%dma_wait3A_169 : memref<80x128xf32, #tpu.memory_space<hbm>>) dst(%arg15 : memref<80x128xf32, #tpu.memory_space<vmem>>)
        %add3A_170 = arith.constant 0 : i32
        %add3A_171 = arith.addi %mul3A_159, %add3A_170 : i32
        %dma_start3A_172 = arith.constant 0 : i32
        %dma_start3A_173 = tpu.memref_slice %arg19[%add3A_171, %dma_start3A_172] : memref<56x80xi32, #tpu.memory_space<vmem>> -> memref<1x80xi32, #tpu.memory_space<vmem>>
        %dma_start3A_174 = tpu.memref_squeeze %dma_start3A_173 : memref<1x80xi32, #tpu.memory_space<vmem>> -> memref<80xi32, #tpu.memory_space<vmem>>
        %dma_start3A_175 = arith.constant 0 : i32
        %dma_start3A_176 = arith.constant 0 : i32
        %dma_start3A_177 = tpu.memref_slice %arg20[%dma_start3A_175, %dma_start3A_176] : memref<10112x128xf32, #tpu.memory_space<vmem_shared>> -> memref<10112x128xf32, #tpu.memory_space<vmem_shared>>
        tpu.enqueue_indirect_dma source(%arg15 : memref<80x128xf32, #tpu.memory_space<vmem>>) target(%dma_start3A_177 : memref<10112x128xf32, #tpu.memory_space<vmem_shared>>) offsets(%dma_start3A_174 : memref<80xi32, #tpu.memory_space<vmem>>) semaphore(%arg25 : memref<!tpu.dma_semaphore, #tpu.memory_space<semaphore_mem>>) {add = true}
        %mul3A_178 = arith.constant 56 : i32
        %mul3A_179 = arith.muli %arg1, %mul3A_178 : i32
        %add3A_180 = arith.constant 0 : i32
        %add3A_181 = arith.addi %mul3A_179, %add3A_180 : i32
        %mul3A_182 = arith.constant 80 : i32
        %mul3A_183 = arith.muli %add3A_181, %mul3A_182 : i32
        %dma_wait3A_184 = arith.constant 0 : i32
        %dma_wait3A_185 = tpu.memref_slice %arg4[%mul3A_183, %dma_wait3A_184] : memref<71680x128xf32, #tpu.memory_space<hbm>> -> memref<80x128xf32, #tpu.memory_space<hbm>>
        %dma_wait3A_186 = arith.constant 0 : i32
        %dma_wait3A_187 = tpu.memref_slice %arg4[%mul3A_183, %dma_wait3A_186] : memref<71680x128xf32, #tpu.memory_space<hbm>> -> memref<80x128xf32, #tpu.memory_space<hbm>>
        tpu.wait_dma2 semaphore(%arg22 : memref<!tpu.dma_semaphore, #tpu.memory_space<semaphore_mem>>) src(%dma_wait3A_187 : memref<80x128xf32, #tpu.memory_space<hbm>>) dst(%arg16 : memref<80x128xf32, #tpu.memory_space<vmem>>)
        %add3A_188 = arith.constant 1 : i32
        %add3A_189 = arith.addi %mul3A_159, %add3A_188 : i32
        %dma_start3A_190 = arith.constant 0 : i32
        %dma_start3A_191 = tpu.memref_slice %arg19[%add3A_189, %dma_start3A_190] : memref<56x80xi32, #tpu.memory_space<vmem>> -> memref<1x80xi32, #tpu.memory_space<vmem>>
        %dma_start3A_192 = tpu.memref_squeeze %dma_start3A_191 : memref<1x80xi32, #tpu.memory_space<vmem>> -> memref<80xi32, #tpu.memory_space<vmem>>
        %dma_start3A_193 = arith.constant 0 : i32
        %dma_start3A_194 = arith.constant 0 : i32
        %dma_start3A_195 = tpu.memref_slice %arg20[%dma_start3A_193, %dma_start3A_194] : memref<10112x128xf32, #tpu.memory_space<vmem_shared>> -> memref<10112x128xf32, #tpu.memory_space<vmem_shared>>
        tpu.enqueue_indirect_dma source(%arg16 : memref<80x128xf32, #tpu.memory_space<vmem>>) target(%dma_start3A_195 : memref<10112x128xf32, #tpu.memory_space<vmem_shared>>) offsets(%dma_start3A_192 : memref<80xi32, #tpu.memory_space<vmem>>) semaphore(%arg26 : memref<!tpu.dma_semaphore, #tpu.memory_space<semaphore_mem>>) {add = true}
        %mul3A_196 = arith.constant 56 : i32
        %mul3A_197 = arith.muli %arg1, %mul3A_196 : i32
        %add3A_198 = arith.constant 0 : i32
        %add3A_199 = arith.addi %mul3A_197, %add3A_198 : i32
        %mul3A_200 = arith.constant 80 : i32
        %mul3A_201 = arith.muli %add3A_199, %mul3A_200 : i32
        %dma_wait3A_202 = arith.constant 0 : i32
        %dma_wait3A_203 = tpu.memref_slice %arg4[%mul3A_201, %dma_wait3A_202] : memref<71680x128xf32, #tpu.memory_space<hbm>> -> memref<80x128xf32, #tpu.memory_space<hbm>>
        %dma_wait3A_204 = arith.constant 0 : i32
        %dma_wait3A_205 = tpu.memref_slice %arg4[%mul3A_201, %dma_wait3A_204] : memref<71680x128xf32, #tpu.memory_space<hbm>> -> memref<80x128xf32, #tpu.memory_space<hbm>>
        tpu.wait_dma2 semaphore(%arg23 : memref<!tpu.dma_semaphore, #tpu.memory_space<semaphore_mem>>) src(%dma_wait3A_205 : memref<80x128xf32, #tpu.memory_space<hbm>>) dst(%arg17 : memref<80x128xf32, #tpu.memory_space<vmem>>)
        %add3A_206 = arith.constant 2 : i32
        %add3A_207 = arith.addi %mul3A_159, %add3A_206 : i32
        %dma_start3A_208 = arith.constant 0 : i32
        %dma_start3A_209 = tpu.memref_slice %arg19[%add3A_207, %dma_start3A_208] : memref<56x80xi32, #tpu.memory_space<vmem>> -> memref<1x80xi32, #tpu.memory_space<vmem>>
        %dma_start3A_210 = tpu.memref_squeeze %dma_start3A_209 : memref<1x80xi32, #tpu.memory_space<vmem>> -> memref<80xi32, #tpu.memory_space<vmem>>
        %dma_start3A_211 = arith.constant 0 : i32
        %dma_start3A_212 = arith.constant 0 : i32
        %dma_start3A_213 = tpu.memref_slice %arg20[%dma_start3A_211, %dma_start3A_212] : memref<10112x128xf32, #tpu.memory_space<vmem_shared>> -> memref<10112x128xf32, #tpu.memory_space<vmem_shared>>
        tpu.enqueue_indirect_dma source(%arg17 : memref<80x128xf32, #tpu.memory_space<vmem>>) target(%dma_start3A_213 : memref<10112x128xf32, #tpu.memory_space<vmem_shared>>) offsets(%dma_start3A_210 : memref<80xi32, #tpu.memory_space<vmem>>) semaphore(%arg27 : memref<!tpu.dma_semaphore, #tpu.memory_space<semaphore_mem>>) {add = true}
        %mul3A_214 = arith.constant 56 : i32
        %mul3A_215 = arith.muli %arg1, %mul3A_214 : i32
        %add3A_216 = arith.constant 0 : i32
        %add3A_217 = arith.addi %mul3A_215, %add3A_216 : i32
        %mul3A_218 = arith.constant 80 : i32
        %mul3A_219 = arith.muli %add3A_217, %mul3A_218 : i32
        %dma_wait3A_220 = arith.constant 0 : i32
        %dma_wait3A_221 = tpu.memref_slice %arg4[%mul3A_219, %dma_wait3A_220] : memref<71680x128xf32, #tpu.memory_space<hbm>> -> memref<80x128xf32, #tpu.memory_space<hbm>>
        %dma_wait3A_222 = arith.constant 0 : i32
        %dma_wait3A_223 = tpu.memref_slice %arg4[%mul3A_219, %dma_wait3A_222] : memref<71680x128xf32, #tpu.memory_space<hbm>> -> memref<80x128xf32, #tpu.memory_space<hbm>>
        tpu.wait_dma2 semaphore(%arg24 : memref<!tpu.dma_semaphore, #tpu.memory_space<semaphore_mem>>) src(%dma_wait3A_223 : memref<80x128xf32, #tpu.memory_space<hbm>>) dst(%arg18 : memref<80x128xf32, #tpu.memory_space<vmem>>)
        %add3A_224 = arith.constant 3 : i32
        %add3A_225 = arith.addi %mul3A_159, %add3A_224 : i32
        %dma_start3A_226 = arith.constant 0 : i32
        %dma_start3A_227 = tpu.memref_slice %arg19[%add3A_225, %dma_start3A_226] : memref<56x80xi32, #tpu.memory_space<vmem>> -> memref<1x80xi32, #tpu.memory_space<vmem>>
        %dma_start3A_228 = tpu.memref_squeeze %dma_start3A_227 : memref<1x80xi32, #tpu.memory_space<vmem>> -> memref<80xi32, #tpu.memory_space<vmem>>
        %dma_start3A_229 = arith.constant 0 : i32
        %dma_start3A_230 = arith.constant 0 : i32
        %dma_start3A_231 = tpu.memref_slice %arg20[%dma_start3A_229, %dma_start3A_230] : memref<10112x128xf32, #tpu.memory_space<vmem_shared>> -> memref<10112x128xf32, #tpu.memory_space<vmem_shared>>
        tpu.enqueue_indirect_dma source(%arg18 : memref<80x128xf32, #tpu.memory_space<vmem>>) target(%dma_start3A_231 : memref<10112x128xf32, #tpu.memory_space<vmem_shared>>) offsets(%dma_start3A_228 : memref<80xi32, #tpu.memory_space<vmem>>) semaphore(%arg28 : memref<!tpu.dma_semaphore, #tpu.memory_space<semaphore_mem>>) {add = true}
        %lt3A = arith.constant 13 : i32
        %lt3A_232 = arith.cmpi slt, %scan3A_157, %lt3A : i32
        %convert_element_type3A_233 = arith.extui %lt3A_232 : i1 to i32
        %cond3A_234 = arith.constant 0 : i32
        %cond3A_235 = arith.cmpi ne, %convert_element_type3A_233, %cond3A_234 : i32
        scf.if %cond3A_235 {
          %dma_wait3A_236 = arith.constant 0 : i32
          %dma_wait3A_237 = arith.constant 0 : i32
          %dma_wait3A_238 = tpu.memref_slice %arg19[%dma_wait3A_236, %dma_wait3A_237] : memref<56x80xi32, #tpu.memory_space<vmem>> -> memref<1x80xi32, #tpu.memory_space<vmem>>
          %dma_wait3A_239 = tpu.memref_squeeze %dma_wait3A_238 : memref<1x80xi32, #tpu.memory_space<vmem>> -> memref<80xi32, #tpu.memory_space<vmem>>
          %dma_wait3A_240 = arith.constant 0 : i32
          %dma_wait3A_241 = arith.constant 0 : i32
          %dma_wait3A_242 = tpu.memref_slice %arg20[%dma_wait3A_240, %dma_wait3A_241] : memref<10112x128xf32, #tpu.memory_space<vmem_shared>> -> memref<10112x128xf32, #tpu.memory_space<vmem_shared>>
          tpu.wait_indirect_dma semaphore(%arg25 : memref<!tpu.dma_semaphore, #tpu.memory_space<semaphore_mem>>) src(%arg15 : memref<80x128xf32, #tpu.memory_space<vmem>>) dst(%dma_wait3A_242 : memref<10112x128xf32, #tpu.memory_space<vmem_shared>>)
          %add3A_243 = arith.constant 4 : i32
          %add3A_244 = arith.addi %mul3A_159, %add3A_243 : i32
          %add3A_245 = arith.constant 0 : i32
          %add3A_246 = arith.addi %add3A_244, %add3A_245 : i32
          %mul3A_247 = arith.constant 56 : i32
          %mul3A_248 = arith.muli %arg1, %mul3A_247 : i32
          %add3A_249 = arith.addi %mul3A_248, %add3A_246 : i32
          %mul3A_250 = arith.constant 80 : i32
          %mul3A_251 = arith.muli %add3A_249, %mul3A_250 : i32
          %dma_start3A_252 = arith.constant 0 : i32
          %dma_start3A_253 = tpu.memref_slice %arg4[%mul3A_251, %dma_start3A_252] : memref<71680x128xf32, #tpu.memory_space<hbm>> -> memref<80x128xf32, #tpu.memory_space<hbm>>
          %dma_start3A_254 = arith.constant 0 : i32
          %dma_start3A_255 = tpu.memref_slice %arg4[%mul3A_251, %dma_start3A_254] : memref<71680x128xf32, #tpu.memory_space<hbm>> -> memref<80x128xf32, #tpu.memory_space<hbm>>
          tpu.enqueue_dma source(%dma_start3A_255 : memref<80x128xf32, #tpu.memory_space<hbm>>) target(%arg15 : memref<80x128xf32, #tpu.memory_space<vmem>>) target_semaphore(%arg21 : memref<!tpu.dma_semaphore, #tpu.memory_space<semaphore_mem>>)
          %dma_wait3A_256 = arith.constant 0 : i32
          %dma_wait3A_257 = arith.constant 0 : i32
          %dma_wait3A_258 = tpu.memref_slice %arg19[%dma_wait3A_256, %dma_wait3A_257] : memref<56x80xi32, #tpu.memory_space<vmem>> -> memref<1x80xi32, #tpu.memory_space<vmem>>
          %dma_wait3A_259 = tpu.memref_squeeze %dma_wait3A_258 : memref<1x80xi32, #tpu.memory_space<vmem>> -> memref<80xi32, #tpu.memory_space<vmem>>
          %dma_wait3A_260 = arith.constant 0 : i32
          %dma_wait3A_261 = arith.constant 0 : i32
          %dma_wait3A_262 = tpu.memref_slice %arg20[%dma_wait3A_260, %dma_wait3A_261] : memref<10112x128xf32, #tpu.memory_space<vmem_shared>> -> memref<10112x128xf32, #tpu.memory_space<vmem_shared>>
          tpu.wait_indirect_dma semaphore(%arg26 : memref<!tpu.dma_semaphore, #tpu.memory_space<semaphore_mem>>) src(%arg16 : memref<80x128xf32, #tpu.memory_space<vmem>>) dst(%dma_wait3A_262 : memref<10112x128xf32, #tpu.memory_space<vmem_shared>>)
          %add3A_263 = arith.constant 4 : i32
          %add3A_264 = arith.addi %mul3A_159, %add3A_263 : i32
          %add3A_265 = arith.constant 1 : i32
          %add3A_266 = arith.addi %add3A_264, %add3A_265 : i32
          %mul3A_267 = arith.constant 56 : i32
          %mul3A_268 = arith.muli %arg1, %mul3A_267 : i32
          %add3A_269 = arith.addi %mul3A_268, %add3A_266 : i32
          %mul3A_270 = arith.constant 80 : i32
          %mul3A_271 = arith.muli %add3A_269, %mul3A_270 : i32
          %dma_start3A_272 = arith.constant 0 : i32
          %dma_start3A_273 = tpu.memref_slice %arg4[%mul3A_271, %dma_start3A_272] : memref<71680x128xf32, #tpu.memory_space<hbm>> -> memref<80x128xf32, #tpu.memory_space<hbm>>
          %dma_start3A_274 = arith.constant 0 : i32
          %dma_start3A_275 = tpu.memref_slice %arg4[%mul3A_271, %dma_start3A_274] : memref<71680x128xf32, #tpu.memory_space<hbm>> -> memref<80x128xf32, #tpu.memory_space<hbm>>
          tpu.enqueue_dma source(%dma_start3A_275 : memref<80x128xf32, #tpu.memory_space<hbm>>) target(%arg16 : memref<80x128xf32, #tpu.memory_space<vmem>>) target_semaphore(%arg22 : memref<!tpu.dma_semaphore, #tpu.memory_space<semaphore_mem>>)
          %dma_wait3A_276 = arith.constant 0 : i32
          %dma_wait3A_277 = arith.constant 0 : i32
          %dma_wait3A_278 = tpu.memref_slice %arg19[%dma_wait3A_276, %dma_wait3A_277] : memref<56x80xi32, #tpu.memory_space<vmem>> -> memref<1x80xi32, #tpu.memory_space<vmem>>
          %dma_wait3A_279 = tpu.memref_squeeze %dma_wait3A_278 : memref<1x80xi32, #tpu.memory_space<vmem>> -> memref<80xi32, #tpu.memory_space<vmem>>
          %dma_wait3A_280 = arith.constant 0 : i32
          %dma_wait3A_281 = arith.constant 0 : i32
          %dma_wait3A_282 = tpu.memref_slice %arg20[%dma_wait3A_280, %dma_wait3A_281] : memref<10112x128xf32, #tpu.memory_space<vmem_shared>> -> memref<10112x128xf32, #tpu.memory_space<vmem_shared>>
          tpu.wait_indirect_dma semaphore(%arg27 : memref<!tpu.dma_semaphore, #tpu.memory_space<semaphore_mem>>) src(%arg17 : memref<80x128xf32, #tpu.memory_space<vmem>>) dst(%dma_wait3A_282 : memref<10112x128xf32, #tpu.memory_space<vmem_shared>>)
          %add3A_283 = arith.constant 4 : i32
          %add3A_284 = arith.addi %mul3A_159, %add3A_283 : i32
          %add3A_285 = arith.constant 2 : i32
          %add3A_286 = arith.addi %add3A_284, %add3A_285 : i32
          %mul3A_287 = arith.constant 56 : i32
          %mul3A_288 = arith.muli %arg1, %mul3A_287 : i32
          %add3A_289 = arith.addi %mul3A_288, %add3A_286 : i32
          %mul3A_290 = arith.constant 80 : i32
          %mul3A_291 = arith.muli %add3A_289, %mul3A_290 : i32
          %dma_start3A_292 = arith.constant 0 : i32
          %dma_start3A_293 = tpu.memref_slice %arg4[%mul3A_291, %dma_start3A_292] : memref<71680x128xf32, #tpu.memory_space<hbm>> -> memref<80x128xf32, #tpu.memory_space<hbm>>
          %dma_start3A_294 = arith.constant 0 : i32
          %dma_start3A_295 = tpu.memref_slice %arg4[%mul3A_291, %dma_start3A_294] : memref<71680x128xf32, #tpu.memory_space<hbm>> -> memref<80x128xf32, #tpu.memory_space<hbm>>
          tpu.enqueue_dma source(%dma_start3A_295 : memref<80x128xf32, #tpu.memory_space<hbm>>) target(%arg17 : memref<80x128xf32, #tpu.memory_space<vmem>>) target_semaphore(%arg23 : memref<!tpu.dma_semaphore, #tpu.memory_space<semaphore_mem>>)
          %dma_wait3A_296 = arith.constant 0 : i32
          %dma_wait3A_297 = arith.constant 0 : i32
          %dma_wait3A_298 = tpu.memref_slice %arg19[%dma_wait3A_296, %dma_wait3A_297] : memref<56x80xi32, #tpu.memory_space<vmem>> -> memref<1x80xi32, #tpu.memory_space<vmem>>
          %dma_wait3A_299 = tpu.memref_squeeze %dma_wait3A_298 : memref<1x80xi32, #tpu.memory_space<vmem>> -> memref<80xi32, #tpu.memory_space<vmem>>
          %dma_wait3A_300 = arith.constant 0 : i32
          %dma_wait3A_301 = arith.constant 0 : i32
          %dma_wait3A_302 = tpu.memref_slice %arg20[%dma_wait3A_300, %dma_wait3A_301] : memref<10112x128xf32, #tpu.memory_space<vmem_shared>> -> memref<10112x128xf32, #tpu.memory_space<vmem_shared>>
          tpu.wait_indirect_dma semaphore(%arg28 : memref<!tpu.dma_semaphore, #tpu.memory_space<semaphore_mem>>) src(%arg18 : memref<80x128xf32, #tpu.memory_space<vmem>>) dst(%dma_wait3A_302 : memref<10112x128xf32, #tpu.memory_space<vmem_shared>>)
          %add3A_303 = arith.constant 4 : i32
          %add3A_304 = arith.addi %mul3A_159, %add3A_303 : i32
          %add3A_305 = arith.constant 3 : i32
          %add3A_306 = arith.addi %add3A_304, %add3A_305 : i32
          %mul3A_307 = arith.constant 56 : i32
          %mul3A_308 = arith.muli %arg1, %mul3A_307 : i32
          %add3A_309 = arith.addi %mul3A_308, %add3A_306 : i32
          %mul3A_310 = arith.constant 80 : i32
          %mul3A_311 = arith.muli %add3A_309, %mul3A_310 : i32
          %dma_start3A_312 = arith.constant 0 : i32
          %dma_start3A_313 = tpu.memref_slice %arg4[%mul3A_311, %dma_start3A_312] : memref<71680x128xf32, #tpu.memory_space<hbm>> -> memref<80x128xf32, #tpu.memory_space<hbm>>
          %dma_start3A_314 = arith.constant 0 : i32
          %dma_start3A_315 = tpu.memref_slice %arg4[%mul3A_311, %dma_start3A_314] : memref<71680x128xf32, #tpu.memory_space<hbm>> -> memref<80x128xf32, #tpu.memory_space<hbm>>
          tpu.enqueue_dma source(%dma_start3A_315 : memref<80x128xf32, #tpu.memory_space<hbm>>) target(%arg18 : memref<80x128xf32, #tpu.memory_space<vmem>>) target_semaphore(%arg24 : memref<!tpu.dma_semaphore, #tpu.memory_space<semaphore_mem>>)
        } else {
        }
      }
      %scan3A_50 = arith.constant 14 : i32
      %dma_wait3A = arith.constant 0 : i32
      %dma_wait3A_51 = arith.constant 0 : i32
      %dma_wait3A_52 = tpu.memref_slice %arg19[%dma_wait3A, %dma_wait3A_51] : memref<56x80xi32, #tpu.memory_space<vmem>> -> memref<1x80xi32, #tpu.memory_space<vmem>>
      %dma_wait3A_53 = tpu.memref_squeeze %dma_wait3A_52 : memref<1x80xi32, #tpu.memory_space<vmem>> -> memref<80xi32, #tpu.memory_space<vmem>>
      %dma_wait3A_54 = arith.constant 0 : i32
      %dma_wait3A_55 = arith.constant 0 : i32
      %dma_wait3A_56 = tpu.memref_slice %arg20[%dma_wait3A_54, %dma_wait3A_55] : memref<10112x128xf32, #tpu.memory_space<vmem_shared>> -> memref<10112x128xf32, #tpu.memory_space<vmem_shared>>
      tpu.wait_indirect_dma semaphore(%arg25 : memref<!tpu.dma_semaphore, #tpu.memory_space<semaphore_mem>>) src(%arg15 : memref<80x128xf32, #tpu.memory_space<vmem>>) dst(%dma_wait3A_56 : memref<10112x128xf32, #tpu.memory_space<vmem_shared>>)
      %dma_wait3A_57 = arith.constant 0 : i32
      %dma_wait3A_58 = arith.constant 0 : i32
      %dma_wait3A_59 = tpu.memref_slice %arg19[%dma_wait3A_57, %dma_wait3A_58] : memref<56x80xi32, #tpu.memory_space<vmem>> -> memref<1x80xi32, #tpu.memory_space<vmem>>
      %dma_wait3A_60 = tpu.memref_squeeze %dma_wait3A_59 : memref<1x80xi32, #tpu.memory_space<vmem>> -> memref<80xi32, #tpu.memory_space<vmem>>
      %dma_wait3A_61 = arith.constant 0 : i32
      %dma_wait3A_62 = arith.constant 0 : i32
      %dma_wait3A_63 = tpu.memref_slice %arg20[%dma_wait3A_61, %dma_wait3A_62] : memref<10112x128xf32, #tpu.memory_space<vmem_shared>> -> memref<10112x128xf32, #tpu.memory_space<vmem_shared>>
      tpu.wait_indirect_dma semaphore(%arg26 : memref<!tpu.dma_semaphore, #tpu.memory_space<semaphore_mem>>) src(%arg16 : memref<80x128xf32, #tpu.memory_space<vmem>>) dst(%dma_wait3A_63 : memref<10112x128xf32, #tpu.memory_space<vmem_shared>>)
      %dma_wait3A_64 = arith.constant 0 : i32
      %dma_wait3A_65 = arith.constant 0 : i32
      %dma_wait3A_66 = tpu.memref_slice %arg19[%dma_wait3A_64, %dma_wait3A_65] : memref<56x80xi32, #tpu.memory_space<vmem>> -> memref<1x80xi32, #tpu.memory_space<vmem>>
      %dma_wait3A_67 = tpu.memref_squeeze %dma_wait3A_66 : memref<1x80xi32, #tpu.memory_space<vmem>> -> memref<80xi32, #tpu.memory_space<vmem>>
      %dma_wait3A_68 = arith.constant 0 : i32
      %dma_wait3A_69 = arith.constant 0 : i32
      %dma_wait3A_70 = tpu.memref_slice %arg20[%dma_wait3A_68, %dma_wait3A_69] : memref<10112x128xf32, #tpu.memory_space<vmem_shared>> -> memref<10112x128xf32, #tpu.memory_space<vmem_shared>>
      tpu.wait_indirect_dma semaphore(%arg27 : memref<!tpu.dma_semaphore, #tpu.memory_space<semaphore_mem>>) src(%arg17 : memref<80x128xf32, #tpu.memory_space<vmem>>) dst(%dma_wait3A_70 : memref<10112x128xf32, #tpu.memory_space<vmem_shared>>)
      %dma_wait3A_71 = arith.constant 0 : i32
      %dma_wait3A_72 = arith.constant 0 : i32
      %dma_wait3A_73 = tpu.memref_slice %arg19[%dma_wait3A_71, %dma_wait3A_72] : memref<56x80xi32, #tpu.memory_space<vmem>> -> memref<1x80xi32, #tpu.memory_space<vmem>>
      %dma_wait3A_74 = tpu.memref_squeeze %dma_wait3A_73 : memref<1x80xi32, #tpu.memory_space<vmem>> -> memref<80xi32, #tpu.memory_space<vmem>>
      %dma_wait3A_75 = arith.constant 0 : i32
      %dma_wait3A_76 = arith.constant 0 : i32
      %dma_wait3A_77 = tpu.memref_slice %arg20[%dma_wait3A_75, %dma_wait3A_76] : memref<10112x128xf32, #tpu.memory_space<vmem_shared>> -> memref<10112x128xf32, #tpu.memory_space<vmem_shared>>
      tpu.wait_indirect_dma semaphore(%arg28 : memref<!tpu.dma_semaphore, #tpu.memory_space<semaphore_mem>>) src(%arg18 : memref<80x128xf32, #tpu.memory_space<vmem>>) dst(%dma_wait3A_77 : memref<10112x128xf32, #tpu.memory_space<vmem_shared>>)
      %barrier3A_78 = arith.constant 0 : index
      tpu.barrier barrier_id(%barrier3A_78)
      "tpu.region"() ({
        %run_scoped3A = tpu.sem_alloc : memref<!tpu.dma_semaphore, #tpu.memory_space<semaphore_mem>>
        %dma_start3A_157 = arith.constant 0 : i32
        %dma_start3A_158 = tpu.memref_slice %arg13[%mul3A_0, %dma_start3A_157] : memref<10112x128xf32, #tpu.memory_space<hbm>> -> memref<632x128xf32, #tpu.memory_space<hbm>>
        %dma_start3A_159 = arith.constant 0 : i32
        %dma_start3A_160 = tpu.memref_slice %arg20[%mul3A_0, %dma_start3A_159] : memref<10112x128xf32, #tpu.memory_space<vmem_shared>> -> memref<632x128xf32, #tpu.memory_space<vmem_shared>>
        tpu.enqueue_dma source(%dma_start3A_160 : memref<632x128xf32, #tpu.memory_space<vmem_shared>>) target(%dma_start3A_158 : memref<632x128xf32, #tpu.memory_space<hbm>>) target_semaphore(%run_scoped3A : memref<!tpu.dma_semaphore, #tpu.memory_space<semaphore_mem>>)
        %dma_wait3A_161 = arith.constant 0 : i32
        %dma_wait3A_162 = tpu.memref_slice %arg13[%mul3A_0, %dma_wait3A_161] : memref<10112x128xf32, #tpu.memory_space<hbm>> -> memref<632x128xf32, #tpu.memory_space<hbm>>
        %dma_wait3A_163 = arith.constant 0 : i32
        %dma_wait3A_164 = tpu.memref_slice %arg20[%mul3A_0, %dma_wait3A_163] : memref<10112x128xf32, #tpu.memory_space<vmem_shared>> -> memref<632x128xf32, #tpu.memory_space<vmem_shared>>
        tpu.wait_dma2 semaphore(%run_scoped3A : memref<!tpu.dma_semaphore, #tpu.memory_space<semaphore_mem>>) src(%dma_wait3A_164 : memref<632x128xf32, #tpu.memory_space<vmem_shared>>) dst(%dma_wait3A_162 : memref<632x128xf32, #tpu.memory_space<hbm>>)
        tpu.yield
      }) : () -> ()
      %barrier3A_79 = arith.constant 0 : index
      tpu.barrier barrier_id(%barrier3A_79)
      %mul3A_80 = arith.constant 56 : i32
      %mul3A_81 = arith.muli %arg1, %mul3A_80 : i32
      %add3A_82 = arith.constant 0 : i32
      %add3A_83 = arith.addi %mul3A_81, %add3A_82 : i32
      %mul3A_84 = arith.constant 80 : i32
      %mul3A_85 = arith.muli %add3A_83, %mul3A_84 : i32
      %dma_start3A_86 = arith.constant 0 : i32
      %dma_start3A_87 = tpu.memref_slice %arg5[%mul3A_85, %dma_start3A_86] : memref<71680x128xf32, #tpu.memory_space<hbm>> -> memref<80x128xf32, #tpu.memory_space<hbm>>
      %dma_start3A_88 = arith.constant 0 : i32
      %dma_start3A_89 = tpu.memref_slice %arg5[%mul3A_85, %dma_start3A_88] : memref<71680x128xf32, #tpu.memory_space<hbm>> -> memref<80x128xf32, #tpu.memory_space<hbm>>
      tpu.enqueue_dma source(%dma_start3A_89 : memref<80x128xf32, #tpu.memory_space<hbm>>) target(%arg15 : memref<80x128xf32, #tpu.memory_space<vmem>>) target_semaphore(%arg21 : memref<!tpu.dma_semaphore, #tpu.memory_space<semaphore_mem>>)
      %mul3A_90 = arith.constant 56 : i32
      %mul3A_91 = arith.muli %arg1, %mul3A_90 : i32
      %add3A_92 = arith.constant 1 : i32
      %add3A_93 = arith.addi %mul3A_91, %add3A_92 : i32
      %mul3A_94 = arith.constant 80 : i32
      %mul3A_95 = arith.muli %add3A_93, %mul3A_94 : i32
      %dma_start3A_96 = arith.constant 0 : i32
      %dma_start3A_97 = tpu.memref_slice %arg5[%mul3A_95, %dma_start3A_96] : memref<71680x128xf32, #tpu.memory_space<hbm>> -> memref<80x128xf32, #tpu.memory_space<hbm>>
      %dma_start3A_98 = arith.constant 0 : i32
      %dma_start3A_99 = tpu.memref_slice %arg5[%mul3A_95, %dma_start3A_98] : memref<71680x128xf32, #tpu.memory_space<hbm>> -> memref<80x128xf32, #tpu.memory_space<hbm>>
      tpu.enqueue_dma source(%dma_start3A_99 : memref<80x128xf32, #tpu.memory_space<hbm>>) target(%arg16 : memref<80x128xf32, #tpu.memory_space<vmem>>) target_semaphore(%arg22 : memref<!tpu.dma_semaphore, #tpu.memory_space<semaphore_mem>>)
      %mul3A_100 = arith.constant 56 : i32
      %mul3A_101 = arith.muli %arg1, %mul3A_100 : i32
      %add3A_102 = arith.constant 2 : i32
      %add3A_103 = arith.addi %mul3A_101, %add3A_102 : i32
      %mul3A_104 = arith.constant 80 : i32
      %mul3A_105 = arith.muli %add3A_103, %mul3A_104 : i32
      %dma_start3A_106 = arith.constant 0 : i32
      %dma_start3A_107 = tpu.memref_slice %arg5[%mul3A_105, %dma_start3A_106] : memref<71680x128xf32, #tpu.memory_space<hbm>> -> memref<80x128xf32, #tpu.memory_space<hbm>>
      %dma_start3A_108 = arith.constant 0 : i32
      %dma_start3A_109 = tpu.memref_slice %arg5[%mul3A_105, %dma_start3A_108] : memref<71680x128xf32, #tpu.memory_space<hbm>> -> memref<80x128xf32, #tpu.memory_space<hbm>>
      tpu.enqueue_dma source(%dma_start3A_109 : memref<80x128xf32, #tpu.memory_space<hbm>>) target(%arg17 : memref<80x128xf32, #tpu.memory_space<vmem>>) target_semaphore(%arg23 : memref<!tpu.dma_semaphore, #tpu.memory_space<semaphore_mem>>)
      %mul3A_110 = arith.constant 56 : i32
      %mul3A_111 = arith.muli %arg1, %mul3A_110 : i32
      %add3A_112 = arith.constant 3 : i32
      %add3A_113 = arith.addi %mul3A_111, %add3A_112 : i32
      %mul3A_114 = arith.constant 80 : i32
      %mul3A_115 = arith.muli %add3A_113, %mul3A_114 : i32
      %dma_start3A_116 = arith.constant 0 : i32
      %dma_start3A_117 = tpu.memref_slice %arg5[%mul3A_115, %dma_start3A_116] : memref<71680x128xf32, #tpu.memory_space<hbm>> -> memref<80x128xf32, #tpu.memory_space<hbm>>
      %dma_start3A_118 = arith.constant 0 : i32
      %dma_start3A_119 = tpu.memref_slice %arg5[%mul3A_115, %dma_start3A_118] : memref<71680x128xf32, #tpu.memory_space<hbm>> -> memref<80x128xf32, #tpu.memory_space<hbm>>
      tpu.enqueue_dma source(%dma_start3A_119 : memref<80x128xf32, #tpu.memory_space<hbm>>) target(%arg18 : memref<80x128xf32, #tpu.memory_space<vmem>>) target_semaphore(%arg24 : memref<!tpu.dma_semaphore, #tpu.memory_space<semaphore_mem>>)
      "tpu.region"() ({
        %run_scoped3A = tpu.sem_alloc : memref<!tpu.dma_semaphore, #tpu.memory_space<semaphore_mem>>
        %dma_start3A_157 = arith.constant 0 : i32
        %dma_start3A_158 = tpu.memref_slice %arg20[%mul3A_0, %dma_start3A_157] : memref<10112x128xf32, #tpu.memory_space<vmem_shared>> -> memref<632x128xf32, #tpu.memory_space<vmem_shared>>
        %dma_start3A_159 = arith.constant 0 : i32
        %dma_start3A_160 = tpu.memref_slice %arg9[%mul3A_0, %dma_start3A_159] : memref<10112x128xf32, #tpu.memory_space<hbm>> -> memref<632x128xf32, #tpu.memory_space<hbm>>
        tpu.enqueue_dma source(%dma_start3A_160 : memref<632x128xf32, #tpu.memory_space<hbm>>) target(%dma_start3A_158 : memref<632x128xf32, #tpu.memory_space<vmem_shared>>) target_semaphore(%run_scoped3A : memref<!tpu.dma_semaphore, #tpu.memory_space<semaphore_mem>>)
        %dma_wait3A_161 = arith.constant 0 : i32
        %dma_wait3A_162 = tpu.memref_slice %arg20[%mul3A_0, %dma_wait3A_161] : memref<10112x128xf32, #tpu.memory_space<vmem_shared>> -> memref<632x128xf32, #tpu.memory_space<vmem_shared>>
        %dma_wait3A_163 = arith.constant 0 : i32
        %dma_wait3A_164 = tpu.memref_slice %arg9[%mul3A_0, %dma_wait3A_163] : memref<10112x128xf32, #tpu.memory_space<hbm>> -> memref<632x128xf32, #tpu.memory_space<hbm>>
        tpu.wait_dma2 semaphore(%run_scoped3A : memref<!tpu.dma_semaphore, #tpu.memory_space<semaphore_mem>>) src(%dma_wait3A_164 : memref<632x128xf32, #tpu.memory_space<hbm>>) dst(%dma_wait3A_162 : memref<632x128xf32, #tpu.memory_space<vmem_shared>>)
        tpu.yield
      }) : () -> ()
      %barrier3A_120 = arith.constant 0 : index
      tpu.barrier barrier_id(%barrier3A_120)
      %scan3A_121 = arith.constant 0 : i32
      %scan3A_122 = arith.constant 0 : i32
      %scan3A_123 = arith.constant 14 : i32
      %scan3A_124 = arith.addi %scan3A_122, %scan3A_123 : i32
      %scan3A_125 = arith.constant 1 : i32
      scf.for %scan3A_157 = %scan3A_122 to %scan3A_124 step %scan3A_125  : i32 {
        %mul3A_158 = arith.constant 4 : i32
        %mul3A_159 = arith.muli %mul3A_158, %scan3A_157 : i32
        %mul3A_160 = arith.constant 56 : i32
        %mul3A_161 = arith.muli %arg1, %mul3A_160 : i32
        %add3A_162 = arith.constant 0 : i32
        %add3A_163 = arith.addi %mul3A_161, %add3A_162 : i32
        %mul3A_164 = arith.constant 80 : i32
        %mul3A_165 = arith.muli %add3A_163, %mul3A_164 : i32
        %dma_wait3A_166 = arith.constant 0 : i32
        %dma_wait3A_167 = tpu.memref_slice %arg5[%mul3A_165, %dma_wait3A_166] : memref<71680x128xf32, #tpu.memory_space<hbm>> -> memref<80x128xf32, #tpu.memory_space<hbm>>
        %dma_wait3A_168 = arith.constant 0 : i32
        %dma_wait3A_169 = tpu.memref_slice %arg5[%mul3A_165, %dma_wait3A_168] : memref<71680x128xf32, #tpu.memory_space<hbm>> -> memref<80x128xf32, #tpu.memory_space<hbm>>
        tpu.wait_dma2 semaphore(%arg21 : memref<!tpu.dma_semaphore, #tpu.memory_space<semaphore_mem>>) src(%dma_wait3A_169 : memref<80x128xf32, #tpu.memory_space<hbm>>) dst(%arg15 : memref<80x128xf32, #tpu.memory_space<vmem>>)
        %add3A_170 = arith.constant 0 : i32
        %add3A_171 = arith.addi %mul3A_159, %add3A_170 : i32
        %dma_start3A_172 = arith.constant 0 : i32
        %dma_start3A_173 = tpu.memref_slice %arg19[%add3A_171, %dma_start3A_172] : memref<56x80xi32, #tpu.memory_space<vmem>> -> memref<1x80xi32, #tpu.memory_space<vmem>>
        %dma_start3A_174 = tpu.memref_squeeze %dma_start3A_173 : memref<1x80xi32, #tpu.memory_space<vmem>> -> memref<80xi32, #tpu.memory_space<vmem>>
        %dma_start3A_175 = arith.constant 0 : i32
        %dma_start3A_176 = arith.constant 0 : i32
        %dma_start3A_177 = tpu.memref_slice %arg20[%dma_start3A_175, %dma_start3A_176] : memref<10112x128xf32, #tpu.memory_space<vmem_shared>> -> memref<10112x128xf32, #tpu.memory_space<vmem_shared>>
        tpu.enqueue_indirect_dma source(%arg15 : memref<80x128xf32, #tpu.memory_space<vmem>>) target(%dma_start3A_177 : memref<10112x128xf32, #tpu.memory_space<vmem_shared>>) offsets(%dma_start3A_174 : memref<80xi32, #tpu.memory_space<vmem>>) semaphore(%arg25 : memref<!tpu.dma_semaphore, #tpu.memory_space<semaphore_mem>>) {add = true}
        %mul3A_178 = arith.constant 56 : i32
        %mul3A_179 = arith.muli %arg1, %mul3A_178 : i32
        %add3A_180 = arith.constant 0 : i32
        %add3A_181 = arith.addi %mul3A_179, %add3A_180 : i32
        %mul3A_182 = arith.constant 80 : i32
        %mul3A_183 = arith.muli %add3A_181, %mul3A_182 : i32
        %dma_wait3A_184 = arith.constant 0 : i32
        %dma_wait3A_185 = tpu.memref_slice %arg5[%mul3A_183, %dma_wait3A_184] : memref<71680x128xf32, #tpu.memory_space<hbm>> -> memref<80x128xf32, #tpu.memory_space<hbm>>
        %dma_wait3A_186 = arith.constant 0 : i32
        %dma_wait3A_187 = tpu.memref_slice %arg5[%mul3A_183, %dma_wait3A_186] : memref<71680x128xf32, #tpu.memory_space<hbm>> -> memref<80x128xf32, #tpu.memory_space<hbm>>
        tpu.wait_dma2 semaphore(%arg22 : memref<!tpu.dma_semaphore, #tpu.memory_space<semaphore_mem>>) src(%dma_wait3A_187 : memref<80x128xf32, #tpu.memory_space<hbm>>) dst(%arg16 : memref<80x128xf32, #tpu.memory_space<vmem>>)
        %add3A_188 = arith.constant 1 : i32
        %add3A_189 = arith.addi %mul3A_159, %add3A_188 : i32
        %dma_start3A_190 = arith.constant 0 : i32
        %dma_start3A_191 = tpu.memref_slice %arg19[%add3A_189, %dma_start3A_190] : memref<56x80xi32, #tpu.memory_space<vmem>> -> memref<1x80xi32, #tpu.memory_space<vmem>>
        %dma_start3A_192 = tpu.memref_squeeze %dma_start3A_191 : memref<1x80xi32, #tpu.memory_space<vmem>> -> memref<80xi32, #tpu.memory_space<vmem>>
        %dma_start3A_193 = arith.constant 0 : i32
        %dma_start3A_194 = arith.constant 0 : i32
        %dma_start3A_195 = tpu.memref_slice %arg20[%dma_start3A_193, %dma_start3A_194] : memref<10112x128xf32, #tpu.memory_space<vmem_shared>> -> memref<10112x128xf32, #tpu.memory_space<vmem_shared>>
        tpu.enqueue_indirect_dma source(%arg16 : memref<80x128xf32, #tpu.memory_space<vmem>>) target(%dma_start3A_195 : memref<10112x128xf32, #tpu.memory_space<vmem_shared>>) offsets(%dma_start3A_192 : memref<80xi32, #tpu.memory_space<vmem>>) semaphore(%arg26 : memref<!tpu.dma_semaphore, #tpu.memory_space<semaphore_mem>>) {add = true}
        %mul3A_196 = arith.constant 56 : i32
        %mul3A_197 = arith.muli %arg1, %mul3A_196 : i32
        %add3A_198 = arith.constant 0 : i32
        %add3A_199 = arith.addi %mul3A_197, %add3A_198 : i32
        %mul3A_200 = arith.constant 80 : i32
        %mul3A_201 = arith.muli %add3A_199, %mul3A_200 : i32
        %dma_wait3A_202 = arith.constant 0 : i32
        %dma_wait3A_203 = tpu.memref_slice %arg5[%mul3A_201, %dma_wait3A_202] : memref<71680x128xf32, #tpu.memory_space<hbm>> -> memref<80x128xf32, #tpu.memory_space<hbm>>
        %dma_wait3A_204 = arith.constant 0 : i32
        %dma_wait3A_205 = tpu.memref_slice %arg5[%mul3A_201, %dma_wait3A_204] : memref<71680x128xf32, #tpu.memory_space<hbm>> -> memref<80x128xf32, #tpu.memory_space<hbm>>
        tpu.wait_dma2 semaphore(%arg23 : memref<!tpu.dma_semaphore, #tpu.memory_space<semaphore_mem>>) src(%dma_wait3A_205 : memref<80x128xf32, #tpu.memory_space<hbm>>) dst(%arg17 : memref<80x128xf32, #tpu.memory_space<vmem>>)
        %add3A_206 = arith.constant 2 : i32
        %add3A_207 = arith.addi %mul3A_159, %add3A_206 : i32
        %dma_start3A_208 = arith.constant 0 : i32
        %dma_start3A_209 = tpu.memref_slice %arg19[%add3A_207, %dma_start3A_208] : memref<56x80xi32, #tpu.memory_space<vmem>> -> memref<1x80xi32, #tpu.memory_space<vmem>>
        %dma_start3A_210 = tpu.memref_squeeze %dma_start3A_209 : memref<1x80xi32, #tpu.memory_space<vmem>> -> memref<80xi32, #tpu.memory_space<vmem>>
        %dma_start3A_211 = arith.constant 0 : i32
        %dma_start3A_212 = arith.constant 0 : i32
        %dma_start3A_213 = tpu.memref_slice %arg20[%dma_start3A_211, %dma_start3A_212] : memref<10112x128xf32, #tpu.memory_space<vmem_shared>> -> memref<10112x128xf32, #tpu.memory_space<vmem_shared>>
        tpu.enqueue_indirect_dma source(%arg17 : memref<80x128xf32, #tpu.memory_space<vmem>>) target(%dma_start3A_213 : memref<10112x128xf32, #tpu.memory_space<vmem_shared>>) offsets(%dma_start3A_210 : memref<80xi32, #tpu.memory_space<vmem>>) semaphore(%arg27 : memref<!tpu.dma_semaphore, #tpu.memory_space<semaphore_mem>>) {add = true}
        %mul3A_214 = arith.constant 56 : i32
        %mul3A_215 = arith.muli %arg1, %mul3A_214 : i32
        %add3A_216 = arith.constant 0 : i32
        %add3A_217 = arith.addi %mul3A_215, %add3A_216 : i32
        %mul3A_218 = arith.constant 80 : i32
        %mul3A_219 = arith.muli %add3A_217, %mul3A_218 : i32
        %dma_wait3A_220 = arith.constant 0 : i32
        %dma_wait3A_221 = tpu.memref_slice %arg5[%mul3A_219, %dma_wait3A_220] : memref<71680x128xf32, #tpu.memory_space<hbm>> -> memref<80x128xf32, #tpu.memory_space<hbm>>
        %dma_wait3A_222 = arith.constant 0 : i32
        %dma_wait3A_223 = tpu.memref_slice %arg5[%mul3A_219, %dma_wait3A_222] : memref<71680x128xf32, #tpu.memory_space<hbm>> -> memref<80x128xf32, #tpu.memory_space<hbm>>
        tpu.wait_dma2 semaphore(%arg24 : memref<!tpu.dma_semaphore, #tpu.memory_space<semaphore_mem>>) src(%dma_wait3A_223 : memref<80x128xf32, #tpu.memory_space<hbm>>) dst(%arg18 : memref<80x128xf32, #tpu.memory_space<vmem>>)
        %add3A_224 = arith.constant 3 : i32
        %add3A_225 = arith.addi %mul3A_159, %add3A_224 : i32
        %dma_start3A_226 = arith.constant 0 : i32
        %dma_start3A_227 = tpu.memref_slice %arg19[%add3A_225, %dma_start3A_226] : memref<56x80xi32, #tpu.memory_space<vmem>> -> memref<1x80xi32, #tpu.memory_space<vmem>>
        %dma_start3A_228 = tpu.memref_squeeze %dma_start3A_227 : memref<1x80xi32, #tpu.memory_space<vmem>> -> memref<80xi32, #tpu.memory_space<vmem>>
        %dma_start3A_229 = arith.constant 0 : i32
        %dma_start3A_230 = arith.constant 0 : i32
        %dma_start3A_231 = tpu.memref_slice %arg20[%dma_start3A_229, %dma_start3A_230] : memref<10112x128xf32, #tpu.memory_space<vmem_shared>> -> memref<10112x128xf32, #tpu.memory_space<vmem_shared>>
        tpu.enqueue_indirect_dma source(%arg18 : memref<80x128xf32, #tpu.memory_space<vmem>>) target(%dma_start3A_231 : memref<10112x128xf32, #tpu.memory_space<vmem_shared>>) offsets(%dma_start3A_228 : memref<80xi32, #tpu.memory_space<vmem>>) semaphore(%arg28 : memref<!tpu.dma_semaphore, #tpu.memory_space<semaphore_mem>>) {add = true}
        %lt3A = arith.constant 13 : i32
        %lt3A_232 = arith.cmpi slt, %scan3A_157, %lt3A : i32
        %convert_element_type3A_233 = arith.extui %lt3A_232 : i1 to i32
        %cond3A_234 = arith.constant 0 : i32
        %cond3A_235 = arith.cmpi ne, %convert_element_type3A_233, %cond3A_234 : i32
        scf.if %cond3A_235 {
          %dma_wait3A_236 = arith.constant 0 : i32
          %dma_wait3A_237 = arith.constant 0 : i32
          %dma_wait3A_238 = tpu.memref_slice %arg19[%dma_wait3A_236, %dma_wait3A_237] : memref<56x80xi32, #tpu.memory_space<vmem>> -> memref<1x80xi32, #tpu.memory_space<vmem>>
          %dma_wait3A_239 = tpu.memref_squeeze %dma_wait3A_238 : memref<1x80xi32, #tpu.memory_space<vmem>> -> memref<80xi32, #tpu.memory_space<vmem>>
          %dma_wait3A_240 = arith.constant 0 : i32
          %dma_wait3A_241 = arith.constant 0 : i32
          %dma_wait3A_242 = tpu.memref_slice %arg20[%dma_wait3A_240, %dma_wait3A_241] : memref<10112x128xf32, #tpu.memory_space<vmem_shared>> -> memref<10112x128xf32, #tpu.memory_space<vmem_shared>>
          tpu.wait_indirect_dma semaphore(%arg25 : memref<!tpu.dma_semaphore, #tpu.memory_space<semaphore_mem>>) src(%arg15 : memref<80x128xf32, #tpu.memory_space<vmem>>) dst(%dma_wait3A_242 : memref<10112x128xf32, #tpu.memory_space<vmem_shared>>)
          %add3A_243 = arith.constant 4 : i32
          %add3A_244 = arith.addi %mul3A_159, %add3A_243 : i32
          %add3A_245 = arith.constant 0 : i32
          %add3A_246 = arith.addi %add3A_244, %add3A_245 : i32
          %mul3A_247 = arith.constant 56 : i32
          %mul3A_248 = arith.muli %arg1, %mul3A_247 : i32
          %add3A_249 = arith.addi %mul3A_248, %add3A_246 : i32
          %mul3A_250 = arith.constant 80 : i32
          %mul3A_251 = arith.muli %add3A_249, %mul3A_250 : i32
          %dma_start3A_252 = arith.constant 0 : i32
          %dma_start3A_253 = tpu.memref_slice %arg5[%mul3A_251, %dma_start3A_252] : memref<71680x128xf32, #tpu.memory_space<hbm>> -> memref<80x128xf32, #tpu.memory_space<hbm>>
          %dma_start3A_254 = arith.constant 0 : i32
          %dma_start3A_255 = tpu.memref_slice %arg5[%mul3A_251, %dma_start3A_254] : memref<71680x128xf32, #tpu.memory_space<hbm>> -> memref<80x128xf32, #tpu.memory_space<hbm>>
          tpu.enqueue_dma source(%dma_start3A_255 : memref<80x128xf32, #tpu.memory_space<hbm>>) target(%arg15 : memref<80x128xf32, #tpu.memory_space<vmem>>) target_semaphore(%arg21 : memref<!tpu.dma_semaphore, #tpu.memory_space<semaphore_mem>>)
          %dma_wait3A_256 = arith.constant 0 : i32
          %dma_wait3A_257 = arith.constant 0 : i32
          %dma_wait3A_258 = tpu.memref_slice %arg19[%dma_wait3A_256, %dma_wait3A_257] : memref<56x80xi32, #tpu.memory_space<vmem>> -> memref<1x80xi32, #tpu.memory_space<vmem>>
          %dma_wait3A_259 = tpu.memref_squeeze %dma_wait3A_258 : memref<1x80xi32, #tpu.memory_space<vmem>> -> memref<80xi32, #tpu.memory_space<vmem>>
          %dma_wait3A_260 = arith.constant 0 : i32
          %dma_wait3A_261 = arith.constant 0 : i32
          %dma_wait3A_262 = tpu.memref_slice %arg20[%dma_wait3A_260, %dma_wait3A_261] : memref<10112x128xf32, #tpu.memory_space<vmem_shared>> -> memref<10112x128xf32, #tpu.memory_space<vmem_shared>>
          tpu.wait_indirect_dma semaphore(%arg26 : memref<!tpu.dma_semaphore, #tpu.memory_space<semaphore_mem>>) src(%arg16 : memref<80x128xf32, #tpu.memory_space<vmem>>) dst(%dma_wait3A_262 : memref<10112x128xf32, #tpu.memory_space<vmem_shared>>)
          %add3A_263 = arith.constant 4 : i32
          %add3A_264 = arith.addi %mul3A_159, %add3A_263 : i32
          %add3A_265 = arith.constant 1 : i32
          %add3A_266 = arith.addi %add3A_264, %add3A_265 : i32
          %mul3A_267 = arith.constant 56 : i32
          %mul3A_268 = arith.muli %arg1, %mul3A_267 : i32
          %add3A_269 = arith.addi %mul3A_268, %add3A_266 : i32
          %mul3A_270 = arith.constant 80 : i32
          %mul3A_271 = arith.muli %add3A_269, %mul3A_270 : i32
          %dma_start3A_272 = arith.constant 0 : i32
          %dma_start3A_273 = tpu.memref_slice %arg5[%mul3A_271, %dma_start3A_272] : memref<71680x128xf32, #tpu.memory_space<hbm>> -> memref<80x128xf32, #tpu.memory_space<hbm>>
          %dma_start3A_274 = arith.constant 0 : i32
          %dma_start3A_275 = tpu.memref_slice %arg5[%mul3A_271, %dma_start3A_274] : memref<71680x128xf32, #tpu.memory_space<hbm>> -> memref<80x128xf32, #tpu.memory_space<hbm>>
          tpu.enqueue_dma source(%dma_start3A_275 : memref<80x128xf32, #tpu.memory_space<hbm>>) target(%arg16 : memref<80x128xf32, #tpu.memory_space<vmem>>) target_semaphore(%arg22 : memref<!tpu.dma_semaphore, #tpu.memory_space<semaphore_mem>>)
          %dma_wait3A_276 = arith.constant 0 : i32
          %dma_wait3A_277 = arith.constant 0 : i32
          %dma_wait3A_278 = tpu.memref_slice %arg19[%dma_wait3A_276, %dma_wait3A_277] : memref<56x80xi32, #tpu.memory_space<vmem>> -> memref<1x80xi32, #tpu.memory_space<vmem>>
          %dma_wait3A_279 = tpu.memref_squeeze %dma_wait3A_278 : memref<1x80xi32, #tpu.memory_space<vmem>> -> memref<80xi32, #tpu.memory_space<vmem>>
          %dma_wait3A_280 = arith.constant 0 : i32
          %dma_wait3A_281 = arith.constant 0 : i32
          %dma_wait3A_282 = tpu.memref_slice %arg20[%dma_wait3A_280, %dma_wait3A_281] : memref<10112x128xf32, #tpu.memory_space<vmem_shared>> -> memref<10112x128xf32, #tpu.memory_space<vmem_shared>>
          tpu.wait_indirect_dma semaphore(%arg27 : memref<!tpu.dma_semaphore, #tpu.memory_space<semaphore_mem>>) src(%arg17 : memref<80x128xf32, #tpu.memory_space<vmem>>) dst(%dma_wait3A_282 : memref<10112x128xf32, #tpu.memory_space<vmem_shared>>)
          %add3A_283 = arith.constant 4 : i32
          %add3A_284 = arith.addi %mul3A_159, %add3A_283 : i32
          %add3A_285 = arith.constant 2 : i32
          %add3A_286 = arith.addi %add3A_284, %add3A_285 : i32
          %mul3A_287 = arith.constant 56 : i32
          %mul3A_288 = arith.muli %arg1, %mul3A_287 : i32
          %add3A_289 = arith.addi %mul3A_288, %add3A_286 : i32
          %mul3A_290 = arith.constant 80 : i32
          %mul3A_291 = arith.muli %add3A_289, %mul3A_290 : i32
          %dma_start3A_292 = arith.constant 0 : i32
          %dma_start3A_293 = tpu.memref_slice %arg5[%mul3A_291, %dma_start3A_292] : memref<71680x128xf32, #tpu.memory_space<hbm>> -> memref<80x128xf32, #tpu.memory_space<hbm>>
          %dma_start3A_294 = arith.constant 0 : i32
          %dma_start3A_295 = tpu.memref_slice %arg5[%mul3A_291, %dma_start3A_294] : memref<71680x128xf32, #tpu.memory_space<hbm>> -> memref<80x128xf32, #tpu.memory_space<hbm>>
          tpu.enqueue_dma source(%dma_start3A_295 : memref<80x128xf32, #tpu.memory_space<hbm>>) target(%arg17 : memref<80x128xf32, #tpu.memory_space<vmem>>) target_semaphore(%arg23 : memref<!tpu.dma_semaphore, #tpu.memory_space<semaphore_mem>>)
          %dma_wait3A_296 = arith.constant 0 : i32
          %dma_wait3A_297 = arith.constant 0 : i32
          %dma_wait3A_298 = tpu.memref_slice %arg19[%dma_wait3A_296, %dma_wait3A_297] : memref<56x80xi32, #tpu.memory_space<vmem>> -> memref<1x80xi32, #tpu.memory_space<vmem>>
          %dma_wait3A_299 = tpu.memref_squeeze %dma_wait3A_298 : memref<1x80xi32, #tpu.memory_space<vmem>> -> memref<80xi32, #tpu.memory_space<vmem>>
          %dma_wait3A_300 = arith.constant 0 : i32
          %dma_wait3A_301 = arith.constant 0 : i32
          %dma_wait3A_302 = tpu.memref_slice %arg20[%dma_wait3A_300, %dma_wait3A_301] : memref<10112x128xf32, #tpu.memory_space<vmem_shared>> -> memref<10112x128xf32, #tpu.memory_space<vmem_shared>>
          tpu.wait_indirect_dma semaphore(%arg28 : memref<!tpu.dma_semaphore, #tpu.memory_space<semaphore_mem>>) src(%arg18 : memref<80x128xf32, #tpu.memory_space<vmem>>) dst(%dma_wait3A_302 : memref<10112x128xf32, #tpu.memory_space<vmem_shared>>)
          %add3A_303 = arith.constant 4 : i32
          %add3A_304 = arith.addi %mul3A_159, %add3A_303 : i32
          %add3A_305 = arith.constant 3 : i32
          %add3A_306 = arith.addi %add3A_304, %add3A_305 : i32
          %mul3A_307 = arith.constant 56 : i32
          %mul3A_308 = arith.muli %arg1, %mul3A_307 : i32
          %add3A_309 = arith.addi %mul3A_308, %add3A_306 : i32
          %mul3A_310 = arith.constant 80 : i32
          %mul3A_311 = arith.muli %add3A_309, %mul3A_310 : i32
          %dma_start3A_312 = arith.constant 0 : i32
          %dma_start3A_313 = tpu.memref_slice %arg5[%mul3A_311, %dma_start3A_312] : memref<71680x128xf32, #tpu.memory_space<hbm>> -> memref<80x128xf32, #tpu.memory_space<hbm>>
          %dma_start3A_314 = arith.constant 0 : i32
          %dma_start3A_315 = tpu.memref_slice %arg5[%mul3A_311, %dma_start3A_314] : memref<71680x128xf32, #tpu.memory_space<hbm>> -> memref<80x128xf32, #tpu.memory_space<hbm>>
          tpu.enqueue_dma source(%dma_start3A_315 : memref<80x128xf32, #tpu.memory_space<hbm>>) target(%arg18 : memref<80x128xf32, #tpu.memory_space<vmem>>) target_semaphore(%arg24 : memref<!tpu.dma_semaphore, #tpu.memory_space<semaphore_mem>>)
        } else {
        }
      }
      %scan3A_126 = arith.constant 14 : i32
      %dma_wait3A_127 = arith.constant 0 : i32
      %dma_wait3A_128 = arith.constant 0 : i32
      %dma_wait3A_129 = tpu.memref_slice %arg19[%dma_wait3A_127, %dma_wait3A_128] : memref<56x80xi32, #tpu.memory_space<vmem>> -> memref<1x80xi32, #tpu.memory_space<vmem>>
      %dma_wait3A_130 = tpu.memref_squeeze %dma_wait3A_129 : memref<1x80xi32, #tpu.memory_space<vmem>> -> memref<80xi32, #tpu.memory_space<vmem>>
      %dma_wait3A_131 = arith.constant 0 : i32
      %dma_wait3A_132 = arith.constant 0 : i32
      %dma_wait3A_133 = tpu.memref_slice %arg20[%dma_wait3A_131, %dma_wait3A_132] : memref<10112x128xf32, #tpu.memory_space<vmem_shared>> -> memref<10112x128xf32, #tpu.memory_space<vmem_shared>>
      tpu.wait_indirect_dma semaphore(%arg25 : memref<!tpu.dma_semaphore, #tpu.memory_space<semaphore_mem>>) src(%arg15 : memref<80x128xf32, #tpu.memory_space<vmem>>) dst(%dma_wait3A_133 : memref<10112x128xf32, #tpu.memory_space<vmem_shared>>)
      %dma_wait3A_134 = arith.constant 0 : i32
      %dma_wait3A_135 = arith.constant 0 : i32
      %dma_wait3A_136 = tpu.memref_slice %arg19[%dma_wait3A_134, %dma_wait3A_135] : memref<56x80xi32, #tpu.memory_space<vmem>> -> memref<1x80xi32, #tpu.memory_space<vmem>>
      %dma_wait3A_137 = tpu.memref_squeeze %dma_wait3A_136 : memref<1x80xi32, #tpu.memory_space<vmem>> -> memref<80xi32, #tpu.memory_space<vmem>>
      %dma_wait3A_138 = arith.constant 0 : i32
      %dma_wait3A_139 = arith.constant 0 : i32
      %dma_wait3A_140 = tpu.memref_slice %arg20[%dma_wait3A_138, %dma_wait3A_139] : memref<10112x128xf32, #tpu.memory_space<vmem_shared>> -> memref<10112x128xf32, #tpu.memory_space<vmem_shared>>
      tpu.wait_indirect_dma semaphore(%arg26 : memref<!tpu.dma_semaphore, #tpu.memory_space<semaphore_mem>>) src(%arg16 : memref<80x128xf32, #tpu.memory_space<vmem>>) dst(%dma_wait3A_140 : memref<10112x128xf32, #tpu.memory_space<vmem_shared>>)
      %dma_wait3A_141 = arith.constant 0 : i32
      %dma_wait3A_142 = arith.constant 0 : i32
      %dma_wait3A_143 = tpu.memref_slice %arg19[%dma_wait3A_141, %dma_wait3A_142] : memref<56x80xi32, #tpu.memory_space<vmem>> -> memref<1x80xi32, #tpu.memory_space<vmem>>
      %dma_wait3A_144 = tpu.memref_squeeze %dma_wait3A_143 : memref<1x80xi32, #tpu.memory_space<vmem>> -> memref<80xi32, #tpu.memory_space<vmem>>
      %dma_wait3A_145 = arith.constant 0 : i32
      %dma_wait3A_146 = arith.constant 0 : i32
      %dma_wait3A_147 = tpu.memref_slice %arg20[%dma_wait3A_145, %dma_wait3A_146] : memref<10112x128xf32, #tpu.memory_space<vmem_shared>> -> memref<10112x128xf32, #tpu.memory_space<vmem_shared>>
      tpu.wait_indirect_dma semaphore(%arg27 : memref<!tpu.dma_semaphore, #tpu.memory_space<semaphore_mem>>) src(%arg17 : memref<80x128xf32, #tpu.memory_space<vmem>>) dst(%dma_wait3A_147 : memref<10112x128xf32, #tpu.memory_space<vmem_shared>>)
      %dma_wait3A_148 = arith.constant 0 : i32
      %dma_wait3A_149 = arith.constant 0 : i32
      %dma_wait3A_150 = tpu.memref_slice %arg19[%dma_wait3A_148, %dma_wait3A_149] : memref<56x80xi32, #tpu.memory_space<vmem>> -> memref<1x80xi32, #tpu.memory_space<vmem>>
      %dma_wait3A_151 = tpu.memref_squeeze %dma_wait3A_150 : memref<1x80xi32, #tpu.memory_space<vmem>> -> memref<80xi32, #tpu.memory_space<vmem>>
      %dma_wait3A_152 = arith.constant 0 : i32
      %dma_wait3A_153 = arith.constant 0 : i32
      %dma_wait3A_154 = tpu.memref_slice %arg20[%dma_wait3A_152, %dma_wait3A_153] : memref<10112x128xf32, #tpu.memory_space<vmem_shared>> -> memref<10112x128xf32, #tpu.memory_space<vmem_shared>>
      tpu.wait_indirect_dma semaphore(%arg28 : memref<!tpu.dma_semaphore, #tpu.memory_space<semaphore_mem>>) src(%arg18 : memref<80x128xf32, #tpu.memory_space<vmem>>) dst(%dma_wait3A_154 : memref<10112x128xf32, #tpu.memory_space<vmem_shared>>)
      %barrier3A_155 = arith.constant 0 : index
      tpu.barrier barrier_id(%barrier3A_155)
      "tpu.region"() ({
        %run_scoped3A = tpu.sem_alloc : memref<!tpu.dma_semaphore, #tpu.memory_space<semaphore_mem>>
        %dma_start3A_157 = arith.constant 0 : i32
        %dma_start3A_158 = tpu.memref_slice %arg14[%mul3A_0, %dma_start3A_157] : memref<10112x128xf32, #tpu.memory_space<hbm>> -> memref<632x128xf32, #tpu.memory_space<hbm>>
        %dma_start3A_159 = arith.constant 0 : i32
        %dma_start3A_160 = tpu.memref_slice %arg20[%mul3A_0, %dma_start3A_159] : memref<10112x128xf32, #tpu.memory_space<vmem_shared>> -> memref<632x128xf32, #tpu.memory_space<vmem_shared>>
        tpu.enqueue_dma source(%dma_start3A_160 : memref<632x128xf32, #tpu.memory_space<vmem_shared>>) target(%dma_start3A_158 : memref<632x128xf32, #tpu.memory_space<hbm>>) target_semaphore(%run_scoped3A : memref<!tpu.dma_semaphore, #tpu.memory_space<semaphore_mem>>)
        %dma_wait3A_161 = arith.constant 0 : i32
        %dma_wait3A_162 = tpu.memref_slice %arg14[%mul3A_0, %dma_wait3A_161] : memref<10112x128xf32, #tpu.memory_space<hbm>> -> memref<632x128xf32, #tpu.memory_space<hbm>>
        %dma_wait3A_163 = arith.constant 0 : i32
        %dma_wait3A_164 = tpu.memref_slice %arg20[%mul3A_0, %dma_wait3A_163] : memref<10112x128xf32, #tpu.memory_space<vmem_shared>> -> memref<632x128xf32, #tpu.memory_space<vmem_shared>>
        tpu.wait_dma2 semaphore(%run_scoped3A : memref<!tpu.dma_semaphore, #tpu.memory_space<semaphore_mem>>) src(%dma_wait3A_164 : memref<632x128xf32, #tpu.memory_space<vmem_shared>>) dst(%dma_wait3A_162 : memref<632x128xf32, #tpu.memory_space<hbm>>)
        tpu.yield
      }) : () -> ()
      %barrier3A_156 = arith.constant 0 : index
      tpu.barrier barrier_id(%barrier3A_156)
    } else {
    }
    return
  }
}

module attributes {stable_mosaic.version = 14 : i64} {
  func.func @_edge_body(%arg0: i32, %arg1: memref<3x2048xf32, #tpu.memory_space<vmem>>, %arg2: memref<8x128xf32, #tpu.memory_space<vmem>>, %arg3: memref<1x128xf32, #tpu.memory_space<vmem>>, %arg4: memref<128x128xf32, #tpu.memory_space<vmem>>, %arg5: memref<1x128xf32, #tpu.memory_space<vmem>>, %arg6: memref<128x128xf32, #tpu.memory_space<vmem>>, %arg7: memref<1x128xf32, #tpu.memory_space<vmem>>, %arg8: memref<128x128xf32, #tpu.memory_space<vmem>>, %arg9: memref<2048x128xf32, #tpu.memory_space<vmem>>, %arg10: memref<2048x128xf32, #tpu.memory_space<vmem>>, %arg11: memref<2048x128xf32, #tpu.memory_space<vmem>>, %arg12: memref<2048x128xf32, #tpu.memory_space<vmem>>) attributes {dimension_semantics = [#tpu.dimension_semantics<arbitrary>], iteration_bounds = array<i64: 35>, scalar_prefetch = 0 : i64, scratch_operands = 0 : i64, tpu.core_type = #tpu.core_type<tc>, window_params = [{transform_indices = @transform_0, window_bounds = array<i64: 3, 2048>}, {pipeline_mode = #tpu.pipeline_mode<synchronous>, transform_indices = @transform_1, window_bounds = array<i64: 8, 128>}, {pipeline_mode = #tpu.pipeline_mode<synchronous>, transform_indices = @transform_2, window_bounds = array<i64: 1, 128>}, {pipeline_mode = #tpu.pipeline_mode<synchronous>, transform_indices = @transform_3, window_bounds = array<i64: 128, 128>}, {pipeline_mode = #tpu.pipeline_mode<synchronous>, transform_indices = @transform_4, window_bounds = array<i64: 1, 128>}, {pipeline_mode = #tpu.pipeline_mode<synchronous>, transform_indices = @transform_5, window_bounds = array<i64: 128, 128>}, {pipeline_mode = #tpu.pipeline_mode<synchronous>, transform_indices = @transform_6, window_bounds = array<i64: 1, 128>}, {pipeline_mode = #tpu.pipeline_mode<synchronous>, transform_indices = @transform_7, window_bounds = array<i64: 128, 128>}, {transform_indices = @transform_8, window_bounds = array<i64: 2048, 128>}, {transform_indices = @transform_9, window_bounds = array<i64: 2048, 128>}, {transform_indices = @transform_10, window_bounds = array<i64: 2048, 128>}, {transform_indices = @transform_11, window_bounds = array<i64: 2048, 128>}]} {
    %get3A = arith.constant 0 : index
    %get3A_0 = arith.constant 0 : index
    %get3A_1 = vector.load %arg1[%get3A, %get3A_0] : memref<3x2048xf32, #tpu.memory_space<vmem>>, vector<1x2048xf32>
    %get3A_2 = arith.constant 1 : index
    %get3A_3 = arith.constant 0 : index
    %get3A_4 = vector.load %arg1[%get3A_2, %get3A_3] : memref<3x2048xf32, #tpu.memory_space<vmem>>, vector<1x2048xf32>
    %get3A_5 = arith.constant 2 : index
    %get3A_6 = arith.constant 0 : index
    %get3A_7 = vector.load %arg1[%get3A_5, %get3A_6] : memref<3x2048xf32, #tpu.memory_space<vmem>>, vector<1x2048xf32>
    %mul3A = arith.mulf %get3A_1, %get3A_1 : vector<1x2048xf32>
    %mul3A_8 = arith.mulf %get3A_4, %get3A_4 : vector<1x2048xf32>
    %add3A = arith.addf %mul3A, %mul3A_8 : vector<1x2048xf32>
    %mul3A_9 = arith.mulf %get3A_7, %get3A_7 : vector<1x2048xf32>
    %add3A_10 = arith.addf %add3A, %mul3A_9 : vector<1x2048xf32>
    %add3A_11 = arith.constant 9.99999996E-13 : f32
    %add3A_12 = vector.broadcast %add3A_11 : f32 to vector<1x2048xf32>
    %add3A_13 = arith.addf %add3A_10, %add3A_12 : vector<1x2048xf32>
    %sqrt3A = math.sqrt %add3A_13 : vector<1x2048xf32>
    %mul3A_14 = arith.constant 2.000000e-01 : f32
    %mul3A_15 = vector.broadcast %mul3A_14 : f32 to vector<1x2048xf32>
    %mul3A_16 = arith.mulf %sqrt3A, %mul3A_15 : vector<1x2048xf32>
    %iota3A = tpu.iota {dimensions = array<i32: 0>} : vector<8x1xi32>
    %convert_element_type3A = arith.sitofp %iota3A : vector<8x1xi32> to vector<8x1xf32>
    %mul3A_17 = arith.constant 0.142857149 : f32
    %mul3A_18 = vector.broadcast %mul3A_17 : f32 to vector<8x1xf32>
    %mul3A_19 = arith.mulf %convert_element_type3A, %mul3A_18 : vector<8x1xf32>
    %sub3A = vector.broadcast %mul3A_16 : vector<1x2048xf32> to vector<8x2048xf32>
    %sub3A_20 = vector.broadcast %mul3A_19 : vector<8x1xf32> to vector<8x2048xf32>
    %sub3A_21 = arith.subf %sub3A, %sub3A_20 : vector<8x2048xf32>
    %mul3A_22 = arith.constant -3.200000e+01 : f32
    %mul3A_23 = vector.broadcast %mul3A_22 : f32 to vector<8x2048xf32>
    %mul3A_24 = arith.mulf %mul3A_23, %sub3A_21 : vector<8x2048xf32>
    %mul3A_25 = arith.mulf %mul3A_24, %sub3A_21 : vector<8x2048xf32>
    %exp3A = math.exp %mul3A_25 : vector<8x2048xf32>
    %transpose3A = tpu.transpose %exp3A, [1, 0] : vector<8x2048xf32> -> vector<2048x8xf32>
    %get3A_26 = arith.constant 0 : index
    %get3A_27 = arith.constant 0 : index
    %get3A_28 = vector.load %arg2[%get3A_26, %get3A_27] : memref<8x128xf32, #tpu.memory_space<vmem>>, vector<8x128xf32>
    %dot_general3A = arith.constant dense<0.000000e+00> : vector<2048x128xf32>
    %dot_general3A_29 = tpu.matmul %transpose3A, %get3A_28, %dot_general3A {dimension_numbers = #tpu.dot_dimension_numbers<[1], [0], [0], [1], [0, 0, 1, 1], [], []>, transpose_lhs_hint = false} : vector<2048x8xf32>, vector<8x128xf32>, vector<2048x128xf32> -> vector<2048x128xf32>
    %get3A_30 = arith.constant 0 : index
    %get3A_31 = arith.constant 0 : index
    %get3A_32 = vector.load %arg3[%get3A_30, %get3A_31] : memref<1x128xf32, #tpu.memory_space<vmem>>, vector<1x128xf32>
    %add3A_33 = vector.broadcast %get3A_32 : vector<1x128xf32> to vector<2048x128xf32>
    %add3A_34 = arith.addf %dot_general3A_29, %add3A_33 : vector<2048x128xf32>
    %get3A_35 = arith.constant 0 : index
    %get3A_36 = arith.constant 0 : index
    %get3A_37 = vector.load %arg4[%get3A_35, %get3A_36] : memref<128x128xf32, #tpu.memory_space<vmem>>, vector<128x128xf32>
    %dot_general3A_38 = arith.constant dense<0.000000e+00> : vector<2048x128xf32>
    %dot_general3A_39 = tpu.matmul %add3A_34, %get3A_37, %dot_general3A_38 {dimension_numbers = #tpu.dot_dimension_numbers<[1], [0], [0], [1], [0, 0, 1, 1], [], []>, transpose_lhs_hint = false} : vector<2048x128xf32>, vector<128x128xf32>, vector<2048x128xf32> -> vector<2048x128xf32>
    %get3A_40 = arith.constant 0 : index
    %get3A_41 = arith.constant 0 : index
    %get3A_42 = vector.load %arg5[%get3A_40, %get3A_41] : memref<1x128xf32, #tpu.memory_space<vmem>>, vector<1x128xf32>
    %add3A_43 = vector.broadcast %get3A_42 : vector<1x128xf32> to vector<2048x128xf32>
    %add3A_44 = arith.addf %dot_general3A_39, %add3A_43 : vector<2048x128xf32>
    %mul3A_45 = arith.constant 1.000000e-01 : f32
    %mul3A_46 = vector.broadcast %mul3A_45 : f32 to vector<2048x128xf32>
    %mul3A_47 = arith.mulf %mul3A_46, %add3A_44 : vector<2048x128xf32>
    %max3A = arith.maximumf %add3A_44, %mul3A_47 : vector<2048x128xf32>
    %get3A_48 = arith.constant 0 : index
    %get3A_49 = arith.constant 0 : index
    %get3A_50 = vector.load %arg6[%get3A_48, %get3A_49] : memref<128x128xf32, #tpu.memory_space<vmem>>, vector<128x128xf32>
    %dot_general3A_51 = arith.constant dense<0.000000e+00> : vector<2048x128xf32>
    %dot_general3A_52 = tpu.matmul %max3A, %get3A_50, %dot_general3A_51 {dimension_numbers = #tpu.dot_dimension_numbers<[1], [0], [0], [1], [0, 0, 1, 1], [], []>, transpose_lhs_hint = false} : vector<2048x128xf32>, vector<128x128xf32>, vector<2048x128xf32> -> vector<2048x128xf32>
    %get3A_53 = arith.constant 0 : index
    %get3A_54 = arith.constant 0 : index
    %get3A_55 = vector.load %arg7[%get3A_53, %get3A_54] : memref<1x128xf32, #tpu.memory_space<vmem>>, vector<1x128xf32>
    %add3A_56 = vector.broadcast %get3A_55 : vector<1x128xf32> to vector<2048x128xf32>
    %add3A_57 = arith.addf %dot_general3A_52, %add3A_56 : vector<2048x128xf32>
    %mul3A_58 = arith.constant 1.000000e-01 : f32
    %mul3A_59 = vector.broadcast %mul3A_58 : f32 to vector<2048x128xf32>
    %mul3A_60 = arith.mulf %mul3A_59, %add3A_57 : vector<2048x128xf32>
    %max3A_61 = arith.maximumf %add3A_57, %mul3A_60 : vector<2048x128xf32>
    %get3A_62 = arith.constant 0 : index
    %get3A_63 = arith.constant 0 : index
    %get3A_64 = vector.load %arg8[%get3A_62, %get3A_63] : memref<128x128xf32, #tpu.memory_space<vmem>>, vector<128x128xf32>
    %dot_general3A_65 = arith.constant dense<0.000000e+00> : vector<2048x128xf32>
    %dot_general3A_66 = tpu.matmul %max3A_61, %get3A_64, %dot_general3A_65 {dimension_numbers = #tpu.dot_dimension_numbers<[1], [0], [0], [1], [0, 0, 1, 1], [], []>, transpose_lhs_hint = false} : vector<2048x128xf32>, vector<128x128xf32>, vector<2048x128xf32> -> vector<2048x128xf32>
    %mul3A_67 = arith.constant 1.960000e+00 : f32
    %mul3A_68 = vector.broadcast %mul3A_67 : f32 to vector<1x2048xf32>
    %mul3A_69 = arith.mulf %add3A_10, %mul3A_68 : vector<1x2048xf32>
    %add3A_70 = arith.constant 1.000000e+00 : f32
    %add3A_71 = vector.broadcast %add3A_70 : f32 to vector<1x2048xf32>
    %add3A_72 = arith.addf %add3A_71, %mul3A_69 : vector<1x2048xf32>
    %rsqrt3A = math.rsqrt %add3A_72 : vector<1x2048xf32>
    %mul3A_73 = arith.constant 1.400000e+00 : f32
    %mul3A_74 = vector.broadcast %mul3A_73 : f32 to vector<1x2048xf32>
    %mul3A_75 = arith.mulf %mul3A_74, %rsqrt3A : vector<1x2048xf32>
    %mul3A_76 = arith.mulf %get3A_1, %mul3A_75 : vector<1x2048xf32>
    %mul3A_77 = arith.constant 1.400000e+00 : f32
    %mul3A_78 = vector.broadcast %mul3A_77 : f32 to vector<1x2048xf32>
    %mul3A_79 = arith.mulf %mul3A_78, %rsqrt3A : vector<1x2048xf32>
    %mul3A_80 = arith.mulf %get3A_4, %mul3A_79 : vector<1x2048xf32>
    %mul3A_81 = arith.constant 1.400000e+00 : f32
    %mul3A_82 = vector.broadcast %mul3A_81 : f32 to vector<1x2048xf32>
    %mul3A_83 = arith.mulf %mul3A_82, %rsqrt3A : vector<1x2048xf32>
    %mul3A_84 = arith.mulf %get3A_7, %mul3A_83 : vector<1x2048xf32>
    %broadcast_in_dim3A = arith.constant 0.000000e+00 : f32
    %broadcast_in_dim3A_85 = vector.broadcast %broadcast_in_dim3A : f32 to vector<5x2048xf32>
    %concatenate3A = tpu.concatenate %mul3A_76, %mul3A_80, %mul3A_84, %broadcast_in_dim3A_85 in 0 : vector<1x2048xf32>, vector<1x2048xf32>, vector<1x2048xf32>, vector<5x2048xf32> -> vector<8x2048xf32>
    %transpose3A_86 = tpu.transpose %concatenate3A, [1, 0] : vector<8x2048xf32> -> vector<2048x8xf32>
    %swap3A = arith.constant 0 : index
    %swap3A_87 = arith.constant 0 : index
    %swap3A_88 = vector.load %arg9[%swap3A, %swap3A_87] : memref<2048x128xf32, #tpu.memory_space<vmem>>, vector<2048x128xf32>
    tpu.vector_store %arg9[%swap3A, %swap3A_87], %dot_general3A_66 {strides = array<i32>} : memref<2048x128xf32, #tpu.memory_space<vmem>>, vector<2048x128xf32>,
    %slice3A = vector.extract_strided_slice %transpose3A_86 {offsets = [0, 0], sizes = [2048, 1], strides = [1, 1]} : vector<2048x8xf32> to vector<2048x1xf32>
    %mul3A_89 = vector.broadcast %slice3A : vector<2048x1xf32> to vector<2048x128xf32>
    %mul3A_90 = arith.mulf %dot_general3A_66, %mul3A_89 : vector<2048x128xf32>
    %swap3A_91 = arith.constant 0 : index
    %swap3A_92 = arith.constant 0 : index
    %swap3A_93 = vector.load %arg10[%swap3A_91, %swap3A_92] : memref<2048x128xf32, #tpu.memory_space<vmem>>, vector<2048x128xf32>
    tpu.vector_store %arg10[%swap3A_91, %swap3A_92], %mul3A_90 {strides = array<i32>} : memref<2048x128xf32, #tpu.memory_space<vmem>>, vector<2048x128xf32>,
    %slice3A_94 = vector.extract_strided_slice %transpose3A_86 {offsets = [0, 1], sizes = [2048, 1], strides = [1, 1]} : vector<2048x8xf32> to vector<2048x1xf32>
    %mul3A_95 = vector.broadcast %slice3A_94 : vector<2048x1xf32> to vector<2048x128xf32>
    %mul3A_96 = arith.mulf %dot_general3A_66, %mul3A_95 : vector<2048x128xf32>
    %swap3A_97 = arith.constant 0 : index
    %swap3A_98 = arith.constant 0 : index
    %swap3A_99 = vector.load %arg11[%swap3A_97, %swap3A_98] : memref<2048x128xf32, #tpu.memory_space<vmem>>, vector<2048x128xf32>
    tpu.vector_store %arg11[%swap3A_97, %swap3A_98], %mul3A_96 {strides = array<i32>} : memref<2048x128xf32, #tpu.memory_space<vmem>>, vector<2048x128xf32>,
    %slice3A_100 = vector.extract_strided_slice %transpose3A_86 {offsets = [0, 2], sizes = [2048, 1], strides = [1, 1]} : vector<2048x8xf32> to vector<2048x1xf32>
    %mul3A_101 = vector.broadcast %slice3A_100 : vector<2048x1xf32> to vector<2048x128xf32>
    %mul3A_102 = arith.mulf %dot_general3A_66, %mul3A_101 : vector<2048x128xf32>
    %swap3A_103 = arith.constant 0 : index
    %swap3A_104 = arith.constant 0 : index
    %swap3A_105 = vector.load %arg12[%swap3A_103, %swap3A_104] : memref<2048x128xf32, #tpu.memory_space<vmem>>, vector<2048x128xf32>
    tpu.vector_store %arg12[%swap3A_103, %swap3A_104], %mul3A_102 {strides = array<i32>} : memref<2048x128xf32, #tpu.memory_space<vmem>>, vector<2048x128xf32>,
    return
  }
  func.func @transform_0(%arg0: i32) -> (i32, i32) {
    %c0_i32 = arith.constant 0 : i32
    %c0_i32_0 = arith.constant 0 : i32
    return %c0_i32, %arg0 : i32, i32
  }
  func.func @transform_1(%arg0: i32) -> (i32, i32) {
    %c0_i32 = arith.constant 0 : i32
    %c0_i32_0 = arith.constant 0 : i32
    %c0_i32_1 = arith.constant 0 : i32
    return %c0_i32, %c0_i32_0 : i32, i32
  }
  func.func @transform_2(%arg0: i32) -> (i32, i32) {
    %c0_i32 = arith.constant 0 : i32
    %c0_i32_0 = arith.constant 0 : i32
    %c0_i32_1 = arith.constant 0 : i32
    return %c0_i32, %c0_i32_0 : i32, i32
  }
  func.func @transform_3(%arg0: i32) -> (i32, i32) {
    %c0_i32 = arith.constant 0 : i32
    %c0_i32_0 = arith.constant 0 : i32
    %c0_i32_1 = arith.constant 0 : i32
    return %c0_i32, %c0_i32_0 : i32, i32
  }
  func.func @transform_4(%arg0: i32) -> (i32, i32) {
    %c0_i32 = arith.constant 0 : i32
    %c0_i32_0 = arith.constant 0 : i32
    %c0_i32_1 = arith.constant 0 : i32
    return %c0_i32, %c0_i32_0 : i32, i32
  }
  func.func @transform_5(%arg0: i32) -> (i32, i32) {
    %c0_i32 = arith.constant 0 : i32
    %c0_i32_0 = arith.constant 0 : i32
    %c0_i32_1 = arith.constant 0 : i32
    return %c0_i32, %c0_i32_0 : i32, i32
  }
  func.func @transform_6(%arg0: i32) -> (i32, i32) {
    %c0_i32 = arith.constant 0 : i32
    %c0_i32_0 = arith.constant 0 : i32
    %c0_i32_1 = arith.constant 0 : i32
    return %c0_i32, %c0_i32_0 : i32, i32
  }
  func.func @transform_7(%arg0: i32) -> (i32, i32) {
    %c0_i32 = arith.constant 0 : i32
    %c0_i32_0 = arith.constant 0 : i32
    %c0_i32_1 = arith.constant 0 : i32
    return %c0_i32, %c0_i32_0 : i32, i32
  }
  func.func @transform_8(%arg0: i32) -> (i32, i32) {
    %c0_i32 = arith.constant 0 : i32
    %c0_i32_0 = arith.constant 0 : i32
    return %arg0, %c0_i32 : i32, i32
  }
  func.func @transform_9(%arg0: i32) -> (i32, i32) {
    %c0_i32 = arith.constant 0 : i32
    %c0_i32_0 = arith.constant 0 : i32
    return %arg0, %c0_i32 : i32, i32
  }
  func.func @transform_10(%arg0: i32) -> (i32, i32) {
    %c0_i32 = arith.constant 0 : i32
    %c0_i32_0 = arith.constant 0 : i32
    return %arg0, %c0_i32 : i32, i32
  }
  func.func @transform_11(%arg0: i32) -> (i32, i32) {
    %c0_i32 = arith.constant 0 : i32
    %c0_i32_0 = arith.constant 0 : i32
    return %arg0, %c0_i32 : i32, i32
  }
}

module attributes {stable_mosaic.version = 14 : i64} {
  func.func @_edge_body(%arg0: i32, %arg1: memref<3x2048xf32, #tpu.memory_space<vmem>>, %arg2: memref<8x128xf32, #tpu.memory_space<vmem>>, %arg3: memref<1x128xf32, #tpu.memory_space<vmem>>, %arg4: memref<128x128xf32, #tpu.memory_space<vmem>>, %arg5: memref<1x128xf32, #tpu.memory_space<vmem>>, %arg6: memref<128x128xf32, #tpu.memory_space<vmem>>, %arg7: memref<1x128xf32, #tpu.memory_space<vmem>>, %arg8: memref<128x128xf32, #tpu.memory_space<vmem>>, %arg9: memref<2048x128xf32, #tpu.memory_space<vmem>>, %arg10: memref<2048x128xf32, #tpu.memory_space<vmem>>, %arg11: memref<2048x128xf32, #tpu.memory_space<vmem>>, %arg12: memref<2048x128xf32, #tpu.memory_space<vmem>>) attributes {dimension_semantics = [#tpu.dimension_semantics<arbitrary>], iteration_bounds = array<i64: 45>, scalar_prefetch = 0 : i64, scratch_operands = 0 : i64, tpu.core_type = #tpu.core_type<tc>, window_params = [{transform_indices = @transform_0, window_bounds = array<i64: 3, 2048>}, {pipeline_mode = #tpu.pipeline_mode<synchronous>, transform_indices = @transform_1, window_bounds = array<i64: 8, 128>}, {pipeline_mode = #tpu.pipeline_mode<synchronous>, transform_indices = @transform_2, window_bounds = array<i64: 1, 128>}, {pipeline_mode = #tpu.pipeline_mode<synchronous>, transform_indices = @transform_3, window_bounds = array<i64: 128, 128>}, {pipeline_mode = #tpu.pipeline_mode<synchronous>, transform_indices = @transform_4, window_bounds = array<i64: 1, 128>}, {pipeline_mode = #tpu.pipeline_mode<synchronous>, transform_indices = @transform_5, window_bounds = array<i64: 128, 128>}, {pipeline_mode = #tpu.pipeline_mode<synchronous>, transform_indices = @transform_6, window_bounds = array<i64: 1, 128>}, {pipeline_mode = #tpu.pipeline_mode<synchronous>, transform_indices = @transform_7, window_bounds = array<i64: 128, 128>}, {transform_indices = @transform_8, window_bounds = array<i64: 2048, 128>}, {transform_indices = @transform_9, window_bounds = array<i64: 2048, 128>}, {transform_indices = @transform_10, window_bounds = array<i64: 2048, 128>}, {transform_indices = @transform_11, window_bounds = array<i64: 2048, 128>}]} {
    %get3A = arith.constant 0 : index
    %get3A_0 = arith.constant 0 : index
    %get3A_1 = vector.load %arg1[%get3A, %get3A_0] : memref<3x2048xf32, #tpu.memory_space<vmem>>, vector<1x2048xf32>
    %get3A_2 = arith.constant 1 : index
    %get3A_3 = arith.constant 0 : index
    %get3A_4 = vector.load %arg1[%get3A_2, %get3A_3] : memref<3x2048xf32, #tpu.memory_space<vmem>>, vector<1x2048xf32>
    %get3A_5 = arith.constant 2 : index
    %get3A_6 = arith.constant 0 : index
    %get3A_7 = vector.load %arg1[%get3A_5, %get3A_6] : memref<3x2048xf32, #tpu.memory_space<vmem>>, vector<1x2048xf32>
    %mul3A = arith.mulf %get3A_1, %get3A_1 : vector<1x2048xf32>
    %mul3A_8 = arith.mulf %get3A_4, %get3A_4 : vector<1x2048xf32>
    %add3A = arith.addf %mul3A, %mul3A_8 : vector<1x2048xf32>
    %mul3A_9 = arith.mulf %get3A_7, %get3A_7 : vector<1x2048xf32>
    %add3A_10 = arith.addf %add3A, %mul3A_9 : vector<1x2048xf32>
    %add3A_11 = arith.constant 9.99999996E-13 : f32
    %add3A_12 = vector.broadcast %add3A_11 : f32 to vector<1x2048xf32>
    %add3A_13 = arith.addf %add3A_10, %add3A_12 : vector<1x2048xf32>
    %sqrt3A = math.sqrt %add3A_13 : vector<1x2048xf32>
    %mul3A_14 = arith.constant 2.000000e-01 : f32
    %mul3A_15 = vector.broadcast %mul3A_14 : f32 to vector<1x2048xf32>
    %mul3A_16 = arith.mulf %sqrt3A, %mul3A_15 : vector<1x2048xf32>
    %iota3A = tpu.iota {dimensions = array<i32: 0>} : vector<8x1xi32>
    %convert_element_type3A = arith.sitofp %iota3A : vector<8x1xi32> to vector<8x1xf32>
    %mul3A_17 = arith.constant 0.142857149 : f32
    %mul3A_18 = vector.broadcast %mul3A_17 : f32 to vector<8x1xf32>
    %mul3A_19 = arith.mulf %convert_element_type3A, %mul3A_18 : vector<8x1xf32>
    %sub3A = vector.broadcast %mul3A_16 : vector<1x2048xf32> to vector<8x2048xf32>
    %sub3A_20 = vector.broadcast %mul3A_19 : vector<8x1xf32> to vector<8x2048xf32>
    %sub3A_21 = arith.subf %sub3A, %sub3A_20 : vector<8x2048xf32>
    %mul3A_22 = arith.constant -3.200000e+01 : f32
    %mul3A_23 = vector.broadcast %mul3A_22 : f32 to vector<8x2048xf32>
    %mul3A_24 = arith.mulf %mul3A_23, %sub3A_21 : vector<8x2048xf32>
    %mul3A_25 = arith.mulf %mul3A_24, %sub3A_21 : vector<8x2048xf32>
    %exp3A = math.exp %mul3A_25 : vector<8x2048xf32>
    %transpose3A = tpu.transpose %exp3A, [1, 0] : vector<8x2048xf32> -> vector<2048x8xf32>
    %get3A_26 = arith.constant 0 : index
    %get3A_27 = arith.constant 0 : index
    %get3A_28 = vector.load %arg2[%get3A_26, %get3A_27] : memref<8x128xf32, #tpu.memory_space<vmem>>, vector<8x128xf32>
    %dot_general3A = arith.constant dense<0.000000e+00> : vector<2048x128xf32>
    %dot_general3A_29 = tpu.matmul %transpose3A, %get3A_28, %dot_general3A {dimension_numbers = #tpu.dot_dimension_numbers<[1], [0], [0], [1], [0, 0, 1, 1], [], []>, transpose_lhs_hint = false} : vector<2048x8xf32>, vector<8x128xf32>, vector<2048x128xf32> -> vector<2048x128xf32>
    %get3A_30 = arith.constant 0 : index
    %get3A_31 = arith.constant 0 : index
    %get3A_32 = vector.load %arg3[%get3A_30, %get3A_31] : memref<1x128xf32, #tpu.memory_space<vmem>>, vector<1x128xf32>
    %add3A_33 = vector.broadcast %get3A_32 : vector<1x128xf32> to vector<2048x128xf32>
    %add3A_34 = arith.addf %dot_general3A_29, %add3A_33 : vector<2048x128xf32>
    %get3A_35 = arith.constant 0 : index
    %get3A_36 = arith.constant 0 : index
    %get3A_37 = vector.load %arg4[%get3A_35, %get3A_36] : memref<128x128xf32, #tpu.memory_space<vmem>>, vector<128x128xf32>
    %dot_general3A_38 = arith.constant dense<0.000000e+00> : vector<2048x128xf32>
    %dot_general3A_39 = tpu.matmul %add3A_34, %get3A_37, %dot_general3A_38 {dimension_numbers = #tpu.dot_dimension_numbers<[1], [0], [0], [1], [0, 0, 1, 1], [], []>, transpose_lhs_hint = false} : vector<2048x128xf32>, vector<128x128xf32>, vector<2048x128xf32> -> vector<2048x128xf32>
    %get3A_40 = arith.constant 0 : index
    %get3A_41 = arith.constant 0 : index
    %get3A_42 = vector.load %arg5[%get3A_40, %get3A_41] : memref<1x128xf32, #tpu.memory_space<vmem>>, vector<1x128xf32>
    %add3A_43 = vector.broadcast %get3A_42 : vector<1x128xf32> to vector<2048x128xf32>
    %add3A_44 = arith.addf %dot_general3A_39, %add3A_43 : vector<2048x128xf32>
    %mul3A_45 = arith.constant 1.000000e-01 : f32
    %mul3A_46 = vector.broadcast %mul3A_45 : f32 to vector<2048x128xf32>
    %mul3A_47 = arith.mulf %mul3A_46, %add3A_44 : vector<2048x128xf32>
    %max3A = arith.maximumf %add3A_44, %mul3A_47 : vector<2048x128xf32>
    %get3A_48 = arith.constant 0 : index
    %get3A_49 = arith.constant 0 : index
    %get3A_50 = vector.load %arg6[%get3A_48, %get3A_49] : memref<128x128xf32, #tpu.memory_space<vmem>>, vector<128x128xf32>
    %dot_general3A_51 = arith.constant dense<0.000000e+00> : vector<2048x128xf32>
    %dot_general3A_52 = tpu.matmul %max3A, %get3A_50, %dot_general3A_51 {dimension_numbers = #tpu.dot_dimension_numbers<[1], [0], [0], [1], [0, 0, 1, 1], [], []>, transpose_lhs_hint = false} : vector<2048x128xf32>, vector<128x128xf32>, vector<2048x128xf32> -> vector<2048x128xf32>
    %get3A_53 = arith.constant 0 : index
    %get3A_54 = arith.constant 0 : index
    %get3A_55 = vector.load %arg7[%get3A_53, %get3A_54] : memref<1x128xf32, #tpu.memory_space<vmem>>, vector<1x128xf32>
    %add3A_56 = vector.broadcast %get3A_55 : vector<1x128xf32> to vector<2048x128xf32>
    %add3A_57 = arith.addf %dot_general3A_52, %add3A_56 : vector<2048x128xf32>
    %mul3A_58 = arith.constant 1.000000e-01 : f32
    %mul3A_59 = vector.broadcast %mul3A_58 : f32 to vector<2048x128xf32>
    %mul3A_60 = arith.mulf %mul3A_59, %add3A_57 : vector<2048x128xf32>
    %max3A_61 = arith.maximumf %add3A_57, %mul3A_60 : vector<2048x128xf32>
    %get3A_62 = arith.constant 0 : index
    %get3A_63 = arith.constant 0 : index
    %get3A_64 = vector.load %arg8[%get3A_62, %get3A_63] : memref<128x128xf32, #tpu.memory_space<vmem>>, vector<128x128xf32>
    %dot_general3A_65 = arith.constant dense<0.000000e+00> : vector<2048x128xf32>
    %dot_general3A_66 = tpu.matmul %max3A_61, %get3A_64, %dot_general3A_65 {dimension_numbers = #tpu.dot_dimension_numbers<[1], [0], [0], [1], [0, 0, 1, 1], [], []>, transpose_lhs_hint = false} : vector<2048x128xf32>, vector<128x128xf32>, vector<2048x128xf32> -> vector<2048x128xf32>
    %mul3A_67 = arith.constant 1.960000e+00 : f32
    %mul3A_68 = vector.broadcast %mul3A_67 : f32 to vector<1x2048xf32>
    %mul3A_69 = arith.mulf %add3A_10, %mul3A_68 : vector<1x2048xf32>
    %add3A_70 = arith.constant 1.000000e+00 : f32
    %add3A_71 = vector.broadcast %add3A_70 : f32 to vector<1x2048xf32>
    %add3A_72 = arith.addf %add3A_71, %mul3A_69 : vector<1x2048xf32>
    %rsqrt3A = math.rsqrt %add3A_72 : vector<1x2048xf32>
    %mul3A_73 = arith.constant 1.400000e+00 : f32
    %mul3A_74 = vector.broadcast %mul3A_73 : f32 to vector<1x2048xf32>
    %mul3A_75 = arith.mulf %mul3A_74, %rsqrt3A : vector<1x2048xf32>
    %mul3A_76 = arith.mulf %get3A_1, %mul3A_75 : vector<1x2048xf32>
    %mul3A_77 = arith.constant 1.400000e+00 : f32
    %mul3A_78 = vector.broadcast %mul3A_77 : f32 to vector<1x2048xf32>
    %mul3A_79 = arith.mulf %mul3A_78, %rsqrt3A : vector<1x2048xf32>
    %mul3A_80 = arith.mulf %get3A_4, %mul3A_79 : vector<1x2048xf32>
    %mul3A_81 = arith.constant 1.400000e+00 : f32
    %mul3A_82 = vector.broadcast %mul3A_81 : f32 to vector<1x2048xf32>
    %mul3A_83 = arith.mulf %mul3A_82, %rsqrt3A : vector<1x2048xf32>
    %mul3A_84 = arith.mulf %get3A_7, %mul3A_83 : vector<1x2048xf32>
    %broadcast_in_dim3A = arith.constant 0.000000e+00 : f32
    %broadcast_in_dim3A_85 = vector.broadcast %broadcast_in_dim3A : f32 to vector<5x2048xf32>
    %concatenate3A = tpu.concatenate %mul3A_76, %mul3A_80, %mul3A_84, %broadcast_in_dim3A_85 in 0 : vector<1x2048xf32>, vector<1x2048xf32>, vector<1x2048xf32>, vector<5x2048xf32> -> vector<8x2048xf32>
    %transpose3A_86 = tpu.transpose %concatenate3A, [1, 0] : vector<8x2048xf32> -> vector<2048x8xf32>
    %swap3A = arith.constant 0 : index
    %swap3A_87 = arith.constant 0 : index
    %swap3A_88 = vector.load %arg9[%swap3A, %swap3A_87] : memref<2048x128xf32, #tpu.memory_space<vmem>>, vector<2048x128xf32>
    tpu.vector_store %arg9[%swap3A, %swap3A_87], %dot_general3A_66 {strides = array<i32>} : memref<2048x128xf32, #tpu.memory_space<vmem>>, vector<2048x128xf32>,
    %slice3A = vector.extract_strided_slice %transpose3A_86 {offsets = [0, 0], sizes = [2048, 1], strides = [1, 1]} : vector<2048x8xf32> to vector<2048x1xf32>
    %mul3A_89 = vector.broadcast %slice3A : vector<2048x1xf32> to vector<2048x128xf32>
    %mul3A_90 = arith.mulf %dot_general3A_66, %mul3A_89 : vector<2048x128xf32>
    %swap3A_91 = arith.constant 0 : index
    %swap3A_92 = arith.constant 0 : index
    %swap3A_93 = vector.load %arg10[%swap3A_91, %swap3A_92] : memref<2048x128xf32, #tpu.memory_space<vmem>>, vector<2048x128xf32>
    tpu.vector_store %arg10[%swap3A_91, %swap3A_92], %mul3A_90 {strides = array<i32>} : memref<2048x128xf32, #tpu.memory_space<vmem>>, vector<2048x128xf32>,
    %slice3A_94 = vector.extract_strided_slice %transpose3A_86 {offsets = [0, 1], sizes = [2048, 1], strides = [1, 1]} : vector<2048x8xf32> to vector<2048x1xf32>
    %mul3A_95 = vector.broadcast %slice3A_94 : vector<2048x1xf32> to vector<2048x128xf32>
    %mul3A_96 = arith.mulf %dot_general3A_66, %mul3A_95 : vector<2048x128xf32>
    %swap3A_97 = arith.constant 0 : index
    %swap3A_98 = arith.constant 0 : index
    %swap3A_99 = vector.load %arg11[%swap3A_97, %swap3A_98] : memref<2048x128xf32, #tpu.memory_space<vmem>>, vector<2048x128xf32>
    tpu.vector_store %arg11[%swap3A_97, %swap3A_98], %mul3A_96 {strides = array<i32>} : memref<2048x128xf32, #tpu.memory_space<vmem>>, vector<2048x128xf32>,
    %slice3A_100 = vector.extract_strided_slice %transpose3A_86 {offsets = [0, 2], sizes = [2048, 1], strides = [1, 1]} : vector<2048x8xf32> to vector<2048x1xf32>
    %mul3A_101 = vector.broadcast %slice3A_100 : vector<2048x1xf32> to vector<2048x128xf32>
    %mul3A_102 = arith.mulf %dot_general3A_66, %mul3A_101 : vector<2048x128xf32>
    %swap3A_103 = arith.constant 0 : index
    %swap3A_104 = arith.constant 0 : index
    %swap3A_105 = vector.load %arg12[%swap3A_103, %swap3A_104] : memref<2048x128xf32, #tpu.memory_space<vmem>>, vector<2048x128xf32>
    tpu.vector_store %arg12[%swap3A_103, %swap3A_104], %mul3A_102 {strides = array<i32>} : memref<2048x128xf32, #tpu.memory_space<vmem>>, vector<2048x128xf32>,
    return
  }
  func.func @transform_0(%arg0: i32) -> (i32, i32) {
    %c0_i32 = arith.constant 0 : i32
    %c0_i32_0 = arith.constant 0 : i32
    return %c0_i32, %arg0 : i32, i32
  }
  func.func @transform_1(%arg0: i32) -> (i32, i32) {
    %c0_i32 = arith.constant 0 : i32
    %c0_i32_0 = arith.constant 0 : i32
    %c0_i32_1 = arith.constant 0 : i32
    return %c0_i32, %c0_i32_0 : i32, i32
  }
  func.func @transform_2(%arg0: i32) -> (i32, i32) {
    %c0_i32 = arith.constant 0 : i32
    %c0_i32_0 = arith.constant 0 : i32
    %c0_i32_1 = arith.constant 0 : i32
    return %c0_i32, %c0_i32_0 : i32, i32
  }
  func.func @transform_3(%arg0: i32) -> (i32, i32) {
    %c0_i32 = arith.constant 0 : i32
    %c0_i32_0 = arith.constant 0 : i32
    %c0_i32_1 = arith.constant 0 : i32
    return %c0_i32, %c0_i32_0 : i32, i32
  }
  func.func @transform_4(%arg0: i32) -> (i32, i32) {
    %c0_i32 = arith.constant 0 : i32
    %c0_i32_0 = arith.constant 0 : i32
    %c0_i32_1 = arith.constant 0 : i32
    return %c0_i32, %c0_i32_0 : i32, i32
  }
  func.func @transform_5(%arg0: i32) -> (i32, i32) {
    %c0_i32 = arith.constant 0 : i32
    %c0_i32_0 = arith.constant 0 : i32
    %c0_i32_1 = arith.constant 0 : i32
    return %c0_i32, %c0_i32_0 : i32, i32
  }
  func.func @transform_6(%arg0: i32) -> (i32, i32) {
    %c0_i32 = arith.constant 0 : i32
    %c0_i32_0 = arith.constant 0 : i32
    %c0_i32_1 = arith.constant 0 : i32
    return %c0_i32, %c0_i32_0 : i32, i32
  }
  func.func @transform_7(%arg0: i32) -> (i32, i32) {
    %c0_i32 = arith.constant 0 : i32
    %c0_i32_0 = arith.constant 0 : i32
    %c0_i32_1 = arith.constant 0 : i32
    return %c0_i32, %c0_i32_0 : i32, i32
  }
  func.func @transform_8(%arg0: i32) -> (i32, i32) {
    %c0_i32 = arith.constant 0 : i32
    %c0_i32_0 = arith.constant 0 : i32
    return %arg0, %c0_i32 : i32, i32
  }
  func.func @transform_9(%arg0: i32) -> (i32, i32) {
    %c0_i32 = arith.constant 0 : i32
    %c0_i32_0 = arith.constant 0 : i32
    return %arg0, %c0_i32 : i32, i32
  }
  func.func @transform_10(%arg0: i32) -> (i32, i32) {
    %c0_i32 = arith.constant 0 : i32
    %c0_i32_0 = arith.constant 0 : i32
    return %arg0, %c0_i32 : i32, i32
  }
  func.func @transform_11(%arg0: i32) -> (i32, i32) {
    %c0_i32 = arith.constant 0 : i32
    %c0_i32_0 = arith.constant 0 : i32
    return %arg0, %c0_i32 : i32, i32
  }
}

module attributes {stable_mosaic.version = 14 : i64} {
  func.func @_readout_body(%arg0: i32, %arg1: memref<632x128xf32, #tpu.memory_space<vmem>>, %arg2: memref<632x128xf32, #tpu.memory_space<vmem>>, %arg3: memref<632x128xf32, #tpu.memory_space<vmem>>, %arg4: memref<632x128xf32, #tpu.memory_space<vmem>>, %arg5: memref<128x128xf32, #tpu.memory_space<vmem>>, %arg6: memref<632x128xf32, #tpu.memory_space<vmem>>, %arg7: memref<632x128xf32, #tpu.memory_space<vmem>>, %arg8: memref<632x128xf32, #tpu.memory_space<vmem>>, %arg9: memref<632x128xf32, #tpu.memory_space<vmem>>) attributes {dimension_semantics = [#tpu.dimension_semantics<arbitrary>], iteration_bounds = array<i64: 16>, scalar_prefetch = 0 : i64, scratch_operands = 0 : i64, tpu.core_type = #tpu.core_type<tc>, window_params = [{transform_indices = @transform_0, window_bounds = array<i64: 632, 128>}, {transform_indices = @transform_1, window_bounds = array<i64: 632, 128>}, {transform_indices = @transform_2, window_bounds = array<i64: 632, 128>}, {transform_indices = @transform_3, window_bounds = array<i64: 632, 128>}, {pipeline_mode = #tpu.pipeline_mode<synchronous>, transform_indices = @transform_4, window_bounds = array<i64: 128, 128>}, {transform_indices = @transform_5, window_bounds = array<i64: 632, 128>}, {transform_indices = @transform_6, window_bounds = array<i64: 632, 128>}, {transform_indices = @transform_7, window_bounds = array<i64: 632, 128>}, {transform_indices = @transform_8, window_bounds = array<i64: 632, 128>}]} {
    %get3A = arith.constant 0 : index
    %get3A_0 = arith.constant 0 : index
    %get3A_1 = vector.load %arg1[%get3A, %get3A_0] : memref<632x128xf32, #tpu.memory_space<vmem>>, vector<632x128xf32>
    %swap3A = arith.constant 0 : index
    %swap3A_2 = arith.constant 0 : index
    %swap3A_3 = vector.load %arg6[%swap3A, %swap3A_2] : memref<632x128xf32, #tpu.memory_space<vmem>>, vector<632x128xf32>
    tpu.vector_store %arg6[%swap3A, %swap3A_2], %get3A_1 {strides = array<i32>} : memref<632x128xf32, #tpu.memory_space<vmem>>, vector<632x128xf32>,
    %get3A_4 = arith.constant 0 : index
    %get3A_5 = arith.constant 0 : index
    %get3A_6 = vector.load %arg2[%get3A_4, %get3A_5] : memref<632x128xf32, #tpu.memory_space<vmem>>, vector<632x128xf32>
    %get3A_7 = arith.constant 0 : index
    %get3A_8 = arith.constant 0 : index
    %get3A_9 = vector.load %arg5[%get3A_7, %get3A_8] : memref<128x128xf32, #tpu.memory_space<vmem>>, vector<128x128xf32>
    %dot_general3A = arith.constant dense<0.000000e+00> : vector<632x128xf32>
    %dot_general3A_10 = tpu.matmul %get3A_6, %get3A_9, %dot_general3A {dimension_numbers = #tpu.dot_dimension_numbers<[1], [0], [0], [1], [0, 0, 1, 1], [], []>, transpose_lhs_hint = false} : vector<632x128xf32>, vector<128x128xf32>, vector<632x128xf32> -> vector<632x128xf32>
    %swap3A_11 = arith.constant 0 : index
    %swap3A_12 = arith.constant 0 : index
    %swap3A_13 = vector.load %arg7[%swap3A_11, %swap3A_12] : memref<632x128xf32, #tpu.memory_space<vmem>>, vector<632x128xf32>
    tpu.vector_store %arg7[%swap3A_11, %swap3A_12], %dot_general3A_10 {strides = array<i32>} : memref<632x128xf32, #tpu.memory_space<vmem>>, vector<632x128xf32>,
    %get3A_14 = arith.constant 0 : index
    %get3A_15 = arith.constant 0 : index
    %get3A_16 = vector.load %arg3[%get3A_14, %get3A_15] : memref<632x128xf32, #tpu.memory_space<vmem>>, vector<632x128xf32>
    %get3A_17 = arith.constant 0 : index
    %get3A_18 = arith.constant 0 : index
    %get3A_19 = vector.load %arg5[%get3A_17, %get3A_18] : memref<128x128xf32, #tpu.memory_space<vmem>>, vector<128x128xf32>
    %dot_general3A_20 = arith.constant dense<0.000000e+00> : vector<632x128xf32>
    %dot_general3A_21 = tpu.matmul %get3A_16, %get3A_19, %dot_general3A_20 {dimension_numbers = #tpu.dot_dimension_numbers<[1], [0], [0], [1], [0, 0, 1, 1], [], []>, transpose_lhs_hint = false} : vector<632x128xf32>, vector<128x128xf32>, vector<632x128xf32> -> vector<632x128xf32>
    %swap3A_22 = arith.constant 0 : index
    %swap3A_23 = arith.constant 0 : index
    %swap3A_24 = vector.load %arg8[%swap3A_22, %swap3A_23] : memref<632x128xf32, #tpu.memory_space<vmem>>, vector<632x128xf32>
    tpu.vector_store %arg8[%swap3A_22, %swap3A_23], %dot_general3A_21 {strides = array<i32>} : memref<632x128xf32, #tpu.memory_space<vmem>>, vector<632x128xf32>,
    %get3A_25 = arith.constant 0 : index
    %get3A_26 = arith.constant 0 : index
    %get3A_27 = vector.load %arg4[%get3A_25, %get3A_26] : memref<632x128xf32, #tpu.memory_space<vmem>>, vector<632x128xf32>
    %get3A_28 = arith.constant 0 : index
    %get3A_29 = arith.constant 0 : index
    %get3A_30 = vector.load %arg5[%get3A_28, %get3A_29] : memref<128x128xf32, #tpu.memory_space<vmem>>, vector<128x128xf32>
    %dot_general3A_31 = arith.constant dense<0.000000e+00> : vector<632x128xf32>
    %dot_general3A_32 = tpu.matmul %get3A_27, %get3A_30, %dot_general3A_31 {dimension_numbers = #tpu.dot_dimension_numbers<[1], [0], [0], [1], [0, 0, 1, 1], [], []>, transpose_lhs_hint = false} : vector<632x128xf32>, vector<128x128xf32>, vector<632x128xf32> -> vector<632x128xf32>
    %swap3A_33 = arith.constant 0 : index
    %swap3A_34 = arith.constant 0 : index
    %swap3A_35 = vector.load %arg9[%swap3A_33, %swap3A_34] : memref<632x128xf32, #tpu.memory_space<vmem>>, vector<632x128xf32>
    tpu.vector_store %arg9[%swap3A_33, %swap3A_34], %dot_general3A_32 {strides = array<i32>} : memref<632x128xf32, #tpu.memory_space<vmem>>, vector<632x128xf32>,
    return
  }
  func.func @transform_0(%arg0: i32) -> (i32, i32) {
    %c0_i32 = arith.constant 0 : i32
    %c0_i32_0 = arith.constant 0 : i32
    return %arg0, %c0_i32 : i32, i32
  }
  func.func @transform_1(%arg0: i32) -> (i32, i32) {
    %c0_i32 = arith.constant 0 : i32
    %c0_i32_0 = arith.constant 0 : i32
    return %arg0, %c0_i32 : i32, i32
  }
  func.func @transform_2(%arg0: i32) -> (i32, i32) {
    %c0_i32 = arith.constant 0 : i32
    %c0_i32_0 = arith.constant 0 : i32
    return %arg0, %c0_i32 : i32, i32
  }
  func.func @transform_3(%arg0: i32) -> (i32, i32) {
    %c0_i32 = arith.constant 0 : i32
    %c0_i32_0 = arith.constant 0 : i32
    return %arg0, %c0_i32 : i32, i32
  }
  func.func @transform_4(%arg0: i32) -> (i32, i32) {
    %c0_i32 = arith.constant 0 : i32
    %c0_i32_0 = arith.constant 0 : i32
    %c0_i32_1 = arith.constant 0 : i32
    return %c0_i32, %c0_i32_0 : i32, i32
  }
  func.func @transform_5(%arg0: i32) -> (i32, i32) {
    %c0_i32 = arith.constant 0 : i32
    %c0_i32_0 = arith.constant 0 : i32
    return %arg0, %c0_i32 : i32, i32
  }
  func.func @transform_6(%arg0: i32) -> (i32, i32) {
    %c0_i32 = arith.constant 0 : i32
    %c0_i32_0 = arith.constant 0 : i32
    return %arg0, %c0_i32 : i32, i32
  }
  func.func @transform_7(%arg0: i32) -> (i32, i32) {
    %c0_i32 = arith.constant 0 : i32
    %c0_i32_0 = arith.constant 0 : i32
    return %arg0, %c0_i32 : i32, i32
  }
  func.func @transform_8(%arg0: i32) -> (i32, i32) {
    %c0_i32 = arith.constant 0 : i32
    %c0_i32_0 = arith.constant 0 : i32
    return %arg0, %c0_i32 : i32, i32
  }
}

</mosaic_0001>

<sc_bundles>
// kernel: kernel.10.cloned.1.call-start
scs
__scs_entry_jumppad:
0x0: {  	(pc) =	sbr.rel $0x88, $3  }
0x1: {  	(tag) =	ssettag $0x0;
	lr =	simm.s32 $0x1  }
0x2: {  	[smem:$0x3F97] =	sst lr;
	_ =	strace $0xD0000000  }
0x3: {  	_ = 	snop  }
0x4: {  	_ = 	snop  }
0x5: {  	_ = 	snop  }
0x6: {  	_ = 	snop  }
0x7: {  	_ = 	snop  }
__scs_overlays_trampoline_lowered:
0x8: {  	[smem:$0x3FA6] =	sst s0  }
0x9: {  	[smem:$0x3FA7] =	sst s1  }
0xa: {  	[smem:$0x3FA8] =	sst s2  }
0xb: {  	[smem:$0x3FA9] =	sst s3  }
0xc: {  	[smem:$0x3FAA] =	sst s4  }
0xd: {  	[smem:$0x3FAB] =	sst s5  }
0xe: {  	[smem:$0x3FAC] =	sst s6  }
0xf: {  	[smem:$0x3FAD] =	sst s7  }
0x10: {  	[smem:$0x3FAE] =	sst s8  }
0x11: {  	[smem:$0x3FAF] =	sst s9;
	s0 =	simm.s32 @!p0 $0x0  }
0x12: {  	s1 =	sld [smem:$0x3F95];
	s0 =	simm.s32 @p0 $0x1  }
0x13: {  	[smem:$0x3FB0] =	sst s0;
	s0 =	simm.s32 @!p1 $0x0  }
0x14: {  	s2 =	sld [smem:$0x3F94];
	s0 =	simm.s32 @p1 $0x1  }
0x15: {  	[smem:$0x3FB1] =	sst s0;
	s0 =	simm.s32 @!p2 $0x0  }
0x16: {  	s3 =	sld [smem:$0x3FDB];
	s0 =	simm.s32 @p2 $0x1  }
0x17: {  	s4 =	simm.s32 $0x1BF5;
	[smem:$0x3FB3] =	sst s0  }
0x18: {  	s0 =	sld [smem:$0x3F96];
	_ =	swait.ge [sflag:s4], $0x0  }
0x19: {  	s7 =	sld [smem:$0x3F97]  }
0x1a: {  	s8 =	sadd.s32 $0xFFFFE003, lr  }
0x1b: {  	s9 =	sadd.s32 $0xFFFFFEF7, lr;
	s5 =	simm.s32 $0xFFFFFFFF;
	p2 =	slt.u32 s8, $0xFFFFF086  }
0x1c: {  	p1 =	slt.u32 s9, $0xF7A;
	s5 =	simm.s32 @!p2 $0x0  }
0x1d: {  	s5 =	simm.s32 @p1 $0x1;
	p0 =	seq.s32 s7, s2  }
0x1e: {  	s7 =	smul.u32 @!p0 $0xF7A, s2;
	p2 =	seq.s32 @!p0 s5, $0x0  }
0x1f: {  	s9 =	smul.u32 $0xF7A, s1;
	s8 =	simm.s32 @!p0 $0x1BF5;
	p2 =	por !p2, p0  }
0x20: {  	[sflag:s8] =	ssyncset.s32 @!p0 $0xFFFFF086;
	s6 =	sadd.s32 @!p0 s3, s7;
	s7 =	simm.s32 @!p0 $0x108  }
0x21: {  	s3 =	sadd.s32 s3, s9;
	s6 =	sadd.s32 @!p0 $0x88, s6;
	s7 =	simm.s32 @p2 $0x1082  }
0x22: {  	[simem:s7], [sflag:s8] =	dma.local @!p0 [hbm:s6], $0xF7A  }
0x23: {  	s9 =	sor.u32 $0xD0000000, s2;
	s6 =	simm.s32 $0x108;
	_ =	swait.ge @!p0 [sflag:s8], $0x0  }
0x24: {  	s3 =	sadd.s32 $0x88, s3;
	s6 =	simm.s32 @!p1 $0x1082;
	[sflag:s4] =	ssyncset.s32 $0xFFFFF086  }
0x25: {  	[simem:s6], [sflag:s4] =	dma.local [hbm:s3], $0xF7A  }
0x26: {  	[smem:$0x3F97] =	sst s1;
	(tag) =	ssettag s2;
	_ =	strace s9  }
0x27: {  	s1 =	sld [smem:$0x3FA7]  }
0x28: {  	s2 =	sld [smem:$0x3FA8]  }
0x29: {  	s4 =	sld [smem:$0x3FAA]  }
0x2a: {  	p0 =	seq.s32 s5, $0x0;
	s5 =	sld [smem:$0x3FAB]  }
0x2b: {  	s6 =	sld [smem:$0x3FAC]  }
0x2c: {  	s7 =	sld [smem:$0x3FAD]  }
0x2d: {  	s3 =	simm.s32 $0x108;
	s8 =	sld [smem:$0x3FAE]  }
0x2e: {  	s3 =	simm.s32 @!p0 $0x1082;
	s9 =	sld [smem:$0x3FAF]  }
0x2f: {  	lr =	sadd.s32 s0, s3;
	s0 =	sld [smem:$0x3FA6]  }
0x30: {  	s3 =	sld [smem:$0x3FA9]  }
0x31: {  	[smem:$0x3FB2] =	sst s10  }
0x32: {  	s10 =	sld [smem:$0x3FB0];
	_ =	sdelay $0x3  }
0x33: {  	p0 =	seq.s32 s10, $0x1;
	s10 =	sld [smem:$0x3FB2];
	_ =	sdelay $0x3  }
0x34: {  	[smem:$0x3FB2] =	sst s10  }
0x35: {  	s10 =	sld [smem:$0x3FB1];
	_ =	sdelay $0x3  }
0x36: {  	p1 =	seq.s32 s10, $0x1;
	s10 =	sld [smem:$0x3FB2];
	_ =	sdelay $0x3  }
0x37: {  	[smem:$0x3FB2] =	sst s10  }
0x38: {  	s10 =	sld [smem:$0x3FB3]  }
0x39: {  	_ = 	snop;
	(pc) =	sbr.ind lr, $3  }
0x3a: {  	_ = 	snop  }
0x3b: {  	_ = 	snop  }
0x3c: {  	p2 =	seq.s32 s10, $0x1;
	s10 =	sld [smem:$0x3FB2]  }
0x3d: {  	_ =	shalt  }
0x3e: {  	_ =	shalt  }
0x3f: {  	_ =	shalt  }
0x40: {  	_ =	shalt  }
0x41: {  	_ =	shalt  }
0x42: {  	_ =	shalt  }
0x43: {  	_ =	shalt  }
0x44: {  	_ =	shalt  }
0x45: {  	_ =	shalt  }
0x46: {  	_ =	shalt  }
0x47: {  	_ =	shalt  }
0x48: {  	_ =	shalt  }
0x49: {  	_ =	shalt  }
0x4a: {  	_ =	shalt  }
0x4b: {  	_ =	shalt  }
0x4c: {  	_ =	shalt  }
0x4d: {  	_ =	shalt  }
0x4e: {  	_ =	shalt  }
0x4f: {  	_ =	shalt  }
0x50: {  	_ =	shalt  }
0x51: {  	_ =	shalt  }
0x52: {  	_ =	shalt  }
0x53: {  	_ =	shalt  }
0x54: {  	_ =	shalt  }
0x55: {  	_ =	shalt  }
0x56: {  	_ =	shalt  }
0x57: {  	_ =	shalt  }
0x58: {  	_ =	shalt  }
0x59: {  	_ =	shalt  }
0x5a: {  	_ =	shalt  }
0x5b: {  	_ =	shalt  }
0x5c: {  	_ =	shalt  }
0x5d: {  	_ =	shalt  }
0x5e: {  	_ =	shalt  }
0x5f: {  	_ =	shalt  }
0x60: {  	_ =	shalt  }
0x61: {  	_ =	shalt  }
0x62: {  	_ =	shalt  }
0x63: {  	_ =	shalt  }
0x64: {  	_ =	shalt  }
0x65: {  	_ =	shalt  }
0x66: {  	_ =	shalt  }
0x67: {  	_ =	shalt  }
0x68: {  	_ =	shalt  }
0x69: {  	_ =	shalt  }
0x6a: {  	_ =	shalt  }
0x6b: {  	_ =	shalt  }
0x6c: {  	_ =	shalt  }
0x6d: {  	_ =	shalt  }
0x6e: {  	_ =	shalt  }
0x6f: {  	_ =	shalt  }
0x70: {  	_ =	shalt  }
0x71: {  	_ =	shalt  }
0x72: {  	_ =	shalt  }
0x73: {  	_ =	shalt  }
0x74: {  	_ =	shalt  }
0x75: {  	_ =	shalt  }
0x76: {  	_ =	shalt  }
0x77: {  	_ =	shalt  }
0x78: {  	_ =	shalt  }
0x79: {  	_ =	shalt  }
0x7a: {  	_ =	shalt  }
0x7b: {  	_ =	shalt  }
0x7c: {  	_ =	shalt  }
0x7d: {  	_ =	shalt  }
0x7e: {  	_ =	shalt  }
0x7f: {  	_ =	shalt  }
0x80: {  	_ =	shalt  }
0x81: {  	_ =	shalt  }
0x82: {  	_ =	shalt  }
0x83: {  	_ =	shalt  }
0x84: {  	_ =	shalt  }
0x85: {  	_ =	shalt  }
0x86: {  	_ =	shalt  }
0x87: {  	_ =	shalt  }
.Lfunc_end0:
.L_simem_size_0:
called_computation.1_lowered:
.L_overlay_start_0:
0x88: {  	s2 =	sld [smem:$0x3FD9]  }
0x89: {  	s3 =	sld [smem:$0x3FFE];
	_ =	sdelay $0x1  }
0x8a: {  	s1 =	srdreg.scid  }
0x8b: {  	s0 =	sand.u32 $0x1, s1  }
0x8c: {  	s14 =	sshll.u32 s0, $0xA;
	s2 =	sadd.s32 s3, s2  }
0x8d: {  	s2 =	sadd.s32 s2, s14  }
0x8e: {  	[smem:$0x3FBE] =	sst s2  }
0x8f: {  	_ = 	snop  }
0x90: {  	s2 =	sld [smem:$0x3FD0];
	_ =	sdelay $0x2  }
0x91: {  	s15 =	simm.s32 $0xA;
	s4 =	simm.s32 $0x10  }
0x92: {  	[smem:s4], [sflag:s15] =	dma.local [hbm:s2], $0x1  }
0x93: {  	_ =	swait.eq [sflag:s15], $0x1  }
0x94: {  	[sflag:s15] =	ssyncset.done $0x0  }
0x95: {  	s16 =	sld [smem:$0x10];
	[sflag:s15] =	ssyncadd.s32 $0xFFFFFFFF  }
0x96: {  	s17 =	sld [smem:$0x11];
	(tm) =	ssettm $0x1  }
0x97: {  	s18 =	sld [smem:$0x3FFB];
	_ =	sdelay $0x3  }
0x98: {  	_ =	strace s18  }
0x99: {  	s4 =	sld [smem:$0x3FFC];
	_ =	sdelay $0x3  }
0x9a: {  	_ =	strace s4  }
0x9b: {  	s4 =	sld [smem:$0x3FFD];
	_ =	sdelay $0x3  }
0x9c: {  	_ =	strace s4  }
0x9d: {  	_ =	strace $0x8FFFFFFF  }
0x9e: {  	s19 =	sld [smem:$0x3FDB];
	_ =	sdelay $0x1  }
0x9f: {  	s5 =	simm.s32 $_scs_section_size  }
0xa0: {  	s6 =	simm.s32 $_size__tile_overlayer_lowered;
	s7 =	simm.s32 $_tile_overlayer_lowered  }
0xa1: {  	s22 =	simm.s32 $0x1BFF;
	s21 =	sshll.u32 s7, $0x1;
	s4 =	sadd.s32 s5, s19  }
0xa2: {  	s8 =	simm.s32 $0x0;
	s20 =	sshll.u32 s6, $0x1;
	s6 =	sadd.s32 s21, s4  }
0xa3: {  	[timem:s8], [sflag:s22] =	dma.local [hbm:s6], s20  }
0xa4: {  	_ =	swait.ge [sflag:s22], s20  }
0xa5: {  	s5 =	ssub.s32 $0x0, s20;
	[sflag:s22] =	ssyncset.done $0x0  }
0xa6: {  	[sflag:s22] =	ssyncadd.s32 s5;
	_ =	sdelay $0x1  }
0xa7: {  	s23 =	simm.s32 $0x1B8B  }
0xa8: {  	_ =	swait.ge [sflag:s23], $0x1  }
0xa9: {  	[sflag:s23] =	ssyncset.done $0x0  }
0xaa: {  	s25 =	simm.s32 $0x1B8E;
	s24 =	sld [smem:$0x3FFE];
	[sflag:s23] =	ssyncadd.s32 $0xFFFFFFFF  }
0xab: {  	s26 =	simm.s32 $execute0_lowered;
	[smem:$0x3FD2] =	sst s25  }
0xac: {  	s6 =	sshll.u32 s26, $0x1;
	_ =	strace $0x80000049;
	[dreg:$0x1] =	wrdreg $0xFFFFFFFF  }
0xad: {  	s28 =	simm.s32 $_size_execute0_lowered;
	s4 =	sadd.s32 s4, s6;
	[dreg:$0x0] =	wrdreg $0x0  }
0xae: {  	s6 =	sshll.u32 s28, $0x1;
	[dreg:$0x2] =	wrdreg s4  }
0xaf: {  	[dreg:$0x3] =	wrdreg s6  }
0xb0: {  	[dreg:$0x4] =	wrdreg $0xC0  }
0xb1: {  	_ =	task [dreg:s8], $0x5FFFF  }
0xb2: {  	[dreg:$0x1] =	wrdreg $0xFFFFFFFF  }
0xb3: {  	[dreg:$0x0] =	wrdreg $0x60  }
0xb4: {  	[dreg:$0x2] =	wrdreg s24  }
0xb5: {  	[dreg:$0x3] =	wrdreg s16  }
0xb6: {  	[dreg:$0x4] =	wrdreg s17  }
0xb7: {  	[dreg:$0x5] =	wrdreg $0xC4000  }
0xb8: {  	[dreg:$0x6] =	wrdreg $0x9  }
0xb9: {  	_ =	task.clear_ibuf [dreg:s8], $0x7FFFF;
	_ =	strace $0x90000049  }
0xba: {  	s29 =	simm.s32 $0x9;
	_ =	strace $0x8000004B  }
0xbb: {  	_ =	swait.ge [sflag:s29], $0x1  }
0xbc: {  	[sflag:s29] =	ssyncadd.s32 $0xFFFFFFFF  }
0xbd: {  	_ =	strace $0x9000004B  }
0xbe: {  	_ =	sfence  }
0xbf: {  	s30 =	sld [smem:$0x0];
	_ =	sdelay $0x2  }
0xc0: {  	s31 =	sshll.u32 s1, $0xD;
	s1 =	sshrl.u32 s1, $0x2  }
0xc1: {  	s3 =	sand.u32 $0x4000, s31;
	s1 =	sadd.s32 s1, s30  }
0xc2: {  	s0 =	sor.u32 s3, s0;
	s1 =	sshll.u32 s1, $0x11  }
0xc3: {  	s0 =	sor.u32 s1, s0  }
0xc4: {  	s0 =	sadd.s32 $0x8F2B, s0  }
0xc5: {  	[sflag:s0] =	ssyncadd.remote.s32 $0x1  }
0xc6: {  	_ =	sfence.sel $0xFFFF  }
0xc7: {  	[dreg:$0x0] =	wrdreg $0xFFFFFFFF;
	(pc) =	sbr.abs _section_cstart, $3  }
0xc8: {  	[dreg:$0x1] =	wrdreg $0xFFFFFFFF  }
0xc9: {  	_ =	task.clear_ibuf [dreg:s8], $0x2FFFF;
	_ =	strace $0x9FFFFFFF  }
0xca: {  	(tm) =	ssettm $0x7FFFFFFF  }
0xcb: {  	_ =	shalt  }
tec
execute0_lowered:
.L_overlay_start_1:
0x0: {  	(tag) =	ssettag $0x1  }
0x1: {  	s0 =	rddreg [dreg:$0x0]  }
0x2: {  	s1 =	rddreg [dreg:$0x1]  }
0x3: {  	s4 =	rddreg [dreg:$0x2]  }
0x4: {  	s2 =	rddreg [dreg:$0x3];
	s3 =	simm.s32 $0x0  }
0x5: {  	s15 =	stileid.u32;
	s6 =	srdreg.scid;
	s5 =	sadd.s32 $0x503C00, s0  }
0x6: {  	[smem:$0x7FF] =	sst s3;
	s7 =	sadd.s32 $0x66BC00, s0;
	s8 =	smul.u32 $0x480, s15  }
0x7: {  	s6 =	sand.u32 $0x1, s6;
	s9 =	sadd.s32 $0x7D3C00, s0;
	s11 =	smul.u32 $0x16800, s15  }
0x8: {  	s12 =	sadd.s32 $0x93BC00, s0;
	s14 =	smul.u32 $0xB4000, s15;
	s10 =	ssub.s32 $0x2, s6  }
0x9: {  	p0 =	seq.s32 s6, $0x1;
	s1 =	sadd.s32 s1, s8;
	s17 =	sor.u32 $0x500, s11  }
0xa: {  	s13 =	sshrl.u32 s10, $0x1;
	[dreg:$0x6] =	wrdreg s1;
	s19 =	sadd.s32 s5, s17  }
0xb: {  	s18 =	sshrl.u32 s14, $0x3;
	s22 =	sadd.s32 s7, s17;
	[dreg:$0x8] =	wrdreg s19  }
0xc: {  	s10 =	ssub.s32 s10, s13;
	s25 =	sadd.s32 s9, s17;
	[dreg:$0xc] =	wrdreg s22  }
0xd: {  	s20 =	sadd.s32 $0xA00, s18;
	s1 =	sadd.s32 s12, s17;
	[dreg:$0x10] =	wrdreg s25  }
0xe: {  	s6 =	sadd.s32 $0xF00, s18;
	s21 =	sadd.s32 s5, s20;
	[dreg:$0x14] =	wrdreg s1  }
0xf: {  	s13 =	sadd.s32 s5, s11;
	s5 =	sadd.s32 s5, s6;
	[dreg:$0x9] =	wrdreg s21  }
0x10: {  	s23 =	sadd.s32 s7, s20;
	[dreg:$0xa] =	wrdreg s5  }
0x11: {  	s24 =	sadd.s32 s7, s6;
	[dreg:$0xd] =	wrdreg s23  }
0x12: {  	s16 =	smul.u32 $0x2780, s15;
	s26 =	sadd.s32 s9, s20;
	[dreg:$0xe] =	wrdreg s24  }
0x13: {  	s14 =	sadd.s32 s7, s11;
	s30 =	sadd.s32 s9, s6;
	[dreg:$0x11] =	wrdreg s26  }
0x14: {  	s7 =	sadd.s32 s9, s11;
	s9 =	sadd.s32 s12, s20;
	[dreg:$0x12] =	wrdreg s30  }
0x15: {  	s11 =	sadd.s32 s12, s11;
	s12 =	sadd.s32 s12, s6;
	[dreg:$0x15] =	wrdreg s9  }
0x16: {  	s17 =	sadd.s32 s16, s0;
	s18 =	sadd.s32 $0x2400, s0;
	[dreg:$0x16] =	wrdreg s12  }
0x17: {  	s0 =	sadd.s32 $0x51400, s0;
	_ =	strace $0x8000004A;
	[dreg:$0x17] =	wrdreg s18  }
0x18: {  	s20 =	sadd.s32 $0x465C00, s17;
	[dreg:$0x18] =	wrdreg s0  }
0x19: {  	s21 =	sadd.s32 $0x48D400, s17;
	[dreg:$0x19] =	wrdreg s20  }
0x1a: {  	s22 =	sadd.s32 $0x4B4C00, s17;
	[dreg:$0x1a] =	wrdreg s21  }
0x1b: {  	s28 =	simm.s32 $0x6;
	s29 =	simm.s32 $0x7;
	[dreg:$0x1b] =	wrdreg s22  }
0x1c: {  	s31 =	simm.s32 $0xC300;
	s23 =	sadd.s32 s4, s16;
	[dreg:$0x5] =	wrdreg s16  }
0x1d: {  	s15 =	smul.u32 $0x4F000, s15;
	s24 =	sadd.s32 $0x29C00, s17;
	[dreg:$0x1c] =	wrdreg s23  }
0x1e: {  	s8 =	sadd.s32 $0x2300, s14;
	s26 =	sadd.s32 $0x4DC400, s17;
	[dreg:$0x1d] =	wrdreg s24  }
0x1f: {  	s19 =	sshrl.u32 s15, $0x2;
	s30 =	smax.u32 s10, $0x1;
	[dreg:$0x1e] =	wrdreg s26  }
0x20: {  	s15 =	simm.s32 $0x2800;
	s6 =	simm.s32 $0xC380;
	[dreg:$0x1f] =	wrdreg s30  }
0x21: {  	s25 =	sadd.s32 s19, s2;
	s4 =	sadd.s32 $0x2300, s13;
	[dreg:$0x7] =	wrdreg s13  }
0x22: {  	s9 =	sadd.s32 $0x2300, s7;
	s17 =	simm.s32 $0x7800;
	[dreg:$0xb] =	wrdreg s14  }
.Ltmp0:
0x23: {  	s12 =	simm.s32 $0x1;
	[dreg:$0xf] =	wrdreg s7;
	(pc) =	sbr.rel .LBB2_1-.Ltmp0, $4  }
0x24: {  	s19 =	simm.s32 $0x50;
	s10 =	simm.s32 $0x0;
	[dreg:$0x13] =	wrdreg s11  }
0x25: {  	s11 =	sadd.s32 $0x2300, s11;
	s13 =	simm.s32 $0x9;
	s16 =	simm.s32 $0x5000  }
0x26: {  	s20 =	simm.s32 $0x2;
	s21 =	simm.s32 $0x3;
	s24 =	simm.s32 $0x4  }
0x27: {  	s26 =	simm.s32 $0x5;
	s22 =	simm.s32 $0x8;
	s23 =	simm.s32 $0xC280  }
.LBB2_11:
0x28: {  	[tilespmem:s17], [sflag:$0x4] =	stream.linear.gather [hbm4b:s7+s3], $0x2800, $0x38;
	v63 =	vld [tilespmem:$0x0]  }
0x29: {  	s1 =	rddreg [dreg:$0x18]  }
.LBB2_12:
0x2a: {  	_ =	swait.ge [sflag:s12], $0x2800  }
0x2b: {  	[sflag:s12] =	ssyncset.done $0x0  }
0x2c: {  	[sflag:s12] =	ssyncadd.s32 $0xFFFFD800  }
0x2d: {  	[spmem:s2] =	stream.indirect.scatter.add.f32 [tilespmem:s3], [sflag:$0x5], $0x80, s30, s19, $0xb8;
	v63 =	vld [tilespmem:$0x0]  }
0x2e: {  	_ =	swait.ge [sflag:s20], $0x2800  }
0x2f: {  	[sflag:s20] =	ssyncset.done $0x0  }
0x30: {  	[sflag:s20] =	ssyncadd.s32 $0xFFFFD800  }
0x31: {  	[spmem:s2] =	stream.indirect.scatter.add.f32 [tilespmem:s15], [sflag:$0x6], $0x80, s23, s19, $0xb8;
	v63 =	vld [tilespmem:$0x0]  }
0x32: {  	_ =	swait.ge [sflag:s21], $0x2800  }
0x33: {  	[sflag:s21] =	ssyncset.done $0x0  }
0x34: {  	[sflag:s21] =	ssyncadd.s32 $0xFFFFD800  }
0x35: {  	[spmem:s2] =	stream.indirect.scatter.add.f32 [tilespmem:s16], [sflag:$0x7], $0x80, s31, s19, $0xb8;
	v63 =	vld [tilespmem:$0x0]  }
0x36: {  	_ =	swait.ge [sflag:s24], $0x2800  }
0x37: {  	[sflag:s24] =	ssyncset.done $0x0  }
0x38: {  	[sflag:s24] =	ssyncadd.s32 $0xFFFFD800  }
0x39: {  	[spmem:s2] =	stream.indirect.scatter.add.f32 [tilespmem:s17], [sflag:$0x8], $0x80, s6, s19, $0xb8;
	v63 =	vld [tilespmem:$0x0]  }
0x3a: {  	_ =	swait.ge [sflag:s26], $0x2800  }
0x3b: {  	[sflag:s26] =	ssyncset.done $0x0  }
0x3c: {  	[sflag:s26] =	ssyncadd.s32 $0xFFFFD800  }
0x3d: {  	_ =	swait.ge [sflag:s28], $0x2800  }
0x3e: {  	[sflag:s28] =	ssyncset.done $0x0  }
0x3f: {  	[sflag:s28] =	ssyncadd.s32 $0xFFFFD800  }
0x40: {  	_ =	swait.ge [sflag:s29], $0x2800  }
0x41: {  	[sflag:s29] =	ssyncset.done $0x0  }
0x42: {  	[sflag:s29] =	ssyncadd.s32 $0xFFFFD800  }
0x43: {  	_ =	swait.ge [sflag:s22], $0x2800  }
0x44: {  	[sflag:s22] =	ssyncset.done $0x0  }
0x45: {  	s0 =	rddreg [dreg:$0x5];
	[sflag:s22] =	ssyncadd.s32 $0xFFFFD800  }
0x46: {  	s18 =	sshrl.u32 s25, $0x3;
	s0 =	sadd.s32 s1, s0;
	[bflag:$0x0] =	sbarrier.arrive $0xFFFF  }
0x47: {  	[hbm:s0], [sflag:s14] =	dma.local [spmem:s18], $0x2780  }
0x48: {  	_ =	swait.ge [sflag:s13], $0x2780  }
0x49: {  	s10 =	sadd.s32 $0x1, s10;
	s30 =	rddreg [dreg:$0x1f]  }
0x4a: {  	p1 =	sne.s32 s10, s30  }
.Ltmp1:
0x4b: {  	_ = 	snop;
	(pc) =	sbr.rel @!p1 .LBB2_13-.Ltmp1, $3  }
0x4c: {  	[sflag:s13] =	ssyncset.done $0x0  }
0x4d: {  	[sflag:s13] =	ssyncadd.s32 $0xFFFFD880  }
0x4e: {  	[bflag:$0x0] =	sbarrier.arrive $0xFFFF;
	_ =	sdelay $0x1  }
.LBB2_1:
.Ltmp2:
0x4f: {  	s0 =	rddreg [dreg:$0x6];
	s1 =	simm.s32 $0xA000;
	(pc) =	sbr.rel @!p0 .LBB2_2-.Ltmp2, $4  }
0x50: {  	[tilespmem:s1], [sflag:$0x9] =	stream.linear.gather [hbm4b:s0+s3], $0x2400, $0x38;
	v63 =	vld [tilespmem:$0x0]  }
0x51: {  	_ =	swait.ge [sflag:s13], $0x2400  }
0x52: {  	[sflag:s13] =	ssyncset.done $0x0  }
0x53: {  	[sflag:s13] =	ssyncadd.s32 $0xFFFFDC00  }
0x54: {  	s0 =	simm.s32 $0x0;
	s1 =	rddreg [dreg:$0xf]  }
0x55: {  	[tilespmem:s0], [sflag:$0x1] =	stream.linear.gather [hbm4b:s1+s0], $0x2800, $0x38;
	v63 =	vld [tilespmem:$0x0]  }
0x56: {  	s7 =	rddreg [dreg:$0x10]  }
0x57: {  	[tilespmem:s15], [sflag:$0x2] =	stream.linear.gather [hbm4b:s7+s0], $0x2800, $0x38;
	v63 =	vld [tilespmem:$0x0]  }
0x58: {  	s14 =	rddreg [dreg:$0x11]  }
0x59: {  	[tilespmem:s16], [sflag:$0x3] =	stream.linear.gather [hbm4b:s14+s0], $0x2800, $0x38;
	v63 =	vld [tilespmem:$0x0]  }
0x5a: {  	s18 =	rddreg [dreg:$0x12];
	s30 =	stileid.u32  }
0x5b: {  	[tilespmem:s17], [sflag:$0x4] =	stream.linear.gather [hbm4b:s18+s0], $0x2800, $0x38;
	v63 =	vld [tilespmem:$0x0]  }
0x5c: {  	s0 =	sshll.u32 s30, $0x6  }
0x5d: {  	s1 =	rddreg [dreg:$0x1b];
	s18 =	sshrl.u32 s25, $0x3;
	s14 =	sor.u32 $0x1C09, s0  }
0x5e: {  	[spmem:s18], [sflag:s14] =	dma.local [hbm:s1], $0x2780  }
0x5f: {  	_ =	swait.ge [sflag:s13], $0x2780  }
0x60: {  	[sflag:s13] =	ssyncset.done $0x0  }
0x61: {  	[sflag:s13] =	ssyncadd.s32 $0xFFFFD880  }
0x62: {  	[bflag:$0x0] =	sbarrier.arrive $0xFFFF  }
0x63: {  	_ =	swait.ge [sflag:s12], $0x2800  }
0x64: {  	[sflag:s12] =	ssyncset.done $0x0  }
0x65: {  	s5 =	simm.s32 $0xA000;
	[sflag:s12] =	ssyncadd.s32 $0xFFFFD800  }
0x66: {  	[spmem:s2] =	stream.indirect.scatter.add.f32 [tilespmem:s3], [sflag:$0x5], $0x80, s5, s19, $0xb8;
	v63 =	vld [tilespmem:$0x0]  }
0x67: {  	_ =	swait.ge [sflag:s20], $0x2800  }
0x68: {  	[sflag:s20] =	ssyncset.done $0x0  }
0x69: {  	s7 =	simm.s32 $0xA080;
	[sflag:s20] =	ssyncadd.s32 $0xFFFFD800  }
0x6a: {  	[spmem:s2] =	stream.indirect.scatter.add.f32 [tilespmem:s15], [sflag:$0x6], $0x80, s7, s19, $0xb8;
	v63 =	vld [tilespmem:$0x0]  }
0x6b: {  	_ =	swait.ge [sflag:s21], $0x2800  }
0x6c: {  	[sflag:s21] =	ssyncset.done $0x0  }
0x6d: {  	s30 =	simm.s32 $0xA100;
	[sflag:s21] =	ssyncadd.s32 $0xFFFFD800  }
0x6e: {  	[spmem:s2] =	stream.indirect.scatter.add.f32 [tilespmem:s16], [sflag:$0x7], $0x80, s30, s19, $0xb8;
	v63 =	vld [tilespmem:$0x0]  }
0x6f: {  	_ =	swait.ge [sflag:s24], $0x2800  }
0x70: {  	[sflag:s24] =	ssyncset.done $0x0  }
0x71: {  	s1 =	simm.s32 $0xA180;
	[sflag:s24] =	ssyncadd.s32 $0xFFFFD800  }
0x72: {  	[spmem:s2] =	stream.indirect.scatter.add.f32 [tilespmem:s17], [sflag:$0x8], $0x80, s1, s19, $0xb8;
	v63 =	vld [tilespmem:$0x0]  }
0x73: {  	_ =	swait.ge [sflag:s26], $0x2800  }
0x74: {  	[sflag:s26] =	ssyncset.done $0x0  }
0x75: {  	s5 =	sadd.s32 $0xFFFFF100, s9;
	[sflag:s26] =	ssyncadd.s32 $0xFFFFD800  }
0x76: {  	[tilespmem:s3], [sflag:$0x1] =	stream.linear.gather [hbm4b:s5+s3], $0x2800, $0x38;
	v63 =	vld [tilespmem:$0x0]  }
0x77: {  	_ =	swait.ge [sflag:s28], $0x2800  }
0x78: {  	[sflag:s28] =	ssyncset.done $0x0  }
0x79: {  	s7 =	sadd.s32 $0xFFFFF600, s9;
	[sflag:s28] =	ssyncadd.s32 $0xFFFFD800  }
0x7a: {  	[tilespmem:s15], [sflag:$0x2] =	stream.linear.gather [hbm4b:s7+s3], $0x2800, $0x38;
	v63 =	vld [tilespmem:$0x0]  }
0x7b: {  	_ =	swait.ge [sflag:s29], $0x2800  }
0x7c: {  	[sflag:s29] =	ssyncset.done $0x0  }
0x7d: {  	s30 =	sadd.s32 $0xFFFFFB00, s9;
	[sflag:s29] =	ssyncadd.s32 $0xFFFFD800  }
0x7e: {  	[tilespmem:s16], [sflag:$0x3] =	stream.linear.gather [hbm4b:s30+s3], $0x2800, $0x38;
	v63 =	vld [tilespmem:$0x0]  }
0x7f: {  	_ =	swait.ge [sflag:s22], $0x2800  }
0x80: {  	s1 =	simm.s32 $0x800;
	[sflag:s22] =	ssyncset.done $0x0  }
0x81: {  	s5 =	sadd.s32 $0x1400, s9;
	s7 =	smov.u32 s9;
	[sflag:s22] =	ssyncadd.s32 $0xFFFFD800  }
.LBB2_8:
0x82: {  	[tilespmem:s17], [sflag:$0x4] =	stream.linear.gather [hbm4b:s7+s3], $0x2800, $0x38;
	v63 =	vld [tilespmem:$0x0]  }
0x83: {  	s0 =	smov.u32 s1;
	s7 =	smov.u32 s5  }
0x84: {  	p1 =	sne.s32 s1, $0x8000;
	s1 =	sadd.s32 $0x800, s1;
	_ =	swait.ge [sflag:s12], $0x2800  }
0x85: {  	s0 =	sshra.s32 s0, $0x2;
	[sflag:s12] =	ssyncset.done $0x0  }
0x86: {  	s30 =	sadd.s32 $0xA000, s0;
	[sflag:s12] =	ssyncadd.s32 $0xFFFFD800  }
0x87: {  	[spmem:s2] =	stream.indirect.scatter.add.f32 [tilespmem:s3], [sflag:$0x5], $0x80, s30, s19, $0xb8;
	v63 =	vld [tilespmem:$0x0]  }
0x88: {  	_ =	swait.ge [sflag:s20], $0x2800  }
0x89: {  	[sflag:s20] =	ssyncset.done $0x0  }
0x8a: {  	s30 =	sadd.s32 $0xA080, s0;
	[sflag:s20] =	ssyncadd.s32 $0xFFFFD800  }
0x8b: {  	[spmem:s2] =	stream.indirect.scatter.add.f32 [tilespmem:s15], [sflag:$0x6], $0x80, s30, s19, $0xb8;
	v63 =	vld [tilespmem:$0x0]  }
0x8c: {  	_ =	swait.ge [sflag:s21], $0x2800  }
0x8d: {  	[sflag:s21] =	ssyncset.done $0x0  }
0x8e: {  	s30 =	sadd.s32 $0xA100, s0;
	[sflag:s21] =	ssyncadd.s32 $0xFFFFD800  }
0x8f: {  	[spmem:s2] =	stream.indirect.scatter.add.f32 [tilespmem:s16], [sflag:$0x7], $0x80, s30, s19, $0xb8;
	v63 =	vld [tilespmem:$0x0]  }
0x90: {  	_ =	swait.ge [sflag:s24], $0x2800  }
0x91: {  	[sflag:s24] =	ssyncset.done $0x0  }
0x92: {  	s0 =	sadd.s32 $0xA180, s0;
	[sflag:s24] =	ssyncadd.s32 $0xFFFFD800  }
0x93: {  	[spmem:s2] =	stream.indirect.scatter.add.f32 [tilespmem:s17], [sflag:$0x8], $0x80, s0, s19, $0xb8;
	v63 =	vld [tilespmem:$0x0]  }
0x94: {  	_ =	swait.ge [sflag:s26], $0x2800  }
0x95: {  	[sflag:s26] =	ssyncset.done $0x0  }
0x96: {  	s0 =	sadd.s32 $0xFFFFF100, s5;
	[sflag:s26] =	ssyncadd.s32 $0xFFFFD800  }
0x97: {  	[tilespmem:s3], [sflag:$0x1] =	stream.linear.gather [hbm4b:s0+s3], $0x2800, $0x38;
	v63 =	vld [tilespmem:$0x0]  }
0x98: {  	_ =	swait.ge [sflag:s28], $0x2800  }
0x99: {  	[sflag:s28] =	ssyncset.done $0x0  }
0x9a: {  	s0 =	sadd.s32 $0xFFFFF600, s5;
	[sflag:s28] =	ssyncadd.s32 $0xFFFFD800  }
0x9b: {  	[tilespmem:s15], [sflag:$0x2] =	stream.linear.gather [hbm4b:s0+s3], $0x2800, $0x38;
	v63 =	vld [tilespmem:$0x0]  }
0x9c: {  	_ =	swait.ge [sflag:s29], $0x2800  }
0x9d: {  	[sflag:s29] =	ssyncset.done $0x0  }
.Ltmp3:
0x9e: {  	s0 =	sadd.s32 $0xFFFFFB00, s5;
	[sflag:s29] =	ssyncadd.s32 $0xFFFFD800;
	(pc) =	sbr.rel @p1 .LBB2_8-.Ltmp3, $4  }
0x9f: {  	[tilespmem:s16], [sflag:$0x3] =	stream.linear.gather [hbm4b:s0+s3], $0x2800, $0x38;
	v63 =	vld [tilespmem:$0x0]  }
0xa0: {  	_ =	swait.ge [sflag:s22], $0x2800  }
0xa1: {  	[sflag:s22] =	ssyncset.done $0x0  }
0xa2: {  	s5 =	sadd.s32 $0x1400, s5;
	[sflag:s22] =	ssyncadd.s32 $0xFFFFD800  }
0xa3: {  	[tilespmem:s17], [sflag:$0x4] =	stream.linear.gather [hbm4b:s7+s3], $0x2800, $0x38;
	v63 =	vld [tilespmem:$0x0]  }
0xa4: {  	_ =	swait.ge [sflag:s12], $0x2800  }
0xa5: {  	[sflag:s12] =	ssyncset.done $0x0  }
0xa6: {  	s0 =	simm.s32 $0x0;
	s30 =	simm.s32 $0xC200;
	[sflag:s12] =	ssyncadd.s32 $0xFFFFD800  }
0xa7: {  	[spmem:s2] =	stream.indirect.scatter.add.f32 [tilespmem:s0], [sflag:$0x5], $0x80, s30, s19, $0xb8;
	v63 =	vld [tilespmem:$0x0]  }
0xa8: {  	_ =	swait.ge [sflag:s20], $0x2800  }
0xa9: {  	[sflag:s20] =	ssyncset.done $0x0  }
0xaa: {  	[sflag:s20] =	ssyncadd.s32 $0xFFFFD800  }
0xab: {  	[spmem:s2] =	stream.indirect.scatter.add.f32 [tilespmem:s15], [sflag:$0x6], $0x80, s23, s19, $0xb8;
	v63 =	vld [tilespmem:$0x0]  }
0xac: {  	_ =	swait.ge [sflag:s21], $0x2800  }
0xad: {  	[sflag:s21] =	ssyncset.done $0x0  }
0xae: {  	[sflag:s21] =	ssyncadd.s32 $0xFFFFD800  }
0xaf: {  	[spmem:s2] =	stream.indirect.scatter.add.f32 [tilespmem:s16], [sflag:$0x7], $0x80, s31, s19, $0xb8;
	v63 =	vld [tilespmem:$0x0]  }
0xb0: {  	_ =	swait.ge [sflag:s24], $0x2800  }
0xb1: {  	[sflag:s24] =	ssyncset.done $0x0  }
0xb2: {  	[sflag:s24] =	ssyncadd.s32 $0xFFFFD800  }
0xb3: {  	[spmem:s2] =	stream.indirect.scatter.add.f32 [tilespmem:s17], [sflag:$0x8], $0x80, s6, s19, $0xb8;
	v63 =	vld [tilespmem:$0x0]  }
0xb4: {  	_ =	swait.ge [sflag:s26], $0x2800  }
0xb5: {  	[sflag:s26] =	ssyncset.done $0x0  }
0xb6: {  	[sflag:s26] =	ssyncadd.s32 $0xFFFFD800  }
0xb7: {  	_ =	swait.ge [sflag:s28], $0x2800  }
0xb8: {  	[sflag:s28] =	ssyncset.done $0x0  }
0xb9: {  	[sflag:s28] =	ssyncadd.s32 $0xFFFFD800  }
0xba: {  	_ =	swait.ge [sflag:s29], $0x2800  }
0xbb: {  	[sflag:s29] =	ssyncset.done $0x0  }
0xbc: {  	[sflag:s29] =	ssyncadd.s32 $0xFFFFD800  }
0xbd: {  	_ =	swait.ge [sflag:s22], $0x2800  }
0xbe: {  	[sflag:s22] =	ssyncset.done $0x0  }
0xbf: {  	[sflag:s22] =	ssyncadd.s32 $0xFFFFD800  }
0xc0: {  	[bflag:$0x0] =	sbarrier.arrive $0xFFFF  }
0xc1: {  	s1 =	rddreg [dreg:$0x1d]  }
0xc2: {  	[hbm:s1], [sflag:s14] =	dma.local [spmem:s18], $0x2780  }
0xc3: {  	_ =	swait.ge [sflag:s13], $0x2780  }
0xc4: {  	[sflag:s13] =	ssyncset.done $0x0  }
0xc5: {  	[sflag:s13] =	ssyncadd.s32 $0xFFFFD880  }
0xc6: {  	[bflag:$0x0] =	sbarrier.arrive $0xFFFF  }
0xc7: {  	s5 =	rddreg [dreg:$0x13]  }
0xc8: {  	s7 =	rddreg [dreg:$0x14]  }
0xc9: {  	[tilespmem:s0], [sflag:$0x1] =	stream.linear.gather [hbm4b:s5+s0], $0x2800, $0x38;
	v63 =	vld [tilespmem:$0x0]  }
0xca: {  	s1 =	rddreg [dreg:$0x1e]  }
0xcb: {  	[tilespmem:s15], [sflag:$0x2] =	stream.linear.gather [hbm4b:s7+s0], $0x2800, $0x38;
	v63 =	vld [tilespmem:$0x0]  }
0xcc: {  	s5 =	rddreg [dreg:$0x15]  }
0xcd: {  	[tilespmem:s16], [sflag:$0x3] =	stream.linear.gather [hbm4b:s5+s0], $0x2800, $0x38;
	v63 =	vld [tilespmem:$0x0]  }
0xce: {  	s7 =	rddreg [dreg:$0x16]  }
0xcf: {  	[tilespmem:s17], [sflag:$0x4] =	stream.linear.gather [hbm4b:s7+s0], $0x2800, $0x38;
	v63 =	vld [tilespmem:$0x0]  }
0xd0: {  	[spmem:s18], [sflag:s14] =	dma.local [hbm:s1], $0x2780  }
0xd1: {  	_ =	swait.ge [sflag:s13], $0x2780  }
0xd2: {  	[sflag:s13] =	ssyncset.done $0x0  }
0xd3: {  	[sflag:s13] =	ssyncadd.s32 $0xFFFFD880  }
0xd4: {  	[bflag:$0x0] =	sbarrier.arrive $0xFFFF  }
0xd5: {  	_ =	swait.ge [sflag:s12], $0x2800  }
0xd6: {  	[sflag:s12] =	ssyncset.done $0x0  }
0xd7: {  	s5 =	simm.s32 $0xA000;
	[sflag:s12] =	ssyncadd.s32 $0xFFFFD800  }
0xd8: {  	[spmem:s2] =	stream.indirect.scatter.add.f32 [tilespmem:s3], [sflag:$0x5], $0x80, s5, s19, $0xb8;
	v63 =	vld [tilespmem:$0x0]  }
0xd9: {  	_ =	swait.ge [sflag:s20], $0x2800  }
0xda: {  	[sflag:s20] =	ssyncset.done $0x0  }
0xdb: {  	s7 =	simm.s32 $0xA080;
	[sflag:s20] =	ssyncadd.s32 $0xFFFFD800  }
0xdc: {  	[spmem:s2] =	stream.indirect.scatter.add.f32 [tilespmem:s15], [sflag:$0x6], $0x80, s7, s19, $0xb8;
	v63 =	vld [tilespmem:$0x0]  }
0xdd: {  	_ =	swait.ge [sflag:s21], $0x2800  }
0xde: {  	[sflag:s21] =	ssyncset.done $0x0  }
0xdf: {  	s18 =	simm.s32 $0xA100;
	[sflag:s21] =	ssyncadd.s32 $0xFFFFD800  }
0xe0: {  	[spmem:s2] =	stream.indirect.scatter.add.f32 [tilespmem:s16], [sflag:$0x7], $0x80, s18, s19, $0xb8;
	v63 =	vld [tilespmem:$0x0]  }
0xe1: {  	_ =	swait.ge [sflag:s24], $0x2800  }
0xe2: {  	[sflag:s24] =	ssyncset.done $0x0  }
0xe3: {  	s1 =	simm.s32 $0xA180;
	[sflag:s24] =	ssyncadd.s32 $0xFFFFD800  }
0xe4: {  	[spmem:s2] =	stream.indirect.scatter.add.f32 [tilespmem:s17], [sflag:$0x8], $0x80, s1, s19, $0xb8;
	v63 =	vld [tilespmem:$0x0]  }
0xe5: {  	_ =	swait.ge [sflag:s26], $0x2800  }
0xe6: {  	[sflag:s26] =	ssyncset.done $0x0  }
0xe7: {  	s5 =	sadd.s32 $0xFFFFF100, s11;
	[sflag:s26] =	ssyncadd.s32 $0xFFFFD800  }
0xe8: {  	[tilespmem:s3], [sflag:$0x1] =	stream.linear.gather [hbm4b:s5+s3], $0x2800, $0x38;
	v63 =	vld [tilespmem:$0x0]  }
0xe9: {  	_ =	swait.ge [sflag:s28], $0x2800  }
0xea: {  	[sflag:s28] =	ssyncset.done $0x0  }
0xeb: {  	s7 =	sadd.s32 $0xFFFFF600, s11;
	[sflag:s28] =	ssyncadd.s32 $0xFFFFD800  }
0xec: {  	[tilespmem:s15], [sflag:$0x2] =	stream.linear.gather [hbm4b:s7+s3], $0x2800, $0x38;
	v63 =	vld [tilespmem:$0x0]  }
0xed: {  	_ =	swait.ge [sflag:s29], $0x2800  }
0xee: {  	[sflag:s29] =	ssyncset.done $0x0  }
0xef: {  	s18 =	sadd.s32 $0xFFFFFB00, s11;
	[sflag:s29] =	ssyncadd.s32 $0xFFFFD800  }
0xf0: {  	[tilespmem:s16], [sflag:$0x3] =	stream.linear.gather [hbm4b:s18+s3], $0x2800, $0x38;
	v63 =	vld [tilespmem:$0x0]  }
0xf1: {  	_ =	swait.ge [sflag:s22], $0x2800  }
0xf2: {  	s1 =	simm.s32 $0x800;
	[sflag:s22] =	ssyncset.done $0x0  }
0xf3: {  	s5 =	sadd.s32 $0x1400, s11;
	s7 =	smov.u32 s11;
	[sflag:s22] =	ssyncadd.s32 $0xFFFFD800  }
.LBB2_10:
0xf4: {  	[tilespmem:s17], [sflag:$0x4] =	stream.linear.gather [hbm4b:s7+s3], $0x2800, $0x38;
	v63 =	vld [tilespmem:$0x0]  }
0xf5: {  	s0 =	smov.u32 s1;
	s7 =	smov.u32 s5  }
0xf6: {  	p1 =	sne.s32 s1, $0x8000;
	s1 =	sadd.s32 $0x800, s1;
	_ =	swait.ge [sflag:s12], $0x2800  }
0xf7: {  	s0 =	sshra.s32 s0, $0x2;
	[sflag:s12] =	ssyncset.done $0x0  }
0xf8: {  	s18 =	sadd.s32 $0xA000, s0;
	[sflag:s12] =	ssyncadd.s32 $0xFFFFD800  }
0xf9: {  	[spmem:s2] =	stream.indirect.scatter.add.f32 [tilespmem:s3], [sflag:$0x5], $0x80, s18, s19, $0xb8;
	v63 =	vld [tilespmem:$0x0]  }
0xfa: {  	_ =	swait.ge [sflag:s20], $0x2800  }
0xfb: {  	[sflag:s20] =	ssyncset.done $0x0  }
0xfc: {  	s18 =	sadd.s32 $0xA080, s0;
	[sflag:s20] =	ssyncadd.s32 $0xFFFFD800  }
0xfd: {  	[spmem:s2] =	stream.indirect.scatter.add.f32 [tilespmem:s15], [sflag:$0x6], $0x80, s18, s19, $0xb8;
	v63 =	vld [tilespmem:$0x0]  }
0xfe: {  	_ =	swait.ge [sflag:s21], $0x2800  }
0xff: {  	[sflag:s21] =	ssyncset.done $0x0  }
0x100: {  	s18 =	sadd.s32 $0xA100, s0;
	[sflag:s21] =	ssyncadd.s32 $0xFFFFD800  }
0x101: {  	[spmem:s2] =	stream.indirect.scatter.add.f32 [tilespmem:s16], [sflag:$0x7], $0x80, s18, s19, $0xb8;
	v63 =	vld [tilespmem:$0x0]  }
0x102: {  	_ =	swait.ge [sflag:s24], $0x2800  }
0x103: {  	[sflag:s24] =	ssyncset.done $0x0  }
0x104: {  	s0 =	sadd.s32 $0xA180, s0;
	[sflag:s24] =	ssyncadd.s32 $0xFFFFD800  }
0x105: {  	[spmem:s2] =	stream.indirect.scatter.add.f32 [tilespmem:s17], [sflag:$0x8], $0x80, s0, s19, $0xb8;
	v63 =	vld [tilespmem:$0x0]  }
0x106: {  	_ =	swait.ge [sflag:s26], $0x2800  }
0x107: {  	[sflag:s26] =	ssyncset.done $0x0  }
0x108: {  	s0 =	sadd.s32 $0xFFFFF100, s5;
	[sflag:s26] =	ssyncadd.s32 $0xFFFFD800  }
0x109: {  	[tilespmem:s3], [sflag:$0x1] =	stream.linear.gather [hbm4b:s0+s3], $0x2800, $0x38;
	v63 =	vld [tilespmem:$0x0]  }
0x10a: {  	_ =	swait.ge [sflag:s28], $0x2800  }
0x10b: {  	[sflag:s28] =	ssyncset.done $0x0  }
0x10c: {  	s0 =	sadd.s32 $0xFFFFF600, s5;
	[sflag:s28] =	ssyncadd.s32 $0xFFFFD800  }
0x10d: {  	[tilespmem:s15], [sflag:$0x2] =	stream.linear.gather [hbm4b:s0+s3], $0x2800, $0x38;
	v63 =	vld [tilespmem:$0x0]  }
0x10e: {  	_ =	swait.ge [sflag:s29], $0x2800  }
0x10f: {  	[sflag:s29] =	ssyncset.done $0x0  }
.Ltmp4:
0x110: {  	s0 =	sadd.s32 $0xFFFFFB00, s5;
	[sflag:s29] =	ssyncadd.s32 $0xFFFFD800;
	(pc) =	sbr.rel @p1 .LBB2_10-.Ltmp4, $4  }
0x111: {  	[tilespmem:s16], [sflag:$0x3] =	stream.linear.gather [hbm4b:s0+s3], $0x2800, $0x38;
	v63 =	vld [tilespmem:$0x0]  }
0x112: {  	_ =	swait.ge [sflag:s22], $0x2800  }
0x113: {  	[sflag:s22] =	ssyncset.done $0x0  }
0x114: {  	s5 =	sadd.s32 $0x1400, s5;
	[sflag:s22] =	ssyncadd.s32 $0xFFFFD800  }
.Ltmp5:
0x115: {  	_ = 	snop;
	(pc) =	sbr.rel .LBB2_11-.Ltmp5, $1  }
0x116: {  	_ =	sdelay $0x3  }
.LBB2_2:
0x117: {  	s1 =	simm.s32 $0x0;
	s0 =	rddreg [dreg:$0x7]  }
0x118: {  	[tilespmem:s1], [sflag:$0x1] =	stream.linear.gather [hbm4b:s0+s1], $0x2800, $0x38;
	v63 =	vld [tilespmem:$0x0]  }
0x119: {  	s7 =	rddreg [dreg:$0x8]  }
0x11a: {  	[tilespmem:s15], [sflag:$0x2] =	stream.linear.gather [hbm4b:s7+s1], $0x2800, $0x38;
	v63 =	vld [tilespmem:$0x0]  }
0x11b: {  	s14 =	rddreg [dreg:$0x9];
	s30 =	stileid.u32  }
0x11c: {  	[tilespmem:s16], [sflag:$0x3] =	stream.linear.gather [hbm4b:s14+s1], $0x2800, $0x38;
	v63 =	vld [tilespmem:$0x0]  }
0x11d: {  	s18 =	rddreg [dreg:$0xa];
	s0 =	sshll.u32 s30, $0x6  }
0x11e: {  	[tilespmem:s17], [sflag:$0x4] =	stream.linear.gather [hbm4b:s18+s1], $0x2800, $0x38;
	v63 =	vld [tilespmem:$0x0]  }
0x11f: {  	s14 =	sor.u32 $0x1C09, s0;
	s18 =	sshrl.u32 s25, $0x3;
	s1 =	rddreg [dreg:$0x19]  }
0x120: {  	[spmem:s18], [sflag:s14] =	dma.local [hbm:s1], $0x2780  }
0x121: {  	_ =	swait.ge [sflag:s13], $0x2780  }
0x122: {  	[sflag:s13] =	ssyncset.done $0x0  }
0x123: {  	[sflag:s13] =	ssyncadd.s32 $0xFFFFD880  }
0x124: {  	[bflag:$0x0] =	sbarrier.arrive $0xFFFF  }
0x125: {  	_ =	swait.ge [sflag:s12], $0x2800  }
0x126: {  	[sflag:s12] =	ssyncset.done $0x0  }
0x127: {  	s5 =	simm.s32 $0xA000;
	[sflag:s12] =	ssyncadd.s32 $0xFFFFD800  }
0x128: {  	[spmem:s2] =	stream.indirect.scatter.add.f32 [tilespmem:s3], [sflag:$0x5], $0x80, s5, s19, $0xb8;
	v63 =	vld [tilespmem:$0x0]  }
0x129: {  	_ =	swait.ge [sflag:s20], $0x2800  }
0x12a: {  	[sflag:s20] =	ssyncset.done $0x0  }
0x12b: {  	s7 =	simm.s32 $0xA080;
	[sflag:s20] =	ssyncadd.s32 $0xFFFFD800  }
0x12c: {  	[spmem:s2] =	stream.indirect.scatter.add.f32 [tilespmem:s15], [sflag:$0x6], $0x80, s7, s19, $0xb8;
	v63 =	vld [tilespmem:$0x0]  }
0x12d: {  	_ =	swait.ge [sflag:s21], $0x2800  }
0x12e: {  	[sflag:s21] =	ssyncset.done $0x0  }
0x12f: {  	s30 =	simm.s32 $0xA100;
	[sflag:s21] =	ssyncadd.s32 $0xFFFFD800  }
0x130: {  	[spmem:s2] =	stream.indirect.scatter.add.f32 [tilespmem:s16], [sflag:$0x7], $0x80, s30, s19, $0xb8;
	v63 =	vld [tilespmem:$0x0]  }
0x131: {  	_ =	swait.ge [sflag:s24], $0x2800  }
0x132: {  	[sflag:s24] =	ssyncset.done $0x0  }
0x133: {  	s0 =	simm.s32 $0xA180;
	[sflag:s24] =	ssyncadd.s32 $0xFFFFD800  }
0x134: {  	[spmem:s2] =	stream.indirect.scatter.add.f32 [tilespmem:s17], [sflag:$0x8], $0x80, s0, s19, $0xb8;
	v63 =	vld [tilespmem:$0x0]  }
0x135: {  	_ =	swait.ge [sflag:s26], $0x2800  }
0x136: {  	[sflag:s26] =	ssyncset.done $0x0  }
0x137: {  	s5 =	sadd.s32 $0xFFFFF100, s4;
	[sflag:s26] =	ssyncadd.s32 $0xFFFFD800  }
0x138: {  	[tilespmem:s3], [sflag:$0x1] =	stream.linear.gather [hbm4b:s5+s3], $0x2800, $0x38;
	v63 =	vld [tilespmem:$0x0]  }
0x139: {  	_ =	swait.ge [sflag:s28], $0x2800  }
0x13a: {  	[sflag:s28] =	ssyncset.done $0x0  }
0x13b: {  	s7 =	sadd.s32 $0xFFFFF600, s4;
	[sflag:s28] =	ssyncadd.s32 $0xFFFFD800  }
0x13c: {  	[tilespmem:s15], [sflag:$0x2] =	stream.linear.gather [hbm4b:s7+s3], $0x2800, $0x38;
	v63 =	vld [tilespmem:$0x0]  }
0x13d: {  	_ =	swait.ge [sflag:s29], $0x2800  }
0x13e: {  	[sflag:s29] =	ssyncset.done $0x0  }
0x13f: {  	s30 =	sadd.s32 $0xFFFFFB00, s4;
	[sflag:s29] =	ssyncadd.s32 $0xFFFFD800  }
0x140: {  	[tilespmem:s16], [sflag:$0x3] =	stream.linear.gather [hbm4b:s30+s3], $0x2800, $0x38;
	v63 =	vld [tilespmem:$0x0]  }
0x141: {  	_ =	swait.ge [sflag:s22], $0x2800  }
0x142: {  	s1 =	simm.s32 $0x800;
	[sflag:s22] =	ssyncset.done $0x0  }
0x143: {  	s5 =	sadd.s32 $0x1400, s4;
	s7 =	smov.u32 s4;
	[sflag:s22] =	ssyncadd.s32 $0xFFFFD800  }
.LBB2_3:
0x144: {  	[tilespmem:s17], [sflag:$0x4] =	stream.linear.gather [hbm4b:s7+s3], $0x2800, $0x38;
	v63 =	vld [tilespmem:$0x0]  }
0x145: {  	s0 =	smov.u32 s1;
	s7 =	smov.u32 s5  }
0x146: {  	p1 =	sne.s32 s1, $0x8000;
	s1 =	sadd.s32 $0x800, s1;
	_ =	swait.ge [sflag:s12], $0x2800  }
0x147: {  	s0 =	sshra.s32 s0, $0x2;
	[sflag:s12] =	ssyncset.done $0x0  }
0x148: {  	s30 =	sadd.s32 $0xA000, s0;
	[sflag:s12] =	ssyncadd.s32 $0xFFFFD800  }
0x149: {  	[spmem:s2] =	stream.indirect.scatter.add.f32 [tilespmem:s3], [sflag:$0x5], $0x80, s30, s19, $0xb8;
	v63 =	vld [tilespmem:$0x0]  }
0x14a: {  	_ =	swait.ge [sflag:s20], $0x2800  }
0x14b: {  	[sflag:s20] =	ssyncset.done $0x0  }
0x14c: {  	s30 =	sadd.s32 $0xA080, s0;
	[sflag:s20] =	ssyncadd.s32 $0xFFFFD800  }
0x14d: {  	[spmem:s2] =	stream.indirect.scatter.add.f32 [tilespmem:s15], [sflag:$0x6], $0x80, s30, s19, $0xb8;
	v63 =	vld [tilespmem:$0x0]  }
0x14e: {  	_ =	swait.ge [sflag:s21], $0x2800  }
0x14f: {  	[sflag:s21] =	ssyncset.done $0x0  }
0x150: {  	s30 =	sadd.s32 $0xA100, s0;
	[sflag:s21] =	ssyncadd.s32 $0xFFFFD800  }
0x151: {  	[spmem:s2] =	stream.indirect.scatter.add.f32 [tilespmem:s16], [sflag:$0x7], $0x80, s30, s19, $0xb8;
	v63 =	vld [tilespmem:$0x0]  }
0x152: {  	_ =	swait.ge [sflag:s24], $0x2800  }
0x153: {  	[sflag:s24] =	ssyncset.done $0x0  }
0x154: {  	s0 =	sadd.s32 $0xA180, s0;
	[sflag:s24] =	ssyncadd.s32 $0xFFFFD800  }
0x155: {  	[spmem:s2] =	stream.indirect.scatter.add.f32 [tilespmem:s17], [sflag:$0x8], $0x80, s0, s19, $0xb8;
	v63 =	vld [tilespmem:$0x0]  }
0x156: {  	_ =	swait.ge [sflag:s26], $0x2800  }
0x157: {  	[sflag:s26] =	ssyncset.done $0x0  }
0x158: {  	s0 =	sadd.s32 $0xFFFFF100, s5;
	[sflag:s26] =	ssyncadd.s32 $0xFFFFD800  }
0x159: {  	[tilespmem:s3], [sflag:$0x1] =	stream.linear.gather [hbm4b:s0+s3], $0x2800, $0x38;
	v63 =	vld [tilespmem:$0x0]  }
0x15a: {  	_ =	swait.ge [sflag:s28], $0x2800  }
0x15b: {  	[sflag:s28] =	ssyncset.done $0x0  }
0x15c: {  	s0 =	sadd.s32 $0xFFFFF600, s5;
	[sflag:s28] =	ssyncadd.s32 $0xFFFFD800  }
0x15d: {  	[tilespmem:s15], [sflag:$0x2] =	stream.linear.gather [hbm4b:s0+s3], $0x2800, $0x38;
	v63 =	vld [tilespmem:$0x0]  }
0x15e: {  	_ =	swait.ge [sflag:s29], $0x2800  }
0x15f: {  	[sflag:s29] =	ssyncset.done $0x0  }
.Ltmp6:
0x160: {  	s0 =	sadd.s32 $0xFFFFFB00, s5;
	[sflag:s29] =	ssyncadd.s32 $0xFFFFD800;
	(pc) =	sbr.rel @p1 .LBB2_3-.Ltmp6, $4  }
0x161: {  	[tilespmem:s16], [sflag:$0x3] =	stream.linear.gather [hbm4b:s0+s3], $0x2800, $0x38;
	v63 =	vld [tilespmem:$0x0]  }
0x162: {  	_ =	swait.ge [sflag:s22], $0x2800  }
0x163: {  	[sflag:s22] =	ssyncset.done $0x0  }
0x164: {  	s5 =	sadd.s32 $0x1400, s5;
	[sflag:s22] =	ssyncadd.s32 $0xFFFFD800  }
0x165: {  	[tilespmem:s17], [sflag:$0x4] =	stream.linear.gather [hbm4b:s7+s3], $0x2800, $0x38;
	v63 =	vld [tilespmem:$0x0]  }
0x166: {  	_ =	swait.ge [sflag:s12], $0x2800  }
0x167: {  	[sflag:s12] =	ssyncset.done $0x0  }
0x168: {  	s0 =	simm.s32 $0x0;
	s30 =	simm.s32 $0xC200;
	[sflag:s12] =	ssyncadd.s32 $0xFFFFD800  }
0x169: {  	[spmem:s2] =	stream.indirect.scatter.add.f32 [tilespmem:s0], [sflag:$0x5], $0x80, s30, s19, $0xb8;
	v63 =	vld [tilespmem:$0x0]  }
0x16a: {  	_ =	swait.ge [sflag:s20], $0x2800  }
0x16b: {  	[sflag:s20] =	ssyncset.done $0x0  }
0x16c: {  	[sflag:s20] =	ssyncadd.s32 $0xFFFFD800  }
0x16d: {  	[spmem:s2] =	stream.indirect.scatter.add.f32 [tilespmem:s15], [sflag:$0x6], $0x80, s23, s19, $0xb8;
	v63 =	vld [tilespmem:$0x0]  }
0x16e: {  	_ =	swait.ge [sflag:s21], $0x2800  }
0x16f: {  	[sflag:s21] =	ssyncset.done $0x0  }
0x170: {  	[sflag:s21] =	ssyncadd.s32 $0xFFFFD800  }
0x171: {  	[spmem:s2] =	stream.indirect.scatter.add.f32 [tilespmem:s16], [sflag:$0x7], $0x80, s31, s19, $0xb8;
	v63 =	vld [tilespmem:$0x0]  }
0x172: {  	_ =	swait.ge [sflag:s24], $0x2800  }
0x173: {  	[sflag:s24] =	ssyncset.done $0x0  }
0x174: {  	[sflag:s24] =	ssyncadd.s32 $0xFFFFD800  }
0x175: {  	[spmem:s2] =	stream.indirect.scatter.add.f32 [tilespmem:s17], [sflag:$0x8], $0x80, s6, s19, $0xb8;
	v63 =	vld [tilespmem:$0x0]  }
0x176: {  	_ =	swait.ge [sflag:s26], $0x2800  }
0x177: {  	[sflag:s26] =	ssyncset.done $0x0  }
0x178: {  	[sflag:s26] =	ssyncadd.s32 $0xFFFFD800  }
0x179: {  	_ =	swait.ge [sflag:s28], $0x2800  }
0x17a: {  	[sflag:s28] =	ssyncset.done $0x0  }
0x17b: {  	[sflag:s28] =	ssyncadd.s32 $0xFFFFD800  }
0x17c: {  	_ =	swait.ge [sflag:s29], $0x2800  }
0x17d: {  	[sflag:s29] =	ssyncset.done $0x0  }
0x17e: {  	[sflag:s29] =	ssyncadd.s32 $0xFFFFD800  }
0x17f: {  	_ =	swait.ge [sflag:s22], $0x2800  }
0x180: {  	[sflag:s22] =	ssyncset.done $0x0  }
0x181: {  	[sflag:s22] =	ssyncadd.s32 $0xFFFFD800  }
0x182: {  	[bflag:$0x0] =	sbarrier.arrive $0xFFFF  }
0x183: {  	s1 =	rddreg [dreg:$0x1c]  }
0x184: {  	[hbm:s1], [sflag:s14] =	dma.local [spmem:s18], $0x2780  }
0x185: {  	_ =	swait.ge [sflag:s13], $0x2780  }
0x186: {  	[sflag:s13] =	ssyncset.done $0x0  }
0x187: {  	[sflag:s13] =	ssyncadd.s32 $0xFFFFD880  }
0x188: {  	[bflag:$0x0] =	sbarrier.arrive $0xFFFF  }
0x189: {  	s5 =	rddreg [dreg:$0xb]  }
0x18a: {  	s7 =	rddreg [dreg:$0xc]  }
0x18b: {  	[tilespmem:s0], [sflag:$0x1] =	stream.linear.gather [hbm4b:s5+s0], $0x2800, $0x38;
	v63 =	vld [tilespmem:$0x0]  }
0x18c: {  	s1 =	rddreg [dreg:$0x1a]  }
0x18d: {  	[tilespmem:s15], [sflag:$0x2] =	stream.linear.gather [hbm4b:s7+s0], $0x2800, $0x38;
	v63 =	vld [tilespmem:$0x0]  }
0x18e: {  	s5 =	rddreg [dreg:$0xd]  }
0x18f: {  	[tilespmem:s16], [sflag:$0x3] =	stream.linear.gather [hbm4b:s5+s0], $0x2800, $0x38;
	v63 =	vld [tilespmem:$0x0]  }
0x190: {  	s7 =	rddreg [dreg:$0xe]  }
0x191: {  	[tilespmem:s17], [sflag:$0x4] =	stream.linear.gather [hbm4b:s7+s0], $0x2800, $0x38;
	v63 =	vld [tilespmem:$0x0]  }
0x192: {  	[spmem:s18], [sflag:s14] =	dma.local [hbm:s1], $0x2780  }
0x193: {  	_ =	swait.ge [sflag:s13], $0x2780  }
0x194: {  	[sflag:s13] =	ssyncset.done $0x0  }
0x195: {  	[sflag:s13] =	ssyncadd.s32 $0xFFFFD880  }
0x196: {  	[bflag:$0x0] =	sbarrier.arrive $0xFFFF  }
0x197: {  	_ =	swait.ge [sflag:s12], $0x2800  }
0x198: {  	[sflag:s12] =	ssyncset.done $0x0  }
0x199: {  	s5 =	simm.s32 $0xA000;
	[sflag:s12] =	ssyncadd.s32 $0xFFFFD800  }
0x19a: {  	[spmem:s2] =	stream.indirect.scatter.add.f32 [tilespmem:s3], [sflag:$0x5], $0x80, s5, s19, $0xb8;
	v63 =	vld [tilespmem:$0x0]  }
0x19b: {  	_ =	swait.ge [sflag:s20], $0x2800  }
0x19c: {  	[sflag:s20] =	ssyncset.done $0x0  }
0x19d: {  	s7 =	simm.s32 $0xA080;
	[sflag:s20] =	ssyncadd.s32 $0xFFFFD800  }
0x19e: {  	[spmem:s2] =	stream.indirect.scatter.add.f32 [tilespmem:s15], [sflag:$0x6], $0x80, s7, s19, $0xb8;
	v63 =	vld [tilespmem:$0x0]  }
0x19f: {  	_ =	swait.ge [sflag:s21], $0x2800  }
0x1a0: {  	[sflag:s21] =	ssyncset.done $0x0  }
0x1a1: {  	s18 =	simm.s32 $0xA100;
	[sflag:s21] =	ssyncadd.s32 $0xFFFFD800  }
0x1a2: {  	[spmem:s2] =	stream.indirect.scatter.add.f32 [tilespmem:s16], [sflag:$0x7], $0x80, s18, s19, $0xb8;
	v63 =	vld [tilespmem:$0x0]  }
0x1a3: {  	_ =	swait.ge [sflag:s24], $0x2800  }
0x1a4: {  	[sflag:s24] =	ssyncset.done $0x0  }
0x1a5: {  	s1 =	simm.s32 $0xA180;
	[sflag:s24] =	ssyncadd.s32 $0xFFFFD800  }
0x1a6: {  	[spmem:s2] =	stream.indirect.scatter.add.f32 [tilespmem:s17], [sflag:$0x8], $0x80, s1, s19, $0xb8;
	v63 =	vld [tilespmem:$0x0]  }
0x1a7: {  	_ =	swait.ge [sflag:s26], $0x2800  }
0x1a8: {  	[sflag:s26] =	ssyncset.done $0x0  }
0x1a9: {  	s5 =	sadd.s32 $0xFFFFF100, s8;
	[sflag:s26] =	ssyncadd.s32 $0xFFFFD800  }
0x1aa: {  	[tilespmem:s3], [sflag:$0x1] =	stream.linear.gather [hbm4b:s5+s3], $0x2800, $0x38;
	v63 =	vld [tilespmem:$0x0]  }
0x1ab: {  	_ =	swait.ge [sflag:s28], $0x2800  }
0x1ac: {  	[sflag:s28] =	ssyncset.done $0x0  }
0x1ad: {  	s7 =	sadd.s32 $0xFFFFF600, s8;
	[sflag:s28] =	ssyncadd.s32 $0xFFFFD800  }
0x1ae: {  	[tilespmem:s15], [sflag:$0x2] =	stream.linear.gather [hbm4b:s7+s3], $0x2800, $0x38;
	v63 =	vld [tilespmem:$0x0]  }
0x1af: {  	_ =	swait.ge [sflag:s29], $0x2800  }
0x1b0: {  	[sflag:s29] =	ssyncset.done $0x0  }
0x1b1: {  	s18 =	sadd.s32 $0xFFFFFB00, s8;
	[sflag:s29] =	ssyncadd.s32 $0xFFFFD800  }
0x1b2: {  	[tilespmem:s16], [sflag:$0x3] =	stream.linear.gather [hbm4b:s18+s3], $0x2800, $0x38;
	v63 =	vld [tilespmem:$0x0]  }
0x1b3: {  	_ =	swait.ge [sflag:s22], $0x2800  }
0x1b4: {  	s1 =	simm.s32 $0x800;
	[sflag:s22] =	ssyncset.done $0x0  }
0x1b5: {  	s5 =	sadd.s32 $0x1400, s8;
	s7 =	smov.u32 s8;
	[sflag:s22] =	ssyncadd.s32 $0xFFFFD800  }
.LBB2_5:
0x1b6: {  	[tilespmem:s17], [sflag:$0x4] =	stream.linear.gather [hbm4b:s7+s3], $0x2800, $0x38;
	v63 =	vld [tilespmem:$0x0]  }
0x1b7: {  	s0 =	smov.u32 s1;
	s7 =	smov.u32 s5  }
0x1b8: {  	p1 =	seq.s32 s1, $0x8000;
	s1 =	sadd.s32 $0x800, s1;
	_ =	swait.ge [sflag:s12], $0x2800  }
0x1b9: {  	s0 =	sshra.s32 s0, $0x2;
	[sflag:s12] =	ssyncset.done $0x0  }
0x1ba: {  	s18 =	sadd.s32 $0xA000, s0;
	[sflag:s12] =	ssyncadd.s32 $0xFFFFD800  }
0x1bb: {  	[spmem:s2] =	stream.indirect.scatter.add.f32 [tilespmem:s3], [sflag:$0x5], $0x80, s18, s19, $0xb8;
	v63 =	vld [tilespmem:$0x0]  }
0x1bc: {  	_ =	swait.ge [sflag:s20], $0x2800  }
0x1bd: {  	[sflag:s20] =	ssyncset.done $0x0  }
0x1be: {  	s18 =	sadd.s32 $0xA080, s0;
	[sflag:s20] =	ssyncadd.s32 $0xFFFFD800  }
0x1bf: {  	[spmem:s2] =	stream.indirect.scatter.add.f32 [tilespmem:s15], [sflag:$0x6], $0x80, s18, s19, $0xb8;
	v63 =	vld [tilespmem:$0x0]  }
0x1c0: {  	_ =	swait.ge [sflag:s21], $0x2800  }
0x1c1: {  	[sflag:s21] =	ssyncset.done $0x0  }
0x1c2: {  	s18 =	sadd.s32 $0xA100, s0;
	[sflag:s21] =	ssyncadd.s32 $0xFFFFD800  }
0x1c3: {  	[spmem:s2] =	stream.indirect.scatter.add.f32 [tilespmem:s16], [sflag:$0x7], $0x80, s18, s19, $0xb8;
	v63 =	vld [tilespmem:$0x0]  }
0x1c4: {  	_ =	swait.ge [sflag:s24], $0x2800  }
0x1c5: {  	[sflag:s24] =	ssyncset.done $0x0  }
0x1c6: {  	s0 =	sadd.s32 $0xA180, s0;
	[sflag:s24] =	ssyncadd.s32 $0xFFFFD800  }
0x1c7: {  	[spmem:s2] =	stream.indirect.scatter.add.f32 [tilespmem:s17], [sflag:$0x8], $0x80, s0, s19, $0xb8;
	v63 =	vld [tilespmem:$0x0]  }
0x1c8: {  	_ =	swait.ge [sflag:s26], $0x2800  }
0x1c9: {  	[sflag:s26] =	ssyncset.done $0x0  }
0x1ca: {  	s0 =	sadd.s32 $0xFFFFF100, s5;
	[sflag:s26] =	ssyncadd.s32 $0xFFFFD800  }
0x1cb: {  	[tilespmem:s3], [sflag:$0x1] =	stream.linear.gather [hbm4b:s0+s3], $0x2800, $0x38;
	v63 =	vld [tilespmem:$0x0]  }
0x1cc: {  	_ =	swait.ge [sflag:s28], $0x2800  }
0x1cd: {  	[sflag:s28] =	ssyncset.done $0x0  }
0x1ce: {  	s0 =	sadd.s32 $0xFFFFF600, s5;
	[sflag:s28] =	ssyncadd.s32 $0xFFFFD800  }
0x1cf: {  	[tilespmem:s15], [sflag:$0x2] =	stream.linear.gather [hbm4b:s0+s3], $0x2800, $0x38;
	v63 =	vld [tilespmem:$0x0]  }
0x1d0: {  	_ =	swait.ge [sflag:s29], $0x2800  }
0x1d1: {  	[sflag:s29] =	ssyncset.done $0x0  }
.Ltmp7:
0x1d2: {  	s0 =	sadd.s32 $0xFFFFFB00, s5;
	[sflag:s29] =	ssyncadd.s32 $0xFFFFD800;
	(pc) =	sbr.rel @!p1 .LBB2_5-.Ltmp7, $4  }
0x1d3: {  	[tilespmem:s16], [sflag:$0x3] =	stream.linear.gather [hbm4b:s0+s3], $0x2800, $0x38;
	v63 =	vld [tilespmem:$0x0]  }
0x1d4: {  	_ =	swait.ge [sflag:s22], $0x2800  }
0x1d5: {  	[sflag:s22] =	ssyncset.done $0x0  }
0x1d6: {  	s5 =	sadd.s32 $0x1400, s5;
	[sflag:s22] =	ssyncadd.s32 $0xFFFFD800  }
.Ltmp8:
0x1d7: {  	(pc) =	sbr.rel .LBB2_12-.Ltmp8, $3  }
0x1d8: {  	_ =	sdelay $0x1  }
0x1d9: {  	[tilespmem:s17], [sflag:$0x4] =	stream.linear.gather [hbm4b:s7+s3], $0x2800, $0x38;
	v63 =	vld [tilespmem:$0x0]  }
0x1da: {  	s1 =	rddreg [dreg:$0x17]  }
.LBB2_13:
0x1db: {  	_ =	sfence.sel $0x180000  }
0x1dc: {  	[bflag:$0x0] =	sbarrier.arrive $0xFFFF  }
0x1dd: {  	_ =	strace $0x9000004A  }
0x1de: {  	s0 =	stileid.u32;
	[bflag:$0x2] =	sbarrier.arrive $0xFFFF  }
0x1df: {  	p0 =	sne.s32 s0, $0x0;
	s0 =	rddreg [dreg:$0x4]  }
0x1e0: {  	s0 =	sadd.s32 @!p0 $0x100000, s0  }
0x1e1: {  	[sflag:s0] =	ssyncadd.tile.s32 @!p0 $0x1;
	_ =	shalt  }
.Lfunc_end2:
_tile_overlayer_lowered:
.L_overlay_start_2:
0x1e2: {  	(tag) =	ssettag $0x2  }
0x1e3: {  	s0 =	rddreg [dreg:$0x0];
	s2 =	stileid.u32  }
0x1e4: {  	s1 =	rddreg [dreg:$0x1];
	p0 =	sne.s32 s2, $0x0  }
0x1e5: {  	s3 =	rddreg [dreg:$0x2];
	[bflag:$0x3] =	sbarrier.arrive $0xFFFF;
	s2 =	simm.s32 @!p0 $0x1C09  }
0x1e6: {  	[timem:s3], [sflag:s2] =	dma.local @!p0 [hbm:s0], s1  }
0x1e7: {  	s0 =	simm.s32 @!p0 $0x9  }
0x1e8: {  	_ =	swait.ge @!p0 [sflag:s0], s1  }
0x1e9: {  	s1 =	ssub.s32 @!p0 $0x0, s1;
	[sflag:s0] =	ssyncset.done @!p0 $0x0  }
0x1ea: {  	[sflag:s0] =	ssyncadd.s32 @!p0 s1  }
0x1eb: {  	[bflag:$0x3] =	sbarrier.arrive $0xFFFF  }
0x1ec: {  	_ =	shalt  }

// kernel: kernel.7.cloned.1.call-start
scs
__scs_entry_jumppad:
0x0: {  	(pc) =	sbr.rel $0x88, $3  }
0x1: {  	(tag) =	ssettag $0x0;
	lr =	simm.s32 $0x1  }
0x2: {  	[smem:$0x3F97] =	sst lr;
	_ =	strace $0xD0000000  }
0x3: {  	_ = 	snop  }
0x4: {  	_ = 	snop  }
0x5: {  	_ = 	snop  }
0x6: {  	_ = 	snop  }
0x7: {  	_ = 	snop  }
__scs_overlays_trampoline_lowered:
0x8: {  	[smem:$0x3FA6] =	sst s0  }
0x9: {  	[smem:$0x3FA7] =	sst s1  }
0xa: {  	[smem:$0x3FA8] =	sst s2  }
0xb: {  	[smem:$0x3FA9] =	sst s3  }
0xc: {  	[smem:$0x3FAA] =	sst s4  }
0xd: {  	[smem:$0x3FAB] =	sst s5  }
0xe: {  	[smem:$0x3FAC] =	sst s6  }
0xf: {  	[smem:$0x3FAD] =	sst s7  }
0x10: {  	[smem:$0x3FAE] =	sst s8  }
0x11: {  	[smem:$0x3FAF] =	sst s9;
	s0 =	simm.s32 @!p0 $0x0  }
0x12: {  	s1 =	sld [smem:$0x3F95];
	s0 =	simm.s32 @p0 $0x1  }
0x13: {  	[smem:$0x3FB0] =	sst s0;
	s0 =	simm.s32 @!p1 $0x0  }
0x14: {  	s2 =	sld [smem:$0x3F94];
	s0 =	simm.s32 @p1 $0x1  }
0x15: {  	[smem:$0x3FB1] =	sst s0;
	s0 =	simm.s32 @!p2 $0x0  }
0x16: {  	s3 =	sld [smem:$0x3FDB];
	s0 =	simm.s32 @p2 $0x1  }
0x17: {  	s4 =	simm.s32 $0x1BF5;
	[smem:$0x3FB3] =	sst s0  }
0x18: {  	s0 =	sld [smem:$0x3F96];
	_ =	swait.ge [sflag:s4], $0x0  }
0x19: {  	s7 =	sld [smem:$0x3F97]  }
0x1a: {  	s8 =	sadd.s32 $0xFFFFE003, lr  }
0x1b: {  	s9 =	sadd.s32 $0xFFFFFEF7, lr;
	s5 =	simm.s32 $0xFFFFFFFF;
	p2 =	slt.u32 s8, $0xFFFFF086  }
0x1c: {  	p1 =	slt.u32 s9, $0xF7A;
	s5 =	simm.s32 @!p2 $0x0  }
0x1d: {  	s5 =	simm.s32 @p1 $0x1;
	p0 =	seq.s32 s7, s2  }
0x1e: {  	s7 =	smul.u32 @!p0 $0xF7A, s2;
	p2 =	seq.s32 @!p0 s5, $0x0  }
0x1f: {  	s9 =	smul.u32 $0xF7A, s1;
	s8 =	simm.s32 @!p0 $0x1BF5;
	p2 =	por !p2, p0  }
0x20: {  	[sflag:s8] =	ssyncset.s32 @!p0 $0xFFFFF086;
	s6 =	sadd.s32 @!p0 s3, s7;
	s7 =	simm.s32 @!p0 $0x108  }
0x21: {  	s3 =	sadd.s32 s3, s9;
	s6 =	sadd.s32 @!p0 $0x88, s6;
	s7 =	simm.s32 @p2 $0x1082  }
0x22: {  	[simem:s7], [sflag:s8] =	dma.local @!p0 [hbm:s6], $0xF7A  }
0x23: {  	s9 =	sor.u32 $0xD0000000, s2;
	s6 =	simm.s32 $0x108;
	_ =	swait.ge @!p0 [sflag:s8], $0x0  }
0x24: {  	s3 =	sadd.s32 $0x88, s3;
	s6 =	simm.s32 @!p1 $0x1082;
	[sflag:s4] =	ssyncset.s32 $0xFFFFF086  }
0x25: {  	[simem:s6], [sflag:s4] =	dma.local [hbm:s3], $0xF7A  }
0x26: {  	[smem:$0x3F97] =	sst s1;
	(tag) =	ssettag s2;
	_ =	strace s9  }
0x27: {  	s1 =	sld [smem:$0x3FA7]  }
0x28: {  	s2 =	sld [smem:$0x3FA8]  }
0x29: {  	s4 =	sld [smem:$0x3FAA]  }
0x2a: {  	p0 =	seq.s32 s5, $0x0;
	s5 =	sld [smem:$0x3FAB]  }
0x2b: {  	s6 =	sld [smem:$0x3FAC]  }
0x2c: {  	s7 =	sld [smem:$0x3FAD]  }
0x2d: {  	s3 =	simm.s32 $0x108;
	s8 =	sld [smem:$0x3FAE]  }
0x2e: {  	s3 =	simm.s32 @!p0 $0x1082;
	s9 =	sld [smem:$0x3FAF]  }
0x2f: {  	lr =	sadd.s32 s0, s3;
	s0 =	sld [smem:$0x3FA6]  }
0x30: {  	s3 =	sld [smem:$0x3FA9]  }
0x31: {  	[smem:$0x3FB2] =	sst s10  }
0x32: {  	s10 =	sld [smem:$0x3FB0];
	_ =	sdelay $0x3  }
0x33: {  	p0 =	seq.s32 s10, $0x1;
	s10 =	sld [smem:$0x3FB2];
	_ =	sdelay $0x3  }
0x34: {  	[smem:$0x3FB2] =	sst s10  }
0x35: {  	s10 =	sld [smem:$0x3FB1];
	_ =	sdelay $0x3  }
0x36: {  	p1 =	seq.s32 s10, $0x1;
	s10 =	sld [smem:$0x3FB2];
	_ =	sdelay $0x3  }
0x37: {  	[smem:$0x3FB2] =	sst s10  }
0x38: {  	s10 =	sld [smem:$0x3FB3]  }
0x39: {  	_ = 	snop;
	(pc) =	sbr.ind lr, $3  }
0x3a: {  	_ = 	snop  }
0x3b: {  	_ = 	snop  }
0x3c: {  	p2 =	seq.s32 s10, $0x1;
	s10 =	sld [smem:$0x3FB2]  }
0x3d: {  	_ =	shalt  }
0x3e: {  	_ =	shalt  }
0x3f: {  	_ =	shalt  }
0x40: {  	_ =	shalt  }
0x41: {  	_ =	shalt  }
0x42: {  	_ =	shalt  }
0x43: {  	_ =	shalt  }
0x44: {  	_ =	shalt  }
0x45: {  	_ =	shalt  }
0x46: {  	_ =	shalt  }
0x47: {  	_ =	shalt  }
0x48: {  	_ =	shalt  }
0x49: {  	_ =	shalt  }
0x4a: {  	_ =	shalt  }
0x4b: {  	_ =	shalt  }
0x4c: {  	_ =	shalt  }
0x4d: {  	_ =	shalt  }
0x4e: {  	_ =	shalt  }
0x4f: {  	_ =	shalt  }
0x50: {  	_ =	shalt  }
0x51: {  	_ =	shalt  }
0x52: {  	_ =	shalt  }
0x53: {  	_ =	shalt  }
0x54: {  	_ =	shalt  }
0x55: {  	_ =	shalt  }
0x56: {  	_ =	shalt  }
0x57: {  	_ =	shalt  }
0x58: {  	_ =	shalt  }
0x59: {  	_ =	shalt  }
0x5a: {  	_ =	shalt  }
0x5b: {  	_ =	shalt  }
0x5c: {  	_ =	shalt  }
0x5d: {  	_ =	shalt  }
0x5e: {  	_ =	shalt  }
0x5f: {  	_ =	shalt  }
0x60: {  	_ =	shalt  }
0x61: {  	_ =	shalt  }
0x62: {  	_ =	shalt  }
0x63: {  	_ =	shalt  }
0x64: {  	_ =	shalt  }
0x65: {  	_ =	shalt  }
0x66: {  	_ =	shalt  }
0x67: {  	_ =	shalt  }
0x68: {  	_ =	shalt  }
0x69: {  	_ =	shalt  }
0x6a: {  	_ =	shalt  }
0x6b: {  	_ =	shalt  }
0x6c: {  	_ =	shalt  }
0x6d: {  	_ =	shalt  }
0x6e: {  	_ =	shalt  }
0x6f: {  	_ =	shalt  }
0x70: {  	_ =	shalt  }
0x71: {  	_ =	shalt  }
0x72: {  	_ =	shalt  }
0x73: {  	_ =	shalt  }
0x74: {  	_ =	shalt  }
0x75: {  	_ =	shalt  }
0x76: {  	_ =	shalt  }
0x77: {  	_ =	shalt  }
0x78: {  	_ =	shalt  }
0x79: {  	_ =	shalt  }
0x7a: {  	_ =	shalt  }
0x7b: {  	_ =	shalt  }
0x7c: {  	_ =	shalt  }
0x7d: {  	_ =	shalt  }
0x7e: {  	_ =	shalt  }
0x7f: {  	_ =	shalt  }
0x80: {  	_ =	shalt  }
0x81: {  	_ =	shalt  }
0x82: {  	_ =	shalt  }
0x83: {  	_ =	shalt  }
0x84: {  	_ =	shalt  }
0x85: {  	_ =	shalt  }
0x86: {  	_ =	shalt  }
0x87: {  	_ =	shalt  }
.Lfunc_end0:
.L_simem_size_0:
called_computation_lowered:
.L_overlay_start_0:
0x88: {  	s2 =	sld [smem:$0x3FD9]  }
0x89: {  	s3 =	sld [smem:$0x3FFE];
	_ =	sdelay $0x1  }
0x8a: {  	s1 =	srdreg.scid  }
0x8b: {  	s0 =	sand.u32 $0x1, s1  }
0x8c: {  	s14 =	sshll.u32 s0, $0xA;
	s2 =	sadd.s32 s3, s2  }
0x8d: {  	s2 =	sadd.s32 s2, s14  }
0x8e: {  	[smem:$0x3FBE] =	sst s2  }
0x8f: {  	_ = 	snop  }
0x90: {  	s2 =	sld [smem:$0x3FD0];
	_ =	sdelay $0x2  }
0x91: {  	s15 =	simm.s32 $0xA;
	s4 =	simm.s32 $0x10  }
0x92: {  	[smem:s4], [sflag:s15] =	dma.local [hbm:s2], $0x1  }
0x93: {  	_ =	swait.eq [sflag:s15], $0x1  }
0x94: {  	[sflag:s15] =	ssyncset.done $0x0  }
0x95: {  	[sflag:s15] =	ssyncadd.s32 $0xFFFFFFFF  }
0x96: {  	s16 =	sld [smem:$0x11];
	(tm) =	ssettm $0x1  }
0x97: {  	s17 =	sld [smem:$0x3FFB];
	_ =	sdelay $0x3  }
0x98: {  	_ =	strace s17  }
0x99: {  	s3 =	sld [smem:$0x3FFC];
	_ =	sdelay $0x3  }
0x9a: {  	_ =	strace s3  }
0x9b: {  	s3 =	sld [smem:$0x3FFD];
	_ =	sdelay $0x3  }
0x9c: {  	_ =	strace s3  }
0x9d: {  	_ =	strace $0x8FFFFFFF  }
0x9e: {  	s18 =	sld [smem:$0x3FDB];
	_ =	sdelay $0x1  }
0x9f: {  	s19 =	simm.s32 $_scs_section_size  }
0xa0: {  	s5 =	simm.s32 $_size__tile_overlayer_lowered;
	s6 =	simm.s32 $_tile_overlayer_lowered  }
0xa1: {  	s22 =	simm.s32 $0x1BFF;
	s21 =	sshll.u32 s6, $0x1;
	s3 =	sadd.s32 s19, s18  }
0xa2: {  	s7 =	simm.s32 $0x0;
	s20 =	sshll.u32 s5, $0x1;
	s5 =	sadd.s32 s21, s3  }
0xa3: {  	[timem:s7], [sflag:s22] =	dma.local [hbm:s5], s20  }
0xa4: {  	_ =	swait.ge [sflag:s22], s20  }
0xa5: {  	s4 =	ssub.s32 $0x0, s20;
	[sflag:s22] =	ssyncset.done $0x0  }
0xa6: {  	[sflag:s22] =	ssyncadd.s32 s4;
	_ =	sdelay $0x1  }
0xa7: {  	s23 =	simm.s32 $0x1B8B  }
0xa8: {  	_ =	swait.ge [sflag:s23], $0x1  }
0xa9: {  	[sflag:s23] =	ssyncset.done $0x0  }
0xaa: {  	s25 =	simm.s32 $0x1B8E;
	s24 =	sld [smem:$0x3FFE];
	[sflag:s23] =	ssyncadd.s32 $0xFFFFFFFF  }
0xab: {  	s26 =	simm.s32 $execute0_lowered;
	[smem:$0x3FD2] =	sst s25  }
0xac: {  	s5 =	sshll.u32 s26, $0x1;
	_ =	strace $0x80000046;
	[dreg:$0x1] =	wrdreg $0xFFFFFFFF  }
0xad: {  	s28 =	simm.s32 $_size_execute0_lowered;
	s3 =	sadd.s32 s3, s5;
	[dreg:$0x0] =	wrdreg $0x0  }
0xae: {  	s5 =	sshll.u32 s28, $0x1;
	[dreg:$0x2] =	wrdreg s3  }
0xaf: {  	[dreg:$0x3] =	wrdreg s5  }
0xb0: {  	[dreg:$0x4] =	wrdreg $0xC0  }
0xb1: {  	_ =	task [dreg:s7], $0x5FFFF  }
0xb2: {  	[dreg:$0x1] =	wrdreg $0xFFFFFFFF  }
0xb3: {  	[dreg:$0x0] =	wrdreg $0x60  }
0xb4: {  	[dreg:$0x2] =	wrdreg s24  }
0xb5: {  	[dreg:$0x3] =	wrdreg s16  }
0xb6: {  	[dreg:$0x4] =	wrdreg $0xBC000  }
0xb7: {  	[dreg:$0x5] =	wrdreg $0x9  }
0xb8: {  	_ =	task.clear_ibuf [dreg:s7], $0x6FFFF;
	_ =	strace $0x90000046  }
0xb9: {  	s29 =	simm.s32 $0x9;
	_ =	strace $0x80000048  }
0xba: {  	_ =	swait.ge [sflag:s29], $0x1  }
0xbb: {  	[sflag:s29] =	ssyncadd.s32 $0xFFFFFFFF  }
0xbc: {  	_ =	strace $0x90000048  }
0xbd: {  	_ =	sfence  }
0xbe: {  	s30 =	sld [smem:$0x0];
	_ =	sdelay $0x2  }
0xbf: {  	s31 =	sshll.u32 s1, $0xD;
	s1 =	sshrl.u32 s1, $0x2  }
0xc0: {  	s3 =	sand.u32 $0x4000, s31;
	s1 =	sadd.s32 s1, s30  }
0xc1: {  	s0 =	sor.u32 s3, s0;
	s1 =	sshll.u32 s1, $0x11  }
0xc2: {  	s0 =	sor.u32 s1, s0  }
0xc3: {  	s0 =	sadd.s32 $0x8F2B, s0  }
0xc4: {  	[sflag:s0] =	ssyncadd.remote.s32 $0x1  }
0xc5: {  	_ =	sfence.sel $0xFFFF  }
0xc6: {  	[dreg:$0x0] =	wrdreg $0xFFFFFFFF;
	(pc) =	sbr.abs _section_cstart, $3  }
0xc7: {  	[dreg:$0x1] =	wrdreg $0xFFFFFFFF  }
0xc8: {  	_ =	task.clear_ibuf [dreg:s7], $0x2FFFF;
	_ =	strace $0x9FFFFFFF  }
0xc9: {  	(tm) =	ssettm $0x7FFFFFFF  }
tec
execute0_lowered:
.L_overlay_start_1:
0x0: {  	(tag) =	ssettag $0x1  }
0x1: {  	s0 =	rddreg [dreg:$0x0]  }
0x2: {  	s1 =	rddreg [dreg:$0x1]  }
0x3: {  	s2 =	rddreg [dreg:$0x2];
	s14 =	stileid.u32  }
0x4: {  	s3 =	simm.s32 $0x0;
	s4 =	srdreg.scid;
	s6 =	smul.u32 $0x380, s14  }
0x5: {  	s28 =	simm.s32 $0x8;
	[smem:$0x7FF] =	sst s3;
	s9 =	smul.u32 $0x11800, s14  }
0x6: {  	s5 =	sadd.s32 $0x5C00, s0;
	s7 =	sadd.s32 $0x11DC00, s0;
	s12 =	smul.u32 $0x8C000, s14  }
0x7: {  	s4 =	sand.u32 $0x1, s4;
	s10 =	sadd.s32 $0x235C00, s0;
	s15 =	smul.u32 $0x2780, s14  }
0x8: {  	s13 =	sadd.s32 $0x34DC00, s0;
	s20 =	smul.u32 $0x4F000, s14;
	s14 =	simm.s32 $0x1  }
0x9: {  	s8 =	ssub.s32 $0x2, s4;
	p0 =	seq.s32 s4, $0x1;
	s22 =	sor.u32 $0x500, s9  }
0xa: {  	s11 =	sshrl.u32 s8, $0x1;
	s16 =	sadd.s32 s5, s9;
	s17 =	sadd.s32 s5, s22  }
0xb: {  	s21 =	sshrl.u32 s12, $0x3;
	s24 =	sadd.s32 s7, s22;
	[dreg:$0x6] =	wrdreg s17  }
0xc: {  	s8 =	ssub.s32 s8, s11;
	s29 =	sadd.s32 s10, s22;
	[dreg:$0xa] =	wrdreg s24  }
0xd: {  	s12 =	sadd.s32 $0xA00, s21;
	s18 =	sadd.s32 s13, s22;
	[dreg:$0xe] =	wrdreg s29  }
0xe: {  	s4 =	sadd.s32 $0xF00, s21;
	s23 =	sadd.s32 s5, s12;
	[dreg:$0x12] =	wrdreg s18  }
0xf: {  	s21 =	sadd.s32 s6, s0;
	s5 =	sadd.s32 s5, s4;
	[dreg:$0x7] =	wrdreg s23  }
0x10: {  	s22 =	sadd.s32 $0x48D400, s0;
	s25 =	sadd.s32 s7, s12;
	[dreg:$0x8] =	wrdreg s5  }
0x11: {  	s11 =	simm.s32 $0x5000;
	s26 =	sadd.s32 s7, s4;
	[dreg:$0xb] =	wrdreg s25  }
0x12: {  	s17 =	sadd.s32 s7, s9;
	s30 =	sadd.s32 s10, s12;
	[dreg:$0xc] =	wrdreg s26  }
0x13: {  	s7 =	sadd.s32 s10, s9;
	s10 =	sadd.s32 s10, s4;
	[dreg:$0xf] =	wrdreg s30  }
0x14: {  	s9 =	sadd.s32 s13, s9;
	s19 =	sadd.s32 s13, s12;
	[dreg:$0x10] =	wrdreg s10  }
0x15: {  	s4 =	sadd.s32 s13, s4;
	s12 =	simm.s32 $0x7800;
	[dreg:$0x13] =	wrdreg s19  }
0x16: {  	s18 =	simm.s32 $0x4;
	s13 =	simm.s32 $0x0;
	[dreg:$0x14] =	wrdreg s4  }
0x17: {  	s5 =	sshrl.u32 s20, $0x2;
	s23 =	sadd.s32 s15, s0;
	s0 =	sadd.s32 $0x4DC400, s0  }
0x18: {  	s25 =	sadd.s32 $0x2400, s21;
	_ =	strace $0x80000047;
	[dreg:$0x15] =	wrdreg s22  }
0x19: {  	s30 =	smax.u32 s8, $0x1;
	s4 =	sadd.s32 $0x2300, s16;
	[dreg:$0x16] =	wrdreg s0  }
0x1a: {  	s31 =	sadd.s32 $0x2300, s17;
	s6 =	sadd.s32 $0x2300, s9;
	[dreg:$0x17] =	wrdreg s25  }
0x1b: {  	s8 =	simm.s32 $0x9;
	s10 =	simm.s32 $0x2800;
	[dreg:$0x4] =	wrdreg s15  }
0x1c: {  	s19 =	simm.s32 $0x5;
	s20 =	simm.s32 $0x6;
	[dreg:$0x1a] =	wrdreg s30  }
0x1d: {  	s24 =	sadd.s32 s5, s2;
	s25 =	sadd.s32 s1, s15;
	[dreg:$0x5] =	wrdreg s16  }
.Ltmp0:
0x1e: {  	s26 =	sadd.s32 $0x465C00, s23;
	[dreg:$0x9] =	wrdreg s17;
	(pc) =	sbr.rel .LBB2_1-.Ltmp0, $4  }
0x1f: {  	s29 =	sadd.s32 $0x4B4C00, s23;
	[dreg:$0xd] =	wrdreg s7;
	s0 =	sadd.s32 $0x2300, s7  }
0x20: {  	[dreg:$0x11] =	wrdreg s9;
	s15 =	simm.s32 $0x50;
	s16 =	simm.s32 $0x2  }
0x21: {  	s7 =	simm.s32 $0x3;
	s5 =	simm.s32 $0xBB00;
	[dreg:$0x18] =	wrdreg s26  }
0x22: {  	s9 =	simm.s32 $0xBB80;
	[dreg:$0x19] =	wrdreg s29;
	s26 =	simm.s32 $0x7  }
.LBB2_11:
0x23: {  	[tilespmem:s12], [sflag:$0x4] =	stream.linear.gather [hbm4b:s29+s3], $0x2800, $0x38;
	[tilespmem:$0x1F800] =	vst v63  }
0x24: {  	s1 =	rddreg [dreg:$0x16]  }
.LBB2_12:
0x25: {  	_ =	swait.ge [sflag:s14], $0x2800  }
0x26: {  	[sflag:s14] =	ssyncset.done $0x0  }
0x27: {  	[sflag:s14] =	ssyncadd.s32 $0xFFFFD800  }
0x28: {  	[spmem:s2] =	stream.indirect.scatter.add.f32 [tilespmem:s3], [sflag:$0x5], $0x80, s30, s15, $0xb8;
	[tilespmem:$0x1F800] =	vst v63  }
0x29: {  	_ =	swait.ge [sflag:s16], $0x2800  }
0x2a: {  	[sflag:s16] =	ssyncset.done $0x0  }
0x2b: {  	s21 =	simm.s32 $0xBA80;
	[sflag:s16] =	ssyncadd.s32 $0xFFFFD800  }
0x2c: {  	[spmem:s2] =	stream.indirect.scatter.add.f32 [tilespmem:s10], [sflag:$0x6], $0x80, s21, s15, $0xb8;
	[tilespmem:$0x1F800] =	vst v63  }
0x2d: {  	_ =	swait.ge [sflag:s7], $0x2800  }
0x2e: {  	[sflag:s7] =	ssyncset.done $0x0  }
0x2f: {  	[sflag:s7] =	ssyncadd.s32 $0xFFFFD800  }
0x30: {  	[spmem:s2] =	stream.indirect.scatter.add.f32 [tilespmem:s11], [sflag:$0x7], $0x80, s5, s15, $0xb8;
	[tilespmem:$0x1F800] =	vst v63  }
0x31: {  	_ =	swait.ge [sflag:s18], $0x2800  }
0x32: {  	[sflag:s18] =	ssyncset.done $0x0  }
0x33: {  	[sflag:s18] =	ssyncadd.s32 $0xFFFFD800  }
0x34: {  	[spmem:s2] =	stream.indirect.scatter.add.f32 [tilespmem:s12], [sflag:$0x8], $0x80, s9, s15, $0xb8;
	[tilespmem:$0x1F800] =	vst v63  }
0x35: {  	_ =	swait.ge [sflag:s19], $0x2800  }
0x36: {  	[sflag:s19] =	ssyncset.done $0x0  }
0x37: {  	[sflag:s19] =	ssyncadd.s32 $0xFFFFD800  }
0x38: {  	_ =	swait.ge [sflag:s20], $0x2800  }
0x39: {  	[sflag:s20] =	ssyncset.done $0x0  }
0x3a: {  	[sflag:s20] =	ssyncadd.s32 $0xFFFFD800  }
0x3b: {  	_ =	swait.ge [sflag:s26], $0x2800  }
0x3c: {  	[sflag:s26] =	ssyncset.done $0x0  }
0x3d: {  	[sflag:s26] =	ssyncadd.s32 $0xFFFFD800  }
0x3e: {  	_ =	swait.ge [sflag:s28], $0x2800  }
0x3f: {  	[sflag:s28] =	ssyncset.done $0x0  }
0x40: {  	s23 =	rddreg [dreg:$0x4];
	[sflag:s28] =	ssyncadd.s32 $0xFFFFD800  }
0x41: {  	s29 =	sshrl.u32 s24, $0x3;
	s1 =	sadd.s32 s1, s23;
	[bflag:$0x0] =	sbarrier.arrive $0xFFFF  }
0x42: {  	[hbm:s1], [sflag:s17] =	dma.local [spmem:s29], $0x2780  }
0x43: {  	_ =	swait.ge [sflag:s8], $0x2780  }
0x44: {  	s13 =	sadd.s32 $0x1, s13;
	s30 =	rddreg [dreg:$0x1a]  }
0x45: {  	p1 =	sne.s32 s13, s30  }
.Ltmp1:
0x46: {  	_ = 	snop;
	(pc) =	sbr.rel @!p1 .LBB2_13-.Ltmp1, $3  }
0x47: {  	[sflag:s8] =	ssyncset.done $0x0  }
0x48: {  	[sflag:s8] =	ssyncadd.s32 $0xFFFFD880  }
0x49: {  	[bflag:$0x0] =	sbarrier.arrive $0xFFFF;
	_ =	sdelay $0x1  }
.LBB2_1:
.Ltmp2:
0x4a: {  	s1 =	rddreg [dreg:$0x17];
	s17 =	simm.s32 $0xA000;
	(pc) =	sbr.rel @!p0 .LBB2_2-.Ltmp2, $4  }
0x4b: {  	[tilespmem:s17], [sflag:$0x9] =	stream.linear.gather [hbm4b:s1+s3], $0x1C00, $0x38;
	[tilespmem:$0x1F800] =	vst v63  }
0x4c: {  	_ =	swait.ge [sflag:s8], $0x1C00  }
0x4d: {  	[sflag:s8] =	ssyncset.done $0x0  }
0x4e: {  	s1 =	simm.s32 $0x0;
	[sflag:s8] =	ssyncadd.s32 $0xFFFFE400  }
0x4f: {  	s17 =	rddreg [dreg:$0xd]  }
0x50: {  	[tilespmem:s1], [sflag:$0x1] =	stream.linear.gather [hbm4b:s17+s1], $0x2800, $0x38;
	[tilespmem:$0x1F800] =	vst v63  }
0x51: {  	s21 =	rddreg [dreg:$0xe]  }
0x52: {  	[tilespmem:s10], [sflag:$0x2] =	stream.linear.gather [hbm4b:s21+s1], $0x2800, $0x38;
	[tilespmem:$0x1F800] =	vst v63  }
0x53: {  	s22 =	rddreg [dreg:$0xf]  }
0x54: {  	[tilespmem:s11], [sflag:$0x3] =	stream.linear.gather [hbm4b:s22+s1], $0x2800, $0x38;
	[tilespmem:$0x1F800] =	vst v63  }
0x55: {  	s23 =	rddreg [dreg:$0x10];
	s21 =	stileid.u32  }
0x56: {  	[tilespmem:s12], [sflag:$0x4] =	stream.linear.gather [hbm4b:s23+s1], $0x2800, $0x38;
	[tilespmem:$0x1F800] =	vst v63  }
0x57: {  	s1 =	sshll.u32 s21, $0x6  }
0x58: {  	s17 =	sor.u32 $0x1C09, s1;
	s1 =	sshrl.u32 s24, $0x3  }
0x59: {  	[spmem:s1], [sflag:s17] =	dma.local [hbm:s25], $0x2780  }
0x5a: {  	_ =	swait.ge [sflag:s8], $0x2780  }
0x5b: {  	[sflag:s8] =	ssyncset.done $0x0  }
0x5c: {  	[sflag:s8] =	ssyncadd.s32 $0xFFFFD880  }
0x5d: {  	[bflag:$0x0] =	sbarrier.arrive $0xFFFF  }
0x5e: {  	_ =	swait.ge [sflag:s14], $0x2800  }
0x5f: {  	[sflag:s14] =	ssyncset.done $0x0  }
0x60: {  	s21 =	simm.s32 $0xA000;
	[sflag:s14] =	ssyncadd.s32 $0xFFFFD800  }
0x61: {  	[spmem:s2] =	stream.indirect.scatter.add.f32 [tilespmem:s3], [sflag:$0x5], $0x80, s21, s15, $0xb8;
	[tilespmem:$0x1F800] =	vst v63  }
0x62: {  	_ =	swait.ge [sflag:s16], $0x2800  }
0x63: {  	[sflag:s16] =	ssyncset.done $0x0  }
0x64: {  	s22 =	simm.s32 $0xA080;
	[sflag:s16] =	ssyncadd.s32 $0xFFFFD800  }
0x65: {  	[spmem:s2] =	stream.indirect.scatter.add.f32 [tilespmem:s10], [sflag:$0x6], $0x80, s22, s15, $0xb8;
	[tilespmem:$0x1F800] =	vst v63  }
0x66: {  	_ =	swait.ge [sflag:s7], $0x2800  }
0x67: {  	[sflag:s7] =	ssyncset.done $0x0  }
0x68: {  	s23 =	simm.s32 $0xA100;
	[sflag:s7] =	ssyncadd.s32 $0xFFFFD800  }
0x69: {  	[spmem:s2] =	stream.indirect.scatter.add.f32 [tilespmem:s11], [sflag:$0x7], $0x80, s23, s15, $0xb8;
	[tilespmem:$0x1F800] =	vst v63  }
0x6a: {  	_ =	swait.ge [sflag:s18], $0x2800  }
0x6b: {  	[sflag:s18] =	ssyncset.done $0x0  }
0x6c: {  	s22 =	simm.s32 $0xA180;
	[sflag:s18] =	ssyncadd.s32 $0xFFFFD800  }
0x6d: {  	[spmem:s2] =	stream.indirect.scatter.add.f32 [tilespmem:s12], [sflag:$0x8], $0x80, s22, s15, $0xb8;
	[tilespmem:$0x1F800] =	vst v63  }
0x6e: {  	_ =	swait.ge [sflag:s19], $0x2800  }
0x6f: {  	[sflag:s19] =	ssyncset.done $0x0  }
0x70: {  	s23 =	sadd.s32 $0xFFFFF100, s0;
	[sflag:s19] =	ssyncadd.s32 $0xFFFFD800  }
0x71: {  	[tilespmem:s3], [sflag:$0x1] =	stream.linear.gather [hbm4b:s23+s3], $0x2800, $0x38;
	[tilespmem:$0x1F800] =	vst v63  }
0x72: {  	_ =	swait.ge [sflag:s20], $0x2800  }
0x73: {  	[sflag:s20] =	ssyncset.done $0x0  }
0x74: {  	s22 =	sadd.s32 $0xFFFFF600, s0;
	[sflag:s20] =	ssyncadd.s32 $0xFFFFD800  }
0x75: {  	[tilespmem:s10], [sflag:$0x2] =	stream.linear.gather [hbm4b:s22+s3], $0x2800, $0x38;
	[tilespmem:$0x1F800] =	vst v63  }
0x76: {  	_ =	swait.ge [sflag:s26], $0x2800  }
0x77: {  	[sflag:s26] =	ssyncset.done $0x0  }
0x78: {  	s23 =	sadd.s32 $0xFFFFFB00, s0;
	[sflag:s26] =	ssyncadd.s32 $0xFFFFD800  }
0x79: {  	[tilespmem:s11], [sflag:$0x3] =	stream.linear.gather [hbm4b:s23+s3], $0x2800, $0x38;
	[tilespmem:$0x1F800] =	vst v63  }
0x7a: {  	_ =	swait.ge [sflag:s28], $0x2800  }
0x7b: {  	s29 =	sadd.s32 $0x1400, s0;
	[sflag:s28] =	ssyncset.done $0x0  }
0x7c: {  	s30 =	smov.u32 s0;
	s23 =	simm.s32 $0x800;
	[sflag:s28] =	ssyncadd.s32 $0xFFFFD800  }
.LBB2_8:
0x7d: {  	[tilespmem:s12], [sflag:$0x4] =	stream.linear.gather [hbm4b:s30+s3], $0x2800, $0x38;
	[tilespmem:$0x1F800] =	vst v63  }
0x7e: {  	s21 =	smov.u32 s23;
	s30 =	smov.u32 s29  }
0x7f: {  	p1 =	sne.s32 s23, $0x6000;
	s23 =	sadd.s32 $0x800, s23;
	_ =	swait.ge [sflag:s14], $0x2800  }
0x80: {  	s21 =	sshra.s32 s21, $0x2;
	[sflag:s14] =	ssyncset.done $0x0  }
0x81: {  	s22 =	sadd.s32 $0xA000, s21;
	[sflag:s14] =	ssyncadd.s32 $0xFFFFD800  }
0x82: {  	[spmem:s2] =	stream.indirect.scatter.add.f32 [tilespmem:s3], [sflag:$0x5], $0x80, s22, s15, $0xb8;
	[tilespmem:$0x1F800] =	vst v63  }
0x83: {  	_ =	swait.ge [sflag:s16], $0x2800  }
0x84: {  	[sflag:s16] =	ssyncset.done $0x0  }
0x85: {  	s22 =	sadd.s32 $0xA080, s21;
	[sflag:s16] =	ssyncadd.s32 $0xFFFFD800  }
0x86: {  	[spmem:s2] =	stream.indirect.scatter.add.f32 [tilespmem:s10], [sflag:$0x6], $0x80, s22, s15, $0xb8;
	[tilespmem:$0x1F800] =	vst v63  }
0x87: {  	_ =	swait.ge [sflag:s7], $0x2800  }
0x88: {  	[sflag:s7] =	ssyncset.done $0x0  }
0x89: {  	s22 =	sadd.s32 $0xA100, s21;
	[sflag:s7] =	ssyncadd.s32 $0xFFFFD800  }
0x8a: {  	[spmem:s2] =	stream.indirect.scatter.add.f32 [tilespmem:s11], [sflag:$0x7], $0x80, s22, s15, $0xb8;
	[tilespmem:$0x1F800] =	vst v63  }
0x8b: {  	_ =	swait.ge [sflag:s18], $0x2800  }
0x8c: {  	[sflag:s18] =	ssyncset.done $0x0  }
0x8d: {  	s21 =	sadd.s32 $0xA180, s21;
	[sflag:s18] =	ssyncadd.s32 $0xFFFFD800  }
0x8e: {  	[spmem:s2] =	stream.indirect.scatter.add.f32 [tilespmem:s12], [sflag:$0x8], $0x80, s21, s15, $0xb8;
	[tilespmem:$0x1F800] =	vst v63  }
0x8f: {  	_ =	swait.ge [sflag:s19], $0x2800  }
0x90: {  	[sflag:s19] =	ssyncset.done $0x0  }
0x91: {  	s21 =	sadd.s32 $0xFFFFF100, s29;
	[sflag:s19] =	ssyncadd.s32 $0xFFFFD800  }
0x92: {  	[tilespmem:s3], [sflag:$0x1] =	stream.linear.gather [hbm4b:s21+s3], $0x2800, $0x38;
	[tilespmem:$0x1F800] =	vst v63  }
0x93: {  	_ =	swait.ge [sflag:s20], $0x2800  }
0x94: {  	[sflag:s20] =	ssyncset.done $0x0  }
0x95: {  	s21 =	sadd.s32 $0xFFFFF600, s29;
	[sflag:s20] =	ssyncadd.s32 $0xFFFFD800  }
0x96: {  	[tilespmem:s10], [sflag:$0x2] =	stream.linear.gather [hbm4b:s21+s3], $0x2800, $0x38;
	[tilespmem:$0x1F800] =	vst v63  }
0x97: {  	_ =	swait.ge [sflag:s26], $0x2800  }
0x98: {  	[sflag:s26] =	ssyncset.done $0x0  }
.Ltmp3:
0x99: {  	s21 =	sadd.s32 $0xFFFFFB00, s29;
	[sflag:s26] =	ssyncadd.s32 $0xFFFFD800;
	(pc) =	sbr.rel @p1 .LBB2_8-.Ltmp3, $4  }
0x9a: {  	[tilespmem:s11], [sflag:$0x3] =	stream.linear.gather [hbm4b:s21+s3], $0x2800, $0x38;
	[tilespmem:$0x1F800] =	vst v63  }
0x9b: {  	_ =	swait.ge [sflag:s28], $0x2800  }
0x9c: {  	[sflag:s28] =	ssyncset.done $0x0  }
0x9d: {  	s29 =	sadd.s32 $0x1400, s29;
	[sflag:s28] =	ssyncadd.s32 $0xFFFFD800  }
0x9e: {  	[tilespmem:s12], [sflag:$0x4] =	stream.linear.gather [hbm4b:s30+s3], $0x2800, $0x38;
	[tilespmem:$0x1F800] =	vst v63  }
0x9f: {  	_ =	swait.ge [sflag:s14], $0x2800  }
0xa0: {  	[sflag:s14] =	ssyncset.done $0x0  }
0xa1: {  	s21 =	simm.s32 $0x0;
	s30 =	simm.s32 $0xBA00;
	[sflag:s14] =	ssyncadd.s32 $0xFFFFD800  }
0xa2: {  	[spmem:s2] =	stream.indirect.scatter.add.f32 [tilespmem:s21], [sflag:$0x5], $0x80, s30, s15, $0xb8;
	[tilespmem:$0x1F800] =	vst v63  }
0xa3: {  	_ =	swait.ge [sflag:s16], $0x2800  }
0xa4: {  	[sflag:s16] =	ssyncset.done $0x0  }
0xa5: {  	s22 =	simm.s32 $0xBA80;
	[sflag:s16] =	ssyncadd.s32 $0xFFFFD800  }
0xa6: {  	[spmem:s2] =	stream.indirect.scatter.add.f32 [tilespmem:s10], [sflag:$0x6], $0x80, s22, s15, $0xb8;
	[tilespmem:$0x1F800] =	vst v63  }
0xa7: {  	_ =	swait.ge [sflag:s7], $0x2800  }
0xa8: {  	[sflag:s7] =	ssyncset.done $0x0  }
0xa9: {  	[sflag:s7] =	ssyncadd.s32 $0xFFFFD800  }
0xaa: {  	[spmem:s2] =	stream.indirect.scatter.add.f32 [tilespmem:s11], [sflag:$0x7], $0x80, s5, s15, $0xb8;
	[tilespmem:$0x1F800] =	vst v63  }
0xab: {  	_ =	swait.ge [sflag:s18], $0x2800  }
0xac: {  	[sflag:s18] =	ssyncset.done $0x0  }
0xad: {  	[sflag:s18] =	ssyncadd.s32 $0xFFFFD800  }
0xae: {  	[spmem:s2] =	stream.indirect.scatter.add.f32 [tilespmem:s12], [sflag:$0x8], $0x80, s9, s15, $0xb8;
	[tilespmem:$0x1F800] =	vst v63  }
0xaf: {  	_ =	swait.ge [sflag:s19], $0x2800  }
0xb0: {  	[sflag:s19] =	ssyncset.done $0x0  }
0xb1: {  	[sflag:s19] =	ssyncadd.s32 $0xFFFFD800  }
0xb2: {  	_ =	swait.ge [sflag:s20], $0x2800  }
0xb3: {  	[sflag:s20] =	ssyncset.done $0x0  }
0xb4: {  	[sflag:s20] =	ssyncadd.s32 $0xFFFFD800  }
0xb5: {  	_ =	swait.ge [sflag:s26], $0x2800  }
0xb6: {  	[sflag:s26] =	ssyncset.done $0x0  }
0xb7: {  	[sflag:s26] =	ssyncadd.s32 $0xFFFFD800  }
0xb8: {  	_ =	swait.ge [sflag:s28], $0x2800  }
0xb9: {  	[sflag:s28] =	ssyncset.done $0x0  }
0xba: {  	[sflag:s28] =	ssyncadd.s32 $0xFFFFD800  }
0xbb: {  	[bflag:$0x0] =	sbarrier.arrive $0xFFFF  }
0xbc: {  	s23 =	rddreg [dreg:$0x19]  }
0xbd: {  	[hbm:s23], [sflag:s17] =	dma.local [spmem:s1], $0x2780  }
0xbe: {  	_ =	swait.ge [sflag:s8], $0x2780  }
0xbf: {  	[sflag:s8] =	ssyncset.done $0x0  }
0xc0: {  	[sflag:s8] =	ssyncadd.s32 $0xFFFFD880  }
0xc1: {  	[bflag:$0x0] =	sbarrier.arrive $0xFFFF  }
0xc2: {  	s23 =	rddreg [dreg:$0x11]  }
0xc3: {  	[tilespmem:s21], [sflag:$0x1] =	stream.linear.gather [hbm4b:s23+s21], $0x2800, $0x38;
	[tilespmem:$0x1F800] =	vst v63  }
0xc4: {  	s23 =	rddreg [dreg:$0x12]  }
0xc5: {  	[tilespmem:s10], [sflag:$0x2] =	stream.linear.gather [hbm4b:s23+s21], $0x2800, $0x38;
	[tilespmem:$0x1F800] =	vst v63  }
0xc6: {  	s23 =	rddreg [dreg:$0x13]  }
0xc7: {  	[tilespmem:s11], [sflag:$0x3] =	stream.linear.gather [hbm4b:s23+s21], $0x2800, $0x38;
	[tilespmem:$0x1F800] =	vst v63  }
0xc8: {  	s23 =	rddreg [dreg:$0x14]  }
0xc9: {  	[tilespmem:s12], [sflag:$0x4] =	stream.linear.gather [hbm4b:s23+s21], $0x2800, $0x38;
	[tilespmem:$0x1F800] =	vst v63  }
0xca: {  	[spmem:s1], [sflag:s17] =	dma.local [hbm:s25], $0x2780  }
0xcb: {  	_ =	swait.ge [sflag:s8], $0x2780  }
0xcc: {  	[sflag:s8] =	ssyncset.done $0x0  }
0xcd: {  	[sflag:s8] =	ssyncadd.s32 $0xFFFFD880  }
0xce: {  	[bflag:$0x0] =	sbarrier.arrive $0xFFFF  }
0xcf: {  	_ =	swait.ge [sflag:s14], $0x2800  }
0xd0: {  	[sflag:s14] =	ssyncset.done $0x0  }
0xd1: {  	s23 =	simm.s32 $0xA000;
	[sflag:s14] =	ssyncadd.s32 $0xFFFFD800  }
0xd2: {  	[spmem:s2] =	stream.indirect.scatter.add.f32 [tilespmem:s3], [sflag:$0x5], $0x80, s23, s15, $0xb8;
	[tilespmem:$0x1F800] =	vst v63  }
0xd3: {  	_ =	swait.ge [sflag:s16], $0x2800  }
0xd4: {  	[sflag:s16] =	ssyncset.done $0x0  }
0xd5: {  	s21 =	simm.s32 $0xA080;
	[sflag:s16] =	ssyncadd.s32 $0xFFFFD800  }
0xd6: {  	[spmem:s2] =	stream.indirect.scatter.add.f32 [tilespmem:s10], [sflag:$0x6], $0x80, s21, s15, $0xb8;
	[tilespmem:$0x1F800] =	vst v63  }
0xd7: {  	_ =	swait.ge [sflag:s7], $0x2800  }
0xd8: {  	[sflag:s7] =	ssyncset.done $0x0  }
0xd9: {  	s22 =	simm.s32 $0xA100;
	[sflag:s7] =	ssyncadd.s32 $0xFFFFD800  }
0xda: {  	[spmem:s2] =	stream.indirect.scatter.add.f32 [tilespmem:s11], [sflag:$0x7], $0x80, s22, s15, $0xb8;
	[tilespmem:$0x1F800] =	vst v63  }
0xdb: {  	_ =	swait.ge [sflag:s18], $0x2800  }
0xdc: {  	[sflag:s18] =	ssyncset.done $0x0  }
0xdd: {  	s23 =	simm.s32 $0xA180;
	[sflag:s18] =	ssyncadd.s32 $0xFFFFD800  }
0xde: {  	[spmem:s2] =	stream.indirect.scatter.add.f32 [tilespmem:s12], [sflag:$0x8], $0x80, s23, s15, $0xb8;
	[tilespmem:$0x1F800] =	vst v63  }
0xdf: {  	_ =	swait.ge [sflag:s19], $0x2800  }
0xe0: {  	[sflag:s19] =	ssyncset.done $0x0  }
0xe1: {  	s21 =	sadd.s32 $0xFFFFF100, s6;
	[sflag:s19] =	ssyncadd.s32 $0xFFFFD800  }
0xe2: {  	[tilespmem:s3], [sflag:$0x1] =	stream.linear.gather [hbm4b:s21+s3], $0x2800, $0x38;
	[tilespmem:$0x1F800] =	vst v63  }
0xe3: {  	_ =	swait.ge [sflag:s20], $0x2800  }
0xe4: {  	[sflag:s20] =	ssyncset.done $0x0  }
0xe5: {  	s22 =	sadd.s32 $0xFFFFF600, s6;
	[sflag:s20] =	ssyncadd.s32 $0xFFFFD800  }
0xe6: {  	[tilespmem:s10], [sflag:$0x2] =	stream.linear.gather [hbm4b:s22+s3], $0x2800, $0x38;
	[tilespmem:$0x1F800] =	vst v63  }
0xe7: {  	_ =	swait.ge [sflag:s26], $0x2800  }
0xe8: {  	[sflag:s26] =	ssyncset.done $0x0  }
0xe9: {  	s23 =	sadd.s32 $0xFFFFFB00, s6;
	[sflag:s26] =	ssyncadd.s32 $0xFFFFD800  }
0xea: {  	[tilespmem:s11], [sflag:$0x3] =	stream.linear.gather [hbm4b:s23+s3], $0x2800, $0x38;
	[tilespmem:$0x1F800] =	vst v63  }
0xeb: {  	_ =	swait.ge [sflag:s28], $0x2800  }
0xec: {  	s29 =	smov.u32 s6;
	[sflag:s28] =	ssyncset.done $0x0  }
0xed: {  	s1 =	simm.s32 $0x800;
	s23 =	sadd.s32 $0x1400, s6;
	[sflag:s28] =	ssyncadd.s32 $0xFFFFD800  }
.LBB2_10:
0xee: {  	[tilespmem:s12], [sflag:$0x4] =	stream.linear.gather [hbm4b:s29+s3], $0x2800, $0x38;
	[tilespmem:$0x1F800] =	vst v63  }
0xef: {  	s21 =	smov.u32 s1;
	s29 =	smov.u32 s23  }
0xf0: {  	p1 =	sne.s32 s1, $0x6000;
	s1 =	sadd.s32 $0x800, s1;
	_ =	swait.ge [sflag:s14], $0x2800  }
0xf1: {  	s21 =	sshra.s32 s21, $0x2;
	[sflag:s14] =	ssyncset.done $0x0  }
0xf2: {  	s22 =	sadd.s32 $0xA000, s21;
	[sflag:s14] =	ssyncadd.s32 $0xFFFFD800  }
0xf3: {  	[spmem:s2] =	stream.indirect.scatter.add.f32 [tilespmem:s3], [sflag:$0x5], $0x80, s22, s15, $0xb8;
	[tilespmem:$0x1F800] =	vst v63  }
0xf4: {  	_ =	swait.ge [sflag:s16], $0x2800  }
0xf5: {  	[sflag:s16] =	ssyncset.done $0x0  }
0xf6: {  	s22 =	sadd.s32 $0xA080, s21;
	[sflag:s16] =	ssyncadd.s32 $0xFFFFD800  }
0xf7: {  	[spmem:s2] =	stream.indirect.scatter.add.f32 [tilespmem:s10], [sflag:$0x6], $0x80, s22, s15, $0xb8;
	[tilespmem:$0x1F800] =	vst v63  }
0xf8: {  	_ =	swait.ge [sflag:s7], $0x2800  }
0xf9: {  	[sflag:s7] =	ssyncset.done $0x0  }
0xfa: {  	s22 =	sadd.s32 $0xA100, s21;
	[sflag:s7] =	ssyncadd.s32 $0xFFFFD800  }
0xfb: {  	[spmem:s2] =	stream.indirect.scatter.add.f32 [tilespmem:s11], [sflag:$0x7], $0x80, s22, s15, $0xb8;
	[tilespmem:$0x1F800] =	vst v63  }
0xfc: {  	_ =	swait.ge [sflag:s18], $0x2800  }
0xfd: {  	[sflag:s18] =	ssyncset.done $0x0  }
0xfe: {  	s21 =	sadd.s32 $0xA180, s21;
	[sflag:s18] =	ssyncadd.s32 $0xFFFFD800  }
0xff: {  	[spmem:s2] =	stream.indirect.scatter.add.f32 [tilespmem:s12], [sflag:$0x8], $0x80, s21, s15, $0xb8;
	[tilespmem:$0x1F800] =	vst v63  }
0x100: {  	_ =	swait.ge [sflag:s19], $0x2800  }
0x101: {  	[sflag:s19] =	ssyncset.done $0x0  }
0x102: {  	s21 =	sadd.s32 $0xFFFFF100, s23;
	[sflag:s19] =	ssyncadd.s32 $0xFFFFD800  }
0x103: {  	[tilespmem:s3], [sflag:$0x1] =	stream.linear.gather [hbm4b:s21+s3], $0x2800, $0x38;
	[tilespmem:$0x1F800] =	vst v63  }
0x104: {  	_ =	swait.ge [sflag:s20], $0x2800  }
0x105: {  	[sflag:s20] =	ssyncset.done $0x0  }
0x106: {  	s21 =	sadd.s32 $0xFFFFF600, s23;
	[sflag:s20] =	ssyncadd.s32 $0xFFFFD800  }
0x107: {  	[tilespmem:s10], [sflag:$0x2] =	stream.linear.gather [hbm4b:s21+s3], $0x2800, $0x38;
	[tilespmem:$0x1F800] =	vst v63  }
0x108: {  	_ =	swait.ge [sflag:s26], $0x2800  }
0x109: {  	[sflag:s26] =	ssyncset.done $0x0  }
.Ltmp4:
0x10a: {  	s21 =	sadd.s32 $0xFFFFFB00, s23;
	[sflag:s26] =	ssyncadd.s32 $0xFFFFD800;
	(pc) =	sbr.rel @p1 .LBB2_10-.Ltmp4, $4  }
0x10b: {  	[tilespmem:s11], [sflag:$0x3] =	stream.linear.gather [hbm4b:s21+s3], $0x2800, $0x38;
	[tilespmem:$0x1F800] =	vst v63  }
0x10c: {  	_ =	swait.ge [sflag:s28], $0x2800  }
0x10d: {  	[sflag:s28] =	ssyncset.done $0x0  }
0x10e: {  	s23 =	sadd.s32 $0x1400, s23;
	[sflag:s28] =	ssyncadd.s32 $0xFFFFD800  }
.Ltmp5:
0x10f: {  	_ = 	snop;
	(pc) =	sbr.rel .LBB2_11-.Ltmp5, $1  }
0x110: {  	_ =	sdelay $0x3  }
.LBB2_2:
0x111: {  	s17 =	rddreg [dreg:$0x5]  }
0x112: {  	[tilespmem:s1], [sflag:$0x1] =	stream.linear.gather [hbm4b:s17+s1], $0x2800, $0x38;
	[tilespmem:$0x1F800] =	vst v63  }
0x113: {  	s21 =	rddreg [dreg:$0x6]  }
0x114: {  	[tilespmem:s10], [sflag:$0x2] =	stream.linear.gather [hbm4b:s21+s1], $0x2800, $0x38;
	[tilespmem:$0x1F800] =	vst v63  }
0x115: {  	s22 =	rddreg [dreg:$0x7]  }
0x116: {  	[tilespmem:s11], [sflag:$0x3] =	stream.linear.gather [hbm4b:s22+s1], $0x2800, $0x38;
	[tilespmem:$0x1F800] =	vst v63  }
0x117: {  	s23 =	rddreg [dreg:$0x8];
	s17 =	stileid.u32  }
0x118: {  	[tilespmem:s12], [sflag:$0x4] =	stream.linear.gather [hbm4b:s23+s1], $0x2800, $0x38;
	[tilespmem:$0x1F800] =	vst v63  }
0x119: {  	s1 =	sshll.u32 s17, $0x6  }
0x11a: {  	s17 =	sor.u32 $0x1C09, s1;
	s1 =	sshrl.u32 s24, $0x3  }
0x11b: {  	[spmem:s1], [sflag:s17] =	dma.local [hbm:s25], $0x2780  }
0x11c: {  	_ =	swait.ge [sflag:s8], $0x2780  }
0x11d: {  	[sflag:s8] =	ssyncset.done $0x0  }
0x11e: {  	[sflag:s8] =	ssyncadd.s32 $0xFFFFD880  }
0x11f: {  	[bflag:$0x0] =	sbarrier.arrive $0xFFFF  }
0x120: {  	_ =	swait.ge [sflag:s14], $0x2800  }
0x121: {  	[sflag:s14] =	ssyncset.done $0x0  }
0x122: {  	s23 =	simm.s32 $0xA000;
	[sflag:s14] =	ssyncadd.s32 $0xFFFFD800  }
0x123: {  	[spmem:s2] =	stream.indirect.scatter.add.f32 [tilespmem:s3], [sflag:$0x5], $0x80, s23, s15, $0xb8;
	[tilespmem:$0x1F800] =	vst v63  }
0x124: {  	_ =	swait.ge [sflag:s16], $0x2800  }
0x125: {  	[sflag:s16] =	ssyncset.done $0x0  }
0x126: {  	s21 =	simm.s32 $0xA080;
	[sflag:s16] =	ssyncadd.s32 $0xFFFFD800  }
0x127: {  	[spmem:s2] =	stream.indirect.scatter.add.f32 [tilespmem:s10], [sflag:$0x6], $0x80, s21, s15, $0xb8;
	[tilespmem:$0x1F800] =	vst v63  }
0x128: {  	_ =	swait.ge [sflag:s7], $0x2800  }
0x129: {  	[sflag:s7] =	ssyncset.done $0x0  }
0x12a: {  	s22 =	simm.s32 $0xA100;
	[sflag:s7] =	ssyncadd.s32 $0xFFFFD800  }
0x12b: {  	[spmem:s2] =	stream.indirect.scatter.add.f32 [tilespmem:s11], [sflag:$0x7], $0x80, s22, s15, $0xb8;
	[tilespmem:$0x1F800] =	vst v63  }
0x12c: {  	_ =	swait.ge [sflag:s18], $0x2800  }
0x12d: {  	[sflag:s18] =	ssyncset.done $0x0  }
0x12e: {  	s21 =	simm.s32 $0xA180;
	[sflag:s18] =	ssyncadd.s32 $0xFFFFD800  }
0x12f: {  	[spmem:s2] =	stream.indirect.scatter.add.f32 [tilespmem:s12], [sflag:$0x8], $0x80, s21, s15, $0xb8;
	[tilespmem:$0x1F800] =	vst v63  }
0x130: {  	_ =	swait.ge [sflag:s19], $0x2800  }
0x131: {  	[sflag:s19] =	ssyncset.done $0x0  }
0x132: {  	s22 =	sadd.s32 $0xFFFFF100, s4;
	[sflag:s19] =	ssyncadd.s32 $0xFFFFD800  }
0x133: {  	[tilespmem:s3], [sflag:$0x1] =	stream.linear.gather [hbm4b:s22+s3], $0x2800, $0x38;
	[tilespmem:$0x1F800] =	vst v63  }
0x134: {  	_ =	swait.ge [sflag:s20], $0x2800  }
0x135: {  	[sflag:s20] =	ssyncset.done $0x0  }
0x136: {  	s21 =	sadd.s32 $0xFFFFF600, s4;
	[sflag:s20] =	ssyncadd.s32 $0xFFFFD800  }
0x137: {  	[tilespmem:s10], [sflag:$0x2] =	stream.linear.gather [hbm4b:s21+s3], $0x2800, $0x38;
	[tilespmem:$0x1F800] =	vst v63  }
0x138: {  	_ =	swait.ge [sflag:s26], $0x2800  }
0x139: {  	[sflag:s26] =	ssyncset.done $0x0  }
0x13a: {  	s22 =	sadd.s32 $0xFFFFFB00, s4;
	[sflag:s26] =	ssyncadd.s32 $0xFFFFD800  }
0x13b: {  	[tilespmem:s11], [sflag:$0x3] =	stream.linear.gather [hbm4b:s22+s3], $0x2800, $0x38;
	[tilespmem:$0x1F800] =	vst v63  }
0x13c: {  	_ =	swait.ge [sflag:s28], $0x2800  }
0x13d: {  	s29 =	sadd.s32 $0x1400, s4;
	[sflag:s28] =	ssyncset.done $0x0  }
0x13e: {  	s30 =	smov.u32 s4;
	s23 =	simm.s32 $0x800;
	[sflag:s28] =	ssyncadd.s32 $0xFFFFD800  }
.LBB2_3:
0x13f: {  	[tilespmem:s12], [sflag:$0x4] =	stream.linear.gather [hbm4b:s30+s3], $0x2800, $0x38;
	[tilespmem:$0x1F800] =	vst v63  }
0x140: {  	s21 =	smov.u32 s23;
	s30 =	smov.u32 s29  }
0x141: {  	p1 =	sne.s32 s23, $0x6000;
	s23 =	sadd.s32 $0x800, s23;
	_ =	swait.ge [sflag:s14], $0x2800  }
0x142: {  	s21 =	sshra.s32 s21, $0x2;
	[sflag:s14] =	ssyncset.done $0x0  }
0x143: {  	s22 =	sadd.s32 $0xA000, s21;
	[sflag:s14] =	ssyncadd.s32 $0xFFFFD800  }
0x144: {  	[spmem:s2] =	stream.indirect.scatter.add.f32 [tilespmem:s3], [sflag:$0x5], $0x80, s22, s15, $0xb8;
	[tilespmem:$0x1F800] =	vst v63  }
0x145: {  	_ =	swait.ge [sflag:s16], $0x2800  }
0x146: {  	[sflag:s16] =	ssyncset.done $0x0  }
0x147: {  	s22 =	sadd.s32 $0xA080, s21;
	[sflag:s16] =	ssyncadd.s32 $0xFFFFD800  }
0x148: {  	[spmem:s2] =	stream.indirect.scatter.add.f32 [tilespmem:s10], [sflag:$0x6], $0x80, s22, s15, $0xb8;
	[tilespmem:$0x1F800] =	vst v63  }
0x149: {  	_ =	swait.ge [sflag:s7], $0x2800  }
0x14a: {  	[sflag:s7] =	ssyncset.done $0x0  }
0x14b: {  	s22 =	sadd.s32 $0xA100, s21;
	[sflag:s7] =	ssyncadd.s32 $0xFFFFD800  }
0x14c: {  	[spmem:s2] =	stream.indirect.scatter.add.f32 [tilespmem:s11], [sflag:$0x7], $0x80, s22, s15, $0xb8;
	[tilespmem:$0x1F800] =	vst v63  }
0x14d: {  	_ =	swait.ge [sflag:s18], $0x2800  }
0x14e: {  	[sflag:s18] =	ssyncset.done $0x0  }
0x14f: {  	s21 =	sadd.s32 $0xA180, s21;
	[sflag:s18] =	ssyncadd.s32 $0xFFFFD800  }
0x150: {  	[spmem:s2] =	stream.indirect.scatter.add.f32 [tilespmem:s12], [sflag:$0x8], $0x80, s21, s15, $0xb8;
	[tilespmem:$0x1F800] =	vst v63  }
0x151: {  	_ =	swait.ge [sflag:s19], $0x2800  }
0x152: {  	[sflag:s19] =	ssyncset.done $0x0  }
0x153: {  	s21 =	sadd.s32 $0xFFFFF100, s29;
	[sflag:s19] =	ssyncadd.s32 $0xFFFFD800  }
0x154: {  	[tilespmem:s3], [sflag:$0x1] =	stream.linear.gather [hbm4b:s21+s3], $0x2800, $0x38;
	[tilespmem:$0x1F800] =	vst v63  }
0x155: {  	_ =	swait.ge [sflag:s20], $0x2800  }
0x156: {  	[sflag:s20] =	ssyncset.done $0x0  }
0x157: {  	s21 =	sadd.s32 $0xFFFFF600, s29;
	[sflag:s20] =	ssyncadd.s32 $0xFFFFD800  }
0x158: {  	[tilespmem:s10], [sflag:$0x2] =	stream.linear.gather [hbm4b:s21+s3], $0x2800, $0x38;
	[tilespmem:$0x1F800] =	vst v63  }
0x159: {  	_ =	swait.ge [sflag:s26], $0x2800  }
0x15a: {  	[sflag:s26] =	ssyncset.done $0x0  }
.Ltmp6:
0x15b: {  	s21 =	sadd.s32 $0xFFFFFB00, s29;
	[sflag:s26] =	ssyncadd.s32 $0xFFFFD800;
	(pc) =	sbr.rel @p1 .LBB2_3-.Ltmp6, $4  }
0x15c: {  	[tilespmem:s11], [sflag:$0x3] =	stream.linear.gather [hbm4b:s21+s3], $0x2800, $0x38;
	[tilespmem:$0x1F800] =	vst v63  }
0x15d: {  	_ =	swait.ge [sflag:s28], $0x2800  }
0x15e: {  	[sflag:s28] =	ssyncset.done $0x0  }
0x15f: {  	s29 =	sadd.s32 $0x1400, s29;
	[sflag:s28] =	ssyncadd.s32 $0xFFFFD800  }
0x160: {  	[tilespmem:s12], [sflag:$0x4] =	stream.linear.gather [hbm4b:s30+s3], $0x2800, $0x38;
	[tilespmem:$0x1F800] =	vst v63  }
0x161: {  	_ =	swait.ge [sflag:s14], $0x2800  }
0x162: {  	[sflag:s14] =	ssyncset.done $0x0  }
0x163: {  	s21 =	simm.s32 $0x0;
	s30 =	simm.s32 $0xBA00;
	[sflag:s14] =	ssyncadd.s32 $0xFFFFD800  }
0x164: {  	[spmem:s2] =	stream.indirect.scatter.add.f32 [tilespmem:s21], [sflag:$0x5], $0x80, s30, s15, $0xb8;
	[tilespmem:$0x1F800] =	vst v63  }
0x165: {  	_ =	swait.ge [sflag:s16], $0x2800  }
0x166: {  	[sflag:s16] =	ssyncset.done $0x0  }
0x167: {  	s22 =	simm.s32 $0xBA80;
	[sflag:s16] =	ssyncadd.s32 $0xFFFFD800  }
0x168: {  	[spmem:s2] =	stream.indirect.scatter.add.f32 [tilespmem:s10], [sflag:$0x6], $0x80, s22, s15, $0xb8;
	[tilespmem:$0x1F800] =	vst v63  }
0x169: {  	_ =	swait.ge [sflag:s7], $0x2800  }
0x16a: {  	[sflag:s7] =	ssyncset.done $0x0  }
0x16b: {  	[sflag:s7] =	ssyncadd.s32 $0xFFFFD800  }
0x16c: {  	[spmem:s2] =	stream.indirect.scatter.add.f32 [tilespmem:s11], [sflag:$0x7], $0x80, s5, s15, $0xb8;
	[tilespmem:$0x1F800] =	vst v63  }
0x16d: {  	_ =	swait.ge [sflag:s18], $0x2800  }
0x16e: {  	[sflag:s18] =	ssyncset.done $0x0  }
0x16f: {  	[sflag:s18] =	ssyncadd.s32 $0xFFFFD800  }
0x170: {  	[spmem:s2] =	stream.indirect.scatter.add.f32 [tilespmem:s12], [sflag:$0x8], $0x80, s9, s15, $0xb8;
	[tilespmem:$0x1F800] =	vst v63  }
0x171: {  	_ =	swait.ge [sflag:s19], $0x2800  }
0x172: {  	[sflag:s19] =	ssyncset.done $0x0  }
0x173: {  	[sflag:s19] =	ssyncadd.s32 $0xFFFFD800  }
0x174: {  	_ =	swait.ge [sflag:s20], $0x2800  }
0x175: {  	[sflag:s20] =	ssyncset.done $0x0  }
0x176: {  	[sflag:s20] =	ssyncadd.s32 $0xFFFFD800  }
0x177: {  	_ =	swait.ge [sflag:s26], $0x2800  }
0x178: {  	[sflag:s26] =	ssyncset.done $0x0  }
0x179: {  	[sflag:s26] =	ssyncadd.s32 $0xFFFFD800  }
0x17a: {  	_ =	swait.ge [sflag:s28], $0x2800  }
0x17b: {  	[sflag:s28] =	ssyncset.done $0x0  }
0x17c: {  	[sflag:s28] =	ssyncadd.s32 $0xFFFFD800  }
0x17d: {  	[bflag:$0x0] =	sbarrier.arrive $0xFFFF  }
0x17e: {  	s23 =	rddreg [dreg:$0x18]  }
0x17f: {  	[hbm:s23], [sflag:s17] =	dma.local [spmem:s1], $0x2780  }
0x180: {  	_ =	swait.ge [sflag:s8], $0x2780  }
0x181: {  	[sflag:s8] =	ssyncset.done $0x0  }
0x182: {  	[sflag:s8] =	ssyncadd.s32 $0xFFFFD880  }
0x183: {  	[bflag:$0x0] =	sbarrier.arrive $0xFFFF  }
0x184: {  	s23 =	rddreg [dreg:$0x9]  }
0x185: {  	[tilespmem:s21], [sflag:$0x1] =	stream.linear.gather [hbm4b:s23+s21], $0x2800, $0x38;
	[tilespmem:$0x1F800] =	vst v63  }
0x186: {  	s23 =	rddreg [dreg:$0xa]  }
0x187: {  	[tilespmem:s10], [sflag:$0x2] =	stream.linear.gather [hbm4b:s23+s21], $0x2800, $0x38;
	[tilespmem:$0x1F800] =	vst v63  }
0x188: {  	s23 =	rddreg [dreg:$0xb]  }
0x189: {  	[tilespmem:s11], [sflag:$0x3] =	stream.linear.gather [hbm4b:s23+s21], $0x2800, $0x38;
	[tilespmem:$0x1F800] =	vst v63  }
0x18a: {  	s23 =	rddreg [dreg:$0xc]  }
0x18b: {  	[tilespmem:s12], [sflag:$0x4] =	stream.linear.gather [hbm4b:s23+s21], $0x2800, $0x38;
	[tilespmem:$0x1F800] =	vst v63  }
0x18c: {  	[spmem:s1], [sflag:s17] =	dma.local [hbm:s25], $0x2780  }
0x18d: {  	_ =	swait.ge [sflag:s8], $0x2780  }
0x18e: {  	[sflag:s8] =	ssyncset.done $0x0  }
0x18f: {  	[sflag:s8] =	ssyncadd.s32 $0xFFFFD880  }
0x190: {  	[bflag:$0x0] =	sbarrier.arrive $0xFFFF  }
0x191: {  	_ =	swait.ge [sflag:s14], $0x2800  }
0x192: {  	[sflag:s14] =	ssyncset.done $0x0  }
0x193: {  	s23 =	simm.s32 $0xA000;
	[sflag:s14] =	ssyncadd.s32 $0xFFFFD800  }
0x194: {  	[spmem:s2] =	stream.indirect.scatter.add.f32 [tilespmem:s3], [sflag:$0x5], $0x80, s23, s15, $0xb8;
	[tilespmem:$0x1F800] =	vst v63  }
0x195: {  	_ =	swait.ge [sflag:s16], $0x2800  }
0x196: {  	[sflag:s16] =	ssyncset.done $0x0  }
0x197: {  	s21 =	simm.s32 $0xA080;
	[sflag:s16] =	ssyncadd.s32 $0xFFFFD800  }
0x198: {  	[spmem:s2] =	stream.indirect.scatter.add.f32 [tilespmem:s10], [sflag:$0x6], $0x80, s21, s15, $0xb8;
	[tilespmem:$0x1F800] =	vst v63  }
0x199: {  	_ =	swait.ge [sflag:s7], $0x2800  }
0x19a: {  	[sflag:s7] =	ssyncset.done $0x0  }
0x19b: {  	s22 =	simm.s32 $0xA100;
	[sflag:s7] =	ssyncadd.s32 $0xFFFFD800  }
0x19c: {  	[spmem:s2] =	stream.indirect.scatter.add.f32 [tilespmem:s11], [sflag:$0x7], $0x80, s22, s15, $0xb8;
	[tilespmem:$0x1F800] =	vst v63  }
0x19d: {  	_ =	swait.ge [sflag:s18], $0x2800  }
0x19e: {  	[sflag:s18] =	ssyncset.done $0x0  }
0x19f: {  	s23 =	simm.s32 $0xA180;
	[sflag:s18] =	ssyncadd.s32 $0xFFFFD800  }
0x1a0: {  	[spmem:s2] =	stream.indirect.scatter.add.f32 [tilespmem:s12], [sflag:$0x8], $0x80, s23, s15, $0xb8;
	[tilespmem:$0x1F800] =	vst v63  }
0x1a1: {  	_ =	swait.ge [sflag:s19], $0x2800  }
0x1a2: {  	[sflag:s19] =	ssyncset.done $0x0  }
0x1a3: {  	s21 =	sadd.s32 $0xFFFFF100, s31;
	[sflag:s19] =	ssyncadd.s32 $0xFFFFD800  }
0x1a4: {  	[tilespmem:s3], [sflag:$0x1] =	stream.linear.gather [hbm4b:s21+s3], $0x2800, $0x38;
	[tilespmem:$0x1F800] =	vst v63  }
0x1a5: {  	_ =	swait.ge [sflag:s20], $0x2800  }
0x1a6: {  	[sflag:s20] =	ssyncset.done $0x0  }
0x1a7: {  	s22 =	sadd.s32 $0xFFFFF600, s31;
	[sflag:s20] =	ssyncadd.s32 $0xFFFFD800  }
0x1a8: {  	[tilespmem:s10], [sflag:$0x2] =	stream.linear.gather [hbm4b:s22+s3], $0x2800, $0x38;
	[tilespmem:$0x1F800] =	vst v63  }
0x1a9: {  	_ =	swait.ge [sflag:s26], $0x2800  }
0x1aa: {  	[sflag:s26] =	ssyncset.done $0x0  }
0x1ab: {  	s23 =	sadd.s32 $0xFFFFFB00, s31;
	[sflag:s26] =	ssyncadd.s32 $0xFFFFD800  }
0x1ac: {  	[tilespmem:s11], [sflag:$0x3] =	stream.linear.gather [hbm4b:s23+s3], $0x2800, $0x38;
	[tilespmem:$0x1F800] =	vst v63  }
0x1ad: {  	_ =	swait.ge [sflag:s28], $0x2800  }
0x1ae: {  	s29 =	smov.u32 s31;
	[sflag:s28] =	ssyncset.done $0x0  }
0x1af: {  	s1 =	simm.s32 $0x800;
	s23 =	sadd.s32 $0x1400, s31;
	[sflag:s28] =	ssyncadd.s32 $0xFFFFD800  }
.LBB2_5:
0x1b0: {  	[tilespmem:s12], [sflag:$0x4] =	stream.linear.gather [hbm4b:s29+s3], $0x2800, $0x38;
	[tilespmem:$0x1F800] =	vst v63  }
0x1b1: {  	s21 =	smov.u32 s1;
	s29 =	smov.u32 s23  }
0x1b2: {  	p1 =	seq.s32 s1, $0x6000;
	s1 =	sadd.s32 $0x800, s1;
	_ =	swait.ge [sflag:s14], $0x2800  }
0x1b3: {  	s21 =	sshra.s32 s21, $0x2;
	[sflag:s14] =	ssyncset.done $0x0  }
0x1b4: {  	s22 =	sadd.s32 $0xA000, s21;
	[sflag:s14] =	ssyncadd.s32 $0xFFFFD800  }
0x1b5: {  	[spmem:s2] =	stream.indirect.scatter.add.f32 [tilespmem:s3], [sflag:$0x5], $0x80, s22, s15, $0xb8;
	[tilespmem:$0x1F800] =	vst v63  }
0x1b6: {  	_ =	swait.ge [sflag:s16], $0x2800  }
0x1b7: {  	[sflag:s16] =	ssyncset.done $0x0  }
0x1b8: {  	s22 =	sadd.s32 $0xA080, s21;
	[sflag:s16] =	ssyncadd.s32 $0xFFFFD800  }
0x1b9: {  	[spmem:s2] =	stream.indirect.scatter.add.f32 [tilespmem:s10], [sflag:$0x6], $0x80, s22, s15, $0xb8;
	[tilespmem:$0x1F800] =	vst v63  }
0x1ba: {  	_ =	swait.ge [sflag:s7], $0x2800  }
0x1bb: {  	[sflag:s7] =	ssyncset.done $0x0  }
0x1bc: {  	s22 =	sadd.s32 $0xA100, s21;
	[sflag:s7] =	ssyncadd.s32 $0xFFFFD800  }
0x1bd: {  	[spmem:s2] =	stream.indirect.scatter.add.f32 [tilespmem:s11], [sflag:$0x7], $0x80, s22, s15, $0xb8;
	[tilespmem:$0x1F800] =	vst v63  }
0x1be: {  	_ =	swait.ge [sflag:s18], $0x2800  }
0x1bf: {  	[sflag:s18] =	ssyncset.done $0x0  }
0x1c0: {  	s21 =	sadd.s32 $0xA180, s21;
	[sflag:s18] =	ssyncadd.s32 $0xFFFFD800  }
0x1c1: {  	[spmem:s2] =	stream.indirect.scatter.add.f32 [tilespmem:s12], [sflag:$0x8], $0x80, s21, s15, $0xb8;
	[tilespmem:$0x1F800] =	vst v63  }
0x1c2: {  	_ =	swait.ge [sflag:s19], $0x2800  }
0x1c3: {  	[sflag:s19] =	ssyncset.done $0x0  }
0x1c4: {  	s21 =	sadd.s32 $0xFFFFF100, s23;
	[sflag:s19] =	ssyncadd.s32 $0xFFFFD800  }
0x1c5: {  	[tilespmem:s3], [sflag:$0x1] =	stream.linear.gather [hbm4b:s21+s3], $0x2800, $0x38;
	[tilespmem:$0x1F800] =	vst v63  }
0x1c6: {  	_ =	swait.ge [sflag:s20], $0x2800  }
0x1c7: {  	[sflag:s20] =	ssyncset.done $0x0  }
0x1c8: {  	s21 =	sadd.s32 $0xFFFFF600, s23;
	[sflag:s20] =	ssyncadd.s32 $0xFFFFD800  }
0x1c9: {  	[tilespmem:s10], [sflag:$0x2] =	stream.linear.gather [hbm4b:s21+s3], $0x2800, $0x38;
	[tilespmem:$0x1F800] =	vst v63  }
0x1ca: {  	_ =	swait.ge [sflag:s26], $0x2800  }
0x1cb: {  	[sflag:s26] =	ssyncset.done $0x0  }
.Ltmp7:
0x1cc: {  	s21 =	sadd.s32 $0xFFFFFB00, s23;
	[sflag:s26] =	ssyncadd.s32 $0xFFFFD800;
	(pc) =	sbr.rel @!p1 .LBB2_5-.Ltmp7, $4  }
0x1cd: {  	[tilespmem:s11], [sflag:$0x3] =	stream.linear.gather [hbm4b:s21+s3], $0x2800, $0x38;
	[tilespmem:$0x1F800] =	vst v63  }
0x1ce: {  	_ =	swait.ge [sflag:s28], $0x2800  }
0x1cf: {  	[sflag:s28] =	ssyncset.done $0x0  }
0x1d0: {  	s23 =	sadd.s32 $0x1400, s23;
	[sflag:s28] =	ssyncadd.s32 $0xFFFFD800  }
.Ltmp8:
0x1d1: {  	(pc) =	sbr.rel .LBB2_12-.Ltmp8, $3  }
0x1d2: {  	_ =	sdelay $0x1  }
0x1d3: {  	[tilespmem:s12], [sflag:$0x4] =	stream.linear.gather [hbm4b:s29+s3], $0x2800, $0x38;
	[tilespmem:$0x1F800] =	vst v63  }
0x1d4: {  	s1 =	rddreg [dreg:$0x15]  }
.LBB2_13:
0x1d5: {  	_ =	sfence.sel $0x180000  }
0x1d6: {  	[bflag:$0x0] =	sbarrier.arrive $0xFFFF  }
0x1d7: {  	_ =	strace $0x90000047  }
0x1d8: {  	s0 =	stileid.u32;
	[bflag:$0x2] =	sbarrier.arrive $0xFFFF  }
0x1d9: {  	p0 =	sne.s32 s0, $0x0;
	s0 =	rddreg [dreg:$0x3]  }
0x1da: {  	s0 =	sadd.s32 @!p0 $0x100000, s0  }
0x1db: {  	[sflag:s0] =	ssyncadd.tile.s32 @!p0 $0x1;
	_ =	shalt  }
.Lfunc_end2:
_tile_overlayer_lowered:
.L_overlay_start_2:
0x1dc: {  	(tag) =	ssettag $0x2  }
0x1dd: {  	s0 =	rddreg [dreg:$0x0];
	s2 =	stileid.u32  }
0x1de: {  	s1 =	rddreg [dreg:$0x1];
	p0 =	sne.s32 s2, $0x0  }
0x1df: {  	s3 =	rddreg [dreg:$0x2];
	[bflag:$0x3] =	sbarrier.arrive $0xFFFF;
	s2 =	simm.s32 @!p0 $0x1C09  }
0x1e0: {  	[timem:s3], [sflag:s2] =	dma.local @!p0 [hbm:s0], s1  }
0x1e1: {  	s0 =	simm.s32 @!p0 $0x9  }
0x1e2: {  	_ =	swait.ge @!p0 [sflag:s0], s1  }
0x1e3: {  	s1 =	ssub.s32 @!p0 $0x0, s1;
	[sflag:s0] =	ssyncset.done @!p0 $0x0  }
0x1e4: {  	[sflag:s0] =	ssyncadd.s32 @!p0 s1  }
0x1e5: {  	[bflag:$0x3] =	sbarrier.arrive $0xFFFF  }
0x1e6: {  	_ =	shalt  }

</sc_bundles>
